<compile_context>
chip_gen: v7x
topology: tpu7x:2x2x1
jax: 0.10.2.dev20260603
libtpu: 0.0.44.dev20260713+nightly
codegen_flags: <defaults>
</compile_context>

<pallas_src>
import jax
import jax.numpy as jnp
from jax import lax
from jax.experimental import pallas as pl
from jax.experimental.pallas import tpu as pltpu
from jax.experimental.pallas import tpu_sc as plsc

_VOCAB = 100000
_HID = 512
_MAXPOS = 16
_B = 4096
_S = 16

_NC = 2
_NS = 16
_NW = _NC * _NS
_LANES = 16

_TOTAL = _B * _S
_PER_W = _TOTAL // _NW
_CH = 64
_CPW = _PER_W // _CH
_NSLOT = 3


def _emb_body(ids_hbm, table_hbm, pos_hbm, out_hbm,
              idx_v, buf0, buf1, buf2, pos_v,
              gsem0, gsem1, gsem2, osem0, osem1, osem2):
    bufs = (buf0, buf1, buf2)
    gsems = (gsem0, gsem1, gsem2)
    osems = (osem0, osem1, osem2)

    wid = lax.axis_index("s") * _NC + lax.axis_index("c")
    row0 = wid * _PER_W
    chunk0 = wid * _CPW

    pltpu.sync_copy(ids_hbm.at[pl.ds(chunk0, _CPW)], idx_v)
    pltpu.sync_copy(pos_hbm, pos_v)

    def start_gather(c, slot):
        pltpu.async_copy(table_hbm.at[idx_v.at[c]], bufs[slot], gsems[slot])

    def wait_gather(slot):
        pltpu.make_async_copy(table_hbm.at[idx_v.at[0]], bufs[slot],
                              gsems[slot]).wait()

    def start_scatter(c, slot):
        pltpu.async_copy(bufs[slot], out_hbm.at[pl.ds(row0 + c * _CH, _CH)],
                         osems[slot])

    def wait_scatter(slot):
        pltpu.make_async_copy(bufs[slot],
                              out_hbm.at[pl.ds(row0, _CH)], osems[slot]).wait()

    def add_positions(slot):
        buf = bufs[slot]

        @pl.loop(0, _CH)
        def _row(r):
            s = lax.rem(r, _MAXPOS)
            for j in range(_HID // _LANES):
                sl = pl.ds(j * _LANES, _LANES)
                buf[r, sl] = buf[r, sl] + pos_v[s, sl]

    start_gather(0, 0)
    start_gather(1, 1)

    wait_gather(0)
    add_positions(0)
    start_scatter(0, 0)
    start_gather(2, 2)

    @pl.loop(1, 1 + 3 * ((_CPW - 2) // 3), step=3)
    def _section(cc):
        for b in range(3):
            c = cc + b
            slot = (b + 1) % _NSLOT
            wait_gather(slot)
            add_positions(slot)
            start_scatter(c, slot)
            g_slot = (slot + 2) % _NSLOT

            @pl.when(c + 2 < _CPW)
            def _launch():
                wait_scatter(g_slot)
                start_gather(c + 2, g_slot)

    last = _CPW - 1
    slot = last % _NSLOT
    wait_gather(slot)
    add_positions(slot)
    start_scatter(last, slot)
    for c in range(_CPW - 3, _CPW):
        wait_scatter(c % _NSLOT)


def kernel(input_ids, token_table, position_table):
    ids2d = input_ids.reshape(_NW * _CPW, _CH).astype(jnp.int32)
    mesh = plsc.VectorSubcoreMesh(core_axis_name="c", subcore_axis_name="s",
                                  num_cores=_NC, num_subcores=_NS)
    out = pl.kernel(
        _emb_body,
        out_type=jax.ShapeDtypeStruct((_TOTAL, _HID), jnp.float32),
        mesh=mesh,
        scratch_types=[
            pltpu.VMEM((_CPW, _CH), jnp.int32),
            pltpu.VMEM((_CH, _HID), jnp.float32),
            pltpu.VMEM((_CH, _HID), jnp.float32),
            pltpu.VMEM((_CH, _HID), jnp.float32),
            pltpu.VMEM((_MAXPOS, _HID), jnp.float32),
            pltpu.SemaphoreType.DMA,
            pltpu.SemaphoreType.DMA,
            pltpu.SemaphoreType.DMA,
            pltpu.SemaphoreType.DMA,
            pltpu.SemaphoreType.DMA,
            pltpu.SemaphoreType.DMA,
        ],
    )(ids2d, token_table, position_table)
    return out.reshape(_B, _S, _HID)

# --- scband reference (transcript-rebuilt; emitter-appended) ---
"""Pipeline reference for scband-owl-vi-ttext-embeddings-55336358642484 (READ-ONLY COPY).

The authoritative reference and input builder live on the scoring server;
editing this copy changes nothing except your own understanding.
"""

import jax, jax.numpy as jnp
import numpy as np

VOCAB = 100000
HID = 512
MAXPOS = 16
B = 4096
S = 16


def setup_inputs(seed: int = 0) -> dict:
    key = jax.random.key(seed)
    k1, k2, k3 = jax.random.split(key, 3)
    input_ids = jax.random.randint(k1, (B, S), 0, VOCAB)
    token_table = jax.random.normal(k2, (VOCAB, HID), dtype=jnp.float32) * 0.02
    position_table = jax.random.normal(k3, (MAXPOS, HID), dtype=jnp.float32) * 0.02
    return {"input_ids": input_ids, "token_table": token_table, "position_table": position_table}


def reference(input_ids, token_table, position_table):
    # OwlViTTextEmbeddings.forward with input_ids provided, position_ids defaulted
    seq_length = input_ids.shape[-1]
    position_ids = jnp.arange(MAXPOS)[None, :][:, :seq_length]  # registered buffer slice
    inputs_embeds = jnp.take(token_table, input_ids, axis=0)          # token_embedding(input_ids)
    position_embeddings = jnp.take(position_table, position_ids, axis=0)  # position_embedding(position_ids)
    embeddings = inputs_embeds + position_embeddings  # broadcast [1,S,H] over [B,S,H]
    return embeddings

if __name__ == "__main__":
    import jax
    _d = setup_inputs()
    print(jax.jit(kernel)(*tuple(_d.values())))

</pallas_src>

<mosaic_0001>
#map = affine_map<(d0, d1) -> (0, 0)>
module attributes {stable_mosaic.version = 14 : i64} {
  func.func @_emb_body(%arg0: i32, %arg1: i32, %arg2: memref<1024x64xi32, #tpu.memory_space<hbm>>, %arg3: memref<100000x512xf32, #tpu.memory_space<hbm>>, %arg4: memref<16x512xf32, #tpu.memory_space<hbm>>, %arg5: memref<65536x512xf32, #tpu.memory_space<hbm>>, %arg6: memref<32x64xi32, #tpu.memory_space<vmem>>, %arg7: memref<64x512xf32, #tpu.memory_space<vmem>>, %arg8: memref<64x512xf32, #tpu.memory_space<vmem>>, %arg9: memref<64x512xf32, #tpu.memory_space<vmem>>, %arg10: memref<16x512xf32, #tpu.memory_space<vmem>>, %arg11: memref<!tpu.dma_semaphore, #tpu.memory_space<semaphore_mem>>, %arg12: memref<!tpu.dma_semaphore, #tpu.memory_space<semaphore_mem>>, %arg13: memref<!tpu.dma_semaphore, #tpu.memory_space<semaphore_mem>>, %arg14: memref<!tpu.dma_semaphore, #tpu.memory_space<semaphore_mem>>, %arg15: memref<!tpu.dma_semaphore, #tpu.memory_space<semaphore_mem>>, %arg16: memref<!tpu.dma_semaphore, #tpu.memory_space<semaphore_mem>>) attributes {dimension_semantics = [#tpu.dimension_semantics<core_parallel>, #tpu.dimension_semantics<subcore_parallel>], iteration_bounds = array<i64: 2, 16>, scalar_prefetch = 0 : i64, scratch_operands = 11 : i64, tpu.core_type = #tpu.core_type<sc_vector_subcore>, window_params = [{transform_indices = #map}, {transform_indices = #map}, {transform_indices = #map}, {transform_indices = #map}]} {
    %mul3A = arith.constant 2 : i32
    %mul3A_0 = arith.muli %arg1, %mul3A : i32
    %add3A = arith.addi %mul3A_0, %arg0 : i32
    %mul3A_1 = arith.constant 2048 : i32
    %mul3A_2 = arith.muli %add3A, %mul3A_1 : i32
    %mul3A_3 = arith.constant 32 : i32
    %mul3A_4 = arith.muli %add3A, %mul3A_3 : i32
    "tpu.region"() ({
      %run_scoped3A = tpu.sem_alloc : memref<!tpu.dma_semaphore, #tpu.memory_space<semaphore_mem>>
      %dma_start3A_76 = arith.constant 0 : i32
      %dma_start3A_77 = tpu.memref_slice %arg2[%mul3A_4, %dma_start3A_76] : memref<1024x64xi32, #tpu.memory_space<hbm>> -> memref<32x64xi32, #tpu.memory_space<hbm>>
      %dma_start3A_78 = arith.constant 0 : i32
      %dma_start3A_79 = tpu.memref_slice %arg2[%mul3A_4, %dma_start3A_78] : memref<1024x64xi32, #tpu.memory_space<hbm>> -> memref<32x64xi32, #tpu.memory_space<hbm>>
      tpu.enqueue_dma source(%dma_start3A_79 : memref<32x64xi32, #tpu.memory_space<hbm>>) target(%arg6 : memref<32x64xi32, #tpu.memory_space<vmem>>) target_semaphore(%run_scoped3A : memref<!tpu.dma_semaphore, #tpu.memory_space<semaphore_mem>>)
      %dma_wait3A_80 = arith.constant 0 : i32
      %dma_wait3A_81 = tpu.memref_slice %arg2[%mul3A_4, %dma_wait3A_80] : memref<1024x64xi32, #tpu.memory_space<hbm>> -> memref<32x64xi32, #tpu.memory_space<hbm>>
      %dma_wait3A_82 = arith.constant 0 : i32
      %dma_wait3A_83 = tpu.memref_slice %arg2[%mul3A_4, %dma_wait3A_82] : memref<1024x64xi32, #tpu.memory_space<hbm>> -> memref<32x64xi32, #tpu.memory_space<hbm>>
      tpu.wait_dma2 semaphore(%run_scoped3A : memref<!tpu.dma_semaphore, #tpu.memory_space<semaphore_mem>>) src(%dma_wait3A_83 : memref<32x64xi32, #tpu.memory_space<hbm>>) dst(%arg6 : memref<32x64xi32, #tpu.memory_space<vmem>>)
      tpu.yield
    }) : () -> ()
    "tpu.region"() ({
      %run_scoped3A = tpu.sem_alloc : memref<!tpu.dma_semaphore, #tpu.memory_space<semaphore_mem>>
      tpu.enqueue_dma source(%arg4 : memref<16x512xf32, #tpu.memory_space<hbm>>) target(%arg10 : memref<16x512xf32, #tpu.memory_space<vmem>>) target_semaphore(%run_scoped3A : memref<!tpu.dma_semaphore, #tpu.memory_space<semaphore_mem>>)
      tpu.wait_dma2 semaphore(%run_scoped3A : memref<!tpu.dma_semaphore, #tpu.memory_space<semaphore_mem>>) src(%arg4 : memref<16x512xf32, #tpu.memory_space<hbm>>) dst(%arg10 : memref<16x512xf32, #tpu.memory_space<vmem>>)
      tpu.yield
    }) : () -> ()
    %dma_start3A = arith.constant 0 : i32
    %dma_start3A_5 = arith.constant 0 : i32
    %dma_start3A_6 = tpu.memref_slice %arg6[%dma_start3A, %dma_start3A_5] : memref<32x64xi32, #tpu.memory_space<vmem>> -> memref<1x64xi32, #tpu.memory_space<vmem>>
    %dma_start3A_7 = tpu.memref_squeeze %dma_start3A_6 : memref<1x64xi32, #tpu.memory_space<vmem>> -> memref<64xi32, #tpu.memory_space<vmem>>
    %dma_start3A_8 = arith.constant 0 : i32
    %dma_start3A_9 = arith.constant 0 : i32
    %dma_start3A_10 = tpu.memref_slice %arg3[%dma_start3A_8, %dma_start3A_9] : memref<100000x512xf32, #tpu.memory_space<hbm>> -> memref<100000x512xf32, #tpu.memory_space<hbm>>
    tpu.enqueue_indirect_dma source(%dma_start3A_10 : memref<100000x512xf32, #tpu.memory_space<hbm>>) target(%arg7 : memref<64x512xf32, #tpu.memory_space<vmem>>) offsets(%dma_start3A_7 : memref<64xi32, #tpu.memory_space<vmem>>) semaphore(%arg11 : memref<!tpu.dma_semaphore, #tpu.memory_space<semaphore_mem>>)
    %dma_start3A_11 = arith.constant 1 : i32
    %dma_start3A_12 = arith.constant 0 : i32
    %dma_start3A_13 = tpu.memref_slice %arg6[%dma_start3A_11, %dma_start3A_12] : memref<32x64xi32, #tpu.memory_space<vmem>> -> memref<1x64xi32, #tpu.memory_space<vmem>>
    %dma_start3A_14 = tpu.memref_squeeze %dma_start3A_13 : memref<1x64xi32, #tpu.memory_space<vmem>> -> memref<64xi32, #tpu.memory_space<vmem>>
    %dma_start3A_15 = arith.constant 0 : i32
    %dma_start3A_16 = arith.constant 0 : i32
    %dma_start3A_17 = tpu.memref_slice %arg3[%dma_start3A_15, %dma_start3A_16] : memref<100000x512xf32, #tpu.memory_space<hbm>> -> memref<100000x512xf32, #tpu.memory_space<hbm>>
    tpu.enqueue_indirect_dma source(%dma_start3A_17 : memref<100000x512xf32, #tpu.memory_space<hbm>>) target(%arg8 : memref<64x512xf32, #tpu.memory_space<vmem>>) offsets(%dma_start3A_14 : memref<64xi32, #tpu.memory_space<vmem>>) semaphore(%arg12 : memref<!tpu.dma_semaphore, #tpu.memory_space<semaphore_mem>>)
    %dma_wait3A = arith.constant 0 : i32
    %dma_wait3A_18 = arith.constant 0 : i32
    %dma_wait3A_19 = tpu.memref_slice %arg6[%dma_wait3A, %dma_wait3A_18] : memref<32x64xi32, #tpu.memory_space<vmem>> -> memref<1x64xi32, #tpu.memory_space<vmem>>
    %dma_wait3A_20 = tpu.memref_squeeze %dma_wait3A_19 : memref<1x64xi32, #tpu.memory_space<vmem>> -> memref<64xi32, #tpu.memory_space<vmem>>
    %dma_wait3A_21 = arith.constant 0 : i32
    %dma_wait3A_22 = arith.constant 0 : i32
    %dma_wait3A_23 = tpu.memref_slice %arg3[%dma_wait3A_21, %dma_wait3A_22] : memref<100000x512xf32, #tpu.memory_space<hbm>> -> memref<100000x512xf32, #tpu.memory_space<hbm>>
    tpu.wait_indirect_dma semaphore(%arg11 : memref<!tpu.dma_semaphore, #tpu.memory_space<semaphore_mem>>) src(%dma_wait3A_23 : memref<100000x512xf32, #tpu.memory_space<hbm>>) dst(%arg7 : memref<64x512xf32, #tpu.memory_space<vmem>>)
    %scan3A = arith.constant 0 : i32
    %scan3A_24 = arith.constant 64 : i32
    %scan3A_25 = arith.addi %scan3A, %scan3A_24 : i32
    %scan3A_26 = arith.constant 1 : i32
    scf.for %scan3A_76 = %scan3A to %scan3A_25 step %scan3A_26  : i32 {
      %mul3A_77 = arith.constant 1 : i32
      %mul3A_78 = arith.muli %scan3A_76, %mul3A_77 : i32
      %add3A_79 = arith.constant 0 : i32
      %add3A_80 = arith.addi %add3A_79, %mul3A_78 : i32
      %rem3A = arith.constant 16 : i32
      %rem3A_81 = arith.remsi %add3A_80, %rem3A : i32
      %get3A = arith.index_cast %add3A_80 : i32 to index
      %get3A_82 = arith.constant 0 : index
      %get3A_83 = tpu.vector_load %arg7[%get3A, %get3A_82] {strides = array<i32>} : memref<64x512xf32, #tpu.memory_space<vmem>>, vector<1x16xf32>,
      %get3A_84 = vector.shape_cast %get3A_83 : vector<1x16xf32> to vector<16xf32>
      %get3A_85 = arith.index_cast %rem3A_81 : i32 to index
      %get3A_86 = arith.constant 0 : index
      %get3A_87 = tpu.vector_load %arg10[%get3A_85, %get3A_86] {strides = array<i32>} : memref<16x512xf32, #tpu.memory_space<vmem>>, vector<1x16xf32>,
      %get3A_88 = vector.shape_cast %get3A_87 : vector<1x16xf32> to vector<16xf32>
      %add3A_89 = arith.addf %get3A_84, %get3A_88 : vector<16xf32>
      %swap3A = arith.index_cast %add3A_80 : i32 to index
      %swap3A_90 = arith.constant 0 : index
      %swap3A_91 = tpu.vector_load %arg7[%swap3A, %swap3A_90] {strides = array<i32>} : memref<64x512xf32, #tpu.memory_space<vmem>>, vector<1x16xf32>,
      %swap3A_92 = vector.shape_cast %swap3A_91 : vector<1x16xf32> to vector<16xf32>
      %swap3A_93 = vector.shape_cast %add3A_89 : vector<16xf32> to vector<1x16xf32>
      tpu.vector_store %arg7[%swap3A, %swap3A_90], %swap3A_93 {strides = array<i32>} : memref<64x512xf32, #tpu.memory_space<vmem>>, vector<1x16xf32>,
      %get3A_94 = arith.index_cast %add3A_80 : i32 to index
      %get3A_95 = arith.constant 16 : index
      %get3A_96 = tpu.vector_load %arg7[%get3A_94, %get3A_95] {strides = array<i32>} : memref<64x512xf32, #tpu.memory_space<vmem>>, vector<1x16xf32>,
      %get3A_97 = vector.shape_cast %get3A_96 : vector<1x16xf32> to vector<16xf32>
      %get3A_98 = arith.index_cast %rem3A_81 : i32 to index
      %get3A_99 = arith.constant 16 : index
      %get3A_100 = tpu.vector_load %arg10[%get3A_98, %get3A_99] {strides = array<i32>} : memref<16x512xf32, #tpu.memory_space<vmem>>, vector<1x16xf32>,
      %get3A_101 = vector.shape_cast %get3A_100 : vector<1x16xf32> to vector<16xf32>
      %add3A_102 = arith.addf %get3A_97, %get3A_101 : vector<16xf32>
      %swap3A_103 = arith.index_cast %add3A_80 : i32 to index
      %swap3A_104 = arith.constant 16 : index
      %swap3A_105 = tpu.vector_load %arg7[%swap3A_103, %swap3A_104] {strides = array<i32>} : memref<64x512xf32, #tpu.memory_space<vmem>>, vector<1x16xf32>,
      %swap3A_106 = vector.shape_cast %swap3A_105 : vector<1x16xf32> to vector<16xf32>
      %swap3A_107 = vector.shape_cast %add3A_102 : vector<16xf32> to vector<1x16xf32>
      tpu.vector_store %arg7[%swap3A_103, %swap3A_104], %swap3A_107 {strides = array<i32>} : memref<64x512xf32, #tpu.memory_space<vmem>>, vector<1x16xf32>,
      %get3A_108 = arith.index_cast %add3A_80 : i32 to index
      %get3A_109 = arith.constant 32 : index
      %get3A_110 = tpu.vector_load %arg7[%get3A_108, %get3A_109] {strides = array<i32>} : memref<64x512xf32, #tpu.memory_space<vmem>>, vector<1x16xf32>,
      %get3A_111 = vector.shape_cast %get3A_110 : vector<1x16xf32> to vector<16xf32>
      %get3A_112 = arith.index_cast %rem3A_81 : i32 to index
      %get3A_113 = arith.constant 32 : index
      %get3A_114 = tpu.vector_load %arg10[%get3A_112, %get3A_113] {strides = array<i32>} : memref<16x512xf32, #tpu.memory_space<vmem>>, vector<1x16xf32>,
      %get3A_115 = vector.shape_cast %get3A_114 : vector<1x16xf32> to vector<16xf32>
      %add3A_116 = arith.addf %get3A_111, %get3A_115 : vector<16xf32>
      %swap3A_117 = arith.index_cast %add3A_80 : i32 to index
      %swap3A_118 = arith.constant 32 : index
      %swap3A_119 = tpu.vector_load %arg7[%swap3A_117, %swap3A_118] {strides = array<i32>} : memref<64x512xf32, #tpu.memory_space<vmem>>, vector<1x16xf32>,
      %swap3A_120 = vector.shape_cast %swap3A_119 : vector<1x16xf32> to vector<16xf32>
      %swap3A_121 = vector.shape_cast %add3A_116 : vector<16xf32> to vector<1x16xf32>
      tpu.vector_store %arg7[%swap3A_117, %swap3A_118], %swap3A_121 {strides = array<i32>} : memref<64x512xf32, #tpu.memory_space<vmem>>, vector<1x16xf32>,
      %get3A_122 = arith.index_cast %add3A_80 : i32 to index
      %get3A_123 = arith.constant 48 : index
      %get3A_124 = tpu.vector_load %arg7[%get3A_122, %get3A_123] {strides = array<i32>} : memref<64x512xf32, #tpu.memory_space<vmem>>, vector<1x16xf32>,
      %get3A_125 = vector.shape_cast %get3A_124 : vector<1x16xf32> to vector<16xf32>
      %get3A_126 = arith.index_cast %rem3A_81 : i32 to index
      %get3A_127 = arith.constant 48 : index
      %get3A_128 = tpu.vector_load %arg10[%get3A_126, %get3A_127] {strides = array<i32>} : memref<16x512xf32, #tpu.memory_space<vmem>>, vector<1x16xf32>,
      %get3A_129 = vector.shape_cast %get3A_128 : vector<1x16xf32> to vector<16xf32>
      %add3A_130 = arith.addf %get3A_125, %get3A_129 : vector<16xf32>
      %swap3A_131 = arith.index_cast %add3A_80 : i32 to index
      %swap3A_132 = arith.constant 48 : index
      %swap3A_133 = tpu.vector_load %arg7[%swap3A_131, %swap3A_132] {strides = array<i32>} : memref<64x512xf32, #tpu.memory_space<vmem>>, vector<1x16xf32>,
      %swap3A_134 = vector.shape_cast %swap3A_133 : vector<1x16xf32> to vector<16xf32>
      %swap3A_135 = vector.shape_cast %add3A_130 : vector<16xf32> to vector<1x16xf32>
      tpu.vector_store %arg7[%swap3A_131, %swap3A_132], %swap3A_135 {strides = array<i32>} : memref<64x512xf32, #tpu.memory_space<vmem>>, vector<1x16xf32>,
      %get3A_136 = arith.index_cast %add3A_80 : i32 to index
      %get3A_137 = arith.constant 64 : index
      %get3A_138 = tpu.vector_load %arg7[%get3A_136, %get3A_137] {strides = array<i32>} : memref<64x512xf32, #tpu.memory_space<vmem>>, vector<1x16xf32>,
      %get3A_139 = vector.shape_cast %get3A_138 : vector<1x16xf32> to vector<16xf32>
      %get3A_140 = arith.index_cast %rem3A_81 : i32 to index
      %get3A_141 = arith.constant 64 : index
      %get3A_142 = tpu.vector_load %arg10[%get3A_140, %get3A_141] {strides = array<i32>} : memref<16x512xf32, #tpu.memory_space<vmem>>, vector<1x16xf32>,
      %get3A_143 = vector.shape_cast %get3A_142 : vector<1x16xf32> to vector<16xf32>
      %add3A_144 = arith.addf %get3A_139, %get3A_143 : vector<16xf32>
      %swap3A_145 = arith.index_cast %add3A_80 : i32 to index
      %swap3A_146 = arith.constant 64 : index
      %swap3A_147 = tpu.vector_load %arg7[%swap3A_145, %swap3A_146] {strides = array<i32>} : memref<64x512xf32, #tpu.memory_space<vmem>>, vector<1x16xf32>,
      %swap3A_148 = vector.shape_cast %swap3A_147 : vector<1x16xf32> to vector<16xf32>
      %swap3A_149 = vector.shape_cast %add3A_144 : vector<16xf32> to vector<1x16xf32>
      tpu.vector_store %arg7[%swap3A_145, %swap3A_146], %swap3A_149 {strides = array<i32>} : memref<64x512xf32, #tpu.memory_space<vmem>>, vector<1x16xf32>,
      %get3A_150 = arith.index_cast %add3A_80 : i32 to index
      %get3A_151 = arith.constant 80 : index
      %get3A_152 = tpu.vector_load %arg7[%get3A_150, %get3A_151] {strides = array<i32>} : memref<64x512xf32, #tpu.memory_space<vmem>>, vector<1x16xf32>,
      %get3A_153 = vector.shape_cast %get3A_152 : vector<1x16xf32> to vector<16xf32>
      %get3A_154 = arith.index_cast %rem3A_81 : i32 to index
      %get3A_155 = arith.constant 80 : index
      %get3A_156 = tpu.vector_load %arg10[%get3A_154, %get3A_155] {strides = array<i32>} : memref<16x512xf32, #tpu.memory_space<vmem>>, vector<1x16xf32>,
      %get3A_157 = vector.shape_cast %get3A_156 : vector<1x16xf32> to vector<16xf32>
      %add3A_158 = arith.addf %get3A_153, %get3A_157 : vector<16xf32>
      %swap3A_159 = arith.index_cast %add3A_80 : i32 to index
      %swap3A_160 = arith.constant 80 : index
      %swap3A_161 = tpu.vector_load %arg7[%swap3A_159, %swap3A_160] {strides = array<i32>} : memref<64x512xf32, #tpu.memory_space<vmem>>, vector<1x16xf32>,
      %swap3A_162 = vector.shape_cast %swap3A_161 : vector<1x16xf32> to vector<16xf32>
      %swap3A_163 = vector.shape_cast %add3A_158 : vector<16xf32> to vector<1x16xf32>
      tpu.vector_store %arg7[%swap3A_159, %swap3A_160], %swap3A_163 {strides = array<i32>} : memref<64x512xf32, #tpu.memory_space<vmem>>, vector<1x16xf32>,
      %get3A_164 = arith.index_cast %add3A_80 : i32 to index
      %get3A_165 = arith.constant 96 : index
      %get3A_166 = tpu.vector_load %arg7[%get3A_164, %get3A_165] {strides = array<i32>} : memref<64x512xf32, #tpu.memory_space<vmem>>, vector<1x16xf32>,
      %get3A_167 = vector.shape_cast %get3A_166 : vector<1x16xf32> to vector<16xf32>
      %get3A_168 = arith.index_cast %rem3A_81 : i32 to index
      %get3A_169 = arith.constant 96 : index
      %get3A_170 = tpu.vector_load %arg10[%get3A_168, %get3A_169] {strides = array<i32>} : memref<16x512xf32, #tpu.memory_space<vmem>>, vector<1x16xf32>,
      %get3A_171 = vector.shape_cast %get3A_170 : vector<1x16xf32> to vector<16xf32>
      %add3A_172 = arith.addf %get3A_167, %get3A_171 : vector<16xf32>
      %swap3A_173 = arith.index_cast %add3A_80 : i32 to index
      %swap3A_174 = arith.constant 96 : index
      %swap3A_175 = tpu.vector_load %arg7[%swap3A_173, %swap3A_174] {strides = array<i32>} : memref<64x512xf32, #tpu.memory_space<vmem>>, vector<1x16xf32>,
      %swap3A_176 = vector.shape_cast %swap3A_175 : vector<1x16xf32> to vector<16xf32>
      %swap3A_177 = vector.shape_cast %add3A_172 : vector<16xf32> to vector<1x16xf32>
      tpu.vector_store %arg7[%swap3A_173, %swap3A_174], %swap3A_177 {strides = array<i32>} : memref<64x512xf32, #tpu.memory_space<vmem>>, vector<1x16xf32>,
      %get3A_178 = arith.index_cast %add3A_80 : i32 to index
      %get3A_179 = arith.constant 112 : index
      %get3A_180 = tpu.vector_load %arg7[%get3A_178, %get3A_179] {strides = array<i32>} : memref<64x512xf32, #tpu.memory_space<vmem>>, vector<1x16xf32>,
      %get3A_181 = vector.shape_cast %get3A_180 : vector<1x16xf32> to vector<16xf32>
      %get3A_182 = arith.index_cast %rem3A_81 : i32 to index
      %get3A_183 = arith.constant 112 : index
      %get3A_184 = tpu.vector_load %arg10[%get3A_182, %get3A_183] {strides = array<i32>} : memref<16x512xf32, #tpu.memory_space<vmem>>, vector<1x16xf32>,
      %get3A_185 = vector.shape_cast %get3A_184 : vector<1x16xf32> to vector<16xf32>
      %add3A_186 = arith.addf %get3A_181, %get3A_185 : vector<16xf32>
      %swap3A_187 = arith.index_cast %add3A_80 : i32 to index
      %swap3A_188 = arith.constant 112 : index
      %swap3A_189 = tpu.vector_load %arg7[%swap3A_187, %swap3A_188] {strides = array<i32>} : memref<64x512xf32, #tpu.memory_space<vmem>>, vector<1x16xf32>,
      %swap3A_190 = vector.shape_cast %swap3A_189 : vector<1x16xf32> to vector<16xf32>
      %swap3A_191 = vector.shape_cast %add3A_186 : vector<16xf32> to vector<1x16xf32>
      tpu.vector_store %arg7[%swap3A_187, %swap3A_188], %swap3A_191 {strides = array<i32>} : memref<64x512xf32, #tpu.memory_space<vmem>>, vector<1x16xf32>,
      %get3A_192 = arith.index_cast %add3A_80 : i32 to index
      %get3A_193 = arith.constant 128 : index
      %get3A_194 = tpu.vector_load %arg7[%get3A_192, %get3A_193] {strides = array<i32>} : memref<64x512xf32, #tpu.memory_space<vmem>>, vector<1x16xf32>,
      %get3A_195 = vector.shape_cast %get3A_194 : vector<1x16xf32> to vector<16xf32>
      %get3A_196 = arith.index_cast %rem3A_81 : i32 to index
      %get3A_197 = arith.constant 128 : index
      %get3A_198 = tpu.vector_load %arg10[%get3A_196, %get3A_197] {strides = array<i32>} : memref<16x512xf32, #tpu.memory_space<vmem>>, vector<1x16xf32>,
      %get3A_199 = vector.shape_cast %get3A_198 : vector<1x16xf32> to vector<16xf32>
      %add3A_200 = arith.addf %get3A_195, %get3A_199 : vector<16xf32>
      %swap3A_201 = arith.index_cast %add3A_80 : i32 to index
      %swap3A_202 = arith.constant 128 : index
      %swap3A_203 = tpu.vector_load %arg7[%swap3A_201, %swap3A_202] {strides = array<i32>} : memref<64x512xf32, #tpu.memory_space<vmem>>, vector<1x16xf32>,
      %swap3A_204 = vector.shape_cast %swap3A_203 : vector<1x16xf32> to vector<16xf32>
      %swap3A_205 = vector.shape_cast %add3A_200 : vector<16xf32> to vector<1x16xf32>
      tpu.vector_store %arg7[%swap3A_201, %swap3A_202], %swap3A_205 {strides = array<i32>} : memref<64x512xf32, #tpu.memory_space<vmem>>, vector<1x16xf32>,
      %get3A_206 = arith.index_cast %add3A_80 : i32 to index
      %get3A_207 = arith.constant 144 : index
      %get3A_208 = tpu.vector_load %arg7[%get3A_206, %get3A_207] {strides = array<i32>} : memref<64x512xf32, #tpu.memory_space<vmem>>, vector<1x16xf32>,
      %get3A_209 = vector.shape_cast %get3A_208 : vector<1x16xf32> to vector<16xf32>
      %get3A_210 = arith.index_cast %rem3A_81 : i32 to index
      %get3A_211 = arith.constant 144 : index
      %get3A_212 = tpu.vector_load %arg10[%get3A_210, %get3A_211] {strides = array<i32>} : memref<16x512xf32, #tpu.memory_space<vmem>>, vector<1x16xf32>,
      %get3A_213 = vector.shape_cast %get3A_212 : vector<1x16xf32> to vector<16xf32>
      %add3A_214 = arith.addf %get3A_209, %get3A_213 : vector<16xf32>
      %swap3A_215 = arith.index_cast %add3A_80 : i32 to index
      %swap3A_216 = arith.constant 144 : index
      %swap3A_217 = tpu.vector_load %arg7[%swap3A_215, %swap3A_216] {strides = array<i32>} : memref<64x512xf32, #tpu.memory_space<vmem>>, vector<1x16xf32>,
      %swap3A_218 = vector.shape_cast %swap3A_217 : vector<1x16xf32> to vector<16xf32>
      %swap3A_219 = vector.shape_cast %add3A_214 : vector<16xf32> to vector<1x16xf32>
      tpu.vector_store %arg7[%swap3A_215, %swap3A_216], %swap3A_219 {strides = array<i32>} : memref<64x512xf32, #tpu.memory_space<vmem>>, vector<1x16xf32>,
      %get3A_220 = arith.index_cast %add3A_80 : i32 to index
      %get3A_221 = arith.constant 160 : index
      %get3A_222 = tpu.vector_load %arg7[%get3A_220, %get3A_221] {strides = array<i32>} : memref<64x512xf32, #tpu.memory_space<vmem>>, vector<1x16xf32>,
      %get3A_223 = vector.shape_cast %get3A_222 : vector<1x16xf32> to vector<16xf32>
      %get3A_224 = arith.index_cast %rem3A_81 : i32 to index
      %get3A_225 = arith.constant 160 : index
      %get3A_226 = tpu.vector_load %arg10[%get3A_224, %get3A_225] {strides = array<i32>} : memref<16x512xf32, #tpu.memory_space<vmem>>, vector<1x16xf32>,
      %get3A_227 = vector.shape_cast %get3A_226 : vector<1x16xf32> to vector<16xf32>
      %add3A_228 = arith.addf %get3A_223, %get3A_227 : vector<16xf32>
      %swap3A_229 = arith.index_cast %add3A_80 : i32 to index
      %swap3A_230 = arith.constant 160 : index
      %swap3A_231 = tpu.vector_load %arg7[%swap3A_229, %swap3A_230] {strides = array<i32>} : memref<64x512xf32, #tpu.memory_space<vmem>>, vector<1x16xf32>,
      %swap3A_232 = vector.shape_cast %swap3A_231 : vector<1x16xf32> to vector<16xf32>
      %swap3A_233 = vector.shape_cast %add3A_228 : vector<16xf32> to vector<1x16xf32>
      tpu.vector_store %arg7[%swap3A_229, %swap3A_230], %swap3A_233 {strides = array<i32>} : memref<64x512xf32, #tpu.memory_space<vmem>>, vector<1x16xf32>,
      %get3A_234 = arith.index_cast %add3A_80 : i32 to index
      %get3A_235 = arith.constant 176 : index
      %get3A_236 = tpu.vector_load %arg7[%get3A_234, %get3A_235] {strides = array<i32>} : memref<64x512xf32, #tpu.memory_space<vmem>>, vector<1x16xf32>,
      %get3A_237 = vector.shape_cast %get3A_236 : vector<1x16xf32> to vector<16xf32>
      %get3A_238 = arith.index_cast %rem3A_81 : i32 to index
      %get3A_239 = arith.constant 176 : index
      %get3A_240 = tpu.vector_load %arg10[%get3A_238, %get3A_239] {strides = array<i32>} : memref<16x512xf32, #tpu.memory_space<vmem>>, vector<1x16xf32>,
      %get3A_241 = vector.shape_cast %get3A_240 : vector<1x16xf32> to vector<16xf32>
      %add3A_242 = arith.addf %get3A_237, %get3A_241 : vector<16xf32>
      %swap3A_243 = arith.index_cast %add3A_80 : i32 to index
      %swap3A_244 = arith.constant 176 : index
      %swap3A_245 = tpu.vector_load %arg7[%swap3A_243, %swap3A_244] {strides = array<i32>} : memref<64x512xf32, #tpu.memory_space<vmem>>, vector<1x16xf32>,
      %swap3A_246 = vector.shape_cast %swap3A_245 : vector<1x16xf32> to vector<16xf32>
      %swap3A_247 = vector.shape_cast %add3A_242 : vector<16xf32> to vector<1x16xf32>
      tpu.vector_store %arg7[%swap3A_243, %swap3A_244], %swap3A_247 {strides = array<i32>} : memref<64x512xf32, #tpu.memory_space<vmem>>, vector<1x16xf32>,
      %get3A_248 = arith.index_cast %add3A_80 : i32 to index
      %get3A_249 = arith.constant 192 : index
      %get3A_250 = tpu.vector_load %arg7[%get3A_248, %get3A_249] {strides = array<i32>} : memref<64x512xf32, #tpu.memory_space<vmem>>, vector<1x16xf32>,
      %get3A_251 = vector.shape_cast %get3A_250 : vector<1x16xf32> to vector<16xf32>
      %get3A_252 = arith.index_cast %rem3A_81 : i32 to index
      %get3A_253 = arith.constant 192 : index
      %get3A_254 = tpu.vector_load %arg10[%get3A_252, %get3A_253] {strides = array<i32>} : memref<16x512xf32, #tpu.memory_space<vmem>>, vector<1x16xf32>,
      %get3A_255 = vector.shape_cast %get3A_254 : vector<1x16xf32> to vector<16xf32>
      %add3A_256 = arith.addf %get3A_251, %get3A_255 : vector<16xf32>
      %swap3A_257 = arith.index_cast %add3A_80 : i32 to index
      %swap3A_258 = arith.constant 192 : index
      %swap3A_259 = tpu.vector_load %arg7[%swap3A_257, %swap3A_258] {strides = array<i32>} : memref<64x512xf32, #tpu.memory_space<vmem>>, vector<1x16xf32>,
      %swap3A_260 = vector.shape_cast %swap3A_259 : vector<1x16xf32> to vector<16xf32>
      %swap3A_261 = vector.shape_cast %add3A_256 : vector<16xf32> to vector<1x16xf32>
      tpu.vector_store %arg7[%swap3A_257, %swap3A_258], %swap3A_261 {strides = array<i32>} : memref<64x512xf32, #tpu.memory_space<vmem>>, vector<1x16xf32>,
      %get3A_262 = arith.index_cast %add3A_80 : i32 to index
      %get3A_263 = arith.constant 208 : index
      %get3A_264 = tpu.vector_load %arg7[%get3A_262, %get3A_263] {strides = array<i32>} : memref<64x512xf32, #tpu.memory_space<vmem>>, vector<1x16xf32>,
      %get3A_265 = vector.shape_cast %get3A_264 : vector<1x16xf32> to vector<16xf32>
      %get3A_266 = arith.index_cast %rem3A_81 : i32 to index
      %get3A_267 = arith.constant 208 : index
      %get3A_268 = tpu.vector_load %arg10[%get3A_266, %get3A_267] {strides = array<i32>} : memref<16x512xf32, #tpu.memory_space<vmem>>, vector<1x16xf32>,
      %get3A_269 = vector.shape_cast %get3A_268 : vector<1x16xf32> to vector<16xf32>
      %add3A_270 = arith.addf %get3A_265, %get3A_269 : vector<16xf32>
      %swap3A_271 = arith.index_cast %add3A_80 : i32 to index
      %swap3A_272 = arith.constant 208 : index
      %swap3A_273 = tpu.vector_load %arg7[%swap3A_271, %swap3A_272] {strides = array<i32>} : memref<64x512xf32, #tpu.memory_space<vmem>>, vector<1x16xf32>,
      %swap3A_274 = vector.shape_cast %swap3A_273 : vector<1x16xf32> to vector<16xf32>
      %swap3A_275 = vector.shape_cast %add3A_270 : vector<16xf32> to vector<1x16xf32>
      tpu.vector_store %arg7[%swap3A_271, %swap3A_272], %swap3A_275 {strides = array<i32>} : memref<64x512xf32, #tpu.memory_space<vmem>>, vector<1x16xf32>,
      %get3A_276 = arith.index_cast %add3A_80 : i32 to index
      %get3A_277 = arith.constant 224 : index
      %get3A_278 = tpu.vector_load %arg7[%get3A_276, %get3A_277] {strides = array<i32>} : memref<64x512xf32, #tpu.memory_space<vmem>>, vector<1x16xf32>,
      %get3A_279 = vector.shape_cast %get3A_278 : vector<1x16xf32> to vector<16xf32>
      %get3A_280 = arith.index_cast %rem3A_81 : i32 to index
      %get3A_281 = arith.constant 224 : index
      %get3A_282 = tpu.vector_load %arg10[%get3A_280, %get3A_281] {strides = array<i32>} : memref<16x512xf32, #tpu.memory_space<vmem>>, vector<1x16xf32>,
      %get3A_283 = vector.shape_cast %get3A_282 : vector<1x16xf32> to vector<16xf32>
      %add3A_284 = arith.addf %get3A_279, %get3A_283 : vector<16xf32>
      %swap3A_285 = arith.index_cast %add3A_80 : i32 to index
      %swap3A_286 = arith.constant 224 : index
      %swap3A_287 = tpu.vector_load %arg7[%swap3A_285, %swap3A_286] {strides = array<i32>} : memref<64x512xf32, #tpu.memory_space<vmem>>, vector<1x16xf32>,
      %swap3A_288 = vector.shape_cast %swap3A_287 : vector<1x16xf32> to vector<16xf32>
      %swap3A_289 = vector.shape_cast %add3A_284 : vector<16xf32> to vector<1x16xf32>
      tpu.vector_store %arg7[%swap3A_285, %swap3A_286], %swap3A_289 {strides = array<i32>} : memref<64x512xf32, #tpu.memory_space<vmem>>, vector<1x16xf32>,
      %get3A_290 = arith.index_cast %add3A_80 : i32 to index
      %get3A_291 = arith.constant 240 : index
      %get3A_292 = tpu.vector_load %arg7[%get3A_290, %get3A_291] {strides = array<i32>} : memref<64x512xf32, #tpu.memory_space<vmem>>, vector<1x16xf32>,
      %get3A_293 = vector.shape_cast %get3A_292 : vector<1x16xf32> to vector<16xf32>
      %get3A_294 = arith.index_cast %rem3A_81 : i32 to index
      %get3A_295 = arith.constant 240 : index
      %get3A_296 = tpu.vector_load %arg10[%get3A_294, %get3A_295] {strides = array<i32>} : memref<16x512xf32, #tpu.memory_space<vmem>>, vector<1x16xf32>,
      %get3A_297 = vector.shape_cast %get3A_296 : vector<1x16xf32> to vector<16xf32>
      %add3A_298 = arith.addf %get3A_293, %get3A_297 : vector<16xf32>
      %swap3A_299 = arith.index_cast %add3A_80 : i32 to index
      %swap3A_300 = arith.constant 240 : index
      %swap3A_301 = tpu.vector_load %arg7[%swap3A_299, %swap3A_300] {strides = array<i32>} : memref<64x512xf32, #tpu.memory_space<vmem>>, vector<1x16xf32>,
      %swap3A_302 = vector.shape_cast %swap3A_301 : vector<1x16xf32> to vector<16xf32>
      %swap3A_303 = vector.shape_cast %add3A_298 : vector<16xf32> to vector<1x16xf32>
      tpu.vector_store %arg7[%swap3A_299, %swap3A_300], %swap3A_303 {strides = array<i32>} : memref<64x512xf32, #tpu.memory_space<vmem>>, vector<1x16xf32>,
      %get3A_304 = arith.index_cast %add3A_80 : i32 to index
      %get3A_305 = arith.constant 256 : index
      %get3A_306 = tpu.vector_load %arg7[%get3A_304, %get3A_305] {strides = array<i32>} : memref<64x512xf32, #tpu.memory_space<vmem>>, vector<1x16xf32>,
      %get3A_307 = vector.shape_cast %get3A_306 : vector<1x16xf32> to vector<16xf32>
      %get3A_308 = arith.index_cast %rem3A_81 : i32 to index
      %get3A_309 = arith.constant 256 : index
      %get3A_310 = tpu.vector_load %arg10[%get3A_308, %get3A_309] {strides = array<i32>} : memref<16x512xf32, #tpu.memory_space<vmem>>, vector<1x16xf32>,
      %get3A_311 = vector.shape_cast %get3A_310 : vector<1x16xf32> to vector<16xf32>
      %add3A_312 = arith.addf %get3A_307, %get3A_311 : vector<16xf32>
      %swap3A_313 = arith.index_cast %add3A_80 : i32 to index
      %swap3A_314 = arith.constant 256 : index
      %swap3A_315 = tpu.vector_load %arg7[%swap3A_313, %swap3A_314] {strides = array<i32>} : memref<64x512xf32, #tpu.memory_space<vmem>>, vector<1x16xf32>,
      %swap3A_316 = vector.shape_cast %swap3A_315 : vector<1x16xf32> to vector<16xf32>
      %swap3A_317 = vector.shape_cast %add3A_312 : vector<16xf32> to vector<1x16xf32>
      tpu.vector_store %arg7[%swap3A_313, %swap3A_314], %swap3A_317 {strides = array<i32>} : memref<64x512xf32, #tpu.memory_space<vmem>>, vector<1x16xf32>,
      %get3A_318 = arith.index_cast %add3A_80 : i32 to index
      %get3A_319 = arith.constant 272 : index
      %get3A_320 = tpu.vector_load %arg7[%get3A_318, %get3A_319] {strides = array<i32>} : memref<64x512xf32, #tpu.memory_space<vmem>>, vector<1x16xf32>,
      %get3A_321 = vector.shape_cast %get3A_320 : vector<1x16xf32> to vector<16xf32>
      %get3A_322 = arith.index_cast %rem3A_81 : i32 to index
      %get3A_323 = arith.constant 272 : index
      %get3A_324 = tpu.vector_load %arg10[%get3A_322, %get3A_323] {strides = array<i32>} : memref<16x512xf32, #tpu.memory_space<vmem>>, vector<1x16xf32>,
      %get3A_325 = vector.shape_cast %get3A_324 : vector<1x16xf32> to vector<16xf32>
      %add3A_326 = arith.addf %get3A_321, %get3A_325 : vector<16xf32>
      %swap3A_327 = arith.index_cast %add3A_80 : i32 to index
      %swap3A_328 = arith.constant 272 : index
      %swap3A_329 = tpu.vector_load %arg7[%swap3A_327, %swap3A_328] {strides = array<i32>} : memref<64x512xf32, #tpu.memory_space<vmem>>, vector<1x16xf32>,
      %swap3A_330 = vector.shape_cast %swap3A_329 : vector<1x16xf32> to vector<16xf32>
      %swap3A_331 = vector.shape_cast %add3A_326 : vector<16xf32> to vector<1x16xf32>
      tpu.vector_store %arg7[%swap3A_327, %swap3A_328], %swap3A_331 {strides = array<i32>} : memref<64x512xf32, #tpu.memory_space<vmem>>, vector<1x16xf32>,
      %get3A_332 = arith.index_cast %add3A_80 : i32 to index
      %get3A_333 = arith.constant 288 : index
      %get3A_334 = tpu.vector_load %arg7[%get3A_332, %get3A_333] {strides = array<i32>} : memref<64x512xf32, #tpu.memory_space<vmem>>, vector<1x16xf32>,
      %get3A_335 = vector.shape_cast %get3A_334 : vector<1x16xf32> to vector<16xf32>
      %get3A_336 = arith.index_cast %rem3A_81 : i32 to index
      %get3A_337 = arith.constant 288 : index
      %get3A_338 = tpu.vector_load %arg10[%get3A_336, %get3A_337] {strides = array<i32>} : memref<16x512xf32, #tpu.memory_space<vmem>>, vector<1x16xf32>,
      %get3A_339 = vector.shape_cast %get3A_338 : vector<1x16xf32> to vector<16xf32>
      %add3A_340 = arith.addf %get3A_335, %get3A_339 : vector<16xf32>
      %swap3A_341 = arith.index_cast %add3A_80 : i32 to index
      %swap3A_342 = arith.constant 288 : index
      %swap3A_343 = tpu.vector_load %arg7[%swap3A_341, %swap3A_342] {strides = array<i32>} : memref<64x512xf32, #tpu.memory_space<vmem>>, vector<1x16xf32>,
      %swap3A_344 = vector.shape_cast %swap3A_343 : vector<1x16xf32> to vector<16xf32>
      %swap3A_345 = vector.shape_cast %add3A_340 : vector<16xf32> to vector<1x16xf32>
      tpu.vector_store %arg7[%swap3A_341, %swap3A_342], %swap3A_345 {strides = array<i32>} : memref<64x512xf32, #tpu.memory_space<vmem>>, vector<1x16xf32>,
      %get3A_346 = arith.index_cast %add3A_80 : i32 to index
      %get3A_347 = arith.constant 304 : index
      %get3A_348 = tpu.vector_load %arg7[%get3A_346, %get3A_347] {strides = array<i32>} : memref<64x512xf32, #tpu.memory_space<vmem>>, vector<1x16xf32>,
      %get3A_349 = vector.shape_cast %get3A_348 : vector<1x16xf32> to vector<16xf32>
      %get3A_350 = arith.index_cast %rem3A_81 : i32 to index
      %get3A_351 = arith.constant 304 : index
      %get3A_352 = tpu.vector_load %arg10[%get3A_350, %get3A_351] {strides = array<i32>} : memref<16x512xf32, #tpu.memory_space<vmem>>, vector<1x16xf32>,
      %get3A_353 = vector.shape_cast %get3A_352 : vector<1x16xf32> to vector<16xf32>
      %add3A_354 = arith.addf %get3A_349, %get3A_353 : vector<16xf32>
      %swap3A_355 = arith.index_cast %add3A_80 : i32 to index
      %swap3A_356 = arith.constant 304 : index
      %swap3A_357 = tpu.vector_load %arg7[%swap3A_355, %swap3A_356] {strides = array<i32>} : memref<64x512xf32, #tpu.memory_space<vmem>>, vector<1x16xf32>,
      %swap3A_358 = vector.shape_cast %swap3A_357 : vector<1x16xf32> to vector<16xf32>
      %swap3A_359 = vector.shape_cast %add3A_354 : vector<16xf32> to vector<1x16xf32>
      tpu.vector_store %arg7[%swap3A_355, %swap3A_356], %swap3A_359 {strides = array<i32>} : memref<64x512xf32, #tpu.memory_space<vmem>>, vector<1x16xf32>,
      %get3A_360 = arith.index_cast %add3A_80 : i32 to index
      %get3A_361 = arith.constant 320 : index
      %get3A_362 = tpu.vector_load %arg7[%get3A_360, %get3A_361] {strides = array<i32>} : memref<64x512xf32, #tpu.memory_space<vmem>>, vector<1x16xf32>,
      %get3A_363 = vector.shape_cast %get3A_362 : vector<1x16xf32> to vector<16xf32>
      %get3A_364 = arith.index_cast %rem3A_81 : i32 to index
      %get3A_365 = arith.constant 320 : index
      %get3A_366 = tpu.vector_load %arg10[%get3A_364, %get3A_365] {strides = array<i32>} : memref<16x512xf32, #tpu.memory_space<vmem>>, vector<1x16xf32>,
      %get3A_367 = vector.shape_cast %get3A_366 : vector<1x16xf32> to vector<16xf32>
      %add3A_368 = arith.addf %get3A_363, %get3A_367 : vector<16xf32>
      %swap3A_369 = arith.index_cast %add3A_80 : i32 to index
      %swap3A_370 = arith.constant 320 : index
      %swap3A_371 = tpu.vector_load %arg7[%swap3A_369, %swap3A_370] {strides = array<i32>} : memref<64x512xf32, #tpu.memory_space<vmem>>, vector<1x16xf32>,
      %swap3A_372 = vector.shape_cast %swap3A_371 : vector<1x16xf32> to vector<16xf32>
      %swap3A_373 = vector.shape_cast %add3A_368 : vector<16xf32> to vector<1x16xf32>
      tpu.vector_store %arg7[%swap3A_369, %swap3A_370], %swap3A_373 {strides = array<i32>} : memref<64x512xf32, #tpu.memory_space<vmem>>, vector<1x16xf32>,
      %get3A_374 = arith.index_cast %add3A_80 : i32 to index
      %get3A_375 = arith.constant 336 : index
      %get3A_376 = tpu.vector_load %arg7[%get3A_374, %get3A_375] {strides = array<i32>} : memref<64x512xf32, #tpu.memory_space<vmem>>, vector<1x16xf32>,
      %get3A_377 = vector.shape_cast %get3A_376 : vector<1x16xf32> to vector<16xf32>
      %get3A_378 = arith.index_cast %rem3A_81 : i32 to index
      %get3A_379 = arith.constant 336 : index
      %get3A_380 = tpu.vector_load %arg10[%get3A_378, %get3A_379] {strides = array<i32>} : memref<16x512xf32, #tpu.memory_space<vmem>>, vector<1x16xf32>,
      %get3A_381 = vector.shape_cast %get3A_380 : vector<1x16xf32> to vector<16xf32>
      %add3A_382 = arith.addf %get3A_377, %get3A_381 : vector<16xf32>
      %swap3A_383 = arith.index_cast %add3A_80 : i32 to index
      %swap3A_384 = arith.constant 336 : index
      %swap3A_385 = tpu.vector_load %arg7[%swap3A_383, %swap3A_384] {strides = array<i32>} : memref<64x512xf32, #tpu.memory_space<vmem>>, vector<1x16xf32>,
      %swap3A_386 = vector.shape_cast %swap3A_385 : vector<1x16xf32> to vector<16xf32>
      %swap3A_387 = vector.shape_cast %add3A_382 : vector<16xf32> to vector<1x16xf32>
      tpu.vector_store %arg7[%swap3A_383, %swap3A_384], %swap3A_387 {strides = array<i32>} : memref<64x512xf32, #tpu.memory_space<vmem>>, vector<1x16xf32>,
      %get3A_388 = arith.index_cast %add3A_80 : i32 to index
      %get3A_389 = arith.constant 352 : index
      %get3A_390 = tpu.vector_load %arg7[%get3A_388, %get3A_389] {strides = array<i32>} : memref<64x512xf32, #tpu.memory_space<vmem>>, vector<1x16xf32>,
      %get3A_391 = vector.shape_cast %get3A_390 : vector<1x16xf32> to vector<16xf32>
      %get3A_392 = arith.index_cast %rem3A_81 : i32 to index
      %get3A_393 = arith.constant 352 : index
      %get3A_394 = tpu.vector_load %arg10[%get3A_392, %get3A_393] {strides = array<i32>} : memref<16x512xf32, #tpu.memory_space<vmem>>, vector<1x16xf32>,
      %get3A_395 = vector.shape_cast %get3A_394 : vector<1x16xf32> to vector<16xf32>
      %add3A_396 = arith.addf %get3A_391, %get3A_395 : vector<16xf32>
      %swap3A_397 = arith.index_cast %add3A_80 : i32 to index
      %swap3A_398 = arith.constant 352 : index
      %swap3A_399 = tpu.vector_load %arg7[%swap3A_397, %swap3A_398] {strides = array<i32>} : memref<64x512xf32, #tpu.memory_space<vmem>>, vector<1x16xf32>,
      %swap3A_400 = vector.shape_cast %swap3A_399 : vector<1x16xf32> to vector<16xf32>
      %swap3A_401 = vector.shape_cast %add3A_396 : vector<16xf32> to vector<1x16xf32>
      tpu.vector_store %arg7[%swap3A_397, %swap3A_398], %swap3A_401 {strides = array<i32>} : memref<64x512xf32, #tpu.memory_space<vmem>>, vector<1x16xf32>,
      %get3A_402 = arith.index_cast %add3A_80 : i32 to index
      %get3A_403 = arith.constant 368 : index
      %get3A_404 = tpu.vector_load %arg7[%get3A_402, %get3A_403] {strides = array<i32>} : memref<64x512xf32, #tpu.memory_space<vmem>>, vector<1x16xf32>,
      %get3A_405 = vector.shape_cast %get3A_404 : vector<1x16xf32> to vector<16xf32>
      %get3A_406 = arith.index_cast %rem3A_81 : i32 to index
      %get3A_407 = arith.constant 368 : index
      %get3A_408 = tpu.vector_load %arg10[%get3A_406, %get3A_407] {strides = array<i32>} : memref<16x512xf32, #tpu.memory_space<vmem>>, vector<1x16xf32>,
      %get3A_409 = vector.shape_cast %get3A_408 : vector<1x16xf32> to vector<16xf32>
      %add3A_410 = arith.addf %get3A_405, %get3A_409 : vector<16xf32>
      %swap3A_411 = arith.index_cast %add3A_80 : i32 to index
      %swap3A_412 = arith.constant 368 : index
      %swap3A_413 = tpu.vector_load %arg7[%swap3A_411, %swap3A_412] {strides = array<i32>} : memref<64x512xf32, #tpu.memory_space<vmem>>, vector<1x16xf32>,
      %swap3A_414 = vector.shape_cast %swap3A_413 : vector<1x16xf32> to vector<16xf32>
      %swap3A_415 = vector.shape_cast %add3A_410 : vector<16xf32> to vector<1x16xf32>
      tpu.vector_store %arg7[%swap3A_411, %swap3A_412], %swap3A_415 {strides = array<i32>} : memref<64x512xf32, #tpu.memory_space<vmem>>, vector<1x16xf32>,
      %get3A_416 = arith.index_cast %add3A_80 : i32 to index
      %get3A_417 = arith.constant 384 : index
      %get3A_418 = tpu.vector_load %arg7[%get3A_416, %get3A_417] {strides = array<i32>} : memref<64x512xf32, #tpu.memory_space<vmem>>, vector<1x16xf32>,
      %get3A_419 = vector.shape_cast %get3A_418 : vector<1x16xf32> to vector<16xf32>
      %get3A_420 = arith.index_cast %rem3A_81 : i32 to index
      %get3A_421 = arith.constant 384 : index
      %get3A_422 = tpu.vector_load %arg10[%get3A_420, %get3A_421] {strides = array<i32>} : memref<16x512xf32, #tpu.memory_space<vmem>>, vector<1x16xf32>,
      %get3A_423 = vector.shape_cast %get3A_422 : vector<1x16xf32> to vector<16xf32>
      %add3A_424 = arith.addf %get3A_419, %get3A_423 : vector<16xf32>
      %swap3A_425 = arith.index_cast %add3A_80 : i32 to index
      %swap3A_426 = arith.constant 384 : index
      %swap3A_427 = tpu.vector_load %arg7[%swap3A_425, %swap3A_426] {strides = array<i32>} : memref<64x512xf32, #tpu.memory_space<vmem>>, vector<1x16xf32>,
      %swap3A_428 = vector.shape_cast %swap3A_427 : vector<1x16xf32> to vector<16xf32>
      %swap3A_429 = vector.shape_cast %add3A_424 : vector<16xf32> to vector<1x16xf32>
      tpu.vector_store %arg7[%swap3A_425, %swap3A_426], %swap3A_429 {strides = array<i32>} : memref<64x512xf32, #tpu.memory_space<vmem>>, vector<1x16xf32>,
      %get3A_430 = arith.index_cast %add3A_80 : i32 to index
      %get3A_431 = arith.constant 400 : index
      %get3A_432 = tpu.vector_load %arg7[%get3A_430, %get3A_431] {strides = array<i32>} : memref<64x512xf32, #tpu.memory_space<vmem>>, vector<1x16xf32>,
      %get3A_433 = vector.shape_cast %get3A_432 : vector<1x16xf32> to vector<16xf32>
      %get3A_434 = arith.index_cast %rem3A_81 : i32 to index
      %get3A_435 = arith.constant 400 : index
      %get3A_436 = tpu.vector_load %arg10[%get3A_434, %get3A_435] {strides = array<i32>} : memref<16x512xf32, #tpu.memory_space<vmem>>, vector<1x16xf32>,
      %get3A_437 = vector.shape_cast %get3A_436 : vector<1x16xf32> to vector<16xf32>
      %add3A_438 = arith.addf %get3A_433, %get3A_437 : vector<16xf32>
      %swap3A_439 = arith.index_cast %add3A_80 : i32 to index
      %swap3A_440 = arith.constant 400 : index
      %swap3A_441 = tpu.vector_load %arg7[%swap3A_439, %swap3A_440] {strides = array<i32>} : memref<64x512xf32, #tpu.memory_space<vmem>>, vector<1x16xf32>,
      %swap3A_442 = vector.shape_cast %swap3A_441 : vector<1x16xf32> to vector<16xf32>
      %swap3A_443 = vector.shape_cast %add3A_438 : vector<16xf32> to vector<1x16xf32>
      tpu.vector_store %arg7[%swap3A_439, %swap3A_440], %swap3A_443 {strides = array<i32>} : memref<64x512xf32, #tpu.memory_space<vmem>>, vector<1x16xf32>,
      %get3A_444 = arith.index_cast %add3A_80 : i32 to index
      %get3A_445 = arith.constant 416 : index
      %get3A_446 = tpu.vector_load %arg7[%get3A_444, %get3A_445] {strides = array<i32>} : memref<64x512xf32, #tpu.memory_space<vmem>>, vector<1x16xf32>,
      %get3A_447 = vector.shape_cast %get3A_446 : vector<1x16xf32> to vector<16xf32>
      %get3A_448 = arith.index_cast %rem3A_81 : i32 to index
      %get3A_449 = arith.constant 416 : index
      %get3A_450 = tpu.vector_load %arg10[%get3A_448, %get3A_449] {strides = array<i32>} : memref<16x512xf32, #tpu.memory_space<vmem>>, vector<1x16xf32>,
      %get3A_451 = vector.shape_cast %get3A_450 : vector<1x16xf32> to vector<16xf32>
      %add3A_452 = arith.addf %get3A_447, %get3A_451 : vector<16xf32>
      %swap3A_453 = arith.index_cast %add3A_80 : i32 to index
      %swap3A_454 = arith.constant 416 : index
      %swap3A_455 = tpu.vector_load %arg7[%swap3A_453, %swap3A_454] {strides = array<i32>} : memref<64x512xf32, #tpu.memory_space<vmem>>, vector<1x16xf32>,
      %swap3A_456 = vector.shape_cast %swap3A_455 : vector<1x16xf32> to vector<16xf32>
      %swap3A_457 = vector.shape_cast %add3A_452 : vector<16xf32> to vector<1x16xf32>
      tpu.vector_store %arg7[%swap3A_453, %swap3A_454], %swap3A_457 {strides = array<i32>} : memref<64x512xf32, #tpu.memory_space<vmem>>, vector<1x16xf32>,
      %get3A_458 = arith.index_cast %add3A_80 : i32 to index
      %get3A_459 = arith.constant 432 : index
      %get3A_460 = tpu.vector_load %arg7[%get3A_458, %get3A_459] {strides = array<i32>} : memref<64x512xf32, #tpu.memory_space<vmem>>, vector<1x16xf32>,
      %get3A_461 = vector.shape_cast %get3A_460 : vector<1x16xf32> to vector<16xf32>
      %get3A_462 = arith.index_cast %rem3A_81 : i32 to index
      %get3A_463 = arith.constant 432 : index
      %get3A_464 = tpu.vector_load %arg10[%get3A_462, %get3A_463] {strides = array<i32>} : memref<16x512xf32, #tpu.memory_space<vmem>>, vector<1x16xf32>,
      %get3A_465 = vector.shape_cast %get3A_464 : vector<1x16xf32> to vector<16xf32>
      %add3A_466 = arith.addf %get3A_461, %get3A_465 : vector<16xf32>
      %swap3A_467 = arith.index_cast %add3A_80 : i32 to index
      %swap3A_468 = arith.constant 432 : index
      %swap3A_469 = tpu.vector_load %arg7[%swap3A_467, %swap3A_468] {strides = array<i32>} : memref<64x512xf32, #tpu.memory_space<vmem>>, vector<1x16xf32>,
      %swap3A_470 = vector.shape_cast %swap3A_469 : vector<1x16xf32> to vector<16xf32>
      %swap3A_471 = vector.shape_cast %add3A_466 : vector<16xf32> to vector<1x16xf32>
      tpu.vector_store %arg7[%swap3A_467, %swap3A_468], %swap3A_471 {strides = array<i32>} : memref<64x512xf32, #tpu.memory_space<vmem>>, vector<1x16xf32>,
      %get3A_472 = arith.index_cast %add3A_80 : i32 to index
      %get3A_473 = arith.constant 448 : index
      %get3A_474 = tpu.vector_load %arg7[%get3A_472, %get3A_473] {strides = array<i32>} : memref<64x512xf32, #tpu.memory_space<vmem>>, vector<1x16xf32>,
      %get3A_475 = vector.shape_cast %get3A_474 : vector<1x16xf32> to vector<16xf32>
      %get3A_476 = arith.index_cast %rem3A_81 : i32 to index
      %get3A_477 = arith.constant 448 : index
      %get3A_478 = tpu.vector_load %arg10[%get3A_476, %get3A_477] {strides = array<i32>} : memref<16x512xf32, #tpu.memory_space<vmem>>, vector<1x16xf32>,
      %get3A_479 = vector.shape_cast %get3A_478 : vector<1x16xf32> to vector<16xf32>
      %add3A_480 = arith.addf %get3A_475, %get3A_479 : vector<16xf32>
      %swap3A_481 = arith.index_cast %add3A_80 : i32 to index
      %swap3A_482 = arith.constant 448 : index
      %swap3A_483 = tpu.vector_load %arg7[%swap3A_481, %swap3A_482] {strides = array<i32>} : memref<64x512xf32, #tpu.memory_space<vmem>>, vector<1x16xf32>,
      %swap3A_484 = vector.shape_cast %swap3A_483 : vector<1x16xf32> to vector<16xf32>
      %swap3A_485 = vector.shape_cast %add3A_480 : vector<16xf32> to vector<1x16xf32>
      tpu.vector_store %arg7[%swap3A_481, %swap3A_482], %swap3A_485 {strides = array<i32>} : memref<64x512xf32, #tpu.memory_space<vmem>>, vector<1x16xf32>,
      %get3A_486 = arith.index_cast %add3A_80 : i32 to index
      %get3A_487 = arith.constant 464 : index
      %get3A_488 = tpu.vector_load %arg7[%get3A_486, %get3A_487] {strides = array<i32>} : memref<64x512xf32, #tpu.memory_space<vmem>>, vector<1x16xf32>,
      %get3A_489 = vector.shape_cast %get3A_488 : vector<1x16xf32> to vector<16xf32>
      %get3A_490 = arith.index_cast %rem3A_81 : i32 to index
      %get3A_491 = arith.constant 464 : index
      %get3A_492 = tpu.vector_load %arg10[%get3A_490, %get3A_491] {strides = array<i32>} : memref<16x512xf32, #tpu.memory_space<vmem>>, vector<1x16xf32>,
      %get3A_493 = vector.shape_cast %get3A_492 : vector<1x16xf32> to vector<16xf32>
      %add3A_494 = arith.addf %get3A_489, %get3A_493 : vector<16xf32>
      %swap3A_495 = arith.index_cast %add3A_80 : i32 to index
      %swap3A_496 = arith.constant 464 : index
      %swap3A_497 = tpu.vector_load %arg7[%swap3A_495, %swap3A_496] {strides = array<i32>} : memref<64x512xf32, #tpu.memory_space<vmem>>, vector<1x16xf32>,
      %swap3A_498 = vector.shape_cast %swap3A_497 : vector<1x16xf32> to vector<16xf32>
      %swap3A_499 = vector.shape_cast %add3A_494 : vector<16xf32> to vector<1x16xf32>
      tpu.vector_store %arg7[%swap3A_495, %swap3A_496], %swap3A_499 {strides = array<i32>} : memref<64x512xf32, #tpu.memory_space<vmem>>, vector<1x16xf32>,
      %get3A_500 = arith.index_cast %add3A_80 : i32 to index
      %get3A_501 = arith.constant 480 : index
      %get3A_502 = tpu.vector_load %arg7[%get3A_500, %get3A_501] {strides = array<i32>} : memref<64x512xf32, #tpu.memory_space<vmem>>, vector<1x16xf32>,
      %get3A_503 = vector.shape_cast %get3A_502 : vector<1x16xf32> to vector<16xf32>
      %get3A_504 = arith.index_cast %rem3A_81 : i32 to index
      %get3A_505 = arith.constant 480 : index
      %get3A_506 = tpu.vector_load %arg10[%get3A_504, %get3A_505] {strides = array<i32>} : memref<16x512xf32, #tpu.memory_space<vmem>>, vector<1x16xf32>,
      %get3A_507 = vector.shape_cast %get3A_506 : vector<1x16xf32> to vector<16xf32>
      %add3A_508 = arith.addf %get3A_503, %get3A_507 : vector<16xf32>
      %swap3A_509 = arith.index_cast %add3A_80 : i32 to index
      %swap3A_510 = arith.constant 480 : index
      %swap3A_511 = tpu.vector_load %arg7[%swap3A_509, %swap3A_510] {strides = array<i32>} : memref<64x512xf32, #tpu.memory_space<vmem>>, vector<1x16xf32>,
      %swap3A_512 = vector.shape_cast %swap3A_511 : vector<1x16xf32> to vector<16xf32>
      %swap3A_513 = vector.shape_cast %add3A_508 : vector<16xf32> to vector<1x16xf32>
      tpu.vector_store %arg7[%swap3A_509, %swap3A_510], %swap3A_513 {strides = array<i32>} : memref<64x512xf32, #tpu.memory_space<vmem>>, vector<1x16xf32>,
      %get3A_514 = arith.index_cast %add3A_80 : i32 to index
      %get3A_515 = arith.constant 496 : index
      %get3A_516 = tpu.vector_load %arg7[%get3A_514, %get3A_515] {strides = array<i32>} : memref<64x512xf32, #tpu.memory_space<vmem>>, vector<1x16xf32>,
      %get3A_517 = vector.shape_cast %get3A_516 : vector<1x16xf32> to vector<16xf32>
      %get3A_518 = arith.index_cast %rem3A_81 : i32 to index
      %get3A_519 = arith.constant 496 : index
      %get3A_520 = tpu.vector_load %arg10[%get3A_518, %get3A_519] {strides = array<i32>} : memref<16x512xf32, #tpu.memory_space<vmem>>, vector<1x16xf32>,
      %get3A_521 = vector.shape_cast %get3A_520 : vector<1x16xf32> to vector<16xf32>
      %add3A_522 = arith.addf %get3A_517, %get3A_521 : vector<16xf32>
      %swap3A_523 = arith.index_cast %add3A_80 : i32 to index
      %swap3A_524 = arith.constant 496 : index
      %swap3A_525 = tpu.vector_load %arg7[%swap3A_523, %swap3A_524] {strides = array<i32>} : memref<64x512xf32, #tpu.memory_space<vmem>>, vector<1x16xf32>,
      %swap3A_526 = vector.shape_cast %swap3A_525 : vector<1x16xf32> to vector<16xf32>
      %swap3A_527 = vector.shape_cast %add3A_522 : vector<16xf32> to vector<1x16xf32>
      tpu.vector_store %arg7[%swap3A_523, %swap3A_524], %swap3A_527 {strides = array<i32>} : memref<64x512xf32, #tpu.memory_space<vmem>>, vector<1x16xf32>,
    }
    %scan3A_27 = arith.constant 64 : i32
    %add3A_28 = arith.constant 0 : i32
    %add3A_29 = arith.addi %mul3A_2, %add3A_28 : i32
    %dma_start3A_30 = arith.constant 0 : i32
    %dma_start3A_31 = tpu.memref_slice %arg5[%add3A_29, %dma_start3A_30] : memref<65536x512xf32, #tpu.memory_space<hbm>> -> memref<64x512xf32, #tpu.memory_space<hbm>>
    %dma_start3A_32 = arith.constant 0 : i32
    %dma_start3A_33 = tpu.memref_slice %arg5[%add3A_29, %dma_start3A_32] : memref<65536x512xf32, #tpu.memory_space<hbm>> -> memref<64x512xf32, #tpu.memory_space<hbm>>
    tpu.enqueue_dma source(%arg7 : memref<64x512xf32, #tpu.memory_space<vmem>>) target(%dma_start3A_33 : memref<64x512xf32, #tpu.memory_space<hbm>>) target_semaphore(%arg14 : memref<!tpu.dma_semaphore, #tpu.memory_space<semaphore_mem>>)
    %dma_start3A_34 = arith.constant 2 : i32
    %dma_start3A_35 = arith.constant 0 : i32
    %dma_start3A_36 = tpu.memref_slice %arg6[%dma_start3A_34, %dma_start3A_35] : memref<32x64xi32, #tpu.memory_space<vmem>> -> memref<1x64xi32, #tpu.memory_space<vmem>>
    %dma_start3A_37 = tpu.memref_squeeze %dma_start3A_36 : memref<1x64xi32, #tpu.memory_space<vmem>> -> memref<64xi32, #tpu.memory_space<vmem>>
    %dma_start3A_38 = arith.constant 0 : i32
    %dma_start3A_39 = arith.constant 0 : i32
    %dma_start3A_40 = tpu.memref_slice %arg3[%dma_start3A_38, %dma_start3A_39] : memref<100000x512xf32, #tpu.memory_space<hbm>> -> memref<100000x512xf32, #tpu.memory_space<hbm>>
    tpu.enqueue_indirect_dma source(%dma_start3A_40 : memref<100000x512xf32, #tpu.memory_space<hbm>>) target(%arg9 : memref<64x512xf32, #tpu.memory_space<vmem>>) offsets(%dma_start3A_37 : memref<64xi32, #tpu.memory_space<vmem>>) semaphore(%arg13 : memref<!tpu.dma_semaphore, #tpu.memory_space<semaphore_mem>>)
    %scan3A_41 = arith.constant 0 : i32
    %scan3A_42 = arith.constant 10 : i32
    %scan3A_43 = arith.addi %scan3A_41, %scan3A_42 : i32
    %scan3A_44 = arith.constant 1 : i32
    scf.for %scan3A_76 = %scan3A_41 to %scan3A_43 step %scan3A_44  : i32 {
      %mul3A_77 = arith.constant 3 : i32
      %mul3A_78 = arith.muli %scan3A_76, %mul3A_77 : i32
      %add3A_79 = arith.constant 1 : i32
      %add3A_80 = arith.addi %add3A_79, %mul3A_78 : i32
      %add3A_81 = arith.constant 0 : i32
      %add3A_82 = arith.addi %add3A_80, %add3A_81 : i32
      %dma_wait3A_83 = arith.constant 0 : i32
      %dma_wait3A_84 = arith.constant 0 : i32
      %dma_wait3A_85 = tpu.memref_slice %arg6[%dma_wait3A_83, %dma_wait3A_84] : memref<32x64xi32, #tpu.memory_space<vmem>> -> memref<1x64xi32, #tpu.memory_space<vmem>>
      %dma_wait3A_86 = tpu.memref_squeeze %dma_wait3A_85 : memref<1x64xi32, #tpu.memory_space<vmem>> -> memref<64xi32, #tpu.memory_space<vmem>>
      %dma_wait3A_87 = arith.constant 0 : i32
      %dma_wait3A_88 = arith.constant 0 : i32
      %dma_wait3A_89 = tpu.memref_slice %arg3[%dma_wait3A_87, %dma_wait3A_88] : memref<100000x512xf32, #tpu.memory_space<hbm>> -> memref<100000x512xf32, #tpu.memory_space<hbm>>
      tpu.wait_indirect_dma semaphore(%arg12 : memref<!tpu.dma_semaphore, #tpu.memory_space<semaphore_mem>>) src(%dma_wait3A_89 : memref<100000x512xf32, #tpu.memory_space<hbm>>) dst(%arg8 : memref<64x512xf32, #tpu.memory_space<vmem>>)
      %scan3A_90 = arith.constant 0 : i32
      %scan3A_91 = arith.constant 64 : i32
      %scan3A_92 = arith.addi %scan3A_90, %scan3A_91 : i32
      %scan3A_93 = arith.constant 1 : i32
      scf.for %scan3A_162 = %scan3A_90 to %scan3A_92 step %scan3A_93  : i32 {
        %mul3A_163 = arith.constant 1 : i32
        %mul3A_164 = arith.muli %scan3A_162, %mul3A_163 : i32
        %add3A_165 = arith.constant 0 : i32
        %add3A_166 = arith.addi %add3A_165, %mul3A_164 : i32
        %rem3A = arith.constant 16 : i32
        %rem3A_167 = arith.remsi %add3A_166, %rem3A : i32
        %get3A = arith.index_cast %add3A_166 : i32 to index
        %get3A_168 = arith.constant 0 : index
        %get3A_169 = tpu.vector_load %arg8[%get3A, %get3A_168] {strides = array<i32>} : memref<64x512xf32, #tpu.memory_space<vmem>>, vector<1x16xf32>,
        %get3A_170 = vector.shape_cast %get3A_169 : vector<1x16xf32> to vector<16xf32>
        %get3A_171 = arith.index_cast %rem3A_167 : i32 to index
        %get3A_172 = arith.constant 0 : index
        %get3A_173 = tpu.vector_load %arg10[%get3A_171, %get3A_172] {strides = array<i32>} : memref<16x512xf32, #tpu.memory_space<vmem>>, vector<1x16xf32>,
        %get3A_174 = vector.shape_cast %get3A_173 : vector<1x16xf32> to vector<16xf32>
        %add3A_175 = arith.addf %get3A_170, %get3A_174 : vector<16xf32>
        %swap3A = arith.index_cast %add3A_166 : i32 to index
        %swap3A_176 = arith.constant 0 : index
        %swap3A_177 = tpu.vector_load %arg8[%swap3A, %swap3A_176] {strides = array<i32>} : memref<64x512xf32, #tpu.memory_space<vmem>>, vector<1x16xf32>,
        %swap3A_178 = vector.shape_cast %swap3A_177 : vector<1x16xf32> to vector<16xf32>
        %swap3A_179 = vector.shape_cast %add3A_175 : vector<16xf32> to vector<1x16xf32>
        tpu.vector_store %arg8[%swap3A, %swap3A_176], %swap3A_179 {strides = array<i32>} : memref<64x512xf32, #tpu.memory_space<vmem>>, vector<1x16xf32>,
        %get3A_180 = arith.index_cast %add3A_166 : i32 to index
        %get3A_181 = arith.constant 16 : index
        %get3A_182 = tpu.vector_load %arg8[%get3A_180, %get3A_181] {strides = array<i32>} : memref<64x512xf32, #tpu.memory_space<vmem>>, vector<1x16xf32>,
        %get3A_183 = vector.shape_cast %get3A_182 : vector<1x16xf32> to vector<16xf32>
        %get3A_184 = arith.index_cast %rem3A_167 : i32 to index
        %get3A_185 = arith.constant 16 : index
        %get3A_186 = tpu.vector_load %arg10[%get3A_184, %get3A_185] {strides = array<i32>} : memref<16x512xf32, #tpu.memory_space<vmem>>, vector<1x16xf32>,
        %get3A_187 = vector.shape_cast %get3A_186 : vector<1x16xf32> to vector<16xf32>
        %add3A_188 = arith.addf %get3A_183, %get3A_187 : vector<16xf32>
        %swap3A_189 = arith.index_cast %add3A_166 : i32 to index
        %swap3A_190 = arith.constant 16 : index
        %swap3A_191 = tpu.vector_load %arg8[%swap3A_189, %swap3A_190] {strides = array<i32>} : memref<64x512xf32, #tpu.memory_space<vmem>>, vector<1x16xf32>,
        %swap3A_192 = vector.shape_cast %swap3A_191 : vector<1x16xf32> to vector<16xf32>
        %swap3A_193 = vector.shape_cast %add3A_188 : vector<16xf32> to vector<1x16xf32>
        tpu.vector_store %arg8[%swap3A_189, %swap3A_190], %swap3A_193 {strides = array<i32>} : memref<64x512xf32, #tpu.memory_space<vmem>>, vector<1x16xf32>,
        %get3A_194 = arith.index_cast %add3A_166 : i32 to index
        %get3A_195 = arith.constant 32 : index
        %get3A_196 = tpu.vector_load %arg8[%get3A_194, %get3A_195] {strides = array<i32>} : memref<64x512xf32, #tpu.memory_space<vmem>>, vector<1x16xf32>,
        %get3A_197 = vector.shape_cast %get3A_196 : vector<1x16xf32> to vector<16xf32>
        %get3A_198 = arith.index_cast %rem3A_167 : i32 to index
        %get3A_199 = arith.constant 32 : index
        %get3A_200 = tpu.vector_load %arg10[%get3A_198, %get3A_199] {strides = array<i32>} : memref<16x512xf32, #tpu.memory_space<vmem>>, vector<1x16xf32>,
        %get3A_201 = vector.shape_cast %get3A_200 : vector<1x16xf32> to vector<16xf32>
        %add3A_202 = arith.addf %get3A_197, %get3A_201 : vector<16xf32>
        %swap3A_203 = arith.index_cast %add3A_166 : i32 to index
        %swap3A_204 = arith.constant 32 : index
        %swap3A_205 = tpu.vector_load %arg8[%swap3A_203, %swap3A_204] {strides = array<i32>} : memref<64x512xf32, #tpu.memory_space<vmem>>, vector<1x16xf32>,
        %swap3A_206 = vector.shape_cast %swap3A_205 : vector<1x16xf32> to vector<16xf32>
        %swap3A_207 = vector.shape_cast %add3A_202 : vector<16xf32> to vector<1x16xf32>
        tpu.vector_store %arg8[%swap3A_203, %swap3A_204], %swap3A_207 {strides = array<i32>} : memref<64x512xf32, #tpu.memory_space<vmem>>, vector<1x16xf32>,
        %get3A_208 = arith.index_cast %add3A_166 : i32 to index
        %get3A_209 = arith.constant 48 : index
        %get3A_210 = tpu.vector_load %arg8[%get3A_208, %get3A_209] {strides = array<i32>} : memref<64x512xf32, #tpu.memory_space<vmem>>, vector<1x16xf32>,
        %get3A_211 = vector.shape_cast %get3A_210 : vector<1x16xf32> to vector<16xf32>
        %get3A_212 = arith.index_cast %rem3A_167 : i32 to index
        %get3A_213 = arith.constant 48 : index
        %get3A_214 = tpu.vector_load %arg10[%get3A_212, %get3A_213] {strides = array<i32>} : memref<16x512xf32, #tpu.memory_space<vmem>>, vector<1x16xf32>,
        %get3A_215 = vector.shape_cast %get3A_214 : vector<1x16xf32> to vector<16xf32>
        %add3A_216 = arith.addf %get3A_211, %get3A_215 : vector<16xf32>
        %swap3A_217 = arith.index_cast %add3A_166 : i32 to index
        %swap3A_218 = arith.constant 48 : index
        %swap3A_219 = tpu.vector_load %arg8[%swap3A_217, %swap3A_218] {strides = array<i32>} : memref<64x512xf32, #tpu.memory_space<vmem>>, vector<1x16xf32>,
        %swap3A_220 = vector.shape_cast %swap3A_219 : vector<1x16xf32> to vector<16xf32>
        %swap3A_221 = vector.shape_cast %add3A_216 : vector<16xf32> to vector<1x16xf32>
        tpu.vector_store %arg8[%swap3A_217, %swap3A_218], %swap3A_221 {strides = array<i32>} : memref<64x512xf32, #tpu.memory_space<vmem>>, vector<1x16xf32>,
        %get3A_222 = arith.index_cast %add3A_166 : i32 to index
        %get3A_223 = arith.constant 64 : index
        %get3A_224 = tpu.vector_load %arg8[%get3A_222, %get3A_223] {strides = array<i32>} : memref<64x512xf32, #tpu.memory_space<vmem>>, vector<1x16xf32>,
        %get3A_225 = vector.shape_cast %get3A_224 : vector<1x16xf32> to vector<16xf32>
        %get3A_226 = arith.index_cast %rem3A_167 : i32 to index
        %get3A_227 = arith.constant 64 : index
        %get3A_228 = tpu.vector_load %arg10[%get3A_226, %get3A_227] {strides = array<i32>} : memref<16x512xf32, #tpu.memory_space<vmem>>, vector<1x16xf32>,
        %get3A_229 = vector.shape_cast %get3A_228 : vector<1x16xf32> to vector<16xf32>
        %add3A_230 = arith.addf %get3A_225, %get3A_229 : vector<16xf32>
        %swap3A_231 = arith.index_cast %add3A_166 : i32 to index
        %swap3A_232 = arith.constant 64 : index
        %swap3A_233 = tpu.vector_load %arg8[%swap3A_231, %swap3A_232] {strides = array<i32>} : memref<64x512xf32, #tpu.memory_space<vmem>>, vector<1x16xf32>,
        %swap3A_234 = vector.shape_cast %swap3A_233 : vector<1x16xf32> to vector<16xf32>
        %swap3A_235 = vector.shape_cast %add3A_230 : vector<16xf32> to vector<1x16xf32>
        tpu.vector_store %arg8[%swap3A_231, %swap3A_232], %swap3A_235 {strides = array<i32>} : memref<64x512xf32, #tpu.memory_space<vmem>>, vector<1x16xf32>,
        %get3A_236 = arith.index_cast %add3A_166 : i32 to index
        %get3A_237 = arith.constant 80 : index
        %get3A_238 = tpu.vector_load %arg8[%get3A_236, %get3A_237] {strides = array<i32>} : memref<64x512xf32, #tpu.memory_space<vmem>>, vector<1x16xf32>,
        %get3A_239 = vector.shape_cast %get3A_238 : vector<1x16xf32> to vector<16xf32>
        %get3A_240 = arith.index_cast %rem3A_167 : i32 to index
        %get3A_241 = arith.constant 80 : index
        %get3A_242 = tpu.vector_load %arg10[%get3A_240, %get3A_241] {strides = array<i32>} : memref<16x512xf32, #tpu.memory_space<vmem>>, vector<1x16xf32>,
        %get3A_243 = vector.shape_cast %get3A_242 : vector<1x16xf32> to vector<16xf32>
        %add3A_244 = arith.addf %get3A_239, %get3A_243 : vector<16xf32>
        %swap3A_245 = arith.index_cast %add3A_166 : i32 to index
        %swap3A_246 = arith.constant 80 : index
        %swap3A_247 = tpu.vector_load %arg8[%swap3A_245, %swap3A_246] {strides = array<i32>} : memref<64x512xf32, #tpu.memory_space<vmem>>, vector<1x16xf32>,
        %swap3A_248 = vector.shape_cast %swap3A_247 : vector<1x16xf32> to vector<16xf32>
        %swap3A_249 = vector.shape_cast %add3A_244 : vector<16xf32> to vector<1x16xf32>
        tpu.vector_store %arg8[%swap3A_245, %swap3A_246], %swap3A_249 {strides = array<i32>} : memref<64x512xf32, #tpu.memory_space<vmem>>, vector<1x16xf32>,
        %get3A_250 = arith.index_cast %add3A_166 : i32 to index
        %get3A_251 = arith.constant 96 : index
        %get3A_252 = tpu.vector_load %arg8[%get3A_250, %get3A_251] {strides = array<i32>} : memref<64x512xf32, #tpu.memory_space<vmem>>, vector<1x16xf32>,
        %get3A_253 = vector.shape_cast %get3A_252 : vector<1x16xf32> to vector<16xf32>
        %get3A_254 = arith.index_cast %rem3A_167 : i32 to index
        %get3A_255 = arith.constant 96 : index
        %get3A_256 = tpu.vector_load %arg10[%get3A_254, %get3A_255] {strides = array<i32>} : memref<16x512xf32, #tpu.memory_space<vmem>>, vector<1x16xf32>,
        %get3A_257 = vector.shape_cast %get3A_256 : vector<1x16xf32> to vector<16xf32>
        %add3A_258 = arith.addf %get3A_253, %get3A_257 : vector<16xf32>
        %swap3A_259 = arith.index_cast %add3A_166 : i32 to index
        %swap3A_260 = arith.constant 96 : index
        %swap3A_261 = tpu.vector_load %arg8[%swap3A_259, %swap3A_260] {strides = array<i32>} : memref<64x512xf32, #tpu.memory_space<vmem>>, vector<1x16xf32>,
        %swap3A_262 = vector.shape_cast %swap3A_261 : vector<1x16xf32> to vector<16xf32>
        %swap3A_263 = vector.shape_cast %add3A_258 : vector<16xf32> to vector<1x16xf32>
        tpu.vector_store %arg8[%swap3A_259, %swap3A_260], %swap3A_263 {strides = array<i32>} : memref<64x512xf32, #tpu.memory_space<vmem>>, vector<1x16xf32>,
        %get3A_264 = arith.index_cast %add3A_166 : i32 to index
        %get3A_265 = arith.constant 112 : index
        %get3A_266 = tpu.vector_load %arg8[%get3A_264, %get3A_265] {strides = array<i32>} : memref<64x512xf32, #tpu.memory_space<vmem>>, vector<1x16xf32>,
        %get3A_267 = vector.shape_cast %get3A_266 : vector<1x16xf32> to vector<16xf32>
        %get3A_268 = arith.index_cast %rem3A_167 : i32 to index
        %get3A_269 = arith.constant 112 : index
        %get3A_270 = tpu.vector_load %arg10[%get3A_268, %get3A_269] {strides = array<i32>} : memref<16x512xf32, #tpu.memory_space<vmem>>, vector<1x16xf32>,
        %get3A_271 = vector.shape_cast %get3A_270 : vector<1x16xf32> to vector<16xf32>
        %add3A_272 = arith.addf %get3A_267, %get3A_271 : vector<16xf32>
        %swap3A_273 = arith.index_cast %add3A_166 : i32 to index
        %swap3A_274 = arith.constant 112 : index
        %swap3A_275 = tpu.vector_load %arg8[%swap3A_273, %swap3A_274] {strides = array<i32>} : memref<64x512xf32, #tpu.memory_space<vmem>>, vector<1x16xf32>,
        %swap3A_276 = vector.shape_cast %swap3A_275 : vector<1x16xf32> to vector<16xf32>
        %swap3A_277 = vector.shape_cast %add3A_272 : vector<16xf32> to vector<1x16xf32>
        tpu.vector_store %arg8[%swap3A_273, %swap3A_274], %swap3A_277 {strides = array<i32>} : memref<64x512xf32, #tpu.memory_space<vmem>>, vector<1x16xf32>,
        %get3A_278 = arith.index_cast %add3A_166 : i32 to index
        %get3A_279 = arith.constant 128 : index
        %get3A_280 = tpu.vector_load %arg8[%get3A_278, %get3A_279] {strides = array<i32>} : memref<64x512xf32, #tpu.memory_space<vmem>>, vector<1x16xf32>,
        %get3A_281 = vector.shape_cast %get3A_280 : vector<1x16xf32> to vector<16xf32>
        %get3A_282 = arith.index_cast %rem3A_167 : i32 to index
        %get3A_283 = arith.constant 128 : index
        %get3A_284 = tpu.vector_load %arg10[%get3A_282, %get3A_283] {strides = array<i32>} : memref<16x512xf32, #tpu.memory_space<vmem>>, vector<1x16xf32>,
        %get3A_285 = vector.shape_cast %get3A_284 : vector<1x16xf32> to vector<16xf32>
        %add3A_286 = arith.addf %get3A_281, %get3A_285 : vector<16xf32>
        %swap3A_287 = arith.index_cast %add3A_166 : i32 to index
        %swap3A_288 = arith.constant 128 : index
        %swap3A_289 = tpu.vector_load %arg8[%swap3A_287, %swap3A_288] {strides = array<i32>} : memref<64x512xf32, #tpu.memory_space<vmem>>, vector<1x16xf32>,
        %swap3A_290 = vector.shape_cast %swap3A_289 : vector<1x16xf32> to vector<16xf32>
        %swap3A_291 = vector.shape_cast %add3A_286 : vector<16xf32> to vector<1x16xf32>
        tpu.vector_store %arg8[%swap3A_287, %swap3A_288], %swap3A_291 {strides = array<i32>} : memref<64x512xf32, #tpu.memory_space<vmem>>, vector<1x16xf32>,
        %get3A_292 = arith.index_cast %add3A_166 : i32 to index
        %get3A_293 = arith.constant 144 : index
        %get3A_294 = tpu.vector_load %arg8[%get3A_292, %get3A_293] {strides = array<i32>} : memref<64x512xf32, #tpu.memory_space<vmem>>, vector<1x16xf32>,
        %get3A_295 = vector.shape_cast %get3A_294 : vector<1x16xf32> to vector<16xf32>
        %get3A_296 = arith.index_cast %rem3A_167 : i32 to index
        %get3A_297 = arith.constant 144 : index
        %get3A_298 = tpu.vector_load %arg10[%get3A_296, %get3A_297] {strides = array<i32>} : memref<16x512xf32, #tpu.memory_space<vmem>>, vector<1x16xf32>,
        %get3A_299 = vector.shape_cast %get3A_298 : vector<1x16xf32> to vector<16xf32>
        %add3A_300 = arith.addf %get3A_295, %get3A_299 : vector<16xf32>
        %swap3A_301 = arith.index_cast %add3A_166 : i32 to index
        %swap3A_302 = arith.constant 144 : index
        %swap3A_303 = tpu.vector_load %arg8[%swap3A_301, %swap3A_302] {strides = array<i32>} : memref<64x512xf32, #tpu.memory_space<vmem>>, vector<1x16xf32>,
        %swap3A_304 = vector.shape_cast %swap3A_303 : vector<1x16xf32> to vector<16xf32>
        %swap3A_305 = vector.shape_cast %add3A_300 : vector<16xf32> to vector<1x16xf32>
        tpu.vector_store %arg8[%swap3A_301, %swap3A_302], %swap3A_305 {strides = array<i32>} : memref<64x512xf32, #tpu.memory_space<vmem>>, vector<1x16xf32>,
        %get3A_306 = arith.index_cast %add3A_166 : i32 to index
        %get3A_307 = arith.constant 160 : index
        %get3A_308 = tpu.vector_load %arg8[%get3A_306, %get3A_307] {strides = array<i32>} : memref<64x512xf32, #tpu.memory_space<vmem>>, vector<1x16xf32>,
        %get3A_309 = vector.shape_cast %get3A_308 : vector<1x16xf32> to vector<16xf32>
        %get3A_310 = arith.index_cast %rem3A_167 : i32 to index
        %get3A_311 = arith.constant 160 : index
        %get3A_312 = tpu.vector_load %arg10[%get3A_310, %get3A_311] {strides = array<i32>} : memref<16x512xf32, #tpu.memory_space<vmem>>, vector<1x16xf32>,
        %get3A_313 = vector.shape_cast %get3A_312 : vector<1x16xf32> to vector<16xf32>
        %add3A_314 = arith.addf %get3A_309, %get3A_313 : vector<16xf32>
        %swap3A_315 = arith.index_cast %add3A_166 : i32 to index
        %swap3A_316 = arith.constant 160 : index
        %swap3A_317 = tpu.vector_load %arg8[%swap3A_315, %swap3A_316] {strides = array<i32>} : memref<64x512xf32, #tpu.memory_space<vmem>>, vector<1x16xf32>,
        %swap3A_318 = vector.shape_cast %swap3A_317 : vector<1x16xf32> to vector<16xf32>
        %swap3A_319 = vector.shape_cast %add3A_314 : vector<16xf32> to vector<1x16xf32>
        tpu.vector_store %arg8[%swap3A_315, %swap3A_316], %swap3A_319 {strides = array<i32>} : memref<64x512xf32, #tpu.memory_space<vmem>>, vector<1x16xf32>,
        %get3A_320 = arith.index_cast %add3A_166 : i32 to index
        %get3A_321 = arith.constant 176 : index
        %get3A_322 = tpu.vector_load %arg8[%get3A_320, %get3A_321] {strides = array<i32>} : memref<64x512xf32, #tpu.memory_space<vmem>>, vector<1x16xf32>,
        %get3A_323 = vector.shape_cast %get3A_322 : vector<1x16xf32> to vector<16xf32>
        %get3A_324 = arith.index_cast %rem3A_167 : i32 to index
        %get3A_325 = arith.constant 176 : index
        %get3A_326 = tpu.vector_load %arg10[%get3A_324, %get3A_325] {strides = array<i32>} : memref<16x512xf32, #tpu.memory_space<vmem>>, vector<1x16xf32>,
        %get3A_327 = vector.shape_cast %get3A_326 : vector<1x16xf32> to vector<16xf32>
        %add3A_328 = arith.addf %get3A_323, %get3A_327 : vector<16xf32>
        %swap3A_329 = arith.index_cast %add3A_166 : i32 to index
        %swap3A_330 = arith.constant 176 : index
        %swap3A_331 = tpu.vector_load %arg8[%swap3A_329, %swap3A_330] {strides = array<i32>} : memref<64x512xf32, #tpu.memory_space<vmem>>, vector<1x16xf32>,
        %swap3A_332 = vector.shape_cast %swap3A_331 : vector<1x16xf32> to vector<16xf32>
        %swap3A_333 = vector.shape_cast %add3A_328 : vector<16xf32> to vector<1x16xf32>
        tpu.vector_store %arg8[%swap3A_329, %swap3A_330], %swap3A_333 {strides = array<i32>} : memref<64x512xf32, #tpu.memory_space<vmem>>, vector<1x16xf32>,
        %get3A_334 = arith.index_cast %add3A_166 : i32 to index
        %get3A_335 = arith.constant 192 : index
        %get3A_336 = tpu.vector_load %arg8[%get3A_334, %get3A_335] {strides = array<i32>} : memref<64x512xf32, #tpu.memory_space<vmem>>, vector<1x16xf32>,
        %get3A_337 = vector.shape_cast %get3A_336 : vector<1x16xf32> to vector<16xf32>
        %get3A_338 = arith.index_cast %rem3A_167 : i32 to index
        %get3A_339 = arith.constant 192 : index
        %get3A_340 = tpu.vector_load %arg10[%get3A_338, %get3A_339] {strides = array<i32>} : memref<16x512xf32, #tpu.memory_space<vmem>>, vector<1x16xf32>,
        %get3A_341 = vector.shape_cast %get3A_340 : vector<1x16xf32> to vector<16xf32>
        %add3A_342 = arith.addf %get3A_337, %get3A_341 : vector<16xf32>
        %swap3A_343 = arith.index_cast %add3A_166 : i32 to index
        %swap3A_344 = arith.constant 192 : index
        %swap3A_345 = tpu.vector_load %arg8[%swap3A_343, %swap3A_344] {strides = array<i32>} : memref<64x512xf32, #tpu.memory_space<vmem>>, vector<1x16xf32>,
        %swap3A_346 = vector.shape_cast %swap3A_345 : vector<1x16xf32> to vector<16xf32>
        %swap3A_347 = vector.shape_cast %add3A_342 : vector<16xf32> to vector<1x16xf32>
        tpu.vector_store %arg8[%swap3A_343, %swap3A_344], %swap3A_347 {strides = array<i32>} : memref<64x512xf32, #tpu.memory_space<vmem>>, vector<1x16xf32>,
        %get3A_348 = arith.index_cast %add3A_166 : i32 to index
        %get3A_349 = arith.constant 208 : index
        %get3A_350 = tpu.vector_load %arg8[%get3A_348, %get3A_349] {strides = array<i32>} : memref<64x512xf32, #tpu.memory_space<vmem>>, vector<1x16xf32>,
        %get3A_351 = vector.shape_cast %get3A_350 : vector<1x16xf32> to vector<16xf32>
        %get3A_352 = arith.index_cast %rem3A_167 : i32 to index
        %get3A_353 = arith.constant 208 : index
        %get3A_354 = tpu.vector_load %arg10[%get3A_352, %get3A_353] {strides = array<i32>} : memref<16x512xf32, #tpu.memory_space<vmem>>, vector<1x16xf32>,
        %get3A_355 = vector.shape_cast %get3A_354 : vector<1x16xf32> to vector<16xf32>
        %add3A_356 = arith.addf %get3A_351, %get3A_355 : vector<16xf32>
        %swap3A_357 = arith.index_cast %add3A_166 : i32 to index
        %swap3A_358 = arith.constant 208 : index
        %swap3A_359 = tpu.vector_load %arg8[%swap3A_357, %swap3A_358] {strides = array<i32>} : memref<64x512xf32, #tpu.memory_space<vmem>>, vector<1x16xf32>,
        %swap3A_360 = vector.shape_cast %swap3A_359 : vector<1x16xf32> to vector<16xf32>
        %swap3A_361 = vector.shape_cast %add3A_356 : vector<16xf32> to vector<1x16xf32>
        tpu.vector_store %arg8[%swap3A_357, %swap3A_358], %swap3A_361 {strides = array<i32>} : memref<64x512xf32, #tpu.memory_space<vmem>>, vector<1x16xf32>,
        %get3A_362 = arith.index_cast %add3A_166 : i32 to index
        %get3A_363 = arith.constant 224 : index
        %get3A_364 = tpu.vector_load %arg8[%get3A_362, %get3A_363] {strides = array<i32>} : memref<64x512xf32, #tpu.memory_space<vmem>>, vector<1x16xf32>,
        %get3A_365 = vector.shape_cast %get3A_364 : vector<1x16xf32> to vector<16xf32>
        %get3A_366 = arith.index_cast %rem3A_167 : i32 to index
        %get3A_367 = arith.constant 224 : index
        %get3A_368 = tpu.vector_load %arg10[%get3A_366, %get3A_367] {strides = array<i32>} : memref<16x512xf32, #tpu.memory_space<vmem>>, vector<1x16xf32>,
        %get3A_369 = vector.shape_cast %get3A_368 : vector<1x16xf32> to vector<16xf32>
        %add3A_370 = arith.addf %get3A_365, %get3A_369 : vector<16xf32>
        %swap3A_371 = arith.index_cast %add3A_166 : i32 to index
        %swap3A_372 = arith.constant 224 : index
        %swap3A_373 = tpu.vector_load %arg8[%swap3A_371, %swap3A_372] {strides = array<i32>} : memref<64x512xf32, #tpu.memory_space<vmem>>, vector<1x16xf32>,
        %swap3A_374 = vector.shape_cast %swap3A_373 : vector<1x16xf32> to vector<16xf32>
        %swap3A_375 = vector.shape_cast %add3A_370 : vector<16xf32> to vector<1x16xf32>
        tpu.vector_store %arg8[%swap3A_371, %swap3A_372], %swap3A_375 {strides = array<i32>} : memref<64x512xf32, #tpu.memory_space<vmem>>, vector<1x16xf32>,
        %get3A_376 = arith.index_cast %add3A_166 : i32 to index
        %get3A_377 = arith.constant 240 : index
        %get3A_378 = tpu.vector_load %arg8[%get3A_376, %get3A_377] {strides = array<i32>} : memref<64x512xf32, #tpu.memory_space<vmem>>, vector<1x16xf32>,
        %get3A_379 = vector.shape_cast %get3A_378 : vector<1x16xf32> to vector<16xf32>
        %get3A_380 = arith.index_cast %rem3A_167 : i32 to index
        %get3A_381 = arith.constant 240 : index
        %get3A_382 = tpu.vector_load %arg10[%get3A_380, %get3A_381] {strides = array<i32>} : memref<16x512xf32, #tpu.memory_space<vmem>>, vector<1x16xf32>,
        %get3A_383 = vector.shape_cast %get3A_382 : vector<1x16xf32> to vector<16xf32>
        %add3A_384 = arith.addf %get3A_379, %get3A_383 : vector<16xf32>
        %swap3A_385 = arith.index_cast %add3A_166 : i32 to index
        %swap3A_386 = arith.constant 240 : index
        %swap3A_387 = tpu.vector_load %arg8[%swap3A_385, %swap3A_386] {strides = array<i32>} : memref<64x512xf32, #tpu.memory_space<vmem>>, vector<1x16xf32>,
        %swap3A_388 = vector.shape_cast %swap3A_387 : vector<1x16xf32> to vector<16xf32>
        %swap3A_389 = vector.shape_cast %add3A_384 : vector<16xf32> to vector<1x16xf32>
        tpu.vector_store %arg8[%swap3A_385, %swap3A_386], %swap3A_389 {strides = array<i32>} : memref<64x512xf32, #tpu.memory_space<vmem>>, vector<1x16xf32>,
        %get3A_390 = arith.index_cast %add3A_166 : i32 to index
        %get3A_391 = arith.constant 256 : index
        %get3A_392 = tpu.vector_load %arg8[%get3A_390, %get3A_391] {strides = array<i32>} : memref<64x512xf32, #tpu.memory_space<vmem>>, vector<1x16xf32>,
        %get3A_393 = vector.shape_cast %get3A_392 : vector<1x16xf32> to vector<16xf32>
        %get3A_394 = arith.index_cast %rem3A_167 : i32 to index
        %get3A_395 = arith.constant 256 : index
        %get3A_396 = tpu.vector_load %arg10[%get3A_394, %get3A_395] {strides = array<i32>} : memref<16x512xf32, #tpu.memory_space<vmem>>, vector<1x16xf32>,
        %get3A_397 = vector.shape_cast %get3A_396 : vector<1x16xf32> to vector<16xf32>
        %add3A_398 = arith.addf %get3A_393, %get3A_397 : vector<16xf32>
        %swap3A_399 = arith.index_cast %add3A_166 : i32 to index
        %swap3A_400 = arith.constant 256 : index
        %swap3A_401 = tpu.vector_load %arg8[%swap3A_399, %swap3A_400] {strides = array<i32>} : memref<64x512xf32, #tpu.memory_space<vmem>>, vector<1x16xf32>,
        %swap3A_402 = vector.shape_cast %swap3A_401 : vector<1x16xf32> to vector<16xf32>
        %swap3A_403 = vector.shape_cast %add3A_398 : vector<16xf32> to vector<1x16xf32>
        tpu.vector_store %arg8[%swap3A_399, %swap3A_400], %swap3A_403 {strides = array<i32>} : memref<64x512xf32, #tpu.memory_space<vmem>>, vector<1x16xf32>,
        %get3A_404 = arith.index_cast %add3A_166 : i32 to index
        %get3A_405 = arith.constant 272 : index
        %get3A_406 = tpu.vector_load %arg8[%get3A_404, %get3A_405] {strides = array<i32>} : memref<64x512xf32, #tpu.memory_space<vmem>>, vector<1x16xf32>,
        %get3A_407 = vector.shape_cast %get3A_406 : vector<1x16xf32> to vector<16xf32>
        %get3A_408 = arith.index_cast %rem3A_167 : i32 to index
        %get3A_409 = arith.constant 272 : index
        %get3A_410 = tpu.vector_load %arg10[%get3A_408, %get3A_409] {strides = array<i32>} : memref<16x512xf32, #tpu.memory_space<vmem>>, vector<1x16xf32>,
        %get3A_411 = vector.shape_cast %get3A_410 : vector<1x16xf32> to vector<16xf32>
        %add3A_412 = arith.addf %get3A_407, %get3A_411 : vector<16xf32>
        %swap3A_413 = arith.index_cast %add3A_166 : i32 to index
        %swap3A_414 = arith.constant 272 : index
        %swap3A_415 = tpu.vector_load %arg8[%swap3A_413, %swap3A_414] {strides = array<i32>} : memref<64x512xf32, #tpu.memory_space<vmem>>, vector<1x16xf32>,
        %swap3A_416 = vector.shape_cast %swap3A_415 : vector<1x16xf32> to vector<16xf32>
        %swap3A_417 = vector.shape_cast %add3A_412 : vector<16xf32> to vector<1x16xf32>
        tpu.vector_store %arg8[%swap3A_413, %swap3A_414], %swap3A_417 {strides = array<i32>} : memref<64x512xf32, #tpu.memory_space<vmem>>, vector<1x16xf32>,
        %get3A_418 = arith.index_cast %add3A_166 : i32 to index
        %get3A_419 = arith.constant 288 : index
        %get3A_420 = tpu.vector_load %arg8[%get3A_418, %get3A_419] {strides = array<i32>} : memref<64x512xf32, #tpu.memory_space<vmem>>, vector<1x16xf32>,
        %get3A_421 = vector.shape_cast %get3A_420 : vector<1x16xf32> to vector<16xf32>
        %get3A_422 = arith.index_cast %rem3A_167 : i32 to index
        %get3A_423 = arith.constant 288 : index
        %get3A_424 = tpu.vector_load %arg10[%get3A_422, %get3A_423] {strides = array<i32>} : memref<16x512xf32, #tpu.memory_space<vmem>>, vector<1x16xf32>,
        %get3A_425 = vector.shape_cast %get3A_424 : vector<1x16xf32> to vector<16xf32>
        %add3A_426 = arith.addf %get3A_421, %get3A_425 : vector<16xf32>
        %swap3A_427 = arith.index_cast %add3A_166 : i32 to index
        %swap3A_428 = arith.constant 288 : index
        %swap3A_429 = tpu.vector_load %arg8[%swap3A_427, %swap3A_428] {strides = array<i32>} : memref<64x512xf32, #tpu.memory_space<vmem>>, vector<1x16xf32>,
        %swap3A_430 = vector.shape_cast %swap3A_429 : vector<1x16xf32> to vector<16xf32>
        %swap3A_431 = vector.shape_cast %add3A_426 : vector<16xf32> to vector<1x16xf32>
        tpu.vector_store %arg8[%swap3A_427, %swap3A_428], %swap3A_431 {strides = array<i32>} : memref<64x512xf32, #tpu.memory_space<vmem>>, vector<1x16xf32>,
        %get3A_432 = arith.index_cast %add3A_166 : i32 to index
        %get3A_433 = arith.constant 304 : index
        %get3A_434 = tpu.vector_load %arg8[%get3A_432, %get3A_433] {strides = array<i32>} : memref<64x512xf32, #tpu.memory_space<vmem>>, vector<1x16xf32>,
        %get3A_435 = vector.shape_cast %get3A_434 : vector<1x16xf32> to vector<16xf32>
        %get3A_436 = arith.index_cast %rem3A_167 : i32 to index
        %get3A_437 = arith.constant 304 : index
        %get3A_438 = tpu.vector_load %arg10[%get3A_436, %get3A_437] {strides = array<i32>} : memref<16x512xf32, #tpu.memory_space<vmem>>, vector<1x16xf32>,
        %get3A_439 = vector.shape_cast %get3A_438 : vector<1x16xf32> to vector<16xf32>
        %add3A_440 = arith.addf %get3A_435, %get3A_439 : vector<16xf32>
        %swap3A_441 = arith.index_cast %add3A_166 : i32 to index
        %swap3A_442 = arith.constant 304 : index
        %swap3A_443 = tpu.vector_load %arg8[%swap3A_441, %swap3A_442] {strides = array<i32>} : memref<64x512xf32, #tpu.memory_space<vmem>>, vector<1x16xf32>,
        %swap3A_444 = vector.shape_cast %swap3A_443 : vector<1x16xf32> to vector<16xf32>
        %swap3A_445 = vector.shape_cast %add3A_440 : vector<16xf32> to vector<1x16xf32>
        tpu.vector_store %arg8[%swap3A_441, %swap3A_442], %swap3A_445 {strides = array<i32>} : memref<64x512xf32, #tpu.memory_space<vmem>>, vector<1x16xf32>,
        %get3A_446 = arith.index_cast %add3A_166 : i32 to index
        %get3A_447 = arith.constant 320 : index
        %get3A_448 = tpu.vector_load %arg8[%get3A_446, %get3A_447] {strides = array<i32>} : memref<64x512xf32, #tpu.memory_space<vmem>>, vector<1x16xf32>,
        %get3A_449 = vector.shape_cast %get3A_448 : vector<1x16xf32> to vector<16xf32>
        %get3A_450 = arith.index_cast %rem3A_167 : i32 to index
        %get3A_451 = arith.constant 320 : index
        %get3A_452 = tpu.vector_load %arg10[%get3A_450, %get3A_451] {strides = array<i32>} : memref<16x512xf32, #tpu.memory_space<vmem>>, vector<1x16xf32>,
        %get3A_453 = vector.shape_cast %get3A_452 : vector<1x16xf32> to vector<16xf32>
        %add3A_454 = arith.addf %get3A_449, %get3A_453 : vector<16xf32>
        %swap3A_455 = arith.index_cast %add3A_166 : i32 to index
        %swap3A_456 = arith.constant 320 : index
        %swap3A_457 = tpu.vector_load %arg8[%swap3A_455, %swap3A_456] {strides = array<i32>} : memref<64x512xf32, #tpu.memory_space<vmem>>, vector<1x16xf32>,
        %swap3A_458 = vector.shape_cast %swap3A_457 : vector<1x16xf32> to vector<16xf32>
        %swap3A_459 = vector.shape_cast %add3A_454 : vector<16xf32> to vector<1x16xf32>
        tpu.vector_store %arg8[%swap3A_455, %swap3A_456], %swap3A_459 {strides = array<i32>} : memref<64x512xf32, #tpu.memory_space<vmem>>, vector<1x16xf32>,
        %get3A_460 = arith.index_cast %add3A_166 : i32 to index
        %get3A_461 = arith.constant 336 : index
        %get3A_462 = tpu.vector_load %arg8[%get3A_460, %get3A_461] {strides = array<i32>} : memref<64x512xf32, #tpu.memory_space<vmem>>, vector<1x16xf32>,
        %get3A_463 = vector.shape_cast %get3A_462 : vector<1x16xf32> to vector<16xf32>
        %get3A_464 = arith.index_cast %rem3A_167 : i32 to index
        %get3A_465 = arith.constant 336 : index
        %get3A_466 = tpu.vector_load %arg10[%get3A_464, %get3A_465] {strides = array<i32>} : memref<16x512xf32, #tpu.memory_space<vmem>>, vector<1x16xf32>,
        %get3A_467 = vector.shape_cast %get3A_466 : vector<1x16xf32> to vector<16xf32>
        %add3A_468 = arith.addf %get3A_463, %get3A_467 : vector<16xf32>
        %swap3A_469 = arith.index_cast %add3A_166 : i32 to index
        %swap3A_470 = arith.constant 336 : index
        %swap3A_471 = tpu.vector_load %arg8[%swap3A_469, %swap3A_470] {strides = array<i32>} : memref<64x512xf32, #tpu.memory_space<vmem>>, vector<1x16xf32>,
        %swap3A_472 = vector.shape_cast %swap3A_471 : vector<1x16xf32> to vector<16xf32>
        %swap3A_473 = vector.shape_cast %add3A_468 : vector<16xf32> to vector<1x16xf32>
        tpu.vector_store %arg8[%swap3A_469, %swap3A_470], %swap3A_473 {strides = array<i32>} : memref<64x512xf32, #tpu.memory_space<vmem>>, vector<1x16xf32>,
        %get3A_474 = arith.index_cast %add3A_166 : i32 to index
        %get3A_475 = arith.constant 352 : index
        %get3A_476 = tpu.vector_load %arg8[%get3A_474, %get3A_475] {strides = array<i32>} : memref<64x512xf32, #tpu.memory_space<vmem>>, vector<1x16xf32>,
        %get3A_477 = vector.shape_cast %get3A_476 : vector<1x16xf32> to vector<16xf32>
        %get3A_478 = arith.index_cast %rem3A_167 : i32 to index
        %get3A_479 = arith.constant 352 : index
        %get3A_480 = tpu.vector_load %arg10[%get3A_478, %get3A_479] {strides = array<i32>} : memref<16x512xf32, #tpu.memory_space<vmem>>, vector<1x16xf32>,
        %get3A_481 = vector.shape_cast %get3A_480 : vector<1x16xf32> to vector<16xf32>
        %add3A_482 = arith.addf %get3A_477, %get3A_481 : vector<16xf32>
        %swap3A_483 = arith.index_cast %add3A_166 : i32 to index
        %swap3A_484 = arith.constant 352 : index
        %swap3A_485 = tpu.vector_load %arg8[%swap3A_483, %swap3A_484] {strides = array<i32>} : memref<64x512xf32, #tpu.memory_space<vmem>>, vector<1x16xf32>,
        %swap3A_486 = vector.shape_cast %swap3A_485 : vector<1x16xf32> to vector<16xf32>
        %swap3A_487 = vector.shape_cast %add3A_482 : vector<16xf32> to vector<1x16xf32>
        tpu.vector_store %arg8[%swap3A_483, %swap3A_484], %swap3A_487 {strides = array<i32>} : memref<64x512xf32, #tpu.memory_space<vmem>>, vector<1x16xf32>,
        %get3A_488 = arith.index_cast %add3A_166 : i32 to index
        %get3A_489 = arith.constant 368 : index
        %get3A_490 = tpu.vector_load %arg8[%get3A_488, %get3A_489] {strides = array<i32>} : memref<64x512xf32, #tpu.memory_space<vmem>>, vector<1x16xf32>,
        %get3A_491 = vector.shape_cast %get3A_490 : vector<1x16xf32> to vector<16xf32>
        %get3A_492 = arith.index_cast %rem3A_167 : i32 to index
        %get3A_493 = arith.constant 368 : index
        %get3A_494 = tpu.vector_load %arg10[%get3A_492, %get3A_493] {strides = array<i32>} : memref<16x512xf32, #tpu.memory_space<vmem>>, vector<1x16xf32>,
        %get3A_495 = vector.shape_cast %get3A_494 : vector<1x16xf32> to vector<16xf32>
        %add3A_496 = arith.addf %get3A_491, %get3A_495 : vector<16xf32>
        %swap3A_497 = arith.index_cast %add3A_166 : i32 to index
        %swap3A_498 = arith.constant 368 : index
        %swap3A_499 = tpu.vector_load %arg8[%swap3A_497, %swap3A_498] {strides = array<i32>} : memref<64x512xf32, #tpu.memory_space<vmem>>, vector<1x16xf32>,
        %swap3A_500 = vector.shape_cast %swap3A_499 : vector<1x16xf32> to vector<16xf32>
        %swap3A_501 = vector.shape_cast %add3A_496 : vector<16xf32> to vector<1x16xf32>
        tpu.vector_store %arg8[%swap3A_497, %swap3A_498], %swap3A_501 {strides = array<i32>} : memref<64x512xf32, #tpu.memory_space<vmem>>, vector<1x16xf32>,
        %get3A_502 = arith.index_cast %add3A_166 : i32 to index
        %get3A_503 = arith.constant 384 : index
        %get3A_504 = tpu.vector_load %arg8[%get3A_502, %get3A_503] {strides = array<i32>} : memref<64x512xf32, #tpu.memory_space<vmem>>, vector<1x16xf32>,
        %get3A_505 = vector.shape_cast %get3A_504 : vector<1x16xf32> to vector<16xf32>
        %get3A_506 = arith.index_cast %rem3A_167 : i32 to index
        %get3A_507 = arith.constant 384 : index
        %get3A_508 = tpu.vector_load %arg10[%get3A_506, %get3A_507] {strides = array<i32>} : memref<16x512xf32, #tpu.memory_space<vmem>>, vector<1x16xf32>,
        %get3A_509 = vector.shape_cast %get3A_508 : vector<1x16xf32> to vector<16xf32>
        %add3A_510 = arith.addf %get3A_505, %get3A_509 : vector<16xf32>
        %swap3A_511 = arith.index_cast %add3A_166 : i32 to index
        %swap3A_512 = arith.constant 384 : index
        %swap3A_513 = tpu.vector_load %arg8[%swap3A_511, %swap3A_512] {strides = array<i32>} : memref<64x512xf32, #tpu.memory_space<vmem>>, vector<1x16xf32>,
        %swap3A_514 = vector.shape_cast %swap3A_513 : vector<1x16xf32> to vector<16xf32>
        %swap3A_515 = vector.shape_cast %add3A_510 : vector<16xf32> to vector<1x16xf32>
        tpu.vector_store %arg8[%swap3A_511, %swap3A_512], %swap3A_515 {strides = array<i32>} : memref<64x512xf32, #tpu.memory_space<vmem>>, vector<1x16xf32>,
        %get3A_516 = arith.index_cast %add3A_166 : i32 to index
        %get3A_517 = arith.constant 400 : index
        %get3A_518 = tpu.vector_load %arg8[%get3A_516, %get3A_517] {strides = array<i32>} : memref<64x512xf32, #tpu.memory_space<vmem>>, vector<1x16xf32>,
        %get3A_519 = vector.shape_cast %get3A_518 : vector<1x16xf32> to vector<16xf32>
        %get3A_520 = arith.index_cast %rem3A_167 : i32 to index
        %get3A_521 = arith.constant 400 : index
        %get3A_522 = tpu.vector_load %arg10[%get3A_520, %get3A_521] {strides = array<i32>} : memref<16x512xf32, #tpu.memory_space<vmem>>, vector<1x16xf32>,
        %get3A_523 = vector.shape_cast %get3A_522 : vector<1x16xf32> to vector<16xf32>
        %add3A_524 = arith.addf %get3A_519, %get3A_523 : vector<16xf32>
        %swap3A_525 = arith.index_cast %add3A_166 : i32 to index
        %swap3A_526 = arith.constant 400 : index
        %swap3A_527 = tpu.vector_load %arg8[%swap3A_525, %swap3A_526] {strides = array<i32>} : memref<64x512xf32, #tpu.memory_space<vmem>>, vector<1x16xf32>,
        %swap3A_528 = vector.shape_cast %swap3A_527 : vector<1x16xf32> to vector<16xf32>
        %swap3A_529 = vector.shape_cast %add3A_524 : vector<16xf32> to vector<1x16xf32>
        tpu.vector_store %arg8[%swap3A_525, %swap3A_526], %swap3A_529 {strides = array<i32>} : memref<64x512xf32, #tpu.memory_space<vmem>>, vector<1x16xf32>,
        %get3A_530 = arith.index_cast %add3A_166 : i32 to index
        %get3A_531 = arith.constant 416 : index
        %get3A_532 = tpu.vector_load %arg8[%get3A_530, %get3A_531] {strides = array<i32>} : memref<64x512xf32, #tpu.memory_space<vmem>>, vector<1x16xf32>,
        %get3A_533 = vector.shape_cast %get3A_532 : vector<1x16xf32> to vector<16xf32>
        %get3A_534 = arith.index_cast %rem3A_167 : i32 to index
        %get3A_535 = arith.constant 416 : index
        %get3A_536 = tpu.vector_load %arg10[%get3A_534, %get3A_535] {strides = array<i32>} : memref<16x512xf32, #tpu.memory_space<vmem>>, vector<1x16xf32>,
        %get3A_537 = vector.shape_cast %get3A_536 : vector<1x16xf32> to vector<16xf32>
        %add3A_538 = arith.addf %get3A_533, %get3A_537 : vector<16xf32>
        %swap3A_539 = arith.index_cast %add3A_166 : i32 to index
        %swap3A_540 = arith.constant 416 : index
        %swap3A_541 = tpu.vector_load %arg8[%swap3A_539, %swap3A_540] {strides = array<i32>} : memref<64x512xf32, #tpu.memory_space<vmem>>, vector<1x16xf32>,
        %swap3A_542 = vector.shape_cast %swap3A_541 : vector<1x16xf32> to vector<16xf32>
        %swap3A_543 = vector.shape_cast %add3A_538 : vector<16xf32> to vector<1x16xf32>
        tpu.vector_store %arg8[%swap3A_539, %swap3A_540], %swap3A_543 {strides = array<i32>} : memref<64x512xf32, #tpu.memory_space<vmem>>, vector<1x16xf32>,
        %get3A_544 = arith.index_cast %add3A_166 : i32 to index
        %get3A_545 = arith.constant 432 : index
        %get3A_546 = tpu.vector_load %arg8[%get3A_544, %get3A_545] {strides = array<i32>} : memref<64x512xf32, #tpu.memory_space<vmem>>, vector<1x16xf32>,
        %get3A_547 = vector.shape_cast %get3A_546 : vector<1x16xf32> to vector<16xf32>
        %get3A_548 = arith.index_cast %rem3A_167 : i32 to index
        %get3A_549 = arith.constant 432 : index
        %get3A_550 = tpu.vector_load %arg10[%get3A_548, %get3A_549] {strides = array<i32>} : memref<16x512xf32, #tpu.memory_space<vmem>>, vector<1x16xf32>,
        %get3A_551 = vector.shape_cast %get3A_550 : vector<1x16xf32> to vector<16xf32>
        %add3A_552 = arith.addf %get3A_547, %get3A_551 : vector<16xf32>
        %swap3A_553 = arith.index_cast %add3A_166 : i32 to index
        %swap3A_554 = arith.constant 432 : index
        %swap3A_555 = tpu.vector_load %arg8[%swap3A_553, %swap3A_554] {strides = array<i32>} : memref<64x512xf32, #tpu.memory_space<vmem>>, vector<1x16xf32>,
        %swap3A_556 = vector.shape_cast %swap3A_555 : vector<1x16xf32> to vector<16xf32>
        %swap3A_557 = vector.shape_cast %add3A_552 : vector<16xf32> to vector<1x16xf32>
        tpu.vector_store %arg8[%swap3A_553, %swap3A_554], %swap3A_557 {strides = array<i32>} : memref<64x512xf32, #tpu.memory_space<vmem>>, vector<1x16xf32>,
        %get3A_558 = arith.index_cast %add3A_166 : i32 to index
        %get3A_559 = arith.constant 448 : index
        %get3A_560 = tpu.vector_load %arg8[%get3A_558, %get3A_559] {strides = array<i32>} : memref<64x512xf32, #tpu.memory_space<vmem>>, vector<1x16xf32>,
        %get3A_561 = vector.shape_cast %get3A_560 : vector<1x16xf32> to vector<16xf32>
        %get3A_562 = arith.index_cast %rem3A_167 : i32 to index
        %get3A_563 = arith.constant 448 : index
        %get3A_564 = tpu.vector_load %arg10[%get3A_562, %get3A_563] {strides = array<i32>} : memref<16x512xf32, #tpu.memory_space<vmem>>, vector<1x16xf32>,
        %get3A_565 = vector.shape_cast %get3A_564 : vector<1x16xf32> to vector<16xf32>
        %add3A_566 = arith.addf %get3A_561, %get3A_565 : vector<16xf32>
        %swap3A_567 = arith.index_cast %add3A_166 : i32 to index
        %swap3A_568 = arith.constant 448 : index
        %swap3A_569 = tpu.vector_load %arg8[%swap3A_567, %swap3A_568] {strides = array<i32>} : memref<64x512xf32, #tpu.memory_space<vmem>>, vector<1x16xf32>,
        %swap3A_570 = vector.shape_cast %swap3A_569 : vector<1x16xf32> to vector<16xf32>
        %swap3A_571 = vector.shape_cast %add3A_566 : vector<16xf32> to vector<1x16xf32>
        tpu.vector_store %arg8[%swap3A_567, %swap3A_568], %swap3A_571 {strides = array<i32>} : memref<64x512xf32, #tpu.memory_space<vmem>>, vector<1x16xf32>,
        %get3A_572 = arith.index_cast %add3A_166 : i32 to index
        %get3A_573 = arith.constant 464 : index
        %get3A_574 = tpu.vector_load %arg8[%get3A_572, %get3A_573] {strides = array<i32>} : memref<64x512xf32, #tpu.memory_space<vmem>>, vector<1x16xf32>,
        %get3A_575 = vector.shape_cast %get3A_574 : vector<1x16xf32> to vector<16xf32>
        %get3A_576 = arith.index_cast %rem3A_167 : i32 to index
        %get3A_577 = arith.constant 464 : index
        %get3A_578 = tpu.vector_load %arg10[%get3A_576, %get3A_577] {strides = array<i32>} : memref<16x512xf32, #tpu.memory_space<vmem>>, vector<1x16xf32>,
        %get3A_579 = vector.shape_cast %get3A_578 : vector<1x16xf32> to vector<16xf32>
        %add3A_580 = arith.addf %get3A_575, %get3A_579 : vector<16xf32>
        %swap3A_581 = arith.index_cast %add3A_166 : i32 to index
        %swap3A_582 = arith.constant 464 : index
        %swap3A_583 = tpu.vector_load %arg8[%swap3A_581, %swap3A_582] {strides = array<i32>} : memref<64x512xf32, #tpu.memory_space<vmem>>, vector<1x16xf32>,
        %swap3A_584 = vector.shape_cast %swap3A_583 : vector<1x16xf32> to vector<16xf32>
        %swap3A_585 = vector.shape_cast %add3A_580 : vector<16xf32> to vector<1x16xf32>
        tpu.vector_store %arg8[%swap3A_581, %swap3A_582], %swap3A_585 {strides = array<i32>} : memref<64x512xf32, #tpu.memory_space<vmem>>, vector<1x16xf32>,
        %get3A_586 = arith.index_cast %add3A_166 : i32 to index
        %get3A_587 = arith.constant 480 : index
        %get3A_588 = tpu.vector_load %arg8[%get3A_586, %get3A_587] {strides = array<i32>} : memref<64x512xf32, #tpu.memory_space<vmem>>, vector<1x16xf32>,
        %get3A_589 = vector.shape_cast %get3A_588 : vector<1x16xf32> to vector<16xf32>
        %get3A_590 = arith.index_cast %rem3A_167 : i32 to index
        %get3A_591 = arith.constant 480 : index
        %get3A_592 = tpu.vector_load %arg10[%get3A_590, %get3A_591] {strides = array<i32>} : memref<16x512xf32, #tpu.memory_space<vmem>>, vector<1x16xf32>,
        %get3A_593 = vector.shape_cast %get3A_592 : vector<1x16xf32> to vector<16xf32>
        %add3A_594 = arith.addf %get3A_589, %get3A_593 : vector<16xf32>
        %swap3A_595 = arith.index_cast %add3A_166 : i32 to index
        %swap3A_596 = arith.constant 480 : index
        %swap3A_597 = tpu.vector_load %arg8[%swap3A_595, %swap3A_596] {strides = array<i32>} : memref<64x512xf32, #tpu.memory_space<vmem>>, vector<1x16xf32>,
        %swap3A_598 = vector.shape_cast %swap3A_597 : vector<1x16xf32> to vector<16xf32>
        %swap3A_599 = vector.shape_cast %add3A_594 : vector<16xf32> to vector<1x16xf32>
        tpu.vector_store %arg8[%swap3A_595, %swap3A_596], %swap3A_599 {strides = array<i32>} : memref<64x512xf32, #tpu.memory_space<vmem>>, vector<1x16xf32>,
        %get3A_600 = arith.index_cast %add3A_166 : i32 to index
        %get3A_601 = arith.constant 496 : index
        %get3A_602 = tpu.vector_load %arg8[%get3A_600, %get3A_601] {strides = array<i32>} : memref<64x512xf32, #tpu.memory_space<vmem>>, vector<1x16xf32>,
        %get3A_603 = vector.shape_cast %get3A_602 : vector<1x16xf32> to vector<16xf32>
        %get3A_604 = arith.index_cast %rem3A_167 : i32 to index
        %get3A_605 = arith.constant 496 : index
        %get3A_606 = tpu.vector_load %arg10[%get3A_604, %get3A_605] {strides = array<i32>} : memref<16x512xf32, #tpu.memory_space<vmem>>, vector<1x16xf32>,
        %get3A_607 = vector.shape_cast %get3A_606 : vector<1x16xf32> to vector<16xf32>
        %add3A_608 = arith.addf %get3A_603, %get3A_607 : vector<16xf32>
        %swap3A_609 = arith.index_cast %add3A_166 : i32 to index
        %swap3A_610 = arith.constant 496 : index
        %swap3A_611 = tpu.vector_load %arg8[%swap3A_609, %swap3A_610] {strides = array<i32>} : memref<64x512xf32, #tpu.memory_space<vmem>>, vector<1x16xf32>,
        %swap3A_612 = vector.shape_cast %swap3A_611 : vector<1x16xf32> to vector<16xf32>
        %swap3A_613 = vector.shape_cast %add3A_608 : vector<16xf32> to vector<1x16xf32>
        tpu.vector_store %arg8[%swap3A_609, %swap3A_610], %swap3A_613 {strides = array<i32>} : memref<64x512xf32, #tpu.memory_space<vmem>>, vector<1x16xf32>,
      }
      %scan3A_94 = arith.constant 64 : i32
      %mul3A_95 = arith.constant 64 : i32
      %mul3A_96 = arith.muli %add3A_82, %mul3A_95 : i32
      %add3A_97 = arith.addi %mul3A_2, %mul3A_96 : i32
      %dma_start3A_98 = arith.constant 0 : i32
      %dma_start3A_99 = tpu.memref_slice %arg5[%add3A_97, %dma_start3A_98] : memref<65536x512xf32, #tpu.memory_space<hbm>> -> memref<64x512xf32, #tpu.memory_space<hbm>>
      %dma_start3A_100 = arith.constant 0 : i32
      %dma_start3A_101 = tpu.memref_slice %arg5[%add3A_97, %dma_start3A_100] : memref<65536x512xf32, #tpu.memory_space<hbm>> -> memref<64x512xf32, #tpu.memory_space<hbm>>
      tpu.enqueue_dma source(%arg8 : memref<64x512xf32, #tpu.memory_space<vmem>>) target(%dma_start3A_101 : memref<64x512xf32, #tpu.memory_space<hbm>>) target_semaphore(%arg15 : memref<!tpu.dma_semaphore, #tpu.memory_space<semaphore_mem>>)
      %add3A_102 = arith.constant 2 : i32
      %add3A_103 = arith.addi %add3A_82, %add3A_102 : i32
      %lt3A = arith.constant 32 : i32
      %lt3A_104 = arith.cmpi slt, %add3A_103, %lt3A : i32
      %convert_element_type3A = arith.extui %lt3A_104 : i1 to i32
      %cond3A = arith.constant 0 : i32
      %cond3A_105 = arith.cmpi ne, %convert_element_type3A, %cond3A : i32
      scf.if %cond3A_105 {
        %dma_wait3A_162 = arith.constant 0 : i32
        %dma_wait3A_163 = tpu.memref_slice %arg5[%mul3A_2, %dma_wait3A_162] : memref<65536x512xf32, #tpu.memory_space<hbm>> -> memref<64x512xf32, #tpu.memory_space<hbm>>
        %dma_wait3A_164 = arith.constant 0 : i32
        %dma_wait3A_165 = tpu.memref_slice %arg5[%mul3A_2, %dma_wait3A_164] : memref<65536x512xf32, #tpu.memory_space<hbm>> -> memref<64x512xf32, #tpu.memory_space<hbm>>
        tpu.wait_dma2 semaphore(%arg14 : memref<!tpu.dma_semaphore, #tpu.memory_space<semaphore_mem>>) src(%arg7 : memref<64x512xf32, #tpu.memory_space<vmem>>) dst(%dma_wait3A_165 : memref<64x512xf32, #tpu.memory_space<hbm>>)
        %add3A_166 = arith.constant 2 : i32
        %add3A_167 = arith.addi %add3A_82, %add3A_166 : i32
        %dma_start3A_168 = arith.constant 0 : i32
        %dma_start3A_169 = tpu.memref_slice %arg6[%add3A_167, %dma_start3A_168] : memref<32x64xi32, #tpu.memory_space<vmem>> -> memref<1x64xi32, #tpu.memory_space<vmem>>
        %dma_start3A_170 = tpu.memref_squeeze %dma_start3A_169 : memref<1x64xi32, #tpu.memory_space<vmem>> -> memref<64xi32, #tpu.memory_space<vmem>>
        %dma_start3A_171 = arith.constant 0 : i32
        %dma_start3A_172 = arith.constant 0 : i32
        %dma_start3A_173 = tpu.memref_slice %arg3[%dma_start3A_171, %dma_start3A_172] : memref<100000x512xf32, #tpu.memory_space<hbm>> -> memref<100000x512xf32, #tpu.memory_space<hbm>>
        tpu.enqueue_indirect_dma source(%dma_start3A_173 : memref<100000x512xf32, #tpu.memory_space<hbm>>) target(%arg7 : memref<64x512xf32, #tpu.memory_space<vmem>>) offsets(%dma_start3A_170 : memref<64xi32, #tpu.memory_space<vmem>>) semaphore(%arg11 : memref<!tpu.dma_semaphore, #tpu.memory_space<semaphore_mem>>)
      } else {
      }
      %add3A_106 = arith.constant 1 : i32
      %add3A_107 = arith.addi %add3A_80, %add3A_106 : i32
      %dma_wait3A_108 = arith.constant 0 : i32
      %dma_wait3A_109 = arith.constant 0 : i32
      %dma_wait3A_110 = tpu.memref_slice %arg6[%dma_wait3A_108, %dma_wait3A_109] : memref<32x64xi32, #tpu.memory_space<vmem>> -> memref<1x64xi32, #tpu.memory_space<vmem>>
      %dma_wait3A_111 = tpu.memref_squeeze %dma_wait3A_110 : memref<1x64xi32, #tpu.memory_space<vmem>> -> memref<64xi32, #tpu.memory_space<vmem>>
      %dma_wait3A_112 = arith.constant 0 : i32
      %dma_wait3A_113 = arith.constant 0 : i32
      %dma_wait3A_114 = tpu.memref_slice %arg3[%dma_wait3A_112, %dma_wait3A_113] : memref<100000x512xf32, #tpu.memory_space<hbm>> -> memref<100000x512xf32, #tpu.memory_space<hbm>>
      tpu.wait_indirect_dma semaphore(%arg13 : memref<!tpu.dma_semaphore, #tpu.memory_space<semaphore_mem>>) src(%dma_wait3A_114 : memref<100000x512xf32, #tpu.memory_space<hbm>>) dst(%arg9 : memref<64x512xf32, #tpu.memory_space<vmem>>)
      %scan3A_115 = arith.constant 0 : i32
      %scan3A_116 = arith.constant 64 : i32
      %scan3A_117 = arith.addi %scan3A_115, %scan3A_116 : i32
      %scan3A_118 = arith.constant 1 : i32
      scf.for %scan3A_162 = %scan3A_115 to %scan3A_117 step %scan3A_118  : i32 {
        %mul3A_163 = arith.constant 1 : i32
        %mul3A_164 = arith.muli %scan3A_162, %mul3A_163 : i32
        %add3A_165 = arith.constant 0 : i32
        %add3A_166 = arith.addi %add3A_165, %mul3A_164 : i32
        %rem3A = arith.constant 16 : i32
        %rem3A_167 = arith.remsi %add3A_166, %rem3A : i32
        %get3A = arith.index_cast %add3A_166 : i32 to index
        %get3A_168 = arith.constant 0 : index
        %get3A_169 = tpu.vector_load %arg9[%get3A, %get3A_168] {strides = array<i32>} : memref<64x512xf32, #tpu.memory_space<vmem>>, vector<1x16xf32>,
        %get3A_170 = vector.shape_cast %get3A_169 : vector<1x16xf32> to vector<16xf32>
        %get3A_171 = arith.index_cast %rem3A_167 : i32 to index
        %get3A_172 = arith.constant 0 : index
        %get3A_173 = tpu.vector_load %arg10[%get3A_171, %get3A_172] {strides = array<i32>} : memref<16x512xf32, #tpu.memory_space<vmem>>, vector<1x16xf32>,
        %get3A_174 = vector.shape_cast %get3A_173 : vector<1x16xf32> to vector<16xf32>
        %add3A_175 = arith.addf %get3A_170, %get3A_174 : vector<16xf32>
        %swap3A = arith.index_cast %add3A_166 : i32 to index
        %swap3A_176 = arith.constant 0 : index
        %swap3A_177 = tpu.vector_load %arg9[%swap3A, %swap3A_176] {strides = array<i32>} : memref<64x512xf32, #tpu.memory_space<vmem>>, vector<1x16xf32>,
        %swap3A_178 = vector.shape_cast %swap3A_177 : vector<1x16xf32> to vector<16xf32>
        %swap3A_179 = vector.shape_cast %add3A_175 : vector<16xf32> to vector<1x16xf32>
        tpu.vector_store %arg9[%swap3A, %swap3A_176], %swap3A_179 {strides = array<i32>} : memref<64x512xf32, #tpu.memory_space<vmem>>, vector<1x16xf32>,
        %get3A_180 = arith.index_cast %add3A_166 : i32 to index
        %get3A_181 = arith.constant 16 : index
        %get3A_182 = tpu.vector_load %arg9[%get3A_180, %get3A_181] {strides = array<i32>} : memref<64x512xf32, #tpu.memory_space<vmem>>, vector<1x16xf32>,
        %get3A_183 = vector.shape_cast %get3A_182 : vector<1x16xf32> to vector<16xf32>
        %get3A_184 = arith.index_cast %rem3A_167 : i32 to index
        %get3A_185 = arith.constant 16 : index
        %get3A_186 = tpu.vector_load %arg10[%get3A_184, %get3A_185] {strides = array<i32>} : memref<16x512xf32, #tpu.memory_space<vmem>>, vector<1x16xf32>,
        %get3A_187 = vector.shape_cast %get3A_186 : vector<1x16xf32> to vector<16xf32>
        %add3A_188 = arith.addf %get3A_183, %get3A_187 : vector<16xf32>
        %swap3A_189 = arith.index_cast %add3A_166 : i32 to index
        %swap3A_190 = arith.constant 16 : index
        %swap3A_191 = tpu.vector_load %arg9[%swap3A_189, %swap3A_190] {strides = array<i32>} : memref<64x512xf32, #tpu.memory_space<vmem>>, vector<1x16xf32>,
        %swap3A_192 = vector.shape_cast %swap3A_191 : vector<1x16xf32> to vector<16xf32>
        %swap3A_193 = vector.shape_cast %add3A_188 : vector<16xf32> to vector<1x16xf32>
        tpu.vector_store %arg9[%swap3A_189, %swap3A_190], %swap3A_193 {strides = array<i32>} : memref<64x512xf32, #tpu.memory_space<vmem>>, vector<1x16xf32>,
        %get3A_194 = arith.index_cast %add3A_166 : i32 to index
        %get3A_195 = arith.constant 32 : index
        %get3A_196 = tpu.vector_load %arg9[%get3A_194, %get3A_195] {strides = array<i32>} : memref<64x512xf32, #tpu.memory_space<vmem>>, vector<1x16xf32>,
        %get3A_197 = vector.shape_cast %get3A_196 : vector<1x16xf32> to vector<16xf32>
        %get3A_198 = arith.index_cast %rem3A_167 : i32 to index
        %get3A_199 = arith.constant 32 : index
        %get3A_200 = tpu.vector_load %arg10[%get3A_198, %get3A_199] {strides = array<i32>} : memref<16x512xf32, #tpu.memory_space<vmem>>, vector<1x16xf32>,
        %get3A_201 = vector.shape_cast %get3A_200 : vector<1x16xf32> to vector<16xf32>
        %add3A_202 = arith.addf %get3A_197, %get3A_201 : vector<16xf32>
        %swap3A_203 = arith.index_cast %add3A_166 : i32 to index
        %swap3A_204 = arith.constant 32 : index
        %swap3A_205 = tpu.vector_load %arg9[%swap3A_203, %swap3A_204] {strides = array<i32>} : memref<64x512xf32, #tpu.memory_space<vmem>>, vector<1x16xf32>,
        %swap3A_206 = vector.shape_cast %swap3A_205 : vector<1x16xf32> to vector<16xf32>
        %swap3A_207 = vector.shape_cast %add3A_202 : vector<16xf32> to vector<1x16xf32>
        tpu.vector_store %arg9[%swap3A_203, %swap3A_204], %swap3A_207 {strides = array<i32>} : memref<64x512xf32, #tpu.memory_space<vmem>>, vector<1x16xf32>,
        %get3A_208 = arith.index_cast %add3A_166 : i32 to index
        %get3A_209 = arith.constant 48 : index
        %get3A_210 = tpu.vector_load %arg9[%get3A_208, %get3A_209] {strides = array<i32>} : memref<64x512xf32, #tpu.memory_space<vmem>>, vector<1x16xf32>,
        %get3A_211 = vector.shape_cast %get3A_210 : vector<1x16xf32> to vector<16xf32>
        %get3A_212 = arith.index_cast %rem3A_167 : i32 to index
        %get3A_213 = arith.constant 48 : index
        %get3A_214 = tpu.vector_load %arg10[%get3A_212, %get3A_213] {strides = array<i32>} : memref<16x512xf32, #tpu.memory_space<vmem>>, vector<1x16xf32>,
        %get3A_215 = vector.shape_cast %get3A_214 : vector<1x16xf32> to vector<16xf32>
        %add3A_216 = arith.addf %get3A_211, %get3A_215 : vector<16xf32>
        %swap3A_217 = arith.index_cast %add3A_166 : i32 to index
        %swap3A_218 = arith.constant 48 : index
        %swap3A_219 = tpu.vector_load %arg9[%swap3A_217, %swap3A_218] {strides = array<i32>} : memref<64x512xf32, #tpu.memory_space<vmem>>, vector<1x16xf32>,
        %swap3A_220 = vector.shape_cast %swap3A_219 : vector<1x16xf32> to vector<16xf32>
        %swap3A_221 = vector.shape_cast %add3A_216 : vector<16xf32> to vector<1x16xf32>
        tpu.vector_store %arg9[%swap3A_217, %swap3A_218], %swap3A_221 {strides = array<i32>} : memref<64x512xf32, #tpu.memory_space<vmem>>, vector<1x16xf32>,
        %get3A_222 = arith.index_cast %add3A_166 : i32 to index
        %get3A_223 = arith.constant 64 : index
        %get3A_224 = tpu.vector_load %arg9[%get3A_222, %get3A_223] {strides = array<i32>} : memref<64x512xf32, #tpu.memory_space<vmem>>, vector<1x16xf32>,
        %get3A_225 = vector.shape_cast %get3A_224 : vector<1x16xf32> to vector<16xf32>
        %get3A_226 = arith.index_cast %rem3A_167 : i32 to index
        %get3A_227 = arith.constant 64 : index
        %get3A_228 = tpu.vector_load %arg10[%get3A_226, %get3A_227] {strides = array<i32>} : memref<16x512xf32, #tpu.memory_space<vmem>>, vector<1x16xf32>,
        %get3A_229 = vector.shape_cast %get3A_228 : vector<1x16xf32> to vector<16xf32>
        %add3A_230 = arith.addf %get3A_225, %get3A_229 : vector<16xf32>
        %swap3A_231 = arith.index_cast %add3A_166 : i32 to index
        %swap3A_232 = arith.constant 64 : index
        %swap3A_233 = tpu.vector_load %arg9[%swap3A_231, %swap3A_232] {strides = array<i32>} : memref<64x512xf32, #tpu.memory_space<vmem>>, vector<1x16xf32>,
        %swap3A_234 = vector.shape_cast %swap3A_233 : vector<1x16xf32> to vector<16xf32>
        %swap3A_235 = vector.shape_cast %add3A_230 : vector<16xf32> to vector<1x16xf32>
        tpu.vector_store %arg9[%swap3A_231, %swap3A_232], %swap3A_235 {strides = array<i32>} : memref<64x512xf32, #tpu.memory_space<vmem>>, vector<1x16xf32>,
        %get3A_236 = arith.index_cast %add3A_166 : i32 to index
        %get3A_237 = arith.constant 80 : index
        %get3A_238 = tpu.vector_load %arg9[%get3A_236, %get3A_237] {strides = array<i32>} : memref<64x512xf32, #tpu.memory_space<vmem>>, vector<1x16xf32>,
        %get3A_239 = vector.shape_cast %get3A_238 : vector<1x16xf32> to vector<16xf32>
        %get3A_240 = arith.index_cast %rem3A_167 : i32 to index
        %get3A_241 = arith.constant 80 : index
        %get3A_242 = tpu.vector_load %arg10[%get3A_240, %get3A_241] {strides = array<i32>} : memref<16x512xf32, #tpu.memory_space<vmem>>, vector<1x16xf32>,
        %get3A_243 = vector.shape_cast %get3A_242 : vector<1x16xf32> to vector<16xf32>
        %add3A_244 = arith.addf %get3A_239, %get3A_243 : vector<16xf32>
        %swap3A_245 = arith.index_cast %add3A_166 : i32 to index
        %swap3A_246 = arith.constant 80 : index
        %swap3A_247 = tpu.vector_load %arg9[%swap3A_245, %swap3A_246] {strides = array<i32>} : memref<64x512xf32, #tpu.memory_space<vmem>>, vector<1x16xf32>,
        %swap3A_248 = vector.shape_cast %swap3A_247 : vector<1x16xf32> to vector<16xf32>
        %swap3A_249 = vector.shape_cast %add3A_244 : vector<16xf32> to vector<1x16xf32>
        tpu.vector_store %arg9[%swap3A_245, %swap3A_246], %swap3A_249 {strides = array<i32>} : memref<64x512xf32, #tpu.memory_space<vmem>>, vector<1x16xf32>,
        %get3A_250 = arith.index_cast %add3A_166 : i32 to index
        %get3A_251 = arith.constant 96 : index
        %get3A_252 = tpu.vector_load %arg9[%get3A_250, %get3A_251] {strides = array<i32>} : memref<64x512xf32, #tpu.memory_space<vmem>>, vector<1x16xf32>,
        %get3A_253 = vector.shape_cast %get3A_252 : vector<1x16xf32> to vector<16xf32>
        %get3A_254 = arith.index_cast %rem3A_167 : i32 to index
        %get3A_255 = arith.constant 96 : index
        %get3A_256 = tpu.vector_load %arg10[%get3A_254, %get3A_255] {strides = array<i32>} : memref<16x512xf32, #tpu.memory_space<vmem>>, vector<1x16xf32>,
        %get3A_257 = vector.shape_cast %get3A_256 : vector<1x16xf32> to vector<16xf32>
        %add3A_258 = arith.addf %get3A_253, %get3A_257 : vector<16xf32>
        %swap3A_259 = arith.index_cast %add3A_166 : i32 to index
        %swap3A_260 = arith.constant 96 : index
        %swap3A_261 = tpu.vector_load %arg9[%swap3A_259, %swap3A_260] {strides = array<i32>} : memref<64x512xf32, #tpu.memory_space<vmem>>, vector<1x16xf32>,
        %swap3A_262 = vector.shape_cast %swap3A_261 : vector<1x16xf32> to vector<16xf32>
        %swap3A_263 = vector.shape_cast %add3A_258 : vector<16xf32> to vector<1x16xf32>
        tpu.vector_store %arg9[%swap3A_259, %swap3A_260], %swap3A_263 {strides = array<i32>} : memref<64x512xf32, #tpu.memory_space<vmem>>, vector<1x16xf32>,
        %get3A_264 = arith.index_cast %add3A_166 : i32 to index
        %get3A_265 = arith.constant 112 : index
        %get3A_266 = tpu.vector_load %arg9[%get3A_264, %get3A_265] {strides = array<i32>} : memref<64x512xf32, #tpu.memory_space<vmem>>, vector<1x16xf32>,
        %get3A_267 = vector.shape_cast %get3A_266 : vector<1x16xf32> to vector<16xf32>
        %get3A_268 = arith.index_cast %rem3A_167 : i32 to index
        %get3A_269 = arith.constant 112 : index
        %get3A_270 = tpu.vector_load %arg10[%get3A_268, %get3A_269] {strides = array<i32>} : memref<16x512xf32, #tpu.memory_space<vmem>>, vector<1x16xf32>,
        %get3A_271 = vector.shape_cast %get3A_270 : vector<1x16xf32> to vector<16xf32>
        %add3A_272 = arith.addf %get3A_267, %get3A_271 : vector<16xf32>
        %swap3A_273 = arith.index_cast %add3A_166 : i32 to index
        %swap3A_274 = arith.constant 112 : index
        %swap3A_275 = tpu.vector_load %arg9[%swap3A_273, %swap3A_274] {strides = array<i32>} : memref<64x512xf32, #tpu.memory_space<vmem>>, vector<1x16xf32>,
        %swap3A_276 = vector.shape_cast %swap3A_275 : vector<1x16xf32> to vector<16xf32>
        %swap3A_277 = vector.shape_cast %add3A_272 : vector<16xf32> to vector<1x16xf32>
        tpu.vector_store %arg9[%swap3A_273, %swap3A_274], %swap3A_277 {strides = array<i32>} : memref<64x512xf32, #tpu.memory_space<vmem>>, vector<1x16xf32>,
        %get3A_278 = arith.index_cast %add3A_166 : i32 to index
        %get3A_279 = arith.constant 128 : index
        %get3A_280 = tpu.vector_load %arg9[%get3A_278, %get3A_279] {strides = array<i32>} : memref<64x512xf32, #tpu.memory_space<vmem>>, vector<1x16xf32>,
        %get3A_281 = vector.shape_cast %get3A_280 : vector<1x16xf32> to vector<16xf32>
        %get3A_282 = arith.index_cast %rem3A_167 : i32 to index
        %get3A_283 = arith.constant 128 : index
        %get3A_284 = tpu.vector_load %arg10[%get3A_282, %get3A_283] {strides = array<i32>} : memref<16x512xf32, #tpu.memory_space<vmem>>, vector<1x16xf32>,
        %get3A_285 = vector.shape_cast %get3A_284 : vector<1x16xf32> to vector<16xf32>
        %add3A_286 = arith.addf %get3A_281, %get3A_285 : vector<16xf32>
        %swap3A_287 = arith.index_cast %add3A_166 : i32 to index
        %swap3A_288 = arith.constant 128 : index
        %swap3A_289 = tpu.vector_load %arg9[%swap3A_287, %swap3A_288] {strides = array<i32>} : memref<64x512xf32, #tpu.memory_space<vmem>>, vector<1x16xf32>,
        %swap3A_290 = vector.shape_cast %swap3A_289 : vector<1x16xf32> to vector<16xf32>
        %swap3A_291 = vector.shape_cast %add3A_286 : vector<16xf32> to vector<1x16xf32>
        tpu.vector_store %arg9[%swap3A_287, %swap3A_288], %swap3A_291 {strides = array<i32>} : memref<64x512xf32, #tpu.memory_space<vmem>>, vector<1x16xf32>,
        %get3A_292 = arith.index_cast %add3A_166 : i32 to index
        %get3A_293 = arith.constant 144 : index
        %get3A_294 = tpu.vector_load %arg9[%get3A_292, %get3A_293] {strides = array<i32>} : memref<64x512xf32, #tpu.memory_space<vmem>>, vector<1x16xf32>,
        %get3A_295 = vector.shape_cast %get3A_294 : vector<1x16xf32> to vector<16xf32>
        %get3A_296 = arith.index_cast %rem3A_167 : i32 to index
        %get3A_297 = arith.constant 144 : index
        %get3A_298 = tpu.vector_load %arg10[%get3A_296, %get3A_297] {strides = array<i32>} : memref<16x512xf32, #tpu.memory_space<vmem>>, vector<1x16xf32>,
        %get3A_299 = vector.shape_cast %get3A_298 : vector<1x16xf32> to vector<16xf32>
        %add3A_300 = arith.addf %get3A_295, %get3A_299 : vector<16xf32>
        %swap3A_301 = arith.index_cast %add3A_166 : i32 to index
        %swap3A_302 = arith.constant 144 : index
        %swap3A_303 = tpu.vector_load %arg9[%swap3A_301, %swap3A_302] {strides = array<i32>} : memref<64x512xf32, #tpu.memory_space<vmem>>, vector<1x16xf32>,
        %swap3A_304 = vector.shape_cast %swap3A_303 : vector<1x16xf32> to vector<16xf32>
        %swap3A_305 = vector.shape_cast %add3A_300 : vector<16xf32> to vector<1x16xf32>
        tpu.vector_store %arg9[%swap3A_301, %swap3A_302], %swap3A_305 {strides = array<i32>} : memref<64x512xf32, #tpu.memory_space<vmem>>, vector<1x16xf32>,
        %get3A_306 = arith.index_cast %add3A_166 : i32 to index
        %get3A_307 = arith.constant 160 : index
        %get3A_308 = tpu.vector_load %arg9[%get3A_306, %get3A_307] {strides = array<i32>} : memref<64x512xf32, #tpu.memory_space<vmem>>, vector<1x16xf32>,
        %get3A_309 = vector.shape_cast %get3A_308 : vector<1x16xf32> to vector<16xf32>
        %get3A_310 = arith.index_cast %rem3A_167 : i32 to index
        %get3A_311 = arith.constant 160 : index
        %get3A_312 = tpu.vector_load %arg10[%get3A_310, %get3A_311] {strides = array<i32>} : memref<16x512xf32, #tpu.memory_space<vmem>>, vector<1x16xf32>,
        %get3A_313 = vector.shape_cast %get3A_312 : vector<1x16xf32> to vector<16xf32>
        %add3A_314 = arith.addf %get3A_309, %get3A_313 : vector<16xf32>
        %swap3A_315 = arith.index_cast %add3A_166 : i32 to index
        %swap3A_316 = arith.constant 160 : index
        %swap3A_317 = tpu.vector_load %arg9[%swap3A_315, %swap3A_316] {strides = array<i32>} : memref<64x512xf32, #tpu.memory_space<vmem>>, vector<1x16xf32>,
        %swap3A_318 = vector.shape_cast %swap3A_317 : vector<1x16xf32> to vector<16xf32>
        %swap3A_319 = vector.shape_cast %add3A_314 : vector<16xf32> to vector<1x16xf32>
        tpu.vector_store %arg9[%swap3A_315, %swap3A_316], %swap3A_319 {strides = array<i32>} : memref<64x512xf32, #tpu.memory_space<vmem>>, vector<1x16xf32>,
        %get3A_320 = arith.index_cast %add3A_166 : i32 to index
        %get3A_321 = arith.constant 176 : index
        %get3A_322 = tpu.vector_load %arg9[%get3A_320, %get3A_321] {strides = array<i32>} : memref<64x512xf32, #tpu.memory_space<vmem>>, vector<1x16xf32>,
        %get3A_323 = vector.shape_cast %get3A_322 : vector<1x16xf32> to vector<16xf32>
        %get3A_324 = arith.index_cast %rem3A_167 : i32 to index
        %get3A_325 = arith.constant 176 : index
        %get3A_326 = tpu.vector_load %arg10[%get3A_324, %get3A_325] {strides = array<i32>} : memref<16x512xf32, #tpu.memory_space<vmem>>, vector<1x16xf32>,
        %get3A_327 = vector.shape_cast %get3A_326 : vector<1x16xf32> to vector<16xf32>
        %add3A_328 = arith.addf %get3A_323, %get3A_327 : vector<16xf32>
        %swap3A_329 = arith.index_cast %add3A_166 : i32 to index
        %swap3A_330 = arith.constant 176 : index
        %swap3A_331 = tpu.vector_load %arg9[%swap3A_329, %swap3A_330] {strides = array<i32>} : memref<64x512xf32, #tpu.memory_space<vmem>>, vector<1x16xf32>,
        %swap3A_332 = vector.shape_cast %swap3A_331 : vector<1x16xf32> to vector<16xf32>
        %swap3A_333 = vector.shape_cast %add3A_328 : vector<16xf32> to vector<1x16xf32>
        tpu.vector_store %arg9[%swap3A_329, %swap3A_330], %swap3A_333 {strides = array<i32>} : memref<64x512xf32, #tpu.memory_space<vmem>>, vector<1x16xf32>,
        %get3A_334 = arith.index_cast %add3A_166 : i32 to index
        %get3A_335 = arith.constant 192 : index
        %get3A_336 = tpu.vector_load %arg9[%get3A_334, %get3A_335] {strides = array<i32>} : memref<64x512xf32, #tpu.memory_space<vmem>>, vector<1x16xf32>,
        %get3A_337 = vector.shape_cast %get3A_336 : vector<1x16xf32> to vector<16xf32>
        %get3A_338 = arith.index_cast %rem3A_167 : i32 to index
        %get3A_339 = arith.constant 192 : index
        %get3A_340 = tpu.vector_load %arg10[%get3A_338, %get3A_339] {strides = array<i32>} : memref<16x512xf32, #tpu.memory_space<vmem>>, vector<1x16xf32>,
        %get3A_341 = vector.shape_cast %get3A_340 : vector<1x16xf32> to vector<16xf32>
        %add3A_342 = arith.addf %get3A_337, %get3A_341 : vector<16xf32>
        %swap3A_343 = arith.index_cast %add3A_166 : i32 to index
        %swap3A_344 = arith.constant 192 : index
        %swap3A_345 = tpu.vector_load %arg9[%swap3A_343, %swap3A_344] {strides = array<i32>} : memref<64x512xf32, #tpu.memory_space<vmem>>, vector<1x16xf32>,
        %swap3A_346 = vector.shape_cast %swap3A_345 : vector<1x16xf32> to vector<16xf32>
        %swap3A_347 = vector.shape_cast %add3A_342 : vector<16xf32> to vector<1x16xf32>
        tpu.vector_store %arg9[%swap3A_343, %swap3A_344], %swap3A_347 {strides = array<i32>} : memref<64x512xf32, #tpu.memory_space<vmem>>, vector<1x16xf32>,
        %get3A_348 = arith.index_cast %add3A_166 : i32 to index
        %get3A_349 = arith.constant 208 : index
        %get3A_350 = tpu.vector_load %arg9[%get3A_348, %get3A_349] {strides = array<i32>} : memref<64x512xf32, #tpu.memory_space<vmem>>, vector<1x16xf32>,
        %get3A_351 = vector.shape_cast %get3A_350 : vector<1x16xf32> to vector<16xf32>
        %get3A_352 = arith.index_cast %rem3A_167 : i32 to index
        %get3A_353 = arith.constant 208 : index
        %get3A_354 = tpu.vector_load %arg10[%get3A_352, %get3A_353] {strides = array<i32>} : memref<16x512xf32, #tpu.memory_space<vmem>>, vector<1x16xf32>,
        %get3A_355 = vector.shape_cast %get3A_354 : vector<1x16xf32> to vector<16xf32>
        %add3A_356 = arith.addf %get3A_351, %get3A_355 : vector<16xf32>
        %swap3A_357 = arith.index_cast %add3A_166 : i32 to index
        %swap3A_358 = arith.constant 208 : index
        %swap3A_359 = tpu.vector_load %arg9[%swap3A_357, %swap3A_358] {strides = array<i32>} : memref<64x512xf32, #tpu.memory_space<vmem>>, vector<1x16xf32>,
        %swap3A_360 = vector.shape_cast %swap3A_359 : vector<1x16xf32> to vector<16xf32>
        %swap3A_361 = vector.shape_cast %add3A_356 : vector<16xf32> to vector<1x16xf32>
        tpu.vector_store %arg9[%swap3A_357, %swap3A_358], %swap3A_361 {strides = array<i32>} : memref<64x512xf32, #tpu.memory_space<vmem>>, vector<1x16xf32>,
        %get3A_362 = arith.index_cast %add3A_166 : i32 to index
        %get3A_363 = arith.constant 224 : index
        %get3A_364 = tpu.vector_load %arg9[%get3A_362, %get3A_363] {strides = array<i32>} : memref<64x512xf32, #tpu.memory_space<vmem>>, vector<1x16xf32>,
        %get3A_365 = vector.shape_cast %get3A_364 : vector<1x16xf32> to vector<16xf32>
        %get3A_366 = arith.index_cast %rem3A_167 : i32 to index
        %get3A_367 = arith.constant 224 : index
        %get3A_368 = tpu.vector_load %arg10[%get3A_366, %get3A_367] {strides = array<i32>} : memref<16x512xf32, #tpu.memory_space<vmem>>, vector<1x16xf32>,
        %get3A_369 = vector.shape_cast %get3A_368 : vector<1x16xf32> to vector<16xf32>
        %add3A_370 = arith.addf %get3A_365, %get3A_369 : vector<16xf32>
        %swap3A_371 = arith.index_cast %add3A_166 : i32 to index
        %swap3A_372 = arith.constant 224 : index
        %swap3A_373 = tpu.vector_load %arg9[%swap3A_371, %swap3A_372] {strides = array<i32>} : memref<64x512xf32, #tpu.memory_space<vmem>>, vector<1x16xf32>,
        %swap3A_374 = vector.shape_cast %swap3A_373 : vector<1x16xf32> to vector<16xf32>
        %swap3A_375 = vector.shape_cast %add3A_370 : vector<16xf32> to vector<1x16xf32>
        tpu.vector_store %arg9[%swap3A_371, %swap3A_372], %swap3A_375 {strides = array<i32>} : memref<64x512xf32, #tpu.memory_space<vmem>>, vector<1x16xf32>,
        %get3A_376 = arith.index_cast %add3A_166 : i32 to index
        %get3A_377 = arith.constant 240 : index
        %get3A_378 = tpu.vector_load %arg9[%get3A_376, %get3A_377] {strides = array<i32>} : memref<64x512xf32, #tpu.memory_space<vmem>>, vector<1x16xf32>,
        %get3A_379 = vector.shape_cast %get3A_378 : vector<1x16xf32> to vector<16xf32>
        %get3A_380 = arith.index_cast %rem3A_167 : i32 to index
        %get3A_381 = arith.constant 240 : index
        %get3A_382 = tpu.vector_load %arg10[%get3A_380, %get3A_381] {strides = array<i32>} : memref<16x512xf32, #tpu.memory_space<vmem>>, vector<1x16xf32>,
        %get3A_383 = vector.shape_cast %get3A_382 : vector<1x16xf32> to vector<16xf32>
        %add3A_384 = arith.addf %get3A_379, %get3A_383 : vector<16xf32>
        %swap3A_385 = arith.index_cast %add3A_166 : i32 to index
        %swap3A_386 = arith.constant 240 : index
        %swap3A_387 = tpu.vector_load %arg9[%swap3A_385, %swap3A_386] {strides = array<i32>} : memref<64x512xf32, #tpu.memory_space<vmem>>, vector<1x16xf32>,
        %swap3A_388 = vector.shape_cast %swap3A_387 : vector<1x16xf32> to vector<16xf32>
        %swap3A_389 = vector.shape_cast %add3A_384 : vector<16xf32> to vector<1x16xf32>
        tpu.vector_store %arg9[%swap3A_385, %swap3A_386], %swap3A_389 {strides = array<i32>} : memref<64x512xf32, #tpu.memory_space<vmem>>, vector<1x16xf32>,
        %get3A_390 = arith.index_cast %add3A_166 : i32 to index
        %get3A_391 = arith.constant 256 : index
        %get3A_392 = tpu.vector_load %arg9[%get3A_390, %get3A_391] {strides = array<i32>} : memref<64x512xf32, #tpu.memory_space<vmem>>, vector<1x16xf32>,
        %get3A_393 = vector.shape_cast %get3A_392 : vector<1x16xf32> to vector<16xf32>
        %get3A_394 = arith.index_cast %rem3A_167 : i32 to index
        %get3A_395 = arith.constant 256 : index
        %get3A_396 = tpu.vector_load %arg10[%get3A_394, %get3A_395] {strides = array<i32>} : memref<16x512xf32, #tpu.memory_space<vmem>>, vector<1x16xf32>,
        %get3A_397 = vector.shape_cast %get3A_396 : vector<1x16xf32> to vector<16xf32>
        %add3A_398 = arith.addf %get3A_393, %get3A_397 : vector<16xf32>
        %swap3A_399 = arith.index_cast %add3A_166 : i32 to index
        %swap3A_400 = arith.constant 256 : index
        %swap3A_401 = tpu.vector_load %arg9[%swap3A_399, %swap3A_400] {strides = array<i32>} : memref<64x512xf32, #tpu.memory_space<vmem>>, vector<1x16xf32>,
        %swap3A_402 = vector.shape_cast %swap3A_401 : vector<1x16xf32> to vector<16xf32>
        %swap3A_403 = vector.shape_cast %add3A_398 : vector<16xf32> to vector<1x16xf32>
        tpu.vector_store %arg9[%swap3A_399, %swap3A_400], %swap3A_403 {strides = array<i32>} : memref<64x512xf32, #tpu.memory_space<vmem>>, vector<1x16xf32>,
        %get3A_404 = arith.index_cast %add3A_166 : i32 to index
        %get3A_405 = arith.constant 272 : index
        %get3A_406 = tpu.vector_load %arg9[%get3A_404, %get3A_405] {strides = array<i32>} : memref<64x512xf32, #tpu.memory_space<vmem>>, vector<1x16xf32>,
        %get3A_407 = vector.shape_cast %get3A_406 : vector<1x16xf32> to vector<16xf32>
        %get3A_408 = arith.index_cast %rem3A_167 : i32 to index
        %get3A_409 = arith.constant 272 : index
        %get3A_410 = tpu.vector_load %arg10[%get3A_408, %get3A_409] {strides = array<i32>} : memref<16x512xf32, #tpu.memory_space<vmem>>, vector<1x16xf32>,
        %get3A_411 = vector.shape_cast %get3A_410 : vector<1x16xf32> to vector<16xf32>
        %add3A_412 = arith.addf %get3A_407, %get3A_411 : vector<16xf32>
        %swap3A_413 = arith.index_cast %add3A_166 : i32 to index
        %swap3A_414 = arith.constant 272 : index
        %swap3A_415 = tpu.vector_load %arg9[%swap3A_413, %swap3A_414] {strides = array<i32>} : memref<64x512xf32, #tpu.memory_space<vmem>>, vector<1x16xf32>,
        %swap3A_416 = vector.shape_cast %swap3A_415 : vector<1x16xf32> to vector<16xf32>
        %swap3A_417 = vector.shape_cast %add3A_412 : vector<16xf32> to vector<1x16xf32>
        tpu.vector_store %arg9[%swap3A_413, %swap3A_414], %swap3A_417 {strides = array<i32>} : memref<64x512xf32, #tpu.memory_space<vmem>>, vector<1x16xf32>,
        %get3A_418 = arith.index_cast %add3A_166 : i32 to index
        %get3A_419 = arith.constant 288 : index
        %get3A_420 = tpu.vector_load %arg9[%get3A_418, %get3A_419] {strides = array<i32>} : memref<64x512xf32, #tpu.memory_space<vmem>>, vector<1x16xf32>,
        %get3A_421 = vector.shape_cast %get3A_420 : vector<1x16xf32> to vector<16xf32>
        %get3A_422 = arith.index_cast %rem3A_167 : i32 to index
        %get3A_423 = arith.constant 288 : index
        %get3A_424 = tpu.vector_load %arg10[%get3A_422, %get3A_423] {strides = array<i32>} : memref<16x512xf32, #tpu.memory_space<vmem>>, vector<1x16xf32>,
        %get3A_425 = vector.shape_cast %get3A_424 : vector<1x16xf32> to vector<16xf32>
        %add3A_426 = arith.addf %get3A_421, %get3A_425 : vector<16xf32>
        %swap3A_427 = arith.index_cast %add3A_166 : i32 to index
        %swap3A_428 = arith.constant 288 : index
        %swap3A_429 = tpu.vector_load %arg9[%swap3A_427, %swap3A_428] {strides = array<i32>} : memref<64x512xf32, #tpu.memory_space<vmem>>, vector<1x16xf32>,
        %swap3A_430 = vector.shape_cast %swap3A_429 : vector<1x16xf32> to vector<16xf32>
        %swap3A_431 = vector.shape_cast %add3A_426 : vector<16xf32> to vector<1x16xf32>
        tpu.vector_store %arg9[%swap3A_427, %swap3A_428], %swap3A_431 {strides = array<i32>} : memref<64x512xf32, #tpu.memory_space<vmem>>, vector<1x16xf32>,
        %get3A_432 = arith.index_cast %add3A_166 : i32 to index
        %get3A_433 = arith.constant 304 : index
        %get3A_434 = tpu.vector_load %arg9[%get3A_432, %get3A_433] {strides = array<i32>} : memref<64x512xf32, #tpu.memory_space<vmem>>, vector<1x16xf32>,
        %get3A_435 = vector.shape_cast %get3A_434 : vector<1x16xf32> to vector<16xf32>
        %get3A_436 = arith.index_cast %rem3A_167 : i32 to index
        %get3A_437 = arith.constant 304 : index
        %get3A_438 = tpu.vector_load %arg10[%get3A_436, %get3A_437] {strides = array<i32>} : memref<16x512xf32, #tpu.memory_space<vmem>>, vector<1x16xf32>,
        %get3A_439 = vector.shape_cast %get3A_438 : vector<1x16xf32> to vector<16xf32>
        %add3A_440 = arith.addf %get3A_435, %get3A_439 : vector<16xf32>
        %swap3A_441 = arith.index_cast %add3A_166 : i32 to index
        %swap3A_442 = arith.constant 304 : index
        %swap3A_443 = tpu.vector_load %arg9[%swap3A_441, %swap3A_442] {strides = array<i32>} : memref<64x512xf32, #tpu.memory_space<vmem>>, vector<1x16xf32>,
        %swap3A_444 = vector.shape_cast %swap3A_443 : vector<1x16xf32> to vector<16xf32>
        %swap3A_445 = vector.shape_cast %add3A_440 : vector<16xf32> to vector<1x16xf32>
        tpu.vector_store %arg9[%swap3A_441, %swap3A_442], %swap3A_445 {strides = array<i32>} : memref<64x512xf32, #tpu.memory_space<vmem>>, vector<1x16xf32>,
        %get3A_446 = arith.index_cast %add3A_166 : i32 to index
        %get3A_447 = arith.constant 320 : index
        %get3A_448 = tpu.vector_load %arg9[%get3A_446, %get3A_447] {strides = array<i32>} : memref<64x512xf32, #tpu.memory_space<vmem>>, vector<1x16xf32>,
        %get3A_449 = vector.shape_cast %get3A_448 : vector<1x16xf32> to vector<16xf32>
        %get3A_450 = arith.index_cast %rem3A_167 : i32 to index
        %get3A_451 = arith.constant 320 : index
        %get3A_452 = tpu.vector_load %arg10[%get3A_450, %get3A_451] {strides = array<i32>} : memref<16x512xf32, #tpu.memory_space<vmem>>, vector<1x16xf32>,
        %get3A_453 = vector.shape_cast %get3A_452 : vector<1x16xf32> to vector<16xf32>
        %add3A_454 = arith.addf %get3A_449, %get3A_453 : vector<16xf32>
        %swap3A_455 = arith.index_cast %add3A_166 : i32 to index
        %swap3A_456 = arith.constant 320 : index
        %swap3A_457 = tpu.vector_load %arg9[%swap3A_455, %swap3A_456] {strides = array<i32>} : memref<64x512xf32, #tpu.memory_space<vmem>>, vector<1x16xf32>,
        %swap3A_458 = vector.shape_cast %swap3A_457 : vector<1x16xf32> to vector<16xf32>
        %swap3A_459 = vector.shape_cast %add3A_454 : vector<16xf32> to vector<1x16xf32>
        tpu.vector_store %arg9[%swap3A_455, %swap3A_456], %swap3A_459 {strides = array<i32>} : memref<64x512xf32, #tpu.memory_space<vmem>>, vector<1x16xf32>,
        %get3A_460 = arith.index_cast %add3A_166 : i32 to index
        %get3A_461 = arith.constant 336 : index
        %get3A_462 = tpu.vector_load %arg9[%get3A_460, %get3A_461] {strides = array<i32>} : memref<64x512xf32, #tpu.memory_space<vmem>>, vector<1x16xf32>,
        %get3A_463 = vector.shape_cast %get3A_462 : vector<1x16xf32> to vector<16xf32>
        %get3A_464 = arith.index_cast %rem3A_167 : i32 to index
        %get3A_465 = arith.constant 336 : index
        %get3A_466 = tpu.vector_load %arg10[%get3A_464, %get3A_465] {strides = array<i32>} : memref<16x512xf32, #tpu.memory_space<vmem>>, vector<1x16xf32>,
        %get3A_467 = vector.shape_cast %get3A_466 : vector<1x16xf32> to vector<16xf32>
        %add3A_468 = arith.addf %get3A_463, %get3A_467 : vector<16xf32>
        %swap3A_469 = arith.index_cast %add3A_166 : i32 to index
        %swap3A_470 = arith.constant 336 : index
        %swap3A_471 = tpu.vector_load %arg9[%swap3A_469, %swap3A_470] {strides = array<i32>} : memref<64x512xf32, #tpu.memory_space<vmem>>, vector<1x16xf32>,
        %swap3A_472 = vector.shape_cast %swap3A_471 : vector<1x16xf32> to vector<16xf32>
        %swap3A_473 = vector.shape_cast %add3A_468 : vector<16xf32> to vector<1x16xf32>
        tpu.vector_store %arg9[%swap3A_469, %swap3A_470], %swap3A_473 {strides = array<i32>} : memref<64x512xf32, #tpu.memory_space<vmem>>, vector<1x16xf32>,
        %get3A_474 = arith.index_cast %add3A_166 : i32 to index
        %get3A_475 = arith.constant 352 : index
        %get3A_476 = tpu.vector_load %arg9[%get3A_474, %get3A_475] {strides = array<i32>} : memref<64x512xf32, #tpu.memory_space<vmem>>, vector<1x16xf32>,
        %get3A_477 = vector.shape_cast %get3A_476 : vector<1x16xf32> to vector<16xf32>
        %get3A_478 = arith.index_cast %rem3A_167 : i32 to index
        %get3A_479 = arith.constant 352 : index
        %get3A_480 = tpu.vector_load %arg10[%get3A_478, %get3A_479] {strides = array<i32>} : memref<16x512xf32, #tpu.memory_space<vmem>>, vector<1x16xf32>,
        %get3A_481 = vector.shape_cast %get3A_480 : vector<1x16xf32> to vector<16xf32>
        %add3A_482 = arith.addf %get3A_477, %get3A_481 : vector<16xf32>
        %swap3A_483 = arith.index_cast %add3A_166 : i32 to index
        %swap3A_484 = arith.constant 352 : index
        %swap3A_485 = tpu.vector_load %arg9[%swap3A_483, %swap3A_484] {strides = array<i32>} : memref<64x512xf32, #tpu.memory_space<vmem>>, vector<1x16xf32>,
        %swap3A_486 = vector.shape_cast %swap3A_485 : vector<1x16xf32> to vector<16xf32>
        %swap3A_487 = vector.shape_cast %add3A_482 : vector<16xf32> to vector<1x16xf32>
        tpu.vector_store %arg9[%swap3A_483, %swap3A_484], %swap3A_487 {strides = array<i32>} : memref<64x512xf32, #tpu.memory_space<vmem>>, vector<1x16xf32>,
        %get3A_488 = arith.index_cast %add3A_166 : i32 to index
        %get3A_489 = arith.constant 368 : index
        %get3A_490 = tpu.vector_load %arg9[%get3A_488, %get3A_489] {strides = array<i32>} : memref<64x512xf32, #tpu.memory_space<vmem>>, vector<1x16xf32>,
        %get3A_491 = vector.shape_cast %get3A_490 : vector<1x16xf32> to vector<16xf32>
        %get3A_492 = arith.index_cast %rem3A_167 : i32 to index
        %get3A_493 = arith.constant 368 : index
        %get3A_494 = tpu.vector_load %arg10[%get3A_492, %get3A_493] {strides = array<i32>} : memref<16x512xf32, #tpu.memory_space<vmem>>, vector<1x16xf32>,
        %get3A_495 = vector.shape_cast %get3A_494 : vector<1x16xf32> to vector<16xf32>
        %add3A_496 = arith.addf %get3A_491, %get3A_495 : vector<16xf32>
        %swap3A_497 = arith.index_cast %add3A_166 : i32 to index
        %swap3A_498 = arith.constant 368 : index
        %swap3A_499 = tpu.vector_load %arg9[%swap3A_497, %swap3A_498] {strides = array<i32>} : memref<64x512xf32, #tpu.memory_space<vmem>>, vector<1x16xf32>,
        %swap3A_500 = vector.shape_cast %swap3A_499 : vector<1x16xf32> to vector<16xf32>
        %swap3A_501 = vector.shape_cast %add3A_496 : vector<16xf32> to vector<1x16xf32>
        tpu.vector_store %arg9[%swap3A_497, %swap3A_498], %swap3A_501 {strides = array<i32>} : memref<64x512xf32, #tpu.memory_space<vmem>>, vector<1x16xf32>,
        %get3A_502 = arith.index_cast %add3A_166 : i32 to index
        %get3A_503 = arith.constant 384 : index
        %get3A_504 = tpu.vector_load %arg9[%get3A_502, %get3A_503] {strides = array<i32>} : memref<64x512xf32, #tpu.memory_space<vmem>>, vector<1x16xf32>,
        %get3A_505 = vector.shape_cast %get3A_504 : vector<1x16xf32> to vector<16xf32>
        %get3A_506 = arith.index_cast %rem3A_167 : i32 to index
        %get3A_507 = arith.constant 384 : index
        %get3A_508 = tpu.vector_load %arg10[%get3A_506, %get3A_507] {strides = array<i32>} : memref<16x512xf32, #tpu.memory_space<vmem>>, vector<1x16xf32>,
        %get3A_509 = vector.shape_cast %get3A_508 : vector<1x16xf32> to vector<16xf32>
        %add3A_510 = arith.addf %get3A_505, %get3A_509 : vector<16xf32>
        %swap3A_511 = arith.index_cast %add3A_166 : i32 to index
        %swap3A_512 = arith.constant 384 : index
        %swap3A_513 = tpu.vector_load %arg9[%swap3A_511, %swap3A_512] {strides = array<i32>} : memref<64x512xf32, #tpu.memory_space<vmem>>, vector<1x16xf32>,
        %swap3A_514 = vector.shape_cast %swap3A_513 : vector<1x16xf32> to vector<16xf32>
        %swap3A_515 = vector.shape_cast %add3A_510 : vector<16xf32> to vector<1x16xf32>
        tpu.vector_store %arg9[%swap3A_511, %swap3A_512], %swap3A_515 {strides = array<i32>} : memref<64x512xf32, #tpu.memory_space<vmem>>, vector<1x16xf32>,
        %get3A_516 = arith.index_cast %add3A_166 : i32 to index
        %get3A_517 = arith.constant 400 : index
        %get3A_518 = tpu.vector_load %arg9[%get3A_516, %get3A_517] {strides = array<i32>} : memref<64x512xf32, #tpu.memory_space<vmem>>, vector<1x16xf32>,
        %get3A_519 = vector.shape_cast %get3A_518 : vector<1x16xf32> to vector<16xf32>
        %get3A_520 = arith.index_cast %rem3A_167 : i32 to index
        %get3A_521 = arith.constant 400 : index
        %get3A_522 = tpu.vector_load %arg10[%get3A_520, %get3A_521] {strides = array<i32>} : memref<16x512xf32, #tpu.memory_space<vmem>>, vector<1x16xf32>,
        %get3A_523 = vector.shape_cast %get3A_522 : vector<1x16xf32> to vector<16xf32>
        %add3A_524 = arith.addf %get3A_519, %get3A_523 : vector<16xf32>
        %swap3A_525 = arith.index_cast %add3A_166 : i32 to index
        %swap3A_526 = arith.constant 400 : index
        %swap3A_527 = tpu.vector_load %arg9[%swap3A_525, %swap3A_526] {strides = array<i32>} : memref<64x512xf32, #tpu.memory_space<vmem>>, vector<1x16xf32>,
        %swap3A_528 = vector.shape_cast %swap3A_527 : vector<1x16xf32> to vector<16xf32>
        %swap3A_529 = vector.shape_cast %add3A_524 : vector<16xf32> to vector<1x16xf32>
        tpu.vector_store %arg9[%swap3A_525, %swap3A_526], %swap3A_529 {strides = array<i32>} : memref<64x512xf32, #tpu.memory_space<vmem>>, vector<1x16xf32>,
        %get3A_530 = arith.index_cast %add3A_166 : i32 to index
        %get3A_531 = arith.constant 416 : index
        %get3A_532 = tpu.vector_load %arg9[%get3A_530, %get3A_531] {strides = array<i32>} : memref<64x512xf32, #tpu.memory_space<vmem>>, vector<1x16xf32>,
        %get3A_533 = vector.shape_cast %get3A_532 : vector<1x16xf32> to vector<16xf32>
        %get3A_534 = arith.index_cast %rem3A_167 : i32 to index
        %get3A_535 = arith.constant 416 : index
        %get3A_536 = tpu.vector_load %arg10[%get3A_534, %get3A_535] {strides = array<i32>} : memref<16x512xf32, #tpu.memory_space<vmem>>, vector<1x16xf32>,
        %get3A_537 = vector.shape_cast %get3A_536 : vector<1x16xf32> to vector<16xf32>
        %add3A_538 = arith.addf %get3A_533, %get3A_537 : vector<16xf32>
        %swap3A_539 = arith.index_cast %add3A_166 : i32 to index
        %swap3A_540 = arith.constant 416 : index
        %swap3A_541 = tpu.vector_load %arg9[%swap3A_539, %swap3A_540] {strides = array<i32>} : memref<64x512xf32, #tpu.memory_space<vmem>>, vector<1x16xf32>,
        %swap3A_542 = vector.shape_cast %swap3A_541 : vector<1x16xf32> to vector<16xf32>
        %swap3A_543 = vector.shape_cast %add3A_538 : vector<16xf32> to vector<1x16xf32>
        tpu.vector_store %arg9[%swap3A_539, %swap3A_540], %swap3A_543 {strides = array<i32>} : memref<64x512xf32, #tpu.memory_space<vmem>>, vector<1x16xf32>,
        %get3A_544 = arith.index_cast %add3A_166 : i32 to index
        %get3A_545 = arith.constant 432 : index
        %get3A_546 = tpu.vector_load %arg9[%get3A_544, %get3A_545] {strides = array<i32>} : memref<64x512xf32, #tpu.memory_space<vmem>>, vector<1x16xf32>,
        %get3A_547 = vector.shape_cast %get3A_546 : vector<1x16xf32> to vector<16xf32>
        %get3A_548 = arith.index_cast %rem3A_167 : i32 to index
        %get3A_549 = arith.constant 432 : index
        %get3A_550 = tpu.vector_load %arg10[%get3A_548, %get3A_549] {strides = array<i32>} : memref<16x512xf32, #tpu.memory_space<vmem>>, vector<1x16xf32>,
        %get3A_551 = vector.shape_cast %get3A_550 : vector<1x16xf32> to vector<16xf32>
        %add3A_552 = arith.addf %get3A_547, %get3A_551 : vector<16xf32>
        %swap3A_553 = arith.index_cast %add3A_166 : i32 to index
        %swap3A_554 = arith.constant 432 : index
        %swap3A_555 = tpu.vector_load %arg9[%swap3A_553, %swap3A_554] {strides = array<i32>} : memref<64x512xf32, #tpu.memory_space<vmem>>, vector<1x16xf32>,
        %swap3A_556 = vector.shape_cast %swap3A_555 : vector<1x16xf32> to vector<16xf32>
        %swap3A_557 = vector.shape_cast %add3A_552 : vector<16xf32> to vector<1x16xf32>
        tpu.vector_store %arg9[%swap3A_553, %swap3A_554], %swap3A_557 {strides = array<i32>} : memref<64x512xf32, #tpu.memory_space<vmem>>, vector<1x16xf32>,
        %get3A_558 = arith.index_cast %add3A_166 : i32 to index
        %get3A_559 = arith.constant 448 : index
        %get3A_560 = tpu.vector_load %arg9[%get3A_558, %get3A_559] {strides = array<i32>} : memref<64x512xf32, #tpu.memory_space<vmem>>, vector<1x16xf32>,
        %get3A_561 = vector.shape_cast %get3A_560 : vector<1x16xf32> to vector<16xf32>
        %get3A_562 = arith.index_cast %rem3A_167 : i32 to index
        %get3A_563 = arith.constant 448 : index
        %get3A_564 = tpu.vector_load %arg10[%get3A_562, %get3A_563] {strides = array<i32>} : memref<16x512xf32, #tpu.memory_space<vmem>>, vector<1x16xf32>,
        %get3A_565 = vector.shape_cast %get3A_564 : vector<1x16xf32> to vector<16xf32>
        %add3A_566 = arith.addf %get3A_561, %get3A_565 : vector<16xf32>
        %swap3A_567 = arith.index_cast %add3A_166 : i32 to index
        %swap3A_568 = arith.constant 448 : index
        %swap3A_569 = tpu.vector_load %arg9[%swap3A_567, %swap3A_568] {strides = array<i32>} : memref<64x512xf32, #tpu.memory_space<vmem>>, vector<1x16xf32>,
        %swap3A_570 = vector.shape_cast %swap3A_569 : vector<1x16xf32> to vector<16xf32>
        %swap3A_571 = vector.shape_cast %add3A_566 : vector<16xf32> to vector<1x16xf32>
        tpu.vector_store %arg9[%swap3A_567, %swap3A_568], %swap3A_571 {strides = array<i32>} : memref<64x512xf32, #tpu.memory_space<vmem>>, vector<1x16xf32>,
        %get3A_572 = arith.index_cast %add3A_166 : i32 to index
        %get3A_573 = arith.constant 464 : index
        %get3A_574 = tpu.vector_load %arg9[%get3A_572, %get3A_573] {strides = array<i32>} : memref<64x512xf32, #tpu.memory_space<vmem>>, vector<1x16xf32>,
        %get3A_575 = vector.shape_cast %get3A_574 : vector<1x16xf32> to vector<16xf32>
        %get3A_576 = arith.index_cast %rem3A_167 : i32 to index
        %get3A_577 = arith.constant 464 : index
        %get3A_578 = tpu.vector_load %arg10[%get3A_576, %get3A_577] {strides = array<i32>} : memref<16x512xf32, #tpu.memory_space<vmem>>, vector<1x16xf32>,
        %get3A_579 = vector.shape_cast %get3A_578 : vector<1x16xf32> to vector<16xf32>
        %add3A_580 = arith.addf %get3A_575, %get3A_579 : vector<16xf32>
        %swap3A_581 = arith.index_cast %add3A_166 : i32 to index
        %swap3A_582 = arith.constant 464 : index
        %swap3A_583 = tpu.vector_load %arg9[%swap3A_581, %swap3A_582] {strides = array<i32>} : memref<64x512xf32, #tpu.memory_space<vmem>>, vector<1x16xf32>,
        %swap3A_584 = vector.shape_cast %swap3A_583 : vector<1x16xf32> to vector<16xf32>
        %swap3A_585 = vector.shape_cast %add3A_580 : vector<16xf32> to vector<1x16xf32>
        tpu.vector_store %arg9[%swap3A_581, %swap3A_582], %swap3A_585 {strides = array<i32>} : memref<64x512xf32, #tpu.memory_space<vmem>>, vector<1x16xf32>,
        %get3A_586 = arith.index_cast %add3A_166 : i32 to index
        %get3A_587 = arith.constant 480 : index
        %get3A_588 = tpu.vector_load %arg9[%get3A_586, %get3A_587] {strides = array<i32>} : memref<64x512xf32, #tpu.memory_space<vmem>>, vector<1x16xf32>,
        %get3A_589 = vector.shape_cast %get3A_588 : vector<1x16xf32> to vector<16xf32>
        %get3A_590 = arith.index_cast %rem3A_167 : i32 to index
        %get3A_591 = arith.constant 480 : index
        %get3A_592 = tpu.vector_load %arg10[%get3A_590, %get3A_591] {strides = array<i32>} : memref<16x512xf32, #tpu.memory_space<vmem>>, vector<1x16xf32>,
        %get3A_593 = vector.shape_cast %get3A_592 : vector<1x16xf32> to vector<16xf32>
        %add3A_594 = arith.addf %get3A_589, %get3A_593 : vector<16xf32>
        %swap3A_595 = arith.index_cast %add3A_166 : i32 to index
        %swap3A_596 = arith.constant 480 : index
        %swap3A_597 = tpu.vector_load %arg9[%swap3A_595, %swap3A_596] {strides = array<i32>} : memref<64x512xf32, #tpu.memory_space<vmem>>, vector<1x16xf32>,
        %swap3A_598 = vector.shape_cast %swap3A_597 : vector<1x16xf32> to vector<16xf32>
        %swap3A_599 = vector.shape_cast %add3A_594 : vector<16xf32> to vector<1x16xf32>
        tpu.vector_store %arg9[%swap3A_595, %swap3A_596], %swap3A_599 {strides = array<i32>} : memref<64x512xf32, #tpu.memory_space<vmem>>, vector<1x16xf32>,
        %get3A_600 = arith.index_cast %add3A_166 : i32 to index
        %get3A_601 = arith.constant 496 : index
        %get3A_602 = tpu.vector_load %arg9[%get3A_600, %get3A_601] {strides = array<i32>} : memref<64x512xf32, #tpu.memory_space<vmem>>, vector<1x16xf32>,
        %get3A_603 = vector.shape_cast %get3A_602 : vector<1x16xf32> to vector<16xf32>
        %get3A_604 = arith.index_cast %rem3A_167 : i32 to index
        %get3A_605 = arith.constant 496 : index
        %get3A_606 = tpu.vector_load %arg10[%get3A_604, %get3A_605] {strides = array<i32>} : memref<16x512xf32, #tpu.memory_space<vmem>>, vector<1x16xf32>,
        %get3A_607 = vector.shape_cast %get3A_606 : vector<1x16xf32> to vector<16xf32>
        %add3A_608 = arith.addf %get3A_603, %get3A_607 : vector<16xf32>
        %swap3A_609 = arith.index_cast %add3A_166 : i32 to index
        %swap3A_610 = arith.constant 496 : index
        %swap3A_611 = tpu.vector_load %arg9[%swap3A_609, %swap3A_610] {strides = array<i32>} : memref<64x512xf32, #tpu.memory_space<vmem>>, vector<1x16xf32>,
        %swap3A_612 = vector.shape_cast %swap3A_611 : vector<1x16xf32> to vector<16xf32>
        %swap3A_613 = vector.shape_cast %add3A_608 : vector<16xf32> to vector<1x16xf32>
        tpu.vector_store %arg9[%swap3A_609, %swap3A_610], %swap3A_613 {strides = array<i32>} : memref<64x512xf32, #tpu.memory_space<vmem>>, vector<1x16xf32>,
      }
      %scan3A_119 = arith.constant 64 : i32
      %mul3A_120 = arith.constant 64 : i32
      %mul3A_121 = arith.muli %add3A_107, %mul3A_120 : i32
      %add3A_122 = arith.addi %mul3A_2, %mul3A_121 : i32
      %dma_start3A_123 = arith.constant 0 : i32
      %dma_start3A_124 = tpu.memref_slice %arg5[%add3A_122, %dma_start3A_123] : memref<65536x512xf32, #tpu.memory_space<hbm>> -> memref<64x512xf32, #tpu.memory_space<hbm>>
      %dma_start3A_125 = arith.constant 0 : i32
      %dma_start3A_126 = tpu.memref_slice %arg5[%add3A_122, %dma_start3A_125] : memref<65536x512xf32, #tpu.memory_space<hbm>> -> memref<64x512xf32, #tpu.memory_space<hbm>>
      tpu.enqueue_dma source(%arg9 : memref<64x512xf32, #tpu.memory_space<vmem>>) target(%dma_start3A_126 : memref<64x512xf32, #tpu.memory_space<hbm>>) target_semaphore(%arg16 : memref<!tpu.dma_semaphore, #tpu.memory_space<semaphore_mem>>)
      %add3A_127 = arith.constant 2 : i32
      %add3A_128 = arith.addi %add3A_107, %add3A_127 : i32
      %lt3A_129 = arith.constant 32 : i32
      %lt3A_130 = arith.cmpi slt, %add3A_128, %lt3A_129 : i32
      %convert_element_type3A_131 = arith.extui %lt3A_130 : i1 to i32
      %cond3A_132 = arith.constant 0 : i32
      %cond3A_133 = arith.cmpi ne, %convert_element_type3A_131, %cond3A_132 : i32
      scf.if %cond3A_133 {
        %dma_wait3A_162 = arith.constant 0 : i32
        %dma_wait3A_163 = tpu.memref_slice %arg5[%mul3A_2, %dma_wait3A_162] : memref<65536x512xf32, #tpu.memory_space<hbm>> -> memref<64x512xf32, #tpu.memory_space<hbm>>
        %dma_wait3A_164 = arith.constant 0 : i32
        %dma_wait3A_165 = tpu.memref_slice %arg5[%mul3A_2, %dma_wait3A_164] : memref<65536x512xf32, #tpu.memory_space<hbm>> -> memref<64x512xf32, #tpu.memory_space<hbm>>
        tpu.wait_dma2 semaphore(%arg15 : memref<!tpu.dma_semaphore, #tpu.memory_space<semaphore_mem>>) src(%arg8 : memref<64x512xf32, #tpu.memory_space<vmem>>) dst(%dma_wait3A_165 : memref<64x512xf32, #tpu.memory_space<hbm>>)
        %add3A_166 = arith.constant 2 : i32
        %add3A_167 = arith.addi %add3A_107, %add3A_166 : i32
        %dma_start3A_168 = arith.constant 0 : i32
        %dma_start3A_169 = tpu.memref_slice %arg6[%add3A_167, %dma_start3A_168] : memref<32x64xi32, #tpu.memory_space<vmem>> -> memref<1x64xi32, #tpu.memory_space<vmem>>
        %dma_start3A_170 = tpu.memref_squeeze %dma_start3A_169 : memref<1x64xi32, #tpu.memory_space<vmem>> -> memref<64xi32, #tpu.memory_space<vmem>>
        %dma_start3A_171 = arith.constant 0 : i32
        %dma_start3A_172 = arith.constant 0 : i32
        %dma_start3A_173 = tpu.memref_slice %arg3[%dma_start3A_171, %dma_start3A_172] : memref<100000x512xf32, #tpu.memory_space<hbm>> -> memref<100000x512xf32, #tpu.memory_space<hbm>>
        tpu.enqueue_indirect_dma source(%dma_start3A_173 : memref<100000x512xf32, #tpu.memory_space<hbm>>) target(%arg8 : memref<64x512xf32, #tpu.memory_space<vmem>>) offsets(%dma_start3A_170 : memref<64xi32, #tpu.memory_space<vmem>>) semaphore(%arg12 : memref<!tpu.dma_semaphore, #tpu.memory_space<semaphore_mem>>)
      } else {
      }
      %add3A_134 = arith.constant 2 : i32
      %add3A_135 = arith.addi %add3A_80, %add3A_134 : i32
      %dma_wait3A_136 = arith.constant 0 : i32
      %dma_wait3A_137 = arith.constant 0 : i32
      %dma_wait3A_138 = tpu.memref_slice %arg6[%dma_wait3A_136, %dma_wait3A_137] : memref<32x64xi32, #tpu.memory_space<vmem>> -> memref<1x64xi32, #tpu.memory_space<vmem>>
      %dma_wait3A_139 = tpu.memref_squeeze %dma_wait3A_138 : memref<1x64xi32, #tpu.memory_space<vmem>> -> memref<64xi32, #tpu.memory_space<vmem>>
      %dma_wait3A_140 = arith.constant 0 : i32
      %dma_wait3A_141 = arith.constant 0 : i32
      %dma_wait3A_142 = tpu.memref_slice %arg3[%dma_wait3A_140, %dma_wait3A_141] : memref<100000x512xf32, #tpu.memory_space<hbm>> -> memref<100000x512xf32, #tpu.memory_space<hbm>>
      tpu.wait_indirect_dma semaphore(%arg11 : memref<!tpu.dma_semaphore, #tpu.memory_space<semaphore_mem>>) src(%dma_wait3A_142 : memref<100000x512xf32, #tpu.memory_space<hbm>>) dst(%arg7 : memref<64x512xf32, #tpu.memory_space<vmem>>)
      %scan3A_143 = arith.constant 0 : i32
      %scan3A_144 = arith.constant 64 : i32
      %scan3A_145 = arith.addi %scan3A_143, %scan3A_144 : i32
      %scan3A_146 = arith.constant 1 : i32
      scf.for %scan3A_162 = %scan3A_143 to %scan3A_145 step %scan3A_146  : i32 {
        %mul3A_163 = arith.constant 1 : i32
        %mul3A_164 = arith.muli %scan3A_162, %mul3A_163 : i32
        %add3A_165 = arith.constant 0 : i32
        %add3A_166 = arith.addi %add3A_165, %mul3A_164 : i32
        %rem3A = arith.constant 16 : i32
        %rem3A_167 = arith.remsi %add3A_166, %rem3A : i32
        %get3A = arith.index_cast %add3A_166 : i32 to index
        %get3A_168 = arith.constant 0 : index
        %get3A_169 = tpu.vector_load %arg7[%get3A, %get3A_168] {strides = array<i32>} : memref<64x512xf32, #tpu.memory_space<vmem>>, vector<1x16xf32>,
        %get3A_170 = vector.shape_cast %get3A_169 : vector<1x16xf32> to vector<16xf32>
        %get3A_171 = arith.index_cast %rem3A_167 : i32 to index
        %get3A_172 = arith.constant 0 : index
        %get3A_173 = tpu.vector_load %arg10[%get3A_171, %get3A_172] {strides = array<i32>} : memref<16x512xf32, #tpu.memory_space<vmem>>, vector<1x16xf32>,
        %get3A_174 = vector.shape_cast %get3A_173 : vector<1x16xf32> to vector<16xf32>
        %add3A_175 = arith.addf %get3A_170, %get3A_174 : vector<16xf32>
        %swap3A = arith.index_cast %add3A_166 : i32 to index
        %swap3A_176 = arith.constant 0 : index
        %swap3A_177 = tpu.vector_load %arg7[%swap3A, %swap3A_176] {strides = array<i32>} : memref<64x512xf32, #tpu.memory_space<vmem>>, vector<1x16xf32>,
        %swap3A_178 = vector.shape_cast %swap3A_177 : vector<1x16xf32> to vector<16xf32>
        %swap3A_179 = vector.shape_cast %add3A_175 : vector<16xf32> to vector<1x16xf32>
        tpu.vector_store %arg7[%swap3A, %swap3A_176], %swap3A_179 {strides = array<i32>} : memref<64x512xf32, #tpu.memory_space<vmem>>, vector<1x16xf32>,
        %get3A_180 = arith.index_cast %add3A_166 : i32 to index
        %get3A_181 = arith.constant 16 : index
        %get3A_182 = tpu.vector_load %arg7[%get3A_180, %get3A_181] {strides = array<i32>} : memref<64x512xf32, #tpu.memory_space<vmem>>, vector<1x16xf32>,
        %get3A_183 = vector.shape_cast %get3A_182 : vector<1x16xf32> to vector<16xf32>
        %get3A_184 = arith.index_cast %rem3A_167 : i32 to index
        %get3A_185 = arith.constant 16 : index
        %get3A_186 = tpu.vector_load %arg10[%get3A_184, %get3A_185] {strides = array<i32>} : memref<16x512xf32, #tpu.memory_space<vmem>>, vector<1x16xf32>,
        %get3A_187 = vector.shape_cast %get3A_186 : vector<1x16xf32> to vector<16xf32>
        %add3A_188 = arith.addf %get3A_183, %get3A_187 : vector<16xf32>
        %swap3A_189 = arith.index_cast %add3A_166 : i32 to index
        %swap3A_190 = arith.constant 16 : index
        %swap3A_191 = tpu.vector_load %arg7[%swap3A_189, %swap3A_190] {strides = array<i32>} : memref<64x512xf32, #tpu.memory_space<vmem>>, vector<1x16xf32>,
        %swap3A_192 = vector.shape_cast %swap3A_191 : vector<1x16xf32> to vector<16xf32>
        %swap3A_193 = vector.shape_cast %add3A_188 : vector<16xf32> to vector<1x16xf32>
        tpu.vector_store %arg7[%swap3A_189, %swap3A_190], %swap3A_193 {strides = array<i32>} : memref<64x512xf32, #tpu.memory_space<vmem>>, vector<1x16xf32>,
        %get3A_194 = arith.index_cast %add3A_166 : i32 to index
        %get3A_195 = arith.constant 32 : index
        %get3A_196 = tpu.vector_load %arg7[%get3A_194, %get3A_195] {strides = array<i32>} : memref<64x512xf32, #tpu.memory_space<vmem>>, vector<1x16xf32>,
        %get3A_197 = vector.shape_cast %get3A_196 : vector<1x16xf32> to vector<16xf32>
        %get3A_198 = arith.index_cast %rem3A_167 : i32 to index
        %get3A_199 = arith.constant 32 : index
        %get3A_200 = tpu.vector_load %arg10[%get3A_198, %get3A_199] {strides = array<i32>} : memref<16x512xf32, #tpu.memory_space<vmem>>, vector<1x16xf32>,
        %get3A_201 = vector.shape_cast %get3A_200 : vector<1x16xf32> to vector<16xf32>
        %add3A_202 = arith.addf %get3A_197, %get3A_201 : vector<16xf32>
        %swap3A_203 = arith.index_cast %add3A_166 : i32 to index
        %swap3A_204 = arith.constant 32 : index
        %swap3A_205 = tpu.vector_load %arg7[%swap3A_203, %swap3A_204] {strides = array<i32>} : memref<64x512xf32, #tpu.memory_space<vmem>>, vector<1x16xf32>,
        %swap3A_206 = vector.shape_cast %swap3A_205 : vector<1x16xf32> to vector<16xf32>
        %swap3A_207 = vector.shape_cast %add3A_202 : vector<16xf32> to vector<1x16xf32>
        tpu.vector_store %arg7[%swap3A_203, %swap3A_204], %swap3A_207 {strides = array<i32>} : memref<64x512xf32, #tpu.memory_space<vmem>>, vector<1x16xf32>,
        %get3A_208 = arith.index_cast %add3A_166 : i32 to index
        %get3A_209 = arith.constant 48 : index
        %get3A_210 = tpu.vector_load %arg7[%get3A_208, %get3A_209] {strides = array<i32>} : memref<64x512xf32, #tpu.memory_space<vmem>>, vector<1x16xf32>,
        %get3A_211 = vector.shape_cast %get3A_210 : vector<1x16xf32> to vector<16xf32>
        %get3A_212 = arith.index_cast %rem3A_167 : i32 to index
        %get3A_213 = arith.constant 48 : index
        %get3A_214 = tpu.vector_load %arg10[%get3A_212, %get3A_213] {strides = array<i32>} : memref<16x512xf32, #tpu.memory_space<vmem>>, vector<1x16xf32>,
        %get3A_215 = vector.shape_cast %get3A_214 : vector<1x16xf32> to vector<16xf32>
        %add3A_216 = arith.addf %get3A_211, %get3A_215 : vector<16xf32>
        %swap3A_217 = arith.index_cast %add3A_166 : i32 to index
        %swap3A_218 = arith.constant 48 : index
        %swap3A_219 = tpu.vector_load %arg7[%swap3A_217, %swap3A_218] {strides = array<i32>} : memref<64x512xf32, #tpu.memory_space<vmem>>, vector<1x16xf32>,
        %swap3A_220 = vector.shape_cast %swap3A_219 : vector<1x16xf32> to vector<16xf32>
        %swap3A_221 = vector.shape_cast %add3A_216 : vector<16xf32> to vector<1x16xf32>
        tpu.vector_store %arg7[%swap3A_217, %swap3A_218], %swap3A_221 {strides = array<i32>} : memref<64x512xf32, #tpu.memory_space<vmem>>, vector<1x16xf32>,
        %get3A_222 = arith.index_cast %add3A_166 : i32 to index
        %get3A_223 = arith.constant 64 : index
        %get3A_224 = tpu.vector_load %arg7[%get3A_222, %get3A_223] {strides = array<i32>} : memref<64x512xf32, #tpu.memory_space<vmem>>, vector<1x16xf32>,
        %get3A_225 = vector.shape_cast %get3A_224 : vector<1x16xf32> to vector<16xf32>
        %get3A_226 = arith.index_cast %rem3A_167 : i32 to index
        %get3A_227 = arith.constant 64 : index
        %get3A_228 = tpu.vector_load %arg10[%get3A_226, %get3A_227] {strides = array<i32>} : memref<16x512xf32, #tpu.memory_space<vmem>>, vector<1x16xf32>,
        %get3A_229 = vector.shape_cast %get3A_228 : vector<1x16xf32> to vector<16xf32>
        %add3A_230 = arith.addf %get3A_225, %get3A_229 : vector<16xf32>
        %swap3A_231 = arith.index_cast %add3A_166 : i32 to index
        %swap3A_232 = arith.constant 64 : index
        %swap3A_233 = tpu.vector_load %arg7[%swap3A_231, %swap3A_232] {strides = array<i32>} : memref<64x512xf32, #tpu.memory_space<vmem>>, vector<1x16xf32>,
        %swap3A_234 = vector.shape_cast %swap3A_233 : vector<1x16xf32> to vector<16xf32>
        %swap3A_235 = vector.shape_cast %add3A_230 : vector<16xf32> to vector<1x16xf32>
        tpu.vector_store %arg7[%swap3A_231, %swap3A_232], %swap3A_235 {strides = array<i32>} : memref<64x512xf32, #tpu.memory_space<vmem>>, vector<1x16xf32>,
        %get3A_236 = arith.index_cast %add3A_166 : i32 to index
        %get3A_237 = arith.constant 80 : index
        %get3A_238 = tpu.vector_load %arg7[%get3A_236, %get3A_237] {strides = array<i32>} : memref<64x512xf32, #tpu.memory_space<vmem>>, vector<1x16xf32>,
        %get3A_239 = vector.shape_cast %get3A_238 : vector<1x16xf32> to vector<16xf32>
        %get3A_240 = arith.index_cast %rem3A_167 : i32 to index
        %get3A_241 = arith.constant 80 : index
        %get3A_242 = tpu.vector_load %arg10[%get3A_240, %get3A_241] {strides = array<i32>} : memref<16x512xf32, #tpu.memory_space<vmem>>, vector<1x16xf32>,
        %get3A_243 = vector.shape_cast %get3A_242 : vector<1x16xf32> to vector<16xf32>
        %add3A_244 = arith.addf %get3A_239, %get3A_243 : vector<16xf32>
        %swap3A_245 = arith.index_cast %add3A_166 : i32 to index
        %swap3A_246 = arith.constant 80 : index
        %swap3A_247 = tpu.vector_load %arg7[%swap3A_245, %swap3A_246] {strides = array<i32>} : memref<64x512xf32, #tpu.memory_space<vmem>>, vector<1x16xf32>,
        %swap3A_248 = vector.shape_cast %swap3A_247 : vector<1x16xf32> to vector<16xf32>
        %swap3A_249 = vector.shape_cast %add3A_244 : vector<16xf32> to vector<1x16xf32>
        tpu.vector_store %arg7[%swap3A_245, %swap3A_246], %swap3A_249 {strides = array<i32>} : memref<64x512xf32, #tpu.memory_space<vmem>>, vector<1x16xf32>,
        %get3A_250 = arith.index_cast %add3A_166 : i32 to index
        %get3A_251 = arith.constant 96 : index
        %get3A_252 = tpu.vector_load %arg7[%get3A_250, %get3A_251] {strides = array<i32>} : memref<64x512xf32, #tpu.memory_space<vmem>>, vector<1x16xf32>,
        %get3A_253 = vector.shape_cast %get3A_252 : vector<1x16xf32> to vector<16xf32>
        %get3A_254 = arith.index_cast %rem3A_167 : i32 to index
        %get3A_255 = arith.constant 96 : index
        %get3A_256 = tpu.vector_load %arg10[%get3A_254, %get3A_255] {strides = array<i32>} : memref<16x512xf32, #tpu.memory_space<vmem>>, vector<1x16xf32>,
        %get3A_257 = vector.shape_cast %get3A_256 : vector<1x16xf32> to vector<16xf32>
        %add3A_258 = arith.addf %get3A_253, %get3A_257 : vector<16xf32>
        %swap3A_259 = arith.index_cast %add3A_166 : i32 to index
        %swap3A_260 = arith.constant 96 : index
        %swap3A_261 = tpu.vector_load %arg7[%swap3A_259, %swap3A_260] {strides = array<i32>} : memref<64x512xf32, #tpu.memory_space<vmem>>, vector<1x16xf32>,
        %swap3A_262 = vector.shape_cast %swap3A_261 : vector<1x16xf32> to vector<16xf32>
        %swap3A_263 = vector.shape_cast %add3A_258 : vector<16xf32> to vector<1x16xf32>
        tpu.vector_store %arg7[%swap3A_259, %swap3A_260], %swap3A_263 {strides = array<i32>} : memref<64x512xf32, #tpu.memory_space<vmem>>, vector<1x16xf32>,
        %get3A_264 = arith.index_cast %add3A_166 : i32 to index
        %get3A_265 = arith.constant 112 : index
        %get3A_266 = tpu.vector_load %arg7[%get3A_264, %get3A_265] {strides = array<i32>} : memref<64x512xf32, #tpu.memory_space<vmem>>, vector<1x16xf32>,
        %get3A_267 = vector.shape_cast %get3A_266 : vector<1x16xf32> to vector<16xf32>
        %get3A_268 = arith.index_cast %rem3A_167 : i32 to index
        %get3A_269 = arith.constant 112 : index
        %get3A_270 = tpu.vector_load %arg10[%get3A_268, %get3A_269] {strides = array<i32>} : memref<16x512xf32, #tpu.memory_space<vmem>>, vector<1x16xf32>,
        %get3A_271 = vector.shape_cast %get3A_270 : vector<1x16xf32> to vector<16xf32>
        %add3A_272 = arith.addf %get3A_267, %get3A_271 : vector<16xf32>
        %swap3A_273 = arith.index_cast %add3A_166 : i32 to index
        %swap3A_274 = arith.constant 112 : index
        %swap3A_275 = tpu.vector_load %arg7[%swap3A_273, %swap3A_274] {strides = array<i32>} : memref<64x512xf32, #tpu.memory_space<vmem>>, vector<1x16xf32>,
        %swap3A_276 = vector.shape_cast %swap3A_275 : vector<1x16xf32> to vector<16xf32>
        %swap3A_277 = vector.shape_cast %add3A_272 : vector<16xf32> to vector<1x16xf32>
        tpu.vector_store %arg7[%swap3A_273, %swap3A_274], %swap3A_277 {strides = array<i32>} : memref<64x512xf32, #tpu.memory_space<vmem>>, vector<1x16xf32>,
        %get3A_278 = arith.index_cast %add3A_166 : i32 to index
        %get3A_279 = arith.constant 128 : index
        %get3A_280 = tpu.vector_load %arg7[%get3A_278, %get3A_279] {strides = array<i32>} : memref<64x512xf32, #tpu.memory_space<vmem>>, vector<1x16xf32>,
        %get3A_281 = vector.shape_cast %get3A_280 : vector<1x16xf32> to vector<16xf32>
        %get3A_282 = arith.index_cast %rem3A_167 : i32 to index
        %get3A_283 = arith.constant 128 : index
        %get3A_284 = tpu.vector_load %arg10[%get3A_282, %get3A_283] {strides = array<i32>} : memref<16x512xf32, #tpu.memory_space<vmem>>, vector<1x16xf32>,
        %get3A_285 = vector.shape_cast %get3A_284 : vector<1x16xf32> to vector<16xf32>
        %add3A_286 = arith.addf %get3A_281, %get3A_285 : vector<16xf32>
        %swap3A_287 = arith.index_cast %add3A_166 : i32 to index
        %swap3A_288 = arith.constant 128 : index
        %swap3A_289 = tpu.vector_load %arg7[%swap3A_287, %swap3A_288] {strides = array<i32>} : memref<64x512xf32, #tpu.memory_space<vmem>>, vector<1x16xf32>,
        %swap3A_290 = vector.shape_cast %swap3A_289 : vector<1x16xf32> to vector<16xf32>
        %swap3A_291 = vector.shape_cast %add3A_286 : vector<16xf32> to vector<1x16xf32>
        tpu.vector_store %arg7[%swap3A_287, %swap3A_288], %swap3A_291 {strides = array<i32>} : memref<64x512xf32, #tpu.memory_space<vmem>>, vector<1x16xf32>,
        %get3A_292 = arith.index_cast %add3A_166 : i32 to index
        %get3A_293 = arith.constant 144 : index
        %get3A_294 = tpu.vector_load %arg7[%get3A_292, %get3A_293] {strides = array<i32>} : memref<64x512xf32, #tpu.memory_space<vmem>>, vector<1x16xf32>,
        %get3A_295 = vector.shape_cast %get3A_294 : vector<1x16xf32> to vector<16xf32>
        %get3A_296 = arith.index_cast %rem3A_167 : i32 to index
        %get3A_297 = arith.constant 144 : index
        %get3A_298 = tpu.vector_load %arg10[%get3A_296, %get3A_297] {strides = array<i32>} : memref<16x512xf32, #tpu.memory_space<vmem>>, vector<1x16xf32>,
        %get3A_299 = vector.shape_cast %get3A_298 : vector<1x16xf32> to vector<16xf32>
        %add3A_300 = arith.addf %get3A_295, %get3A_299 : vector<16xf32>
        %swap3A_301 = arith.index_cast %add3A_166 : i32 to index
        %swap3A_302 = arith.constant 144 : index
        %swap3A_303 = tpu.vector_load %arg7[%swap3A_301, %swap3A_302] {strides = array<i32>} : memref<64x512xf32, #tpu.memory_space<vmem>>, vector<1x16xf32>,
        %swap3A_304 = vector.shape_cast %swap3A_303 : vector<1x16xf32> to vector<16xf32>
        %swap3A_305 = vector.shape_cast %add3A_300 : vector<16xf32> to vector<1x16xf32>
        tpu.vector_store %arg7[%swap3A_301, %swap3A_302], %swap3A_305 {strides = array<i32>} : memref<64x512xf32, #tpu.memory_space<vmem>>, vector<1x16xf32>,
        %get3A_306 = arith.index_cast %add3A_166 : i32 to index
        %get3A_307 = arith.constant 160 : index
        %get3A_308 = tpu.vector_load %arg7[%get3A_306, %get3A_307] {strides = array<i32>} : memref<64x512xf32, #tpu.memory_space<vmem>>, vector<1x16xf32>,
        %get3A_309 = vector.shape_cast %get3A_308 : vector<1x16xf32> to vector<16xf32>
        %get3A_310 = arith.index_cast %rem3A_167 : i32 to index
        %get3A_311 = arith.constant 160 : index
        %get3A_312 = tpu.vector_load %arg10[%get3A_310, %get3A_311] {strides = array<i32>} : memref<16x512xf32, #tpu.memory_space<vmem>>, vector<1x16xf32>,
        %get3A_313 = vector.shape_cast %get3A_312 : vector<1x16xf32> to vector<16xf32>
        %add3A_314 = arith.addf %get3A_309, %get3A_313 : vector<16xf32>
        %swap3A_315 = arith.index_cast %add3A_166 : i32 to index
        %swap3A_316 = arith.constant 160 : index
        %swap3A_317 = tpu.vector_load %arg7[%swap3A_315, %swap3A_316] {strides = array<i32>} : memref<64x512xf32, #tpu.memory_space<vmem>>, vector<1x16xf32>,
        %swap3A_318 = vector.shape_cast %swap3A_317 : vector<1x16xf32> to vector<16xf32>
        %swap3A_319 = vector.shape_cast %add3A_314 : vector<16xf32> to vector<1x16xf32>
        tpu.vector_store %arg7[%swap3A_315, %swap3A_316], %swap3A_319 {strides = array<i32>} : memref<64x512xf32, #tpu.memory_space<vmem>>, vector<1x16xf32>,
        %get3A_320 = arith.index_cast %add3A_166 : i32 to index
        %get3A_321 = arith.constant 176 : index
        %get3A_322 = tpu.vector_load %arg7[%get3A_320, %get3A_321] {strides = array<i32>} : memref<64x512xf32, #tpu.memory_space<vmem>>, vector<1x16xf32>,
        %get3A_323 = vector.shape_cast %get3A_322 : vector<1x16xf32> to vector<16xf32>
        %get3A_324 = arith.index_cast %rem3A_167 : i32 to index
        %get3A_325 = arith.constant 176 : index
        %get3A_326 = tpu.vector_load %arg10[%get3A_324, %get3A_325] {strides = array<i32>} : memref<16x512xf32, #tpu.memory_space<vmem>>, vector<1x16xf32>,
        %get3A_327 = vector.shape_cast %get3A_326 : vector<1x16xf32> to vector<16xf32>
        %add3A_328 = arith.addf %get3A_323, %get3A_327 : vector<16xf32>
        %swap3A_329 = arith.index_cast %add3A_166 : i32 to index
        %swap3A_330 = arith.constant 176 : index
        %swap3A_331 = tpu.vector_load %arg7[%swap3A_329, %swap3A_330] {strides = array<i32>} : memref<64x512xf32, #tpu.memory_space<vmem>>, vector<1x16xf32>,
        %swap3A_332 = vector.shape_cast %swap3A_331 : vector<1x16xf32> to vector<16xf32>
        %swap3A_333 = vector.shape_cast %add3A_328 : vector<16xf32> to vector<1x16xf32>
        tpu.vector_store %arg7[%swap3A_329, %swap3A_330], %swap3A_333 {strides = array<i32>} : memref<64x512xf32, #tpu.memory_space<vmem>>, vector<1x16xf32>,
        %get3A_334 = arith.index_cast %add3A_166 : i32 to index
        %get3A_335 = arith.constant 192 : index
        %get3A_336 = tpu.vector_load %arg7[%get3A_334, %get3A_335] {strides = array<i32>} : memref<64x512xf32, #tpu.memory_space<vmem>>, vector<1x16xf32>,
        %get3A_337 = vector.shape_cast %get3A_336 : vector<1x16xf32> to vector<16xf32>
        %get3A_338 = arith.index_cast %rem3A_167 : i32 to index
        %get3A_339 = arith.constant 192 : index
        %get3A_340 = tpu.vector_load %arg10[%get3A_338, %get3A_339] {strides = array<i32>} : memref<16x512xf32, #tpu.memory_space<vmem>>, vector<1x16xf32>,
        %get3A_341 = vector.shape_cast %get3A_340 : vector<1x16xf32> to vector<16xf32>
        %add3A_342 = arith.addf %get3A_337, %get3A_341 : vector<16xf32>
        %swap3A_343 = arith.index_cast %add3A_166 : i32 to index
        %swap3A_344 = arith.constant 192 : index
        %swap3A_345 = tpu.vector_load %arg7[%swap3A_343, %swap3A_344] {strides = array<i32>} : memref<64x512xf32, #tpu.memory_space<vmem>>, vector<1x16xf32>,
        %swap3A_346 = vector.shape_cast %swap3A_345 : vector<1x16xf32> to vector<16xf32>
        %swap3A_347 = vector.shape_cast %add3A_342 : vector<16xf32> to vector<1x16xf32>
        tpu.vector_store %arg7[%swap3A_343, %swap3A_344], %swap3A_347 {strides = array<i32>} : memref<64x512xf32, #tpu.memory_space<vmem>>, vector<1x16xf32>,
        %get3A_348 = arith.index_cast %add3A_166 : i32 to index
        %get3A_349 = arith.constant 208 : index
        %get3A_350 = tpu.vector_load %arg7[%get3A_348, %get3A_349] {strides = array<i32>} : memref<64x512xf32, #tpu.memory_space<vmem>>, vector<1x16xf32>,
        %get3A_351 = vector.shape_cast %get3A_350 : vector<1x16xf32> to vector<16xf32>
        %get3A_352 = arith.index_cast %rem3A_167 : i32 to index
        %get3A_353 = arith.constant 208 : index
        %get3A_354 = tpu.vector_load %arg10[%get3A_352, %get3A_353] {strides = array<i32>} : memref<16x512xf32, #tpu.memory_space<vmem>>, vector<1x16xf32>,
        %get3A_355 = vector.shape_cast %get3A_354 : vector<1x16xf32> to vector<16xf32>
        %add3A_356 = arith.addf %get3A_351, %get3A_355 : vector<16xf32>
        %swap3A_357 = arith.index_cast %add3A_166 : i32 to index
        %swap3A_358 = arith.constant 208 : index
        %swap3A_359 = tpu.vector_load %arg7[%swap3A_357, %swap3A_358] {strides = array<i32>} : memref<64x512xf32, #tpu.memory_space<vmem>>, vector<1x16xf32>,
        %swap3A_360 = vector.shape_cast %swap3A_359 : vector<1x16xf32> to vector<16xf32>
        %swap3A_361 = vector.shape_cast %add3A_356 : vector<16xf32> to vector<1x16xf32>
        tpu.vector_store %arg7[%swap3A_357, %swap3A_358], %swap3A_361 {strides = array<i32>} : memref<64x512xf32, #tpu.memory_space<vmem>>, vector<1x16xf32>,
        %get3A_362 = arith.index_cast %add3A_166 : i32 to index
        %get3A_363 = arith.constant 224 : index
        %get3A_364 = tpu.vector_load %arg7[%get3A_362, %get3A_363] {strides = array<i32>} : memref<64x512xf32, #tpu.memory_space<vmem>>, vector<1x16xf32>,
        %get3A_365 = vector.shape_cast %get3A_364 : vector<1x16xf32> to vector<16xf32>
        %get3A_366 = arith.index_cast %rem3A_167 : i32 to index
        %get3A_367 = arith.constant 224 : index
        %get3A_368 = tpu.vector_load %arg10[%get3A_366, %get3A_367] {strides = array<i32>} : memref<16x512xf32, #tpu.memory_space<vmem>>, vector<1x16xf32>,
        %get3A_369 = vector.shape_cast %get3A_368 : vector<1x16xf32> to vector<16xf32>
        %add3A_370 = arith.addf %get3A_365, %get3A_369 : vector<16xf32>
        %swap3A_371 = arith.index_cast %add3A_166 : i32 to index
        %swap3A_372 = arith.constant 224 : index
        %swap3A_373 = tpu.vector_load %arg7[%swap3A_371, %swap3A_372] {strides = array<i32>} : memref<64x512xf32, #tpu.memory_space<vmem>>, vector<1x16xf32>,
        %swap3A_374 = vector.shape_cast %swap3A_373 : vector<1x16xf32> to vector<16xf32>
        %swap3A_375 = vector.shape_cast %add3A_370 : vector<16xf32> to vector<1x16xf32>
        tpu.vector_store %arg7[%swap3A_371, %swap3A_372], %swap3A_375 {strides = array<i32>} : memref<64x512xf32, #tpu.memory_space<vmem>>, vector<1x16xf32>,
        %get3A_376 = arith.index_cast %add3A_166 : i32 to index
        %get3A_377 = arith.constant 240 : index
        %get3A_378 = tpu.vector_load %arg7[%get3A_376, %get3A_377] {strides = array<i32>} : memref<64x512xf32, #tpu.memory_space<vmem>>, vector<1x16xf32>,
        %get3A_379 = vector.shape_cast %get3A_378 : vector<1x16xf32> to vector<16xf32>
        %get3A_380 = arith.index_cast %rem3A_167 : i32 to index
        %get3A_381 = arith.constant 240 : index
        %get3A_382 = tpu.vector_load %arg10[%get3A_380, %get3A_381] {strides = array<i32>} : memref<16x512xf32, #tpu.memory_space<vmem>>, vector<1x16xf32>,
        %get3A_383 = vector.shape_cast %get3A_382 : vector<1x16xf32> to vector<16xf32>
        %add3A_384 = arith.addf %get3A_379, %get3A_383 : vector<16xf32>
        %swap3A_385 = arith.index_cast %add3A_166 : i32 to index
        %swap3A_386 = arith.constant 240 : index
        %swap3A_387 = tpu.vector_load %arg7[%swap3A_385, %swap3A_386] {strides = array<i32>} : memref<64x512xf32, #tpu.memory_space<vmem>>, vector<1x16xf32>,
        %swap3A_388 = vector.shape_cast %swap3A_387 : vector<1x16xf32> to vector<16xf32>
        %swap3A_389 = vector.shape_cast %add3A_384 : vector<16xf32> to vector<1x16xf32>
        tpu.vector_store %arg7[%swap3A_385, %swap3A_386], %swap3A_389 {strides = array<i32>} : memref<64x512xf32, #tpu.memory_space<vmem>>, vector<1x16xf32>,
        %get3A_390 = arith.index_cast %add3A_166 : i32 to index
        %get3A_391 = arith.constant 256 : index
        %get3A_392 = tpu.vector_load %arg7[%get3A_390, %get3A_391] {strides = array<i32>} : memref<64x512xf32, #tpu.memory_space<vmem>>, vector<1x16xf32>,
        %get3A_393 = vector.shape_cast %get3A_392 : vector<1x16xf32> to vector<16xf32>
        %get3A_394 = arith.index_cast %rem3A_167 : i32 to index
        %get3A_395 = arith.constant 256 : index
        %get3A_396 = tpu.vector_load %arg10[%get3A_394, %get3A_395] {strides = array<i32>} : memref<16x512xf32, #tpu.memory_space<vmem>>, vector<1x16xf32>,
        %get3A_397 = vector.shape_cast %get3A_396 : vector<1x16xf32> to vector<16xf32>
        %add3A_398 = arith.addf %get3A_393, %get3A_397 : vector<16xf32>
        %swap3A_399 = arith.index_cast %add3A_166 : i32 to index
        %swap3A_400 = arith.constant 256 : index
        %swap3A_401 = tpu.vector_load %arg7[%swap3A_399, %swap3A_400] {strides = array<i32>} : memref<64x512xf32, #tpu.memory_space<vmem>>, vector<1x16xf32>,
        %swap3A_402 = vector.shape_cast %swap3A_401 : vector<1x16xf32> to vector<16xf32>
        %swap3A_403 = vector.shape_cast %add3A_398 : vector<16xf32> to vector<1x16xf32>
        tpu.vector_store %arg7[%swap3A_399, %swap3A_400], %swap3A_403 {strides = array<i32>} : memref<64x512xf32, #tpu.memory_space<vmem>>, vector<1x16xf32>,
        %get3A_404 = arith.index_cast %add3A_166 : i32 to index
        %get3A_405 = arith.constant 272 : index
        %get3A_406 = tpu.vector_load %arg7[%get3A_404, %get3A_405] {strides = array<i32>} : memref<64x512xf32, #tpu.memory_space<vmem>>, vector<1x16xf32>,
        %get3A_407 = vector.shape_cast %get3A_406 : vector<1x16xf32> to vector<16xf32>
        %get3A_408 = arith.index_cast %rem3A_167 : i32 to index
        %get3A_409 = arith.constant 272 : index
        %get3A_410 = tpu.vector_load %arg10[%get3A_408, %get3A_409] {strides = array<i32>} : memref<16x512xf32, #tpu.memory_space<vmem>>, vector<1x16xf32>,
        %get3A_411 = vector.shape_cast %get3A_410 : vector<1x16xf32> to vector<16xf32>
        %add3A_412 = arith.addf %get3A_407, %get3A_411 : vector<16xf32>
        %swap3A_413 = arith.index_cast %add3A_166 : i32 to index
        %swap3A_414 = arith.constant 272 : index
        %swap3A_415 = tpu.vector_load %arg7[%swap3A_413, %swap3A_414] {strides = array<i32>} : memref<64x512xf32, #tpu.memory_space<vmem>>, vector<1x16xf32>,
        %swap3A_416 = vector.shape_cast %swap3A_415 : vector<1x16xf32> to vector<16xf32>
        %swap3A_417 = vector.shape_cast %add3A_412 : vector<16xf32> to vector<1x16xf32>
        tpu.vector_store %arg7[%swap3A_413, %swap3A_414], %swap3A_417 {strides = array<i32>} : memref<64x512xf32, #tpu.memory_space<vmem>>, vector<1x16xf32>,
        %get3A_418 = arith.index_cast %add3A_166 : i32 to index
        %get3A_419 = arith.constant 288 : index
        %get3A_420 = tpu.vector_load %arg7[%get3A_418, %get3A_419] {strides = array<i32>} : memref<64x512xf32, #tpu.memory_space<vmem>>, vector<1x16xf32>,
        %get3A_421 = vector.shape_cast %get3A_420 : vector<1x16xf32> to vector<16xf32>
        %get3A_422 = arith.index_cast %rem3A_167 : i32 to index
        %get3A_423 = arith.constant 288 : index
        %get3A_424 = tpu.vector_load %arg10[%get3A_422, %get3A_423] {strides = array<i32>} : memref<16x512xf32, #tpu.memory_space<vmem>>, vector<1x16xf32>,
        %get3A_425 = vector.shape_cast %get3A_424 : vector<1x16xf32> to vector<16xf32>
        %add3A_426 = arith.addf %get3A_421, %get3A_425 : vector<16xf32>
        %swap3A_427 = arith.index_cast %add3A_166 : i32 to index
        %swap3A_428 = arith.constant 288 : index
        %swap3A_429 = tpu.vector_load %arg7[%swap3A_427, %swap3A_428] {strides = array<i32>} : memref<64x512xf32, #tpu.memory_space<vmem>>, vector<1x16xf32>,
        %swap3A_430 = vector.shape_cast %swap3A_429 : vector<1x16xf32> to vector<16xf32>
        %swap3A_431 = vector.shape_cast %add3A_426 : vector<16xf32> to vector<1x16xf32>
        tpu.vector_store %arg7[%swap3A_427, %swap3A_428], %swap3A_431 {strides = array<i32>} : memref<64x512xf32, #tpu.memory_space<vmem>>, vector<1x16xf32>,
        %get3A_432 = arith.index_cast %add3A_166 : i32 to index
        %get3A_433 = arith.constant 304 : index
        %get3A_434 = tpu.vector_load %arg7[%get3A_432, %get3A_433] {strides = array<i32>} : memref<64x512xf32, #tpu.memory_space<vmem>>, vector<1x16xf32>,
        %get3A_435 = vector.shape_cast %get3A_434 : vector<1x16xf32> to vector<16xf32>
        %get3A_436 = arith.index_cast %rem3A_167 : i32 to index
        %get3A_437 = arith.constant 304 : index
        %get3A_438 = tpu.vector_load %arg10[%get3A_436, %get3A_437] {strides = array<i32>} : memref<16x512xf32, #tpu.memory_space<vmem>>, vector<1x16xf32>,
        %get3A_439 = vector.shape_cast %get3A_438 : vector<1x16xf32> to vector<16xf32>
        %add3A_440 = arith.addf %get3A_435, %get3A_439 : vector<16xf32>
        %swap3A_441 = arith.index_cast %add3A_166 : i32 to index
        %swap3A_442 = arith.constant 304 : index
        %swap3A_443 = tpu.vector_load %arg7[%swap3A_441, %swap3A_442] {strides = array<i32>} : memref<64x512xf32, #tpu.memory_space<vmem>>, vector<1x16xf32>,
        %swap3A_444 = vector.shape_cast %swap3A_443 : vector<1x16xf32> to vector<16xf32>
        %swap3A_445 = vector.shape_cast %add3A_440 : vector<16xf32> to vector<1x16xf32>
        tpu.vector_store %arg7[%swap3A_441, %swap3A_442], %swap3A_445 {strides = array<i32>} : memref<64x512xf32, #tpu.memory_space<vmem>>, vector<1x16xf32>,
        %get3A_446 = arith.index_cast %add3A_166 : i32 to index
        %get3A_447 = arith.constant 320 : index
        %get3A_448 = tpu.vector_load %arg7[%get3A_446, %get3A_447] {strides = array<i32>} : memref<64x512xf32, #tpu.memory_space<vmem>>, vector<1x16xf32>,
        %get3A_449 = vector.shape_cast %get3A_448 : vector<1x16xf32> to vector<16xf32>
        %get3A_450 = arith.index_cast %rem3A_167 : i32 to index
        %get3A_451 = arith.constant 320 : index
        %get3A_452 = tpu.vector_load %arg10[%get3A_450, %get3A_451] {strides = array<i32>} : memref<16x512xf32, #tpu.memory_space<vmem>>, vector<1x16xf32>,
        %get3A_453 = vector.shape_cast %get3A_452 : vector<1x16xf32> to vector<16xf32>
        %add3A_454 = arith.addf %get3A_449, %get3A_453 : vector<16xf32>
        %swap3A_455 = arith.index_cast %add3A_166 : i32 to index
        %swap3A_456 = arith.constant 320 : index
        %swap3A_457 = tpu.vector_load %arg7[%swap3A_455, %swap3A_456] {strides = array<i32>} : memref<64x512xf32, #tpu.memory_space<vmem>>, vector<1x16xf32>,
        %swap3A_458 = vector.shape_cast %swap3A_457 : vector<1x16xf32> to vector<16xf32>
        %swap3A_459 = vector.shape_cast %add3A_454 : vector<16xf32> to vector<1x16xf32>
        tpu.vector_store %arg7[%swap3A_455, %swap3A_456], %swap3A_459 {strides = array<i32>} : memref<64x512xf32, #tpu.memory_space<vmem>>, vector<1x16xf32>,
        %get3A_460 = arith.index_cast %add3A_166 : i32 to index
        %get3A_461 = arith.constant 336 : index
        %get3A_462 = tpu.vector_load %arg7[%get3A_460, %get3A_461] {strides = array<i32>} : memref<64x512xf32, #tpu.memory_space<vmem>>, vector<1x16xf32>,
        %get3A_463 = vector.shape_cast %get3A_462 : vector<1x16xf32> to vector<16xf32>
        %get3A_464 = arith.index_cast %rem3A_167 : i32 to index
        %get3A_465 = arith.constant 336 : index
        %get3A_466 = tpu.vector_load %arg10[%get3A_464, %get3A_465] {strides = array<i32>} : memref<16x512xf32, #tpu.memory_space<vmem>>, vector<1x16xf32>,
        %get3A_467 = vector.shape_cast %get3A_466 : vector<1x16xf32> to vector<16xf32>
        %add3A_468 = arith.addf %get3A_463, %get3A_467 : vector<16xf32>
        %swap3A_469 = arith.index_cast %add3A_166 : i32 to index
        %swap3A_470 = arith.constant 336 : index
        %swap3A_471 = tpu.vector_load %arg7[%swap3A_469, %swap3A_470] {strides = array<i32>} : memref<64x512xf32, #tpu.memory_space<vmem>>, vector<1x16xf32>,
        %swap3A_472 = vector.shape_cast %swap3A_471 : vector<1x16xf32> to vector<16xf32>
        %swap3A_473 = vector.shape_cast %add3A_468 : vector<16xf32> to vector<1x16xf32>
        tpu.vector_store %arg7[%swap3A_469, %swap3A_470], %swap3A_473 {strides = array<i32>} : memref<64x512xf32, #tpu.memory_space<vmem>>, vector<1x16xf32>,
        %get3A_474 = arith.index_cast %add3A_166 : i32 to index
        %get3A_475 = arith.constant 352 : index
        %get3A_476 = tpu.vector_load %arg7[%get3A_474, %get3A_475] {strides = array<i32>} : memref<64x512xf32, #tpu.memory_space<vmem>>, vector<1x16xf32>,
        %get3A_477 = vector.shape_cast %get3A_476 : vector<1x16xf32> to vector<16xf32>
        %get3A_478 = arith.index_cast %rem3A_167 : i32 to index
        %get3A_479 = arith.constant 352 : index
        %get3A_480 = tpu.vector_load %arg10[%get3A_478, %get3A_479] {strides = array<i32>} : memref<16x512xf32, #tpu.memory_space<vmem>>, vector<1x16xf32>,
        %get3A_481 = vector.shape_cast %get3A_480 : vector<1x16xf32> to vector<16xf32>
        %add3A_482 = arith.addf %get3A_477, %get3A_481 : vector<16xf32>
        %swap3A_483 = arith.index_cast %add3A_166 : i32 to index
        %swap3A_484 = arith.constant 352 : index
        %swap3A_485 = tpu.vector_load %arg7[%swap3A_483, %swap3A_484] {strides = array<i32>} : memref<64x512xf32, #tpu.memory_space<vmem>>, vector<1x16xf32>,
        %swap3A_486 = vector.shape_cast %swap3A_485 : vector<1x16xf32> to vector<16xf32>
        %swap3A_487 = vector.shape_cast %add3A_482 : vector<16xf32> to vector<1x16xf32>
        tpu.vector_store %arg7[%swap3A_483, %swap3A_484], %swap3A_487 {strides = array<i32>} : memref<64x512xf32, #tpu.memory_space<vmem>>, vector<1x16xf32>,
        %get3A_488 = arith.index_cast %add3A_166 : i32 to index
        %get3A_489 = arith.constant 368 : index
        %get3A_490 = tpu.vector_load %arg7[%get3A_488, %get3A_489] {strides = array<i32>} : memref<64x512xf32, #tpu.memory_space<vmem>>, vector<1x16xf32>,
        %get3A_491 = vector.shape_cast %get3A_490 : vector<1x16xf32> to vector<16xf32>
        %get3A_492 = arith.index_cast %rem3A_167 : i32 to index
        %get3A_493 = arith.constant 368 : index
        %get3A_494 = tpu.vector_load %arg10[%get3A_492, %get3A_493] {strides = array<i32>} : memref<16x512xf32, #tpu.memory_space<vmem>>, vector<1x16xf32>,
        %get3A_495 = vector.shape_cast %get3A_494 : vector<1x16xf32> to vector<16xf32>
        %add3A_496 = arith.addf %get3A_491, %get3A_495 : vector<16xf32>
        %swap3A_497 = arith.index_cast %add3A_166 : i32 to index
        %swap3A_498 = arith.constant 368 : index
        %swap3A_499 = tpu.vector_load %arg7[%swap3A_497, %swap3A_498] {strides = array<i32>} : memref<64x512xf32, #tpu.memory_space<vmem>>, vector<1x16xf32>,
        %swap3A_500 = vector.shape_cast %swap3A_499 : vector<1x16xf32> to vector<16xf32>
        %swap3A_501 = vector.shape_cast %add3A_496 : vector<16xf32> to vector<1x16xf32>
        tpu.vector_store %arg7[%swap3A_497, %swap3A_498], %swap3A_501 {strides = array<i32>} : memref<64x512xf32, #tpu.memory_space<vmem>>, vector<1x16xf32>,
        %get3A_502 = arith.index_cast %add3A_166 : i32 to index
        %get3A_503 = arith.constant 384 : index
        %get3A_504 = tpu.vector_load %arg7[%get3A_502, %get3A_503] {strides = array<i32>} : memref<64x512xf32, #tpu.memory_space<vmem>>, vector<1x16xf32>,
        %get3A_505 = vector.shape_cast %get3A_504 : vector<1x16xf32> to vector<16xf32>
        %get3A_506 = arith.index_cast %rem3A_167 : i32 to index
        %get3A_507 = arith.constant 384 : index
        %get3A_508 = tpu.vector_load %arg10[%get3A_506, %get3A_507] {strides = array<i32>} : memref<16x512xf32, #tpu.memory_space<vmem>>, vector<1x16xf32>,
        %get3A_509 = vector.shape_cast %get3A_508 : vector<1x16xf32> to vector<16xf32>
        %add3A_510 = arith.addf %get3A_505, %get3A_509 : vector<16xf32>
        %swap3A_511 = arith.index_cast %add3A_166 : i32 to index
        %swap3A_512 = arith.constant 384 : index
        %swap3A_513 = tpu.vector_load %arg7[%swap3A_511, %swap3A_512] {strides = array<i32>} : memref<64x512xf32, #tpu.memory_space<vmem>>, vector<1x16xf32>,
        %swap3A_514 = vector.shape_cast %swap3A_513 : vector<1x16xf32> to vector<16xf32>
        %swap3A_515 = vector.shape_cast %add3A_510 : vector<16xf32> to vector<1x16xf32>
        tpu.vector_store %arg7[%swap3A_511, %swap3A_512], %swap3A_515 {strides = array<i32>} : memref<64x512xf32, #tpu.memory_space<vmem>>, vector<1x16xf32>,
        %get3A_516 = arith.index_cast %add3A_166 : i32 to index
        %get3A_517 = arith.constant 400 : index
        %get3A_518 = tpu.vector_load %arg7[%get3A_516, %get3A_517] {strides = array<i32>} : memref<64x512xf32, #tpu.memory_space<vmem>>, vector<1x16xf32>,
        %get3A_519 = vector.shape_cast %get3A_518 : vector<1x16xf32> to vector<16xf32>
        %get3A_520 = arith.index_cast %rem3A_167 : i32 to index
        %get3A_521 = arith.constant 400 : index
        %get3A_522 = tpu.vector_load %arg10[%get3A_520, %get3A_521] {strides = array<i32>} : memref<16x512xf32, #tpu.memory_space<vmem>>, vector<1x16xf32>,
        %get3A_523 = vector.shape_cast %get3A_522 : vector<1x16xf32> to vector<16xf32>
        %add3A_524 = arith.addf %get3A_519, %get3A_523 : vector<16xf32>
        %swap3A_525 = arith.index_cast %add3A_166 : i32 to index
        %swap3A_526 = arith.constant 400 : index
        %swap3A_527 = tpu.vector_load %arg7[%swap3A_525, %swap3A_526] {strides = array<i32>} : memref<64x512xf32, #tpu.memory_space<vmem>>, vector<1x16xf32>,
        %swap3A_528 = vector.shape_cast %swap3A_527 : vector<1x16xf32> to vector<16xf32>
        %swap3A_529 = vector.shape_cast %add3A_524 : vector<16xf32> to vector<1x16xf32>
        tpu.vector_store %arg7[%swap3A_525, %swap3A_526], %swap3A_529 {strides = array<i32>} : memref<64x512xf32, #tpu.memory_space<vmem>>, vector<1x16xf32>,
        %get3A_530 = arith.index_cast %add3A_166 : i32 to index
        %get3A_531 = arith.constant 416 : index
        %get3A_532 = tpu.vector_load %arg7[%get3A_530, %get3A_531] {strides = array<i32>} : memref<64x512xf32, #tpu.memory_space<vmem>>, vector<1x16xf32>,
        %get3A_533 = vector.shape_cast %get3A_532 : vector<1x16xf32> to vector<16xf32>
        %get3A_534 = arith.index_cast %rem3A_167 : i32 to index
        %get3A_535 = arith.constant 416 : index
        %get3A_536 = tpu.vector_load %arg10[%get3A_534, %get3A_535] {strides = array<i32>} : memref<16x512xf32, #tpu.memory_space<vmem>>, vector<1x16xf32>,
        %get3A_537 = vector.shape_cast %get3A_536 : vector<1x16xf32> to vector<16xf32>
        %add3A_538 = arith.addf %get3A_533, %get3A_537 : vector<16xf32>
        %swap3A_539 = arith.index_cast %add3A_166 : i32 to index
        %swap3A_540 = arith.constant 416 : index
        %swap3A_541 = tpu.vector_load %arg7[%swap3A_539, %swap3A_540] {strides = array<i32>} : memref<64x512xf32, #tpu.memory_space<vmem>>, vector<1x16xf32>,
        %swap3A_542 = vector.shape_cast %swap3A_541 : vector<1x16xf32> to vector<16xf32>
        %swap3A_543 = vector.shape_cast %add3A_538 : vector<16xf32> to vector<1x16xf32>
        tpu.vector_store %arg7[%swap3A_539, %swap3A_540], %swap3A_543 {strides = array<i32>} : memref<64x512xf32, #tpu.memory_space<vmem>>, vector<1x16xf32>,
        %get3A_544 = arith.index_cast %add3A_166 : i32 to index
        %get3A_545 = arith.constant 432 : index
        %get3A_546 = tpu.vector_load %arg7[%get3A_544, %get3A_545] {strides = array<i32>} : memref<64x512xf32, #tpu.memory_space<vmem>>, vector<1x16xf32>,
        %get3A_547 = vector.shape_cast %get3A_546 : vector<1x16xf32> to vector<16xf32>
        %get3A_548 = arith.index_cast %rem3A_167 : i32 to index
        %get3A_549 = arith.constant 432 : index
        %get3A_550 = tpu.vector_load %arg10[%get3A_548, %get3A_549] {strides = array<i32>} : memref<16x512xf32, #tpu.memory_space<vmem>>, vector<1x16xf32>,
        %get3A_551 = vector.shape_cast %get3A_550 : vector<1x16xf32> to vector<16xf32>
        %add3A_552 = arith.addf %get3A_547, %get3A_551 : vector<16xf32>
        %swap3A_553 = arith.index_cast %add3A_166 : i32 to index
        %swap3A_554 = arith.constant 432 : index
        %swap3A_555 = tpu.vector_load %arg7[%swap3A_553, %swap3A_554] {strides = array<i32>} : memref<64x512xf32, #tpu.memory_space<vmem>>, vector<1x16xf32>,
        %swap3A_556 = vector.shape_cast %swap3A_555 : vector<1x16xf32> to vector<16xf32>
        %swap3A_557 = vector.shape_cast %add3A_552 : vector<16xf32> to vector<1x16xf32>
        tpu.vector_store %arg7[%swap3A_553, %swap3A_554], %swap3A_557 {strides = array<i32>} : memref<64x512xf32, #tpu.memory_space<vmem>>, vector<1x16xf32>,
        %get3A_558 = arith.index_cast %add3A_166 : i32 to index
        %get3A_559 = arith.constant 448 : index
        %get3A_560 = tpu.vector_load %arg7[%get3A_558, %get3A_559] {strides = array<i32>} : memref<64x512xf32, #tpu.memory_space<vmem>>, vector<1x16xf32>,
        %get3A_561 = vector.shape_cast %get3A_560 : vector<1x16xf32> to vector<16xf32>
        %get3A_562 = arith.index_cast %rem3A_167 : i32 to index
        %get3A_563 = arith.constant 448 : index
        %get3A_564 = tpu.vector_load %arg10[%get3A_562, %get3A_563] {strides = array<i32>} : memref<16x512xf32, #tpu.memory_space<vmem>>, vector<1x16xf32>,
        %get3A_565 = vector.shape_cast %get3A_564 : vector<1x16xf32> to vector<16xf32>
        %add3A_566 = arith.addf %get3A_561, %get3A_565 : vector<16xf32>
        %swap3A_567 = arith.index_cast %add3A_166 : i32 to index
        %swap3A_568 = arith.constant 448 : index
        %swap3A_569 = tpu.vector_load %arg7[%swap3A_567, %swap3A_568] {strides = array<i32>} : memref<64x512xf32, #tpu.memory_space<vmem>>, vector<1x16xf32>,
        %swap3A_570 = vector.shape_cast %swap3A_569 : vector<1x16xf32> to vector<16xf32>
        %swap3A_571 = vector.shape_cast %add3A_566 : vector<16xf32> to vector<1x16xf32>
        tpu.vector_store %arg7[%swap3A_567, %swap3A_568], %swap3A_571 {strides = array<i32>} : memref<64x512xf32, #tpu.memory_space<vmem>>, vector<1x16xf32>,
        %get3A_572 = arith.index_cast %add3A_166 : i32 to index
        %get3A_573 = arith.constant 464 : index
        %get3A_574 = tpu.vector_load %arg7[%get3A_572, %get3A_573] {strides = array<i32>} : memref<64x512xf32, #tpu.memory_space<vmem>>, vector<1x16xf32>,
        %get3A_575 = vector.shape_cast %get3A_574 : vector<1x16xf32> to vector<16xf32>
        %get3A_576 = arith.index_cast %rem3A_167 : i32 to index
        %get3A_577 = arith.constant 464 : index
        %get3A_578 = tpu.vector_load %arg10[%get3A_576, %get3A_577] {strides = array<i32>} : memref<16x512xf32, #tpu.memory_space<vmem>>, vector<1x16xf32>,
        %get3A_579 = vector.shape_cast %get3A_578 : vector<1x16xf32> to vector<16xf32>
        %add3A_580 = arith.addf %get3A_575, %get3A_579 : vector<16xf32>
        %swap3A_581 = arith.index_cast %add3A_166 : i32 to index
        %swap3A_582 = arith.constant 464 : index
        %swap3A_583 = tpu.vector_load %arg7[%swap3A_581, %swap3A_582] {strides = array<i32>} : memref<64x512xf32, #tpu.memory_space<vmem>>, vector<1x16xf32>,
        %swap3A_584 = vector.shape_cast %swap3A_583 : vector<1x16xf32> to vector<16xf32>
        %swap3A_585 = vector.shape_cast %add3A_580 : vector<16xf32> to vector<1x16xf32>
        tpu.vector_store %arg7[%swap3A_581, %swap3A_582], %swap3A_585 {strides = array<i32>} : memref<64x512xf32, #tpu.memory_space<vmem>>, vector<1x16xf32>,
        %get3A_586 = arith.index_cast %add3A_166 : i32 to index
        %get3A_587 = arith.constant 480 : index
        %get3A_588 = tpu.vector_load %arg7[%get3A_586, %get3A_587] {strides = array<i32>} : memref<64x512xf32, #tpu.memory_space<vmem>>, vector<1x16xf32>,
        %get3A_589 = vector.shape_cast %get3A_588 : vector<1x16xf32> to vector<16xf32>
        %get3A_590 = arith.index_cast %rem3A_167 : i32 to index
        %get3A_591 = arith.constant 480 : index
        %get3A_592 = tpu.vector_load %arg10[%get3A_590, %get3A_591] {strides = array<i32>} : memref<16x512xf32, #tpu.memory_space<vmem>>, vector<1x16xf32>,
        %get3A_593 = vector.shape_cast %get3A_592 : vector<1x16xf32> to vector<16xf32>
        %add3A_594 = arith.addf %get3A_589, %get3A_593 : vector<16xf32>
        %swap3A_595 = arith.index_cast %add3A_166 : i32 to index
        %swap3A_596 = arith.constant 480 : index
        %swap3A_597 = tpu.vector_load %arg7[%swap3A_595, %swap3A_596] {strides = array<i32>} : memref<64x512xf32, #tpu.memory_space<vmem>>, vector<1x16xf32>,
        %swap3A_598 = vector.shape_cast %swap3A_597 : vector<1x16xf32> to vector<16xf32>
        %swap3A_599 = vector.shape_cast %add3A_594 : vector<16xf32> to vector<1x16xf32>
        tpu.vector_store %arg7[%swap3A_595, %swap3A_596], %swap3A_599 {strides = array<i32>} : memref<64x512xf32, #tpu.memory_space<vmem>>, vector<1x16xf32>,
        %get3A_600 = arith.index_cast %add3A_166 : i32 to index
        %get3A_601 = arith.constant 496 : index
        %get3A_602 = tpu.vector_load %arg7[%get3A_600, %get3A_601] {strides = array<i32>} : memref<64x512xf32, #tpu.memory_space<vmem>>, vector<1x16xf32>,
        %get3A_603 = vector.shape_cast %get3A_602 : vector<1x16xf32> to vector<16xf32>
        %get3A_604 = arith.index_cast %rem3A_167 : i32 to index
        %get3A_605 = arith.constant 496 : index
        %get3A_606 = tpu.vector_load %arg10[%get3A_604, %get3A_605] {strides = array<i32>} : memref<16x512xf32, #tpu.memory_space<vmem>>, vector<1x16xf32>,
        %get3A_607 = vector.shape_cast %get3A_606 : vector<1x16xf32> to vector<16xf32>
        %add3A_608 = arith.addf %get3A_603, %get3A_607 : vector<16xf32>
        %swap3A_609 = arith.index_cast %add3A_166 : i32 to index
        %swap3A_610 = arith.constant 496 : index
        %swap3A_611 = tpu.vector_load %arg7[%swap3A_609, %swap3A_610] {strides = array<i32>} : memref<64x512xf32, #tpu.memory_space<vmem>>, vector<1x16xf32>,
        %swap3A_612 = vector.shape_cast %swap3A_611 : vector<1x16xf32> to vector<16xf32>
        %swap3A_613 = vector.shape_cast %add3A_608 : vector<16xf32> to vector<1x16xf32>
        tpu.vector_store %arg7[%swap3A_609, %swap3A_610], %swap3A_613 {strides = array<i32>} : memref<64x512xf32, #tpu.memory_space<vmem>>, vector<1x16xf32>,
      }
      %scan3A_147 = arith.constant 64 : i32
      %mul3A_148 = arith.constant 64 : i32
      %mul3A_149 = arith.muli %add3A_135, %mul3A_148 : i32
      %add3A_150 = arith.addi %mul3A_2, %mul3A_149 : i32
      %dma_start3A_151 = arith.constant 0 : i32
      %dma_start3A_152 = tpu.memref_slice %arg5[%add3A_150, %dma_start3A_151] : memref<65536x512xf32, #tpu.memory_space<hbm>> -> memref<64x512xf32, #tpu.memory_space<hbm>>
      %dma_start3A_153 = arith.constant 0 : i32
      %dma_start3A_154 = tpu.memref_slice %arg5[%add3A_150, %dma_start3A_153] : memref<65536x512xf32, #tpu.memory_space<hbm>> -> memref<64x512xf32, #tpu.memory_space<hbm>>
      tpu.enqueue_dma source(%arg7 : memref<64x512xf32, #tpu.memory_space<vmem>>) target(%dma_start3A_154 : memref<64x512xf32, #tpu.memory_space<hbm>>) target_semaphore(%arg14 : memref<!tpu.dma_semaphore, #tpu.memory_space<semaphore_mem>>)
      %add3A_155 = arith.constant 2 : i32
      %add3A_156 = arith.addi %add3A_135, %add3A_155 : i32
      %lt3A_157 = arith.constant 32 : i32
      %lt3A_158 = arith.cmpi slt, %add3A_156, %lt3A_157 : i32
      %convert_element_type3A_159 = arith.extui %lt3A_158 : i1 to i32
      %cond3A_160 = arith.constant 0 : i32
      %cond3A_161 = arith.cmpi ne, %convert_element_type3A_159, %cond3A_160 : i32
      scf.if %cond3A_161 {
        %dma_wait3A_162 = arith.constant 0 : i32
        %dma_wait3A_163 = tpu.memref_slice %arg5[%mul3A_2, %dma_wait3A_162] : memref<65536x512xf32, #tpu.memory_space<hbm>> -> memref<64x512xf32, #tpu.memory_space<hbm>>
        %dma_wait3A_164 = arith.constant 0 : i32
        %dma_wait3A_165 = tpu.memref_slice %arg5[%mul3A_2, %dma_wait3A_164] : memref<65536x512xf32, #tpu.memory_space<hbm>> -> memref<64x512xf32, #tpu.memory_space<hbm>>
        tpu.wait_dma2 semaphore(%arg16 : memref<!tpu.dma_semaphore, #tpu.memory_space<semaphore_mem>>) src(%arg9 : memref<64x512xf32, #tpu.memory_space<vmem>>) dst(%dma_wait3A_165 : memref<64x512xf32, #tpu.memory_space<hbm>>)
        %add3A_166 = arith.constant 2 : i32
        %add3A_167 = arith.addi %add3A_135, %add3A_166 : i32
        %dma_start3A_168 = arith.constant 0 : i32
        %dma_start3A_169 = tpu.memref_slice %arg6[%add3A_167, %dma_start3A_168] : memref<32x64xi32, #tpu.memory_space<vmem>> -> memref<1x64xi32, #tpu.memory_space<vmem>>
        %dma_start3A_170 = tpu.memref_squeeze %dma_start3A_169 : memref<1x64xi32, #tpu.memory_space<vmem>> -> memref<64xi32, #tpu.memory_space<vmem>>
        %dma_start3A_171 = arith.constant 0 : i32
        %dma_start3A_172 = arith.constant 0 : i32
        %dma_start3A_173 = tpu.memref_slice %arg3[%dma_start3A_171, %dma_start3A_172] : memref<100000x512xf32, #tpu.memory_space<hbm>> -> memref<100000x512xf32, #tpu.memory_space<hbm>>
        tpu.enqueue_indirect_dma source(%dma_start3A_173 : memref<100000x512xf32, #tpu.memory_space<hbm>>) target(%arg9 : memref<64x512xf32, #tpu.memory_space<vmem>>) offsets(%dma_start3A_170 : memref<64xi32, #tpu.memory_space<vmem>>) semaphore(%arg13 : memref<!tpu.dma_semaphore, #tpu.memory_space<semaphore_mem>>)
      } else {
      }
    }
    %scan3A_45 = arith.constant 10 : i32
    %dma_wait3A_46 = arith.constant 0 : i32
    %dma_wait3A_47 = arith.constant 0 : i32
    %dma_wait3A_48 = tpu.memref_slice %arg6[%dma_wait3A_46, %dma_wait3A_47] : memref<32x64xi32, #tpu.memory_space<vmem>> -> memref<1x64xi32, #tpu.memory_space<vmem>>
    %dma_wait3A_49 = tpu.memref_squeeze %dma_wait3A_48 : memref<1x64xi32, #tpu.memory_space<vmem>> -> memref<64xi32, #tpu.memory_space<vmem>>
    %dma_wait3A_50 = arith.constant 0 : i32
    %dma_wait3A_51 = arith.constant 0 : i32
    %dma_wait3A_52 = tpu.memref_slice %arg3[%dma_wait3A_50, %dma_wait3A_51] : memref<100000x512xf32, #tpu.memory_space<hbm>> -> memref<100000x512xf32, #tpu.memory_space<hbm>>
    tpu.wait_indirect_dma semaphore(%arg12 : memref<!tpu.dma_semaphore, #tpu.memory_space<semaphore_mem>>) src(%dma_wait3A_52 : memref<100000x512xf32, #tpu.memory_space<hbm>>) dst(%arg8 : memref<64x512xf32, #tpu.memory_space<vmem>>)
    %scan3A_53 = arith.constant 0 : i32
    %scan3A_54 = arith.constant 64 : i32
    %scan3A_55 = arith.addi %scan3A_53, %scan3A_54 : i32
    %scan3A_56 = arith.constant 1 : i32
    scf.for %scan3A_76 = %scan3A_53 to %scan3A_55 step %scan3A_56  : i32 {
      %mul3A_77 = arith.constant 1 : i32
      %mul3A_78 = arith.muli %scan3A_76, %mul3A_77 : i32
      %add3A_79 = arith.constant 0 : i32
      %add3A_80 = arith.addi %add3A_79, %mul3A_78 : i32
      %rem3A = arith.constant 16 : i32
      %rem3A_81 = arith.remsi %add3A_80, %rem3A : i32
      %get3A = arith.index_cast %add3A_80 : i32 to index
      %get3A_82 = arith.constant 0 : index
      %get3A_83 = tpu.vector_load %arg8[%get3A, %get3A_82] {strides = array<i32>} : memref<64x512xf32, #tpu.memory_space<vmem>>, vector<1x16xf32>,
      %get3A_84 = vector.shape_cast %get3A_83 : vector<1x16xf32> to vector<16xf32>
      %get3A_85 = arith.index_cast %rem3A_81 : i32 to index
      %get3A_86 = arith.constant 0 : index
      %get3A_87 = tpu.vector_load %arg10[%get3A_85, %get3A_86] {strides = array<i32>} : memref<16x512xf32, #tpu.memory_space<vmem>>, vector<1x16xf32>,
      %get3A_88 = vector.shape_cast %get3A_87 : vector<1x16xf32> to vector<16xf32>
      %add3A_89 = arith.addf %get3A_84, %get3A_88 : vector<16xf32>
      %swap3A = arith.index_cast %add3A_80 : i32 to index
      %swap3A_90 = arith.constant 0 : index
      %swap3A_91 = tpu.vector_load %arg8[%swap3A, %swap3A_90] {strides = array<i32>} : memref<64x512xf32, #tpu.memory_space<vmem>>, vector<1x16xf32>,
      %swap3A_92 = vector.shape_cast %swap3A_91 : vector<1x16xf32> to vector<16xf32>
      %swap3A_93 = vector.shape_cast %add3A_89 : vector<16xf32> to vector<1x16xf32>
      tpu.vector_store %arg8[%swap3A, %swap3A_90], %swap3A_93 {strides = array<i32>} : memref<64x512xf32, #tpu.memory_space<vmem>>, vector<1x16xf32>,
      %get3A_94 = arith.index_cast %add3A_80 : i32 to index
      %get3A_95 = arith.constant 16 : index
      %get3A_96 = tpu.vector_load %arg8[%get3A_94, %get3A_95] {strides = array<i32>} : memref<64x512xf32, #tpu.memory_space<vmem>>, vector<1x16xf32>,
      %get3A_97 = vector.shape_cast %get3A_96 : vector<1x16xf32> to vector<16xf32>
      %get3A_98 = arith.index_cast %rem3A_81 : i32 to index
      %get3A_99 = arith.constant 16 : index
      %get3A_100 = tpu.vector_load %arg10[%get3A_98, %get3A_99] {strides = array<i32>} : memref<16x512xf32, #tpu.memory_space<vmem>>, vector<1x16xf32>,
      %get3A_101 = vector.shape_cast %get3A_100 : vector<1x16xf32> to vector<16xf32>
      %add3A_102 = arith.addf %get3A_97, %get3A_101 : vector<16xf32>
      %swap3A_103 = arith.index_cast %add3A_80 : i32 to index
      %swap3A_104 = arith.constant 16 : index
      %swap3A_105 = tpu.vector_load %arg8[%swap3A_103, %swap3A_104] {strides = array<i32>} : memref<64x512xf32, #tpu.memory_space<vmem>>, vector<1x16xf32>,
      %swap3A_106 = vector.shape_cast %swap3A_105 : vector<1x16xf32> to vector<16xf32>
      %swap3A_107 = vector.shape_cast %add3A_102 : vector<16xf32> to vector<1x16xf32>
      tpu.vector_store %arg8[%swap3A_103, %swap3A_104], %swap3A_107 {strides = array<i32>} : memref<64x512xf32, #tpu.memory_space<vmem>>, vector<1x16xf32>,
      %get3A_108 = arith.index_cast %add3A_80 : i32 to index
      %get3A_109 = arith.constant 32 : index
      %get3A_110 = tpu.vector_load %arg8[%get3A_108, %get3A_109] {strides = array<i32>} : memref<64x512xf32, #tpu.memory_space<vmem>>, vector<1x16xf32>,
      %get3A_111 = vector.shape_cast %get3A_110 : vector<1x16xf32> to vector<16xf32>
      %get3A_112 = arith.index_cast %rem3A_81 : i32 to index
      %get3A_113 = arith.constant 32 : index
      %get3A_114 = tpu.vector_load %arg10[%get3A_112, %get3A_113] {strides = array<i32>} : memref<16x512xf32, #tpu.memory_space<vmem>>, vector<1x16xf32>,
      %get3A_115 = vector.shape_cast %get3A_114 : vector<1x16xf32> to vector<16xf32>
      %add3A_116 = arith.addf %get3A_111, %get3A_115 : vector<16xf32>
      %swap3A_117 = arith.index_cast %add3A_80 : i32 to index
      %swap3A_118 = arith.constant 32 : index
      %swap3A_119 = tpu.vector_load %arg8[%swap3A_117, %swap3A_118] {strides = array<i32>} : memref<64x512xf32, #tpu.memory_space<vmem>>, vector<1x16xf32>,
      %swap3A_120 = vector.shape_cast %swap3A_119 : vector<1x16xf32> to vector<16xf32>
      %swap3A_121 = vector.shape_cast %add3A_116 : vector<16xf32> to vector<1x16xf32>
      tpu.vector_store %arg8[%swap3A_117, %swap3A_118], %swap3A_121 {strides = array<i32>} : memref<64x512xf32, #tpu.memory_space<vmem>>, vector<1x16xf32>,
      %get3A_122 = arith.index_cast %add3A_80 : i32 to index
      %get3A_123 = arith.constant 48 : index
      %get3A_124 = tpu.vector_load %arg8[%get3A_122, %get3A_123] {strides = array<i32>} : memref<64x512xf32, #tpu.memory_space<vmem>>, vector<1x16xf32>,
      %get3A_125 = vector.shape_cast %get3A_124 : vector<1x16xf32> to vector<16xf32>
      %get3A_126 = arith.index_cast %rem3A_81 : i32 to index
      %get3A_127 = arith.constant 48 : index
      %get3A_128 = tpu.vector_load %arg10[%get3A_126, %get3A_127] {strides = array<i32>} : memref<16x512xf32, #tpu.memory_space<vmem>>, vector<1x16xf32>,
      %get3A_129 = vector.shape_cast %get3A_128 : vector<1x16xf32> to vector<16xf32>
      %add3A_130 = arith.addf %get3A_125, %get3A_129 : vector<16xf32>
      %swap3A_131 = arith.index_cast %add3A_80 : i32 to index
      %swap3A_132 = arith.constant 48 : index
      %swap3A_133 = tpu.vector_load %arg8[%swap3A_131, %swap3A_132] {strides = array<i32>} : memref<64x512xf32, #tpu.memory_space<vmem>>, vector<1x16xf32>,
      %swap3A_134 = vector.shape_cast %swap3A_133 : vector<1x16xf32> to vector<16xf32>
      %swap3A_135 = vector.shape_cast %add3A_130 : vector<16xf32> to vector<1x16xf32>
      tpu.vector_store %arg8[%swap3A_131, %swap3A_132], %swap3A_135 {strides = array<i32>} : memref<64x512xf32, #tpu.memory_space<vmem>>, vector<1x16xf32>,
      %get3A_136 = arith.index_cast %add3A_80 : i32 to index
      %get3A_137 = arith.constant 64 : index
      %get3A_138 = tpu.vector_load %arg8[%get3A_136, %get3A_137] {strides = array<i32>} : memref<64x512xf32, #tpu.memory_space<vmem>>, vector<1x16xf32>,
      %get3A_139 = vector.shape_cast %get3A_138 : vector<1x16xf32> to vector<16xf32>
      %get3A_140 = arith.index_cast %rem3A_81 : i32 to index
      %get3A_141 = arith.constant 64 : index
      %get3A_142 = tpu.vector_load %arg10[%get3A_140, %get3A_141] {strides = array<i32>} : memref<16x512xf32, #tpu.memory_space<vmem>>, vector<1x16xf32>,
      %get3A_143 = vector.shape_cast %get3A_142 : vector<1x16xf32> to vector<16xf32>
      %add3A_144 = arith.addf %get3A_139, %get3A_143 : vector<16xf32>
      %swap3A_145 = arith.index_cast %add3A_80 : i32 to index
      %swap3A_146 = arith.constant 64 : index
      %swap3A_147 = tpu.vector_load %arg8[%swap3A_145, %swap3A_146] {strides = array<i32>} : memref<64x512xf32, #tpu.memory_space<vmem>>, vector<1x16xf32>,
      %swap3A_148 = vector.shape_cast %swap3A_147 : vector<1x16xf32> to vector<16xf32>
      %swap3A_149 = vector.shape_cast %add3A_144 : vector<16xf32> to vector<1x16xf32>
      tpu.vector_store %arg8[%swap3A_145, %swap3A_146], %swap3A_149 {strides = array<i32>} : memref<64x512xf32, #tpu.memory_space<vmem>>, vector<1x16xf32>,
      %get3A_150 = arith.index_cast %add3A_80 : i32 to index
      %get3A_151 = arith.constant 80 : index
      %get3A_152 = tpu.vector_load %arg8[%get3A_150, %get3A_151] {strides = array<i32>} : memref<64x512xf32, #tpu.memory_space<vmem>>, vector<1x16xf32>,
      %get3A_153 = vector.shape_cast %get3A_152 : vector<1x16xf32> to vector<16xf32>
      %get3A_154 = arith.index_cast %rem3A_81 : i32 to index
      %get3A_155 = arith.constant 80 : index
      %get3A_156 = tpu.vector_load %arg10[%get3A_154, %get3A_155] {strides = array<i32>} : memref<16x512xf32, #tpu.memory_space<vmem>>, vector<1x16xf32>,
      %get3A_157 = vector.shape_cast %get3A_156 : vector<1x16xf32> to vector<16xf32>
      %add3A_158 = arith.addf %get3A_153, %get3A_157 : vector<16xf32>
      %swap3A_159 = arith.index_cast %add3A_80 : i32 to index
      %swap3A_160 = arith.constant 80 : index
      %swap3A_161 = tpu.vector_load %arg8[%swap3A_159, %swap3A_160] {strides = array<i32>} : memref<64x512xf32, #tpu.memory_space<vmem>>, vector<1x16xf32>,
      %swap3A_162 = vector.shape_cast %swap3A_161 : vector<1x16xf32> to vector<16xf32>
      %swap3A_163 = vector.shape_cast %add3A_158 : vector<16xf32> to vector<1x16xf32>
      tpu.vector_store %arg8[%swap3A_159, %swap3A_160], %swap3A_163 {strides = array<i32>} : memref<64x512xf32, #tpu.memory_space<vmem>>, vector<1x16xf32>,
      %get3A_164 = arith.index_cast %add3A_80 : i32 to index
      %get3A_165 = arith.constant 96 : index
      %get3A_166 = tpu.vector_load %arg8[%get3A_164, %get3A_165] {strides = array<i32>} : memref<64x512xf32, #tpu.memory_space<vmem>>, vector<1x16xf32>,
      %get3A_167 = vector.shape_cast %get3A_166 : vector<1x16xf32> to vector<16xf32>
      %get3A_168 = arith.index_cast %rem3A_81 : i32 to index
      %get3A_169 = arith.constant 96 : index
      %get3A_170 = tpu.vector_load %arg10[%get3A_168, %get3A_169] {strides = array<i32>} : memref<16x512xf32, #tpu.memory_space<vmem>>, vector<1x16xf32>,
      %get3A_171 = vector.shape_cast %get3A_170 : vector<1x16xf32> to vector<16xf32>
      %add3A_172 = arith.addf %get3A_167, %get3A_171 : vector<16xf32>
      %swap3A_173 = arith.index_cast %add3A_80 : i32 to index
      %swap3A_174 = arith.constant 96 : index
      %swap3A_175 = tpu.vector_load %arg8[%swap3A_173, %swap3A_174] {strides = array<i32>} : memref<64x512xf32, #tpu.memory_space<vmem>>, vector<1x16xf32>,
      %swap3A_176 = vector.shape_cast %swap3A_175 : vector<1x16xf32> to vector<16xf32>
      %swap3A_177 = vector.shape_cast %add3A_172 : vector<16xf32> to vector<1x16xf32>
      tpu.vector_store %arg8[%swap3A_173, %swap3A_174], %swap3A_177 {strides = array<i32>} : memref<64x512xf32, #tpu.memory_space<vmem>>, vector<1x16xf32>,
      %get3A_178 = arith.index_cast %add3A_80 : i32 to index
      %get3A_179 = arith.constant 112 : index
      %get3A_180 = tpu.vector_load %arg8[%get3A_178, %get3A_179] {strides = array<i32>} : memref<64x512xf32, #tpu.memory_space<vmem>>, vector<1x16xf32>,
      %get3A_181 = vector.shape_cast %get3A_180 : vector<1x16xf32> to vector<16xf32>
      %get3A_182 = arith.index_cast %rem3A_81 : i32 to index
      %get3A_183 = arith.constant 112 : index
      %get3A_184 = tpu.vector_load %arg10[%get3A_182, %get3A_183] {strides = array<i32>} : memref<16x512xf32, #tpu.memory_space<vmem>>, vector<1x16xf32>,
      %get3A_185 = vector.shape_cast %get3A_184 : vector<1x16xf32> to vector<16xf32>
      %add3A_186 = arith.addf %get3A_181, %get3A_185 : vector<16xf32>
      %swap3A_187 = arith.index_cast %add3A_80 : i32 to index
      %swap3A_188 = arith.constant 112 : index
      %swap3A_189 = tpu.vector_load %arg8[%swap3A_187, %swap3A_188] {strides = array<i32>} : memref<64x512xf32, #tpu.memory_space<vmem>>, vector<1x16xf32>,
      %swap3A_190 = vector.shape_cast %swap3A_189 : vector<1x16xf32> to vector<16xf32>
      %swap3A_191 = vector.shape_cast %add3A_186 : vector<16xf32> to vector<1x16xf32>
      tpu.vector_store %arg8[%swap3A_187, %swap3A_188], %swap3A_191 {strides = array<i32>} : memref<64x512xf32, #tpu.memory_space<vmem>>, vector<1x16xf32>,
      %get3A_192 = arith.index_cast %add3A_80 : i32 to index
      %get3A_193 = arith.constant 128 : index
      %get3A_194 = tpu.vector_load %arg8[%get3A_192, %get3A_193] {strides = array<i32>} : memref<64x512xf32, #tpu.memory_space<vmem>>, vector<1x16xf32>,
      %get3A_195 = vector.shape_cast %get3A_194 : vector<1x16xf32> to vector<16xf32>
      %get3A_196 = arith.index_cast %rem3A_81 : i32 to index
      %get3A_197 = arith.constant 128 : index
      %get3A_198 = tpu.vector_load %arg10[%get3A_196, %get3A_197] {strides = array<i32>} : memref<16x512xf32, #tpu.memory_space<vmem>>, vector<1x16xf32>,
      %get3A_199 = vector.shape_cast %get3A_198 : vector<1x16xf32> to vector<16xf32>
      %add3A_200 = arith.addf %get3A_195, %get3A_199 : vector<16xf32>
      %swap3A_201 = arith.index_cast %add3A_80 : i32 to index
      %swap3A_202 = arith.constant 128 : index
      %swap3A_203 = tpu.vector_load %arg8[%swap3A_201, %swap3A_202] {strides = array<i32>} : memref<64x512xf32, #tpu.memory_space<vmem>>, vector<1x16xf32>,
      %swap3A_204 = vector.shape_cast %swap3A_203 : vector<1x16xf32> to vector<16xf32>
      %swap3A_205 = vector.shape_cast %add3A_200 : vector<16xf32> to vector<1x16xf32>
      tpu.vector_store %arg8[%swap3A_201, %swap3A_202], %swap3A_205 {strides = array<i32>} : memref<64x512xf32, #tpu.memory_space<vmem>>, vector<1x16xf32>,
      %get3A_206 = arith.index_cast %add3A_80 : i32 to index
      %get3A_207 = arith.constant 144 : index
      %get3A_208 = tpu.vector_load %arg8[%get3A_206, %get3A_207] {strides = array<i32>} : memref<64x512xf32, #tpu.memory_space<vmem>>, vector<1x16xf32>,
      %get3A_209 = vector.shape_cast %get3A_208 : vector<1x16xf32> to vector<16xf32>
      %get3A_210 = arith.index_cast %rem3A_81 : i32 to index
      %get3A_211 = arith.constant 144 : index
      %get3A_212 = tpu.vector_load %arg10[%get3A_210, %get3A_211] {strides = array<i32>} : memref<16x512xf32, #tpu.memory_space<vmem>>, vector<1x16xf32>,
      %get3A_213 = vector.shape_cast %get3A_212 : vector<1x16xf32> to vector<16xf32>
      %add3A_214 = arith.addf %get3A_209, %get3A_213 : vector<16xf32>
      %swap3A_215 = arith.index_cast %add3A_80 : i32 to index
      %swap3A_216 = arith.constant 144 : index
      %swap3A_217 = tpu.vector_load %arg8[%swap3A_215, %swap3A_216] {strides = array<i32>} : memref<64x512xf32, #tpu.memory_space<vmem>>, vector<1x16xf32>,
      %swap3A_218 = vector.shape_cast %swap3A_217 : vector<1x16xf32> to vector<16xf32>
      %swap3A_219 = vector.shape_cast %add3A_214 : vector<16xf32> to vector<1x16xf32>
      tpu.vector_store %arg8[%swap3A_215, %swap3A_216], %swap3A_219 {strides = array<i32>} : memref<64x512xf32, #tpu.memory_space<vmem>>, vector<1x16xf32>,
      %get3A_220 = arith.index_cast %add3A_80 : i32 to index
      %get3A_221 = arith.constant 160 : index
      %get3A_222 = tpu.vector_load %arg8[%get3A_220, %get3A_221] {strides = array<i32>} : memref<64x512xf32, #tpu.memory_space<vmem>>, vector<1x16xf32>,
      %get3A_223 = vector.shape_cast %get3A_222 : vector<1x16xf32> to vector<16xf32>
      %get3A_224 = arith.index_cast %rem3A_81 : i32 to index
      %get3A_225 = arith.constant 160 : index
      %get3A_226 = tpu.vector_load %arg10[%get3A_224, %get3A_225] {strides = array<i32>} : memref<16x512xf32, #tpu.memory_space<vmem>>, vector<1x16xf32>,
      %get3A_227 = vector.shape_cast %get3A_226 : vector<1x16xf32> to vector<16xf32>
      %add3A_228 = arith.addf %get3A_223, %get3A_227 : vector<16xf32>
      %swap3A_229 = arith.index_cast %add3A_80 : i32 to index
      %swap3A_230 = arith.constant 160 : index
      %swap3A_231 = tpu.vector_load %arg8[%swap3A_229, %swap3A_230] {strides = array<i32>} : memref<64x512xf32, #tpu.memory_space<vmem>>, vector<1x16xf32>,
      %swap3A_232 = vector.shape_cast %swap3A_231 : vector<1x16xf32> to vector<16xf32>
      %swap3A_233 = vector.shape_cast %add3A_228 : vector<16xf32> to vector<1x16xf32>
      tpu.vector_store %arg8[%swap3A_229, %swap3A_230], %swap3A_233 {strides = array<i32>} : memref<64x512xf32, #tpu.memory_space<vmem>>, vector<1x16xf32>,
      %get3A_234 = arith.index_cast %add3A_80 : i32 to index
      %get3A_235 = arith.constant 176 : index
      %get3A_236 = tpu.vector_load %arg8[%get3A_234, %get3A_235] {strides = array<i32>} : memref<64x512xf32, #tpu.memory_space<vmem>>, vector<1x16xf32>,
      %get3A_237 = vector.shape_cast %get3A_236 : vector<1x16xf32> to vector<16xf32>
      %get3A_238 = arith.index_cast %rem3A_81 : i32 to index
      %get3A_239 = arith.constant 176 : index
      %get3A_240 = tpu.vector_load %arg10[%get3A_238, %get3A_239] {strides = array<i32>} : memref<16x512xf32, #tpu.memory_space<vmem>>, vector<1x16xf32>,
      %get3A_241 = vector.shape_cast %get3A_240 : vector<1x16xf32> to vector<16xf32>
      %add3A_242 = arith.addf %get3A_237, %get3A_241 : vector<16xf32>
      %swap3A_243 = arith.index_cast %add3A_80 : i32 to index
      %swap3A_244 = arith.constant 176 : index
      %swap3A_245 = tpu.vector_load %arg8[%swap3A_243, %swap3A_244] {strides = array<i32>} : memref<64x512xf32, #tpu.memory_space<vmem>>, vector<1x16xf32>,
      %swap3A_246 = vector.shape_cast %swap3A_245 : vector<1x16xf32> to vector<16xf32>
      %swap3A_247 = vector.shape_cast %add3A_242 : vector<16xf32> to vector<1x16xf32>
      tpu.vector_store %arg8[%swap3A_243, %swap3A_244], %swap3A_247 {strides = array<i32>} : memref<64x512xf32, #tpu.memory_space<vmem>>, vector<1x16xf32>,
      %get3A_248 = arith.index_cast %add3A_80 : i32 to index
      %get3A_249 = arith.constant 192 : index
      %get3A_250 = tpu.vector_load %arg8[%get3A_248, %get3A_249] {strides = array<i32>} : memref<64x512xf32, #tpu.memory_space<vmem>>, vector<1x16xf32>,
      %get3A_251 = vector.shape_cast %get3A_250 : vector<1x16xf32> to vector<16xf32>
      %get3A_252 = arith.index_cast %rem3A_81 : i32 to index
      %get3A_253 = arith.constant 192 : index
      %get3A_254 = tpu.vector_load %arg10[%get3A_252, %get3A_253] {strides = array<i32>} : memref<16x512xf32, #tpu.memory_space<vmem>>, vector<1x16xf32>,
      %get3A_255 = vector.shape_cast %get3A_254 : vector<1x16xf32> to vector<16xf32>
      %add3A_256 = arith.addf %get3A_251, %get3A_255 : vector<16xf32>
      %swap3A_257 = arith.index_cast %add3A_80 : i32 to index
      %swap3A_258 = arith.constant 192 : index
      %swap3A_259 = tpu.vector_load %arg8[%swap3A_257, %swap3A_258] {strides = array<i32>} : memref<64x512xf32, #tpu.memory_space<vmem>>, vector<1x16xf32>,
      %swap3A_260 = vector.shape_cast %swap3A_259 : vector<1x16xf32> to vector<16xf32>
      %swap3A_261 = vector.shape_cast %add3A_256 : vector<16xf32> to vector<1x16xf32>
      tpu.vector_store %arg8[%swap3A_257, %swap3A_258], %swap3A_261 {strides = array<i32>} : memref<64x512xf32, #tpu.memory_space<vmem>>, vector<1x16xf32>,
      %get3A_262 = arith.index_cast %add3A_80 : i32 to index
      %get3A_263 = arith.constant 208 : index
      %get3A_264 = tpu.vector_load %arg8[%get3A_262, %get3A_263] {strides = array<i32>} : memref<64x512xf32, #tpu.memory_space<vmem>>, vector<1x16xf32>,
      %get3A_265 = vector.shape_cast %get3A_264 : vector<1x16xf32> to vector<16xf32>
      %get3A_266 = arith.index_cast %rem3A_81 : i32 to index
      %get3A_267 = arith.constant 208 : index
      %get3A_268 = tpu.vector_load %arg10[%get3A_266, %get3A_267] {strides = array<i32>} : memref<16x512xf32, #tpu.memory_space<vmem>>, vector<1x16xf32>,
      %get3A_269 = vector.shape_cast %get3A_268 : vector<1x16xf32> to vector<16xf32>
      %add3A_270 = arith.addf %get3A_265, %get3A_269 : vector<16xf32>
      %swap3A_271 = arith.index_cast %add3A_80 : i32 to index
      %swap3A_272 = arith.constant 208 : index
      %swap3A_273 = tpu.vector_load %arg8[%swap3A_271, %swap3A_272] {strides = array<i32>} : memref<64x512xf32, #tpu.memory_space<vmem>>, vector<1x16xf32>,
      %swap3A_274 = vector.shape_cast %swap3A_273 : vector<1x16xf32> to vector<16xf32>
      %swap3A_275 = vector.shape_cast %add3A_270 : vector<16xf32> to vector<1x16xf32>
      tpu.vector_store %arg8[%swap3A_271, %swap3A_272], %swap3A_275 {strides = array<i32>} : memref<64x512xf32, #tpu.memory_space<vmem>>, vector<1x16xf32>,
      %get3A_276 = arith.index_cast %add3A_80 : i32 to index
      %get3A_277 = arith.constant 224 : index
      %get3A_278 = tpu.vector_load %arg8[%get3A_276, %get3A_277] {strides = array<i32>} : memref<64x512xf32, #tpu.memory_space<vmem>>, vector<1x16xf32>,
      %get3A_279 = vector.shape_cast %get3A_278 : vector<1x16xf32> to vector<16xf32>
      %get3A_280 = arith.index_cast %rem3A_81 : i32 to index
      %get3A_281 = arith.constant 224 : index
      %get3A_282 = tpu.vector_load %arg10[%get3A_280, %get3A_281] {strides = array<i32>} : memref<16x512xf32, #tpu.memory_space<vmem>>, vector<1x16xf32>,
      %get3A_283 = vector.shape_cast %get3A_282 : vector<1x16xf32> to vector<16xf32>
      %add3A_284 = arith.addf %get3A_279, %get3A_283 : vector<16xf32>
      %swap3A_285 = arith.index_cast %add3A_80 : i32 to index
      %swap3A_286 = arith.constant 224 : index
      %swap3A_287 = tpu.vector_load %arg8[%swap3A_285, %swap3A_286] {strides = array<i32>} : memref<64x512xf32, #tpu.memory_space<vmem>>, vector<1x16xf32>,
      %swap3A_288 = vector.shape_cast %swap3A_287 : vector<1x16xf32> to vector<16xf32>
      %swap3A_289 = vector.shape_cast %add3A_284 : vector<16xf32> to vector<1x16xf32>
      tpu.vector_store %arg8[%swap3A_285, %swap3A_286], %swap3A_289 {strides = array<i32>} : memref<64x512xf32, #tpu.memory_space<vmem>>, vector<1x16xf32>,
      %get3A_290 = arith.index_cast %add3A_80 : i32 to index
      %get3A_291 = arith.constant 240 : index
      %get3A_292 = tpu.vector_load %arg8[%get3A_290, %get3A_291] {strides = array<i32>} : memref<64x512xf32, #tpu.memory_space<vmem>>, vector<1x16xf32>,
      %get3A_293 = vector.shape_cast %get3A_292 : vector<1x16xf32> to vector<16xf32>
      %get3A_294 = arith.index_cast %rem3A_81 : i32 to index
      %get3A_295 = arith.constant 240 : index
      %get3A_296 = tpu.vector_load %arg10[%get3A_294, %get3A_295] {strides = array<i32>} : memref<16x512xf32, #tpu.memory_space<vmem>>, vector<1x16xf32>,
      %get3A_297 = vector.shape_cast %get3A_296 : vector<1x16xf32> to vector<16xf32>
      %add3A_298 = arith.addf %get3A_293, %get3A_297 : vector<16xf32>
      %swap3A_299 = arith.index_cast %add3A_80 : i32 to index
      %swap3A_300 = arith.constant 240 : index
      %swap3A_301 = tpu.vector_load %arg8[%swap3A_299, %swap3A_300] {strides = array<i32>} : memref<64x512xf32, #tpu.memory_space<vmem>>, vector<1x16xf32>,
      %swap3A_302 = vector.shape_cast %swap3A_301 : vector<1x16xf32> to vector<16xf32>
      %swap3A_303 = vector.shape_cast %add3A_298 : vector<16xf32> to vector<1x16xf32>
      tpu.vector_store %arg8[%swap3A_299, %swap3A_300], %swap3A_303 {strides = array<i32>} : memref<64x512xf32, #tpu.memory_space<vmem>>, vector<1x16xf32>,
      %get3A_304 = arith.index_cast %add3A_80 : i32 to index
      %get3A_305 = arith.constant 256 : index
      %get3A_306 = tpu.vector_load %arg8[%get3A_304, %get3A_305] {strides = array<i32>} : memref<64x512xf32, #tpu.memory_space<vmem>>, vector<1x16xf32>,
      %get3A_307 = vector.shape_cast %get3A_306 : vector<1x16xf32> to vector<16xf32>
      %get3A_308 = arith.index_cast %rem3A_81 : i32 to index
      %get3A_309 = arith.constant 256 : index
      %get3A_310 = tpu.vector_load %arg10[%get3A_308, %get3A_309] {strides = array<i32>} : memref<16x512xf32, #tpu.memory_space<vmem>>, vector<1x16xf32>,
      %get3A_311 = vector.shape_cast %get3A_310 : vector<1x16xf32> to vector<16xf32>
      %add3A_312 = arith.addf %get3A_307, %get3A_311 : vector<16xf32>
      %swap3A_313 = arith.index_cast %add3A_80 : i32 to index
      %swap3A_314 = arith.constant 256 : index
      %swap3A_315 = tpu.vector_load %arg8[%swap3A_313, %swap3A_314] {strides = array<i32>} : memref<64x512xf32, #tpu.memory_space<vmem>>, vector<1x16xf32>,
      %swap3A_316 = vector.shape_cast %swap3A_315 : vector<1x16xf32> to vector<16xf32>
      %swap3A_317 = vector.shape_cast %add3A_312 : vector<16xf32> to vector<1x16xf32>
      tpu.vector_store %arg8[%swap3A_313, %swap3A_314], %swap3A_317 {strides = array<i32>} : memref<64x512xf32, #tpu.memory_space<vmem>>, vector<1x16xf32>,
      %get3A_318 = arith.index_cast %add3A_80 : i32 to index
      %get3A_319 = arith.constant 272 : index
      %get3A_320 = tpu.vector_load %arg8[%get3A_318, %get3A_319] {strides = array<i32>} : memref<64x512xf32, #tpu.memory_space<vmem>>, vector<1x16xf32>,
      %get3A_321 = vector.shape_cast %get3A_320 : vector<1x16xf32> to vector<16xf32>
      %get3A_322 = arith.index_cast %rem3A_81 : i32 to index
      %get3A_323 = arith.constant 272 : index
      %get3A_324 = tpu.vector_load %arg10[%get3A_322, %get3A_323] {strides = array<i32>} : memref<16x512xf32, #tpu.memory_space<vmem>>, vector<1x16xf32>,
      %get3A_325 = vector.shape_cast %get3A_324 : vector<1x16xf32> to vector<16xf32>
      %add3A_326 = arith.addf %get3A_321, %get3A_325 : vector<16xf32>
      %swap3A_327 = arith.index_cast %add3A_80 : i32 to index
      %swap3A_328 = arith.constant 272 : index
      %swap3A_329 = tpu.vector_load %arg8[%swap3A_327, %swap3A_328] {strides = array<i32>} : memref<64x512xf32, #tpu.memory_space<vmem>>, vector<1x16xf32>,
      %swap3A_330 = vector.shape_cast %swap3A_329 : vector<1x16xf32> to vector<16xf32>
      %swap3A_331 = vector.shape_cast %add3A_326 : vector<16xf32> to vector<1x16xf32>
      tpu.vector_store %arg8[%swap3A_327, %swap3A_328], %swap3A_331 {strides = array<i32>} : memref<64x512xf32, #tpu.memory_space<vmem>>, vector<1x16xf32>,
      %get3A_332 = arith.index_cast %add3A_80 : i32 to index
      %get3A_333 = arith.constant 288 : index
      %get3A_334 = tpu.vector_load %arg8[%get3A_332, %get3A_333] {strides = array<i32>} : memref<64x512xf32, #tpu.memory_space<vmem>>, vector<1x16xf32>,
      %get3A_335 = vector.shape_cast %get3A_334 : vector<1x16xf32> to vector<16xf32>
      %get3A_336 = arith.index_cast %rem3A_81 : i32 to index
      %get3A_337 = arith.constant 288 : index
      %get3A_338 = tpu.vector_load %arg10[%get3A_336, %get3A_337] {strides = array<i32>} : memref<16x512xf32, #tpu.memory_space<vmem>>, vector<1x16xf32>,
      %get3A_339 = vector.shape_cast %get3A_338 : vector<1x16xf32> to vector<16xf32>
      %add3A_340 = arith.addf %get3A_335, %get3A_339 : vector<16xf32>
      %swap3A_341 = arith.index_cast %add3A_80 : i32 to index
      %swap3A_342 = arith.constant 288 : index
      %swap3A_343 = tpu.vector_load %arg8[%swap3A_341, %swap3A_342] {strides = array<i32>} : memref<64x512xf32, #tpu.memory_space<vmem>>, vector<1x16xf32>,
      %swap3A_344 = vector.shape_cast %swap3A_343 : vector<1x16xf32> to vector<16xf32>
      %swap3A_345 = vector.shape_cast %add3A_340 : vector<16xf32> to vector<1x16xf32>
      tpu.vector_store %arg8[%swap3A_341, %swap3A_342], %swap3A_345 {strides = array<i32>} : memref<64x512xf32, #tpu.memory_space<vmem>>, vector<1x16xf32>,
      %get3A_346 = arith.index_cast %add3A_80 : i32 to index
      %get3A_347 = arith.constant 304 : index
      %get3A_348 = tpu.vector_load %arg8[%get3A_346, %get3A_347] {strides = array<i32>} : memref<64x512xf32, #tpu.memory_space<vmem>>, vector<1x16xf32>,
      %get3A_349 = vector.shape_cast %get3A_348 : vector<1x16xf32> to vector<16xf32>
      %get3A_350 = arith.index_cast %rem3A_81 : i32 to index
      %get3A_351 = arith.constant 304 : index
      %get3A_352 = tpu.vector_load %arg10[%get3A_350, %get3A_351] {strides = array<i32>} : memref<16x512xf32, #tpu.memory_space<vmem>>, vector<1x16xf32>,
      %get3A_353 = vector.shape_cast %get3A_352 : vector<1x16xf32> to vector<16xf32>
      %add3A_354 = arith.addf %get3A_349, %get3A_353 : vector<16xf32>
      %swap3A_355 = arith.index_cast %add3A_80 : i32 to index
      %swap3A_356 = arith.constant 304 : index
      %swap3A_357 = tpu.vector_load %arg8[%swap3A_355, %swap3A_356] {strides = array<i32>} : memref<64x512xf32, #tpu.memory_space<vmem>>, vector<1x16xf32>,
      %swap3A_358 = vector.shape_cast %swap3A_357 : vector<1x16xf32> to vector<16xf32>
      %swap3A_359 = vector.shape_cast %add3A_354 : vector<16xf32> to vector<1x16xf32>
      tpu.vector_store %arg8[%swap3A_355, %swap3A_356], %swap3A_359 {strides = array<i32>} : memref<64x512xf32, #tpu.memory_space<vmem>>, vector<1x16xf32>,
      %get3A_360 = arith.index_cast %add3A_80 : i32 to index
      %get3A_361 = arith.constant 320 : index
      %get3A_362 = tpu.vector_load %arg8[%get3A_360, %get3A_361] {strides = array<i32>} : memref<64x512xf32, #tpu.memory_space<vmem>>, vector<1x16xf32>,
      %get3A_363 = vector.shape_cast %get3A_362 : vector<1x16xf32> to vector<16xf32>
      %get3A_364 = arith.index_cast %rem3A_81 : i32 to index
      %get3A_365 = arith.constant 320 : index
      %get3A_366 = tpu.vector_load %arg10[%get3A_364, %get3A_365] {strides = array<i32>} : memref<16x512xf32, #tpu.memory_space<vmem>>, vector<1x16xf32>,
      %get3A_367 = vector.shape_cast %get3A_366 : vector<1x16xf32> to vector<16xf32>
      %add3A_368 = arith.addf %get3A_363, %get3A_367 : vector<16xf32>
      %swap3A_369 = arith.index_cast %add3A_80 : i32 to index
      %swap3A_370 = arith.constant 320 : index
      %swap3A_371 = tpu.vector_load %arg8[%swap3A_369, %swap3A_370] {strides = array<i32>} : memref<64x512xf32, #tpu.memory_space<vmem>>, vector<1x16xf32>,
      %swap3A_372 = vector.shape_cast %swap3A_371 : vector<1x16xf32> to vector<16xf32>
      %swap3A_373 = vector.shape_cast %add3A_368 : vector<16xf32> to vector<1x16xf32>
      tpu.vector_store %arg8[%swap3A_369, %swap3A_370], %swap3A_373 {strides = array<i32>} : memref<64x512xf32, #tpu.memory_space<vmem>>, vector<1x16xf32>,
      %get3A_374 = arith.index_cast %add3A_80 : i32 to index
      %get3A_375 = arith.constant 336 : index
      %get3A_376 = tpu.vector_load %arg8[%get3A_374, %get3A_375] {strides = array<i32>} : memref<64x512xf32, #tpu.memory_space<vmem>>, vector<1x16xf32>,
      %get3A_377 = vector.shape_cast %get3A_376 : vector<1x16xf32> to vector<16xf32>
      %get3A_378 = arith.index_cast %rem3A_81 : i32 to index
      %get3A_379 = arith.constant 336 : index
      %get3A_380 = tpu.vector_load %arg10[%get3A_378, %get3A_379] {strides = array<i32>} : memref<16x512xf32, #tpu.memory_space<vmem>>, vector<1x16xf32>,
      %get3A_381 = vector.shape_cast %get3A_380 : vector<1x16xf32> to vector<16xf32>
      %add3A_382 = arith.addf %get3A_377, %get3A_381 : vector<16xf32>
      %swap3A_383 = arith.index_cast %add3A_80 : i32 to index
      %swap3A_384 = arith.constant 336 : index
      %swap3A_385 = tpu.vector_load %arg8[%swap3A_383, %swap3A_384] {strides = array<i32>} : memref<64x512xf32, #tpu.memory_space<vmem>>, vector<1x16xf32>,
      %swap3A_386 = vector.shape_cast %swap3A_385 : vector<1x16xf32> to vector<16xf32>
      %swap3A_387 = vector.shape_cast %add3A_382 : vector<16xf32> to vector<1x16xf32>
      tpu.vector_store %arg8[%swap3A_383, %swap3A_384], %swap3A_387 {strides = array<i32>} : memref<64x512xf32, #tpu.memory_space<vmem>>, vector<1x16xf32>,
      %get3A_388 = arith.index_cast %add3A_80 : i32 to index
      %get3A_389 = arith.constant 352 : index
      %get3A_390 = tpu.vector_load %arg8[%get3A_388, %get3A_389] {strides = array<i32>} : memref<64x512xf32, #tpu.memory_space<vmem>>, vector<1x16xf32>,
      %get3A_391 = vector.shape_cast %get3A_390 : vector<1x16xf32> to vector<16xf32>
      %get3A_392 = arith.index_cast %rem3A_81 : i32 to index
      %get3A_393 = arith.constant 352 : index
      %get3A_394 = tpu.vector_load %arg10[%get3A_392, %get3A_393] {strides = array<i32>} : memref<16x512xf32, #tpu.memory_space<vmem>>, vector<1x16xf32>,
      %get3A_395 = vector.shape_cast %get3A_394 : vector<1x16xf32> to vector<16xf32>
      %add3A_396 = arith.addf %get3A_391, %get3A_395 : vector<16xf32>
      %swap3A_397 = arith.index_cast %add3A_80 : i32 to index
      %swap3A_398 = arith.constant 352 : index
      %swap3A_399 = tpu.vector_load %arg8[%swap3A_397, %swap3A_398] {strides = array<i32>} : memref<64x512xf32, #tpu.memory_space<vmem>>, vector<1x16xf32>,
      %swap3A_400 = vector.shape_cast %swap3A_399 : vector<1x16xf32> to vector<16xf32>
      %swap3A_401 = vector.shape_cast %add3A_396 : vector<16xf32> to vector<1x16xf32>
      tpu.vector_store %arg8[%swap3A_397, %swap3A_398], %swap3A_401 {strides = array<i32>} : memref<64x512xf32, #tpu.memory_space<vmem>>, vector<1x16xf32>,
      %get3A_402 = arith.index_cast %add3A_80 : i32 to index
      %get3A_403 = arith.constant 368 : index
      %get3A_404 = tpu.vector_load %arg8[%get3A_402, %get3A_403] {strides = array<i32>} : memref<64x512xf32, #tpu.memory_space<vmem>>, vector<1x16xf32>,
      %get3A_405 = vector.shape_cast %get3A_404 : vector<1x16xf32> to vector<16xf32>
      %get3A_406 = arith.index_cast %rem3A_81 : i32 to index
      %get3A_407 = arith.constant 368 : index
      %get3A_408 = tpu.vector_load %arg10[%get3A_406, %get3A_407] {strides = array<i32>} : memref<16x512xf32, #tpu.memory_space<vmem>>, vector<1x16xf32>,
      %get3A_409 = vector.shape_cast %get3A_408 : vector<1x16xf32> to vector<16xf32>
      %add3A_410 = arith.addf %get3A_405, %get3A_409 : vector<16xf32>
      %swap3A_411 = arith.index_cast %add3A_80 : i32 to index
      %swap3A_412 = arith.constant 368 : index
      %swap3A_413 = tpu.vector_load %arg8[%swap3A_411, %swap3A_412] {strides = array<i32>} : memref<64x512xf32, #tpu.memory_space<vmem>>, vector<1x16xf32>,
      %swap3A_414 = vector.shape_cast %swap3A_413 : vector<1x16xf32> to vector<16xf32>
      %swap3A_415 = vector.shape_cast %add3A_410 : vector<16xf32> to vector<1x16xf32>
      tpu.vector_store %arg8[%swap3A_411, %swap3A_412], %swap3A_415 {strides = array<i32>} : memref<64x512xf32, #tpu.memory_space<vmem>>, vector<1x16xf32>,
      %get3A_416 = arith.index_cast %add3A_80 : i32 to index
      %get3A_417 = arith.constant 384 : index
      %get3A_418 = tpu.vector_load %arg8[%get3A_416, %get3A_417] {strides = array<i32>} : memref<64x512xf32, #tpu.memory_space<vmem>>, vector<1x16xf32>,
      %get3A_419 = vector.shape_cast %get3A_418 : vector<1x16xf32> to vector<16xf32>
      %get3A_420 = arith.index_cast %rem3A_81 : i32 to index
      %get3A_421 = arith.constant 384 : index
      %get3A_422 = tpu.vector_load %arg10[%get3A_420, %get3A_421] {strides = array<i32>} : memref<16x512xf32, #tpu.memory_space<vmem>>, vector<1x16xf32>,
      %get3A_423 = vector.shape_cast %get3A_422 : vector<1x16xf32> to vector<16xf32>
      %add3A_424 = arith.addf %get3A_419, %get3A_423 : vector<16xf32>
      %swap3A_425 = arith.index_cast %add3A_80 : i32 to index
      %swap3A_426 = arith.constant 384 : index
      %swap3A_427 = tpu.vector_load %arg8[%swap3A_425, %swap3A_426] {strides = array<i32>} : memref<64x512xf32, #tpu.memory_space<vmem>>, vector<1x16xf32>,
      %swap3A_428 = vector.shape_cast %swap3A_427 : vector<1x16xf32> to vector<16xf32>
      %swap3A_429 = vector.shape_cast %add3A_424 : vector<16xf32> to vector<1x16xf32>
      tpu.vector_store %arg8[%swap3A_425, %swap3A_426], %swap3A_429 {strides = array<i32>} : memref<64x512xf32, #tpu.memory_space<vmem>>, vector<1x16xf32>,
      %get3A_430 = arith.index_cast %add3A_80 : i32 to index
      %get3A_431 = arith.constant 400 : index
      %get3A_432 = tpu.vector_load %arg8[%get3A_430, %get3A_431] {strides = array<i32>} : memref<64x512xf32, #tpu.memory_space<vmem>>, vector<1x16xf32>,
      %get3A_433 = vector.shape_cast %get3A_432 : vector<1x16xf32> to vector<16xf32>
      %get3A_434 = arith.index_cast %rem3A_81 : i32 to index
      %get3A_435 = arith.constant 400 : index
      %get3A_436 = tpu.vector_load %arg10[%get3A_434, %get3A_435] {strides = array<i32>} : memref<16x512xf32, #tpu.memory_space<vmem>>, vector<1x16xf32>,
      %get3A_437 = vector.shape_cast %get3A_436 : vector<1x16xf32> to vector<16xf32>
      %add3A_438 = arith.addf %get3A_433, %get3A_437 : vector<16xf32>
      %swap3A_439 = arith.index_cast %add3A_80 : i32 to index
      %swap3A_440 = arith.constant 400 : index
      %swap3A_441 = tpu.vector_load %arg8[%swap3A_439, %swap3A_440] {strides = array<i32>} : memref<64x512xf32, #tpu.memory_space<vmem>>, vector<1x16xf32>,
      %swap3A_442 = vector.shape_cast %swap3A_441 : vector<1x16xf32> to vector<16xf32>
      %swap3A_443 = vector.shape_cast %add3A_438 : vector<16xf32> to vector<1x16xf32>
      tpu.vector_store %arg8[%swap3A_439, %swap3A_440], %swap3A_443 {strides = array<i32>} : memref<64x512xf32, #tpu.memory_space<vmem>>, vector<1x16xf32>,
      %get3A_444 = arith.index_cast %add3A_80 : i32 to index
      %get3A_445 = arith.constant 416 : index
      %get3A_446 = tpu.vector_load %arg8[%get3A_444, %get3A_445] {strides = array<i32>} : memref<64x512xf32, #tpu.memory_space<vmem>>, vector<1x16xf32>,
      %get3A_447 = vector.shape_cast %get3A_446 : vector<1x16xf32> to vector<16xf32>
      %get3A_448 = arith.index_cast %rem3A_81 : i32 to index
      %get3A_449 = arith.constant 416 : index
      %get3A_450 = tpu.vector_load %arg10[%get3A_448, %get3A_449] {strides = array<i32>} : memref<16x512xf32, #tpu.memory_space<vmem>>, vector<1x16xf32>,
      %get3A_451 = vector.shape_cast %get3A_450 : vector<1x16xf32> to vector<16xf32>
      %add3A_452 = arith.addf %get3A_447, %get3A_451 : vector<16xf32>
      %swap3A_453 = arith.index_cast %add3A_80 : i32 to index
      %swap3A_454 = arith.constant 416 : index
      %swap3A_455 = tpu.vector_load %arg8[%swap3A_453, %swap3A_454] {strides = array<i32>} : memref<64x512xf32, #tpu.memory_space<vmem>>, vector<1x16xf32>,
      %swap3A_456 = vector.shape_cast %swap3A_455 : vector<1x16xf32> to vector<16xf32>
      %swap3A_457 = vector.shape_cast %add3A_452 : vector<16xf32> to vector<1x16xf32>
      tpu.vector_store %arg8[%swap3A_453, %swap3A_454], %swap3A_457 {strides = array<i32>} : memref<64x512xf32, #tpu.memory_space<vmem>>, vector<1x16xf32>,
      %get3A_458 = arith.index_cast %add3A_80 : i32 to index
      %get3A_459 = arith.constant 432 : index
      %get3A_460 = tpu.vector_load %arg8[%get3A_458, %get3A_459] {strides = array<i32>} : memref<64x512xf32, #tpu.memory_space<vmem>>, vector<1x16xf32>,
      %get3A_461 = vector.shape_cast %get3A_460 : vector<1x16xf32> to vector<16xf32>
      %get3A_462 = arith.index_cast %rem3A_81 : i32 to index
      %get3A_463 = arith.constant 432 : index
      %get3A_464 = tpu.vector_load %arg10[%get3A_462, %get3A_463] {strides = array<i32>} : memref<16x512xf32, #tpu.memory_space<vmem>>, vector<1x16xf32>,
      %get3A_465 = vector.shape_cast %get3A_464 : vector<1x16xf32> to vector<16xf32>
      %add3A_466 = arith.addf %get3A_461, %get3A_465 : vector<16xf32>
      %swap3A_467 = arith.index_cast %add3A_80 : i32 to index
      %swap3A_468 = arith.constant 432 : index
      %swap3A_469 = tpu.vector_load %arg8[%swap3A_467, %swap3A_468] {strides = array<i32>} : memref<64x512xf32, #tpu.memory_space<vmem>>, vector<1x16xf32>,
      %swap3A_470 = vector.shape_cast %swap3A_469 : vector<1x16xf32> to vector<16xf32>
      %swap3A_471 = vector.shape_cast %add3A_466 : vector<16xf32> to vector<1x16xf32>
      tpu.vector_store %arg8[%swap3A_467, %swap3A_468], %swap3A_471 {strides = array<i32>} : memref<64x512xf32, #tpu.memory_space<vmem>>, vector<1x16xf32>,
      %get3A_472 = arith.index_cast %add3A_80 : i32 to index
      %get3A_473 = arith.constant 448 : index
      %get3A_474 = tpu.vector_load %arg8[%get3A_472, %get3A_473] {strides = array<i32>} : memref<64x512xf32, #tpu.memory_space<vmem>>, vector<1x16xf32>,
      %get3A_475 = vector.shape_cast %get3A_474 : vector<1x16xf32> to vector<16xf32>
      %get3A_476 = arith.index_cast %rem3A_81 : i32 to index
      %get3A_477 = arith.constant 448 : index
      %get3A_478 = tpu.vector_load %arg10[%get3A_476, %get3A_477] {strides = array<i32>} : memref<16x512xf32, #tpu.memory_space<vmem>>, vector<1x16xf32>,
      %get3A_479 = vector.shape_cast %get3A_478 : vector<1x16xf32> to vector<16xf32>
      %add3A_480 = arith.addf %get3A_475, %get3A_479 : vector<16xf32>
      %swap3A_481 = arith.index_cast %add3A_80 : i32 to index
      %swap3A_482 = arith.constant 448 : index
      %swap3A_483 = tpu.vector_load %arg8[%swap3A_481, %swap3A_482] {strides = array<i32>} : memref<64x512xf32, #tpu.memory_space<vmem>>, vector<1x16xf32>,
      %swap3A_484 = vector.shape_cast %swap3A_483 : vector<1x16xf32> to vector<16xf32>
      %swap3A_485 = vector.shape_cast %add3A_480 : vector<16xf32> to vector<1x16xf32>
      tpu.vector_store %arg8[%swap3A_481, %swap3A_482], %swap3A_485 {strides = array<i32>} : memref<64x512xf32, #tpu.memory_space<vmem>>, vector<1x16xf32>,
      %get3A_486 = arith.index_cast %add3A_80 : i32 to index
      %get3A_487 = arith.constant 464 : index
      %get3A_488 = tpu.vector_load %arg8[%get3A_486, %get3A_487] {strides = array<i32>} : memref<64x512xf32, #tpu.memory_space<vmem>>, vector<1x16xf32>,
      %get3A_489 = vector.shape_cast %get3A_488 : vector<1x16xf32> to vector<16xf32>
      %get3A_490 = arith.index_cast %rem3A_81 : i32 to index
      %get3A_491 = arith.constant 464 : index
      %get3A_492 = tpu.vector_load %arg10[%get3A_490, %get3A_491] {strides = array<i32>} : memref<16x512xf32, #tpu.memory_space<vmem>>, vector<1x16xf32>,
      %get3A_493 = vector.shape_cast %get3A_492 : vector<1x16xf32> to vector<16xf32>
      %add3A_494 = arith.addf %get3A_489, %get3A_493 : vector<16xf32>
      %swap3A_495 = arith.index_cast %add3A_80 : i32 to index
      %swap3A_496 = arith.constant 464 : index
      %swap3A_497 = tpu.vector_load %arg8[%swap3A_495, %swap3A_496] {strides = array<i32>} : memref<64x512xf32, #tpu.memory_space<vmem>>, vector<1x16xf32>,
      %swap3A_498 = vector.shape_cast %swap3A_497 : vector<1x16xf32> to vector<16xf32>
      %swap3A_499 = vector.shape_cast %add3A_494 : vector<16xf32> to vector<1x16xf32>
      tpu.vector_store %arg8[%swap3A_495, %swap3A_496], %swap3A_499 {strides = array<i32>} : memref<64x512xf32, #tpu.memory_space<vmem>>, vector<1x16xf32>,
      %get3A_500 = arith.index_cast %add3A_80 : i32 to index
      %get3A_501 = arith.constant 480 : index
      %get3A_502 = tpu.vector_load %arg8[%get3A_500, %get3A_501] {strides = array<i32>} : memref<64x512xf32, #tpu.memory_space<vmem>>, vector<1x16xf32>,
      %get3A_503 = vector.shape_cast %get3A_502 : vector<1x16xf32> to vector<16xf32>
      %get3A_504 = arith.index_cast %rem3A_81 : i32 to index
      %get3A_505 = arith.constant 480 : index
      %get3A_506 = tpu.vector_load %arg10[%get3A_504, %get3A_505] {strides = array<i32>} : memref<16x512xf32, #tpu.memory_space<vmem>>, vector<1x16xf32>,
      %get3A_507 = vector.shape_cast %get3A_506 : vector<1x16xf32> to vector<16xf32>
      %add3A_508 = arith.addf %get3A_503, %get3A_507 : vector<16xf32>
      %swap3A_509 = arith.index_cast %add3A_80 : i32 to index
      %swap3A_510 = arith.constant 480 : index
      %swap3A_511 = tpu.vector_load %arg8[%swap3A_509, %swap3A_510] {strides = array<i32>} : memref<64x512xf32, #tpu.memory_space<vmem>>, vector<1x16xf32>,
      %swap3A_512 = vector.shape_cast %swap3A_511 : vector<1x16xf32> to vector<16xf32>
      %swap3A_513 = vector.shape_cast %add3A_508 : vector<16xf32> to vector<1x16xf32>
      tpu.vector_store %arg8[%swap3A_509, %swap3A_510], %swap3A_513 {strides = array<i32>} : memref<64x512xf32, #tpu.memory_space<vmem>>, vector<1x16xf32>,
      %get3A_514 = arith.index_cast %add3A_80 : i32 to index
      %get3A_515 = arith.constant 496 : index
      %get3A_516 = tpu.vector_load %arg8[%get3A_514, %get3A_515] {strides = array<i32>} : memref<64x512xf32, #tpu.memory_space<vmem>>, vector<1x16xf32>,
      %get3A_517 = vector.shape_cast %get3A_516 : vector<1x16xf32> to vector<16xf32>
      %get3A_518 = arith.index_cast %rem3A_81 : i32 to index
      %get3A_519 = arith.constant 496 : index
      %get3A_520 = tpu.vector_load %arg10[%get3A_518, %get3A_519] {strides = array<i32>} : memref<16x512xf32, #tpu.memory_space<vmem>>, vector<1x16xf32>,
      %get3A_521 = vector.shape_cast %get3A_520 : vector<1x16xf32> to vector<16xf32>
      %add3A_522 = arith.addf %get3A_517, %get3A_521 : vector<16xf32>
      %swap3A_523 = arith.index_cast %add3A_80 : i32 to index
      %swap3A_524 = arith.constant 496 : index
      %swap3A_525 = tpu.vector_load %arg8[%swap3A_523, %swap3A_524] {strides = array<i32>} : memref<64x512xf32, #tpu.memory_space<vmem>>, vector<1x16xf32>,
      %swap3A_526 = vector.shape_cast %swap3A_525 : vector<1x16xf32> to vector<16xf32>
      %swap3A_527 = vector.shape_cast %add3A_522 : vector<16xf32> to vector<1x16xf32>
      tpu.vector_store %arg8[%swap3A_523, %swap3A_524], %swap3A_527 {strides = array<i32>} : memref<64x512xf32, #tpu.memory_space<vmem>>, vector<1x16xf32>,
    }
    %scan3A_57 = arith.constant 64 : i32
    %add3A_58 = arith.constant 1984 : i32
    %add3A_59 = arith.addi %mul3A_2, %add3A_58 : i32
    %dma_start3A_60 = arith.constant 0 : i32
    %dma_start3A_61 = tpu.memref_slice %arg5[%add3A_59, %dma_start3A_60] : memref<65536x512xf32, #tpu.memory_space<hbm>> -> memref<64x512xf32, #tpu.memory_space<hbm>>
    %dma_start3A_62 = arith.constant 0 : i32
    %dma_start3A_63 = tpu.memref_slice %arg5[%add3A_59, %dma_start3A_62] : memref<65536x512xf32, #tpu.memory_space<hbm>> -> memref<64x512xf32, #tpu.memory_space<hbm>>
    tpu.enqueue_dma source(%arg8 : memref<64x512xf32, #tpu.memory_space<vmem>>) target(%dma_start3A_63 : memref<64x512xf32, #tpu.memory_space<hbm>>) target_semaphore(%arg15 : memref<!tpu.dma_semaphore, #tpu.memory_space<semaphore_mem>>)
    %dma_wait3A_64 = arith.constant 0 : i32
    %dma_wait3A_65 = tpu.memref_slice %arg5[%mul3A_2, %dma_wait3A_64] : memref<65536x512xf32, #tpu.memory_space<hbm>> -> memref<64x512xf32, #tpu.memory_space<hbm>>
    %dma_wait3A_66 = arith.constant 0 : i32
    %dma_wait3A_67 = tpu.memref_slice %arg5[%mul3A_2, %dma_wait3A_66] : memref<65536x512xf32, #tpu.memory_space<hbm>> -> memref<64x512xf32, #tpu.memory_space<hbm>>
    tpu.wait_dma2 semaphore(%arg16 : memref<!tpu.dma_semaphore, #tpu.memory_space<semaphore_mem>>) src(%arg9 : memref<64x512xf32, #tpu.memory_space<vmem>>) dst(%dma_wait3A_67 : memref<64x512xf32, #tpu.memory_space<hbm>>)
    %dma_wait3A_68 = arith.constant 0 : i32
    %dma_wait3A_69 = tpu.memref_slice %arg5[%mul3A_2, %dma_wait3A_68] : memref<65536x512xf32, #tpu.memory_space<hbm>> -> memref<64x512xf32, #tpu.memory_space<hbm>>
    %dma_wait3A_70 = arith.constant 0 : i32
    %dma_wait3A_71 = tpu.memref_slice %arg5[%mul3A_2, %dma_wait3A_70] : memref<65536x512xf32, #tpu.memory_space<hbm>> -> memref<64x512xf32, #tpu.memory_space<hbm>>
    tpu.wait_dma2 semaphore(%arg14 : memref<!tpu.dma_semaphore, #tpu.memory_space<semaphore_mem>>) src(%arg7 : memref<64x512xf32, #tpu.memory_space<vmem>>) dst(%dma_wait3A_71 : memref<64x512xf32, #tpu.memory_space<hbm>>)
    %dma_wait3A_72 = arith.constant 0 : i32
    %dma_wait3A_73 = tpu.memref_slice %arg5[%mul3A_2, %dma_wait3A_72] : memref<65536x512xf32, #tpu.memory_space<hbm>> -> memref<64x512xf32, #tpu.memory_space<hbm>>
    %dma_wait3A_74 = arith.constant 0 : i32
    %dma_wait3A_75 = tpu.memref_slice %arg5[%mul3A_2, %dma_wait3A_74] : memref<65536x512xf32, #tpu.memory_space<hbm>> -> memref<64x512xf32, #tpu.memory_space<hbm>>
    tpu.wait_dma2 semaphore(%arg15 : memref<!tpu.dma_semaphore, #tpu.memory_space<semaphore_mem>>) src(%arg8 : memref<64x512xf32, #tpu.memory_space<vmem>>) dst(%dma_wait3A_75 : memref<64x512xf32, #tpu.memory_space<hbm>>)
    return
  }
}

</mosaic_0001>

<sc_bundles>
// kernel: kernel.3.cloned.1.call-start
scs
__scs_entry_jumppad:
0x0: {  	(pc) =	sbr.rel $0x88, $3  }
0x1: {  	(tag) =	ssettag $0x0;
	lr =	simm.s32 $0x1  }
0x2: {  	[smem:$0x3F9E] =	sst lr;
	_ =	strace $0xD0000000  }
0x3: {  	_ = 	snop  }
0x4: {  	_ = 	snop  }
0x5: {  	_ = 	snop  }
0x6: {  	_ = 	snop  }
0x7: {  	_ = 	snop  }
__scs_overlays_trampoline_lowered:
0x8: {  	[smem:$0x3FAD] =	sst s0  }
0x9: {  	[smem:$0x3FAE] =	sst s1  }
0xa: {  	[smem:$0x3FAF] =	sst s2  }
0xb: {  	[smem:$0x3FB0] =	sst s3  }
0xc: {  	[smem:$0x3FB1] =	sst s4  }
0xd: {  	[smem:$0x3FB2] =	sst s5  }
0xe: {  	[smem:$0x3FB3] =	sst s6  }
0xf: {  	[smem:$0x3FB4] =	sst s7  }
0x10: {  	[smem:$0x3FB5] =	sst s8  }
0x11: {  	[smem:$0x3FB6] =	sst s9;
	s0 =	simm.s32 @!p0 $0x0  }
0x12: {  	s1 =	sld [smem:$0x3F9C];
	s0 =	simm.s32 @p0 $0x1  }
0x13: {  	[smem:$0x3FB7] =	sst s0;
	s0 =	simm.s32 @!p1 $0x0  }
0x14: {  	s2 =	sld [smem:$0x3F9B];
	s0 =	simm.s32 @p1 $0x1  }
0x15: {  	[smem:$0x3FB8] =	sst s0;
	s0 =	simm.s32 @!p2 $0x0  }
0x16: {  	s3 =	sld [smem:$0x3FDB];
	s0 =	simm.s32 @p2 $0x1  }
0x17: {  	s4 =	simm.s32 $0x1BF5;
	[smem:$0x3FBA] =	sst s0  }
0x18: {  	s0 =	sld [smem:$0x3F9D];
	_ =	swait.ge [sflag:s4], $0x0  }
0x19: {  	s7 =	sld [smem:$0x3F9E]  }
0x1a: {  	s8 =	sadd.s32 $0xFFFFE003, lr  }
0x1b: {  	s9 =	sadd.s32 $0xFFFFFEF7, lr;
	s5 =	simm.s32 $0xFFFFFFFF;
	p2 =	slt.u32 s8, $0xFFFFF086  }
0x1c: {  	p1 =	slt.u32 s9, $0xF7A;
	s5 =	simm.s32 @!p2 $0x0  }
0x1d: {  	s5 =	simm.s32 @p1 $0x1;
	p0 =	seq.s32 s7, s2  }
0x1e: {  	s7 =	smul.u32 @!p0 $0xF7A, s2;
	p2 =	seq.s32 @!p0 s5, $0x0  }
0x1f: {  	s9 =	smul.u32 $0xF7A, s1;
	s8 =	simm.s32 @!p0 $0x1BF5;
	p2 =	por !p2, p0  }
0x20: {  	[sflag:s8] =	ssyncset.s32 @!p0 $0xFFFFF086;
	s6 =	sadd.s32 @!p0 s3, s7;
	s7 =	simm.s32 @!p0 $0x108  }
0x21: {  	s3 =	sadd.s32 s3, s9;
	s6 =	sadd.s32 @!p0 $0x88, s6;
	s7 =	simm.s32 @p2 $0x1082  }
0x22: {  	[simem:s7], [sflag:s8] =	dma.local @!p0 [hbm:s6], $0xF7A  }
0x23: {  	s9 =	sor.u32 $0xD0000000, s2;
	s6 =	simm.s32 $0x108;
	_ =	swait.ge @!p0 [sflag:s8], $0x0  }
0x24: {  	s3 =	sadd.s32 $0x88, s3;
	s6 =	simm.s32 @!p1 $0x1082;
	[sflag:s4] =	ssyncset.s32 $0xFFFFF086  }
0x25: {  	[simem:s6], [sflag:s4] =	dma.local [hbm:s3], $0xF7A  }
0x26: {  	[smem:$0x3F9E] =	sst s1;
	(tag) =	ssettag s2;
	_ =	strace s9  }
0x27: {  	s1 =	sld [smem:$0x3FAE]  }
0x28: {  	s2 =	sld [smem:$0x3FAF]  }
0x29: {  	s4 =	sld [smem:$0x3FB1]  }
0x2a: {  	p0 =	seq.s32 s5, $0x0;
	s5 =	sld [smem:$0x3FB2]  }
0x2b: {  	s6 =	sld [smem:$0x3FB3]  }
0x2c: {  	s7 =	sld [smem:$0x3FB4]  }
0x2d: {  	s3 =	simm.s32 $0x108;
	s8 =	sld [smem:$0x3FB5]  }
0x2e: {  	s3 =	simm.s32 @!p0 $0x1082;
	s9 =	sld [smem:$0x3FB6]  }
0x2f: {  	lr =	sadd.s32 s0, s3;
	s0 =	sld [smem:$0x3FAD]  }
0x30: {  	s3 =	sld [smem:$0x3FB0]  }
0x31: {  	[smem:$0x3FB9] =	sst s10  }
0x32: {  	s10 =	sld [smem:$0x3FB7];
	_ =	sdelay $0x3  }
0x33: {  	p0 =	seq.s32 s10, $0x1;
	s10 =	sld [smem:$0x3FB9];
	_ =	sdelay $0x3  }
0x34: {  	[smem:$0x3FB9] =	sst s10  }
0x35: {  	s10 =	sld [smem:$0x3FB8];
	_ =	sdelay $0x3  }
0x36: {  	p1 =	seq.s32 s10, $0x1;
	s10 =	sld [smem:$0x3FB9];
	_ =	sdelay $0x3  }
0x37: {  	[smem:$0x3FB9] =	sst s10  }
0x38: {  	s10 =	sld [smem:$0x3FBA]  }
0x39: {  	_ = 	snop;
	(pc) =	sbr.ind lr, $3  }
0x3a: {  	_ = 	snop  }
0x3b: {  	_ = 	snop  }
0x3c: {  	p2 =	seq.s32 s10, $0x1;
	s10 =	sld [smem:$0x3FB9]  }
0x3d: {  	_ =	shalt  }
0x3e: {  	_ =	shalt  }
0x3f: {  	_ =	shalt  }
0x40: {  	_ =	shalt  }
0x41: {  	_ =	shalt  }
0x42: {  	_ =	shalt  }
0x43: {  	_ =	shalt  }
0x44: {  	_ =	shalt  }
0x45: {  	_ =	shalt  }
0x46: {  	_ =	shalt  }
0x47: {  	_ =	shalt  }
0x48: {  	_ =	shalt  }
0x49: {  	_ =	shalt  }
0x4a: {  	_ =	shalt  }
0x4b: {  	_ =	shalt  }
0x4c: {  	_ =	shalt  }
0x4d: {  	_ =	shalt  }
0x4e: {  	_ =	shalt  }
0x4f: {  	_ =	shalt  }
0x50: {  	_ =	shalt  }
0x51: {  	_ =	shalt  }
0x52: {  	_ =	shalt  }
0x53: {  	_ =	shalt  }
0x54: {  	_ =	shalt  }
0x55: {  	_ =	shalt  }
0x56: {  	_ =	shalt  }
0x57: {  	_ =	shalt  }
0x58: {  	_ =	shalt  }
0x59: {  	_ =	shalt  }
0x5a: {  	_ =	shalt  }
0x5b: {  	_ =	shalt  }
0x5c: {  	_ =	shalt  }
0x5d: {  	_ =	shalt  }
0x5e: {  	_ =	shalt  }
0x5f: {  	_ =	shalt  }
0x60: {  	_ =	shalt  }
0x61: {  	_ =	shalt  }
0x62: {  	_ =	shalt  }
0x63: {  	_ =	shalt  }
0x64: {  	_ =	shalt  }
0x65: {  	_ =	shalt  }
0x66: {  	_ =	shalt  }
0x67: {  	_ =	shalt  }
0x68: {  	_ =	shalt  }
0x69: {  	_ =	shalt  }
0x6a: {  	_ =	shalt  }
0x6b: {  	_ =	shalt  }
0x6c: {  	_ =	shalt  }
0x6d: {  	_ =	shalt  }
0x6e: {  	_ =	shalt  }
0x6f: {  	_ =	shalt  }
0x70: {  	_ =	shalt  }
0x71: {  	_ =	shalt  }
0x72: {  	_ =	shalt  }
0x73: {  	_ =	shalt  }
0x74: {  	_ =	shalt  }
0x75: {  	_ =	shalt  }
0x76: {  	_ =	shalt  }
0x77: {  	_ =	shalt  }
0x78: {  	_ =	shalt  }
0x79: {  	_ =	shalt  }
0x7a: {  	_ =	shalt  }
0x7b: {  	_ =	shalt  }
0x7c: {  	_ =	shalt  }
0x7d: {  	_ =	shalt  }
0x7e: {  	_ =	shalt  }
0x7f: {  	_ =	shalt  }
0x80: {  	_ =	shalt  }
0x81: {  	_ =	shalt  }
0x82: {  	_ =	shalt  }
0x83: {  	_ =	shalt  }
0x84: {  	_ =	shalt  }
0x85: {  	_ =	shalt  }
0x86: {  	_ =	shalt  }
0x87: {  	_ =	shalt  }
.Lfunc_end0:
.L_simem_size_0:
called_computation_lowered:
.L_overlay_start_0:
0x88: {  	s2 =	sld [smem:$0x3FD9]  }
0x89: {  	s3 =	sld [smem:$0x3FFE];
	_ =	sdelay $0x1  }
0x8a: {  	s1 =	srdreg.scid  }
0x8b: {  	s0 =	sand.u32 $0x1, s1  }
0x8c: {  	s17 =	sshll.u32 s0, $0xA;
	s2 =	sadd.s32 s3, s2  }
0x8d: {  	s2 =	sadd.s32 s2, s17  }
0x8e: {  	[smem:$0x3FC5] =	sst s2  }
0x8f: {  	_ = 	snop  }
0x90: {  	s2 =	sld [smem:$0x3FC8]  }
0x91: {  	s18 =	sld [smem:$0x3FC7]  }
0x92: {  	s4 =	sld [smem:$0x3FD0];
	(tm) =	ssettm $0x1  }
0x93: {  	s5 =	sld [smem:$0x3FFB];
	_ =	sdelay $0x3  }
0x94: {  	_ =	strace s5  }
0x95: {  	s5 =	sld [smem:$0x3FFC];
	_ =	sdelay $0x3  }
0x96: {  	_ =	strace s5  }
0x97: {  	s5 =	sld [smem:$0x3FFD];
	_ =	sdelay $0x3  }
0x98: {  	_ =	strace s5  }
0x99: {  	_ =	strace $0x8FFFFFFF  }
0x9a: {  	s19 =	sld [smem:$0x3FDB];
	_ =	sdelay $0x1  }
0x9b: {  	s6 =	simm.s32 $_scs_section_size  }
0x9c: {  	s7 =	simm.s32 $_size__tile_overlayer_lowered;
	s8 =	simm.s32 $_tile_overlayer_lowered  }
0x9d: {  	s22 =	simm.s32 $0x1BFF;
	s21 =	sshll.u32 s8, $0x1;
	s5 =	sadd.s32 s6, s19  }
0x9e: {  	s9 =	simm.s32 $0x0;
	s20 =	sshll.u32 s7, $0x1;
	s7 =	sadd.s32 s21, s5  }
0x9f: {  	[timem:s9], [sflag:s22] =	dma.local [hbm:s7], s20  }
0xa0: {  	_ =	swait.ge [sflag:s22], s20  }
0xa1: {  	s6 =	ssub.s32 $0x0, s20;
	[sflag:s22] =	ssyncset.done $0x0  }
0xa2: {  	[sflag:s22] =	ssyncadd.s32 s6;
	_ =	sdelay $0x1  }
0xa3: {  	s23 =	simm.s32 $0x1B8B  }
0xa4: {  	_ =	swait.ge [sflag:s23], $0x1  }
0xa5: {  	[sflag:s23] =	ssyncset.done $0x0  }
0xa6: {  	s25 =	simm.s32 $0x1B8E;
	s24 =	sld [smem:$0x3FFE];
	[sflag:s23] =	ssyncadd.s32 $0xFFFFFFFF  }
0xa7: {  	s26 =	simm.s32 $execute0_lowered;
	[smem:$0x3FD2] =	sst s25  }
0xa8: {  	s7 =	sshll.u32 s26, $0x1;
	_ =	strace $0x80000046;
	[dreg:$0x1] =	wrdreg $0xFFFFFFFF  }
0xa9: {  	s28 =	simm.s32 $_size_execute0_lowered;
	s5 =	sadd.s32 s5, s7;
	[dreg:$0x0] =	wrdreg $0x0  }
0xaa: {  	s7 =	sshll.u32 s28, $0x1;
	[dreg:$0x2] =	wrdreg s5  }
0xab: {  	[dreg:$0x3] =	wrdreg s7  }
0xac: {  	[dreg:$0x4] =	wrdreg $0xC0  }
0xad: {  	_ =	task [dreg:s9], $0x5FFFF  }
0xae: {  	[dreg:$0x1] =	wrdreg $0xFFFFFFFF  }
0xaf: {  	[dreg:$0x0] =	wrdreg $0x60  }
0xb0: {  	[dreg:$0x2] =	wrdreg s24  }
0xb1: {  	[dreg:$0x3] =	wrdreg s2  }
0xb2: {  	[dreg:$0x4] =	wrdreg s18  }
0xb3: {  	[dreg:$0x5] =	wrdreg s4  }
0xb4: {  	[dreg:$0x6] =	wrdreg $0x9  }
0xb5: {  	_ =	task.clear_ibuf [dreg:s9], $0x7FFFF;
	_ =	strace $0x90000046  }
0xb6: {  	s29 =	simm.s32 $0x9;
	_ =	strace $0x80000048  }
0xb7: {  	_ =	swait.ge [sflag:s29], $0x1  }
0xb8: {  	[sflag:s29] =	ssyncadd.s32 $0xFFFFFFFF  }
0xb9: {  	_ =	strace $0x90000048  }
0xba: {  	_ =	sfence  }
0xbb: {  	s30 =	sld [smem:$0x0];
	_ =	sdelay $0x2  }
0xbc: {  	s31 =	sshll.u32 s1, $0xD;
	s1 =	sshrl.u32 s1, $0x2  }
0xbd: {  	s3 =	sand.u32 $0x4000, s31;
	s1 =	sadd.s32 s1, s30  }
0xbe: {  	s0 =	sor.u32 s3, s0;
	s1 =	sshll.u32 s1, $0x11  }
0xbf: {  	s0 =	sor.u32 s1, s0  }
0xc0: {  	s0 =	sadd.s32 $0x8F2B, s0  }
0xc1: {  	[sflag:s0] =	ssyncadd.remote.s32 $0x1  }
0xc2: {  	_ =	sfence.sel $0xFFFF  }
0xc3: {  	[dreg:$0x0] =	wrdreg $0xFFFFFFFF;
	(pc) =	sbr.abs _section_cstart, $3  }
0xc4: {  	[dreg:$0x1] =	wrdreg $0xFFFFFFFF  }
0xc5: {  	_ =	task.clear_ibuf [dreg:s9], $0x2FFFF;
	_ =	strace $0x9FFFFFFF  }
0xc6: {  	(tm) =	ssettm $0x7FFFFFFF  }
0xc7: {  	_ =	shalt  }
tec
execute0_lowered:
.L_overlay_start_1:
0x0: {  	(tag) =	ssettag $0x1  }
0x1: {  	s0 =	rddreg [dreg:$0x0]  }
0x2: {  	s2 =	rddreg [dreg:$0x1]  }
0x3: {  	s4 =	rddreg [dreg:$0x3]  }
0x4: {  	s1 =	srdreg.scid;
	s3 =	stileid.u32;
	s5 =	simm.s32 $0x0  }
0x5: {  	s15 =	simm.s32 $0x1000;
	s23 =	simm.s32 $0x10800;
	s28 =	simm.s32 $0x4  }
0x6: {  	s29 =	simm.s32 $0x3;
	s30 =	simm.s32 $0x5;
	s31 =	simm.s32 $0x6  }
0x7: {  	s1 =	sand.u32 $0x1, s1;
	s3 =	sshll.u32 s3, $0x1;
	[smem:$0x7FF] =	sst s5  }
0x8: {  	s3 =	sor.u32 s1, s3;
	s1 =	ssub.s32 $0x2, s1;
	_ =	strace $0x80000047  }
0x9: {  	s6 =	sshll.u32 s3, $0x9;
	s7 =	sshrl.u32 s1, $0x1;
	s24 =	sshll.u32 s3, $0xB  }
0xa: {  	s25 =	sshll.u32 s3, $0x11;
	s3 =	simm.s32 $0x0;
	s0 =	sadd.s32 s6, s0  }
0xb: {  	s1 =	ssub.s32 s1, s7;
	s7 =	sadd.s32 $0x100, s2;
	s8 =	sadd.s32 s4, s25  }
0xc: {  	s9 =	sor.u32 $0x40, s24;
	s10 =	sor.u32 $0x80, s24;
	s0 =	sadd.s32 $0x400, s0  }
0xd: {  	v2 =	vlaneseq.u32;
	s24 =	simm.s32 $0x1;
	s26 =	smax.u32 s1, $0x1;
	[dreg:$0x5] =	wrdreg s0  }
0xe: {  	vm0 =	vmmov $0xffff;
	v1 =	vshrl.u32 v2, $0x3;
	s25 =	simm.s32 $0x11000;
	s0 =	sadd.s32 $0x1F000, s8;
	[dreg:$0x7] =	wrdreg s26  }
0xf: {  	v0 =	vand.u32 $0x7, v2;
	v2 =	vor.u32 $0x8, v2;
	v1 =	vmul.u32 $0x8, v1;
	s26 =	simm.s32 $0x2;
	[dreg:$0x6] =	wrdreg s0;
	s0 =	simm.s32 $0x9000  }
.LBB2_1:
0x10: {  	[dreg:$0x8] =	wrdreg s3  }
0x11: {  	s1 =	rddreg [dreg:$0x5];
	s13 =	simm.s32 $0x7  }
0x12: {  	[tilespmem:s5], [sflag:$0x7] =	stream.linear.gather [hbm4b:s1+s5], $0x1000, $0x38;
	[tilespmem:$0x1B000] =	vst v63  }
0x13: {  	_ =	swait.ge [sflag:s13], $0x1000  }
0x14: {  	[sflag:s13] =	ssyncset.done $0x0  }
0x15: {  	[sflag:s13] =	ssyncadd.s32 $0xFFFFF000  }
0x16: {  	s6 =	simm.s32 $0x19000;
	s14 =	rddreg [dreg:$0x2]  }
0x17: {  	[tilespmem:s6], [sflag:$0x7] =	stream.linear.gather [hbm4b:s14+s5], $0x2000, $0x38;
	[tilespmem:$0x1B000] =	vst v63  }
0x18: {  	_ =	swait.ge [sflag:s13], $0x2000  }
0x19: {  	[sflag:s13] =	ssyncset.done $0x0  }
0x1a: {  	[sflag:s13] =	ssyncadd.s32 $0xFFFFE000  }
0x1b: {  	v3 =	vld [tilespmem:$0x0];
	_ =	sdelay $0x4  }
0x1c: {  	v4 =	vshll.u32 v3, $0x2  }
0x1d: {  	v3 =	vand.u32 $0x7, v3;
	v4 =	vand.u32 $0xFFFFFFE0, v4  }
0x1e: {  	v3 =	vor.u32 v3, v4  }
0x1f: {  	v4 =	vperm.xlane v3, v0;
	_ =	sdelay $0x1  }
0x20: {  	v4 =	vadd.s32 v1, v4;
	_ =	sdelay $0x1  }
0x21: {  	v3 =	vperm.xlane v3, v2;
	_ =	sdelay $0x1  }
0x22: {  	v3 =	vadd.s32 v1, v3  }
0x23: {  	[tilespmem:s15], [sflag:$0x1] =	stream.indirect_vreg.gather [hbm4b:s2+s5], $0x80, v4, vm0, $0xb8;
	[tilespmem:$0x1B000] =	vst v63  }
0x24: {  	s16 =	simm.s32 $0x1800  }
0x25: {  	[tilespmem:s16], [sflag:$0x1] =	stream.indirect_vreg.gather [hbm4b:s7+s5], $0x80, v4, vm0, $0xb8;
	[tilespmem:$0x1B000] =	vst v63  }
0x26: {  	s17 =	simm.s32 $0x2000  }
0x27: {  	[tilespmem:s17], [sflag:$0x1] =	stream.indirect_vreg.gather [hbm4b:s2+s5], $0x80, v3, vm0, $0xb8;
	[tilespmem:$0x1B000] =	vst v63  }
0x28: {  	s18 =	simm.s32 $0x2800  }
0x29: {  	[tilespmem:s18], [sflag:$0x1] =	stream.indirect_vreg.gather [hbm4b:s7+s5], $0x80, v3, vm0, $0xb8;
	[tilespmem:$0x1B000] =	vst v63  }
0x2a: {  	v3 =	vld [tilespmem:$0x10];
	_ =	sdelay $0x4  }
0x2b: {  	v4 =	vshll.u32 v3, $0x2  }
0x2c: {  	v3 =	vand.u32 $0x7, v3;
	v4 =	vand.u32 $0xFFFFFFE0, v4  }
0x2d: {  	v3 =	vor.u32 v3, v4  }
0x2e: {  	v4 =	vperm.xlane v3, v0;
	_ =	sdelay $0x1  }
0x2f: {  	v4 =	vadd.s32 v1, v4;
	_ =	sdelay $0x1  }
0x30: {  	v3 =	vperm.xlane v3, v2;
	_ =	sdelay $0x1  }
0x31: {  	s19 =	simm.s32 $0x3000;
	v3 =	vadd.s32 v1, v3  }
0x32: {  	[tilespmem:s19], [sflag:$0x1] =	stream.indirect_vreg.gather [hbm4b:s2+s5], $0x80, v4, vm0, $0xb8;
	[tilespmem:$0x1B000] =	vst v63  }
0x33: {  	s20 =	simm.s32 $0x3800  }
0x34: {  	[tilespmem:s20], [sflag:$0x1] =	stream.indirect_vreg.gather [hbm4b:s7+s5], $0x80, v4, vm0, $0xb8;
	[tilespmem:$0x1B000] =	vst v63  }
0x35: {  	s21 =	simm.s32 $0x4000  }
0x36: {  	[tilespmem:s21], [sflag:$0x1] =	stream.indirect_vreg.gather [hbm4b:s2+s5], $0x80, v3, vm0, $0xb8;
	[tilespmem:$0x1B000] =	vst v63  }
0x37: {  	s22 =	simm.s32 $0x4800  }
0x38: {  	[tilespmem:s22], [sflag:$0x1] =	stream.indirect_vreg.gather [hbm4b:s7+s5], $0x80, v3, vm0, $0xb8;
	[tilespmem:$0x1B000] =	vst v63  }
0x39: {  	v3 =	vld [tilespmem:$0x20];
	_ =	sdelay $0x4  }
0x3a: {  	v4 =	vshll.u32 v3, $0x2  }
0x3b: {  	v3 =	vand.u32 $0x7, v3;
	v4 =	vand.u32 $0xFFFFFFE0, v4  }
0x3c: {  	v3 =	vor.u32 v3, v4  }
0x3d: {  	v4 =	vperm.xlane v3, v0;
	_ =	sdelay $0x1  }
0x3e: {  	v4 =	vadd.s32 v1, v4;
	_ =	sdelay $0x1  }
0x3f: {  	v3 =	vperm.xlane v3, v2;
	_ =	sdelay $0x1  }
0x40: {  	s3 =	simm.s32 $0x5000;
	v3 =	vadd.s32 v1, v3  }
0x41: {  	[tilespmem:s3], [sflag:$0x1] =	stream.indirect_vreg.gather [hbm4b:s2+s5], $0x80, v4, vm0, $0xb8;
	[tilespmem:$0x1B000] =	vst v63  }
0x42: {  	s6 =	simm.s32 $0x5800  }
0x43: {  	[tilespmem:s6], [sflag:$0x1] =	stream.indirect_vreg.gather [hbm4b:s7+s5], $0x80, v4, vm0, $0xb8;
	[tilespmem:$0x1B000] =	vst v63  }
0x44: {  	s11 =	simm.s32 $0x6000  }
0x45: {  	[tilespmem:s11], [sflag:$0x1] =	stream.indirect_vreg.gather [hbm4b:s2+s5], $0x80, v3, vm0, $0xb8;
	[tilespmem:$0x1B000] =	vst v63  }
0x46: {  	s12 =	simm.s32 $0x6800  }
0x47: {  	[tilespmem:s12], [sflag:$0x1] =	stream.indirect_vreg.gather [hbm4b:s7+s5], $0x80, v3, vm0, $0xb8;
	[tilespmem:$0x1B000] =	vst v63  }
0x48: {  	v3 =	vld [tilespmem:$0x30];
	_ =	sdelay $0x4  }
0x49: {  	v4 =	vshll.u32 v3, $0x2  }
0x4a: {  	v3 =	vand.u32 $0x7, v3;
	v4 =	vand.u32 $0xFFFFFFE0, v4  }
0x4b: {  	v3 =	vor.u32 v3, v4  }
0x4c: {  	v4 =	vperm.xlane v3, v0;
	_ =	sdelay $0x1  }
0x4d: {  	v4 =	vadd.s32 v1, v4;
	_ =	sdelay $0x1  }
0x4e: {  	v3 =	vperm.xlane v3, v2;
	_ =	sdelay $0x1  }
0x4f: {  	s13 =	simm.s32 $0x7000;
	v3 =	vadd.s32 v1, v3  }
0x50: {  	[tilespmem:s13], [sflag:$0x1] =	stream.indirect_vreg.gather [hbm4b:s2+s5], $0x80, v4, vm0, $0xb8;
	[tilespmem:$0x1B000] =	vst v63  }
0x51: {  	s14 =	simm.s32 $0x7800  }
0x52: {  	[tilespmem:s14], [sflag:$0x1] =	stream.indirect_vreg.gather [hbm4b:s7+s5], $0x80, v4, vm0, $0xb8;
	[tilespmem:$0x1B000] =	vst v63  }
0x53: {  	s16 =	simm.s32 $0x8000  }
0x54: {  	[tilespmem:s16], [sflag:$0x1] =	stream.indirect_vreg.gather [hbm4b:s2+s5], $0x80, v3, vm0, $0xb8;
	[tilespmem:$0x1B000] =	vst v63  }
0x55: {  	s17 =	simm.s32 $0x8800  }
0x56: {  	[tilespmem:s17], [sflag:$0x1] =	stream.indirect_vreg.gather [hbm4b:s7+s5], $0x80, v3, vm0, $0xb8;
	[tilespmem:$0x1B000] =	vst v63  }
0x57: {  	v3 =	vld [tilespmem:$0x80];
	_ =	sdelay $0x4  }
0x58: {  	v4 =	vshll.u32 v3, $0x2  }
0x59: {  	v3 =	vand.u32 $0x7, v3;
	v4 =	vand.u32 $0xFFFFFFE0, v4  }
0x5a: {  	v3 =	vor.u32 v3, v4  }
0x5b: {  	v4 =	vperm.xlane v3, v0;
	_ =	sdelay $0x1  }
0x5c: {  	v4 =	vadd.s32 v1, v4;
	_ =	sdelay $0x1  }
0x5d: {  	v3 =	vperm.xlane v3, v2;
	_ =	sdelay $0x1  }
0x5e: {  	v3 =	vadd.s32 v1, v3  }
0x5f: {  	[tilespmem:s0], [sflag:$0x2] =	stream.indirect_vreg.gather [hbm4b:s2+s5], $0x80, v4, vm0, $0xb8;
	[tilespmem:$0x1B000] =	vst v63  }
0x60: {  	s18 =	simm.s32 $0x9800  }
0x61: {  	[tilespmem:s18], [sflag:$0x2] =	stream.indirect_vreg.gather [hbm4b:s7+s5], $0x80, v4, vm0, $0xb8;
	[tilespmem:$0x1B000] =	vst v63  }
0x62: {  	s19 =	simm.s32 $0xA000  }
0x63: {  	[tilespmem:s19], [sflag:$0x2] =	stream.indirect_vreg.gather [hbm4b:s2+s5], $0x80, v3, vm0, $0xb8;
	[tilespmem:$0x1B000] =	vst v63  }
0x64: {  	s20 =	simm.s32 $0xA800  }
0x65: {  	[tilespmem:s20], [sflag:$0x2] =	stream.indirect_vreg.gather [hbm4b:s7+s5], $0x80, v3, vm0, $0xb8;
	[tilespmem:$0x1B000] =	vst v63  }
0x66: {  	v3 =	vld [tilespmem:$0x90];
	_ =	sdelay $0x4  }
0x67: {  	v4 =	vshll.u32 v3, $0x2  }
0x68: {  	v3 =	vand.u32 $0x7, v3;
	v4 =	vand.u32 $0xFFFFFFE0, v4  }
0x69: {  	v3 =	vor.u32 v3, v4  }
0x6a: {  	v4 =	vperm.xlane v3, v0;
	_ =	sdelay $0x1  }
0x6b: {  	v4 =	vadd.s32 v1, v4;
	_ =	sdelay $0x1  }
0x6c: {  	v3 =	vperm.xlane v3, v2;
	_ =	sdelay $0x1  }
0x6d: {  	s21 =	simm.s32 $0xB000;
	v3 =	vadd.s32 v1, v3  }
0x6e: {  	[tilespmem:s21], [sflag:$0x2] =	stream.indirect_vreg.gather [hbm4b:s2+s5], $0x80, v4, vm0, $0xb8;
	[tilespmem:$0x1B000] =	vst v63  }
0x6f: {  	s22 =	simm.s32 $0xB800  }
0x70: {  	[tilespmem:s22], [sflag:$0x2] =	stream.indirect_vreg.gather [hbm4b:s7+s5], $0x80, v4, vm0, $0xb8;
	[tilespmem:$0x1B000] =	vst v63  }
0x71: {  	s3 =	simm.s32 $0xC000  }
0x72: {  	[tilespmem:s3], [sflag:$0x2] =	stream.indirect_vreg.gather [hbm4b:s2+s5], $0x80, v3, vm0, $0xb8;
	[tilespmem:$0x1B000] =	vst v63  }
0x73: {  	s6 =	simm.s32 $0xC800  }
0x74: {  	[tilespmem:s6], [sflag:$0x2] =	stream.indirect_vreg.gather [hbm4b:s7+s5], $0x80, v3, vm0, $0xb8;
	[tilespmem:$0x1B000] =	vst v63  }
0x75: {  	v3 =	vld [tilespmem:$0xA0];
	_ =	sdelay $0x4  }
0x76: {  	v4 =	vshll.u32 v3, $0x2  }
0x77: {  	v3 =	vand.u32 $0x7, v3;
	v4 =	vand.u32 $0xFFFFFFE0, v4  }
0x78: {  	v3 =	vor.u32 v3, v4  }
0x79: {  	v4 =	vperm.xlane v3, v0;
	_ =	sdelay $0x1  }
0x7a: {  	v4 =	vadd.s32 v1, v4;
	_ =	sdelay $0x1  }
0x7b: {  	v3 =	vperm.xlane v3, v2;
	_ =	sdelay $0x1  }
0x7c: {  	s11 =	simm.s32 $0xD000;
	v3 =	vadd.s32 v1, v3  }
0x7d: {  	[tilespmem:s11], [sflag:$0x2] =	stream.indirect_vreg.gather [hbm4b:s2+s5], $0x80, v4, vm0, $0xb8;
	[tilespmem:$0x1B000] =	vst v63  }
0x7e: {  	s12 =	simm.s32 $0xD800  }
0x7f: {  	[tilespmem:s12], [sflag:$0x2] =	stream.indirect_vreg.gather [hbm4b:s7+s5], $0x80, v4, vm0, $0xb8;
	[tilespmem:$0x1B000] =	vst v63  }
0x80: {  	s13 =	simm.s32 $0xE000  }
0x81: {  	[tilespmem:s13], [sflag:$0x2] =	stream.indirect_vreg.gather [hbm4b:s2+s5], $0x80, v3, vm0, $0xb8;
	[tilespmem:$0x1B000] =	vst v63  }
0x82: {  	s14 =	simm.s32 $0xE800  }
0x83: {  	[tilespmem:s14], [sflag:$0x2] =	stream.indirect_vreg.gather [hbm4b:s7+s5], $0x80, v3, vm0, $0xb8;
	[tilespmem:$0x1B000] =	vst v63  }
0x84: {  	v3 =	vld [tilespmem:$0xB0];
	_ =	sdelay $0x4  }
0x85: {  	v4 =	vshll.u32 v3, $0x2  }
0x86: {  	v3 =	vand.u32 $0x7, v3;
	v4 =	vand.u32 $0xFFFFFFE0, v4  }
0x87: {  	v3 =	vor.u32 v3, v4  }
0x88: {  	v4 =	vperm.xlane v3, v0;
	_ =	sdelay $0x1  }
0x89: {  	v4 =	vadd.s32 v1, v4;
	_ =	sdelay $0x1  }
0x8a: {  	v3 =	vperm.xlane v3, v2;
	_ =	sdelay $0x1  }
0x8b: {  	s16 =	simm.s32 $0xF000;
	v3 =	vadd.s32 v1, v3  }
0x8c: {  	[tilespmem:s16], [sflag:$0x2] =	stream.indirect_vreg.gather [hbm4b:s2+s5], $0x80, v4, vm0, $0xb8;
	[tilespmem:$0x1B000] =	vst v63  }
0x8d: {  	s17 =	simm.s32 $0xF800  }
0x8e: {  	[tilespmem:s17], [sflag:$0x2] =	stream.indirect_vreg.gather [hbm4b:s7+s5], $0x80, v4, vm0, $0xb8;
	[tilespmem:$0x1B000] =	vst v63  }
0x8f: {  	s18 =	simm.s32 $0x10000  }
0x90: {  	[tilespmem:s18], [sflag:$0x2] =	stream.indirect_vreg.gather [hbm4b:s2+s5], $0x80, v3, vm0, $0xb8;
	[tilespmem:$0x1B000] =	vst v63  }
0x91: {  	_ = 	snop  }
0x92: {  	[tilespmem:s23], [sflag:$0x2] =	stream.indirect_vreg.gather [hbm4b:s7+s5], $0x80, v3, vm0, $0xb8;
	[tilespmem:$0x1B000] =	vst v63  }
0x93: {  	_ =	swait.ge [sflag:s24], $0x8000  }
0x94: {  	s19 =	sand.u32 $0x7000, s5;
	s20 =	sand.u32 $0x380, s5;
	[sflag:s24] =	ssyncset.done $0x0  }
0x95: {  	s1 =	sor.u32 s20, s19;
	s21 =	sand.u32 $0x1000, s5;
	[sflag:s24] =	ssyncadd.s32 $0xFFFF8000  }
0x96: {  	s3 =	sor.u32 s20, s21;
	v3 =	vld [tilespmem:s1+$0x1000]  }
0x97: {  	v4 =	vld [tilespmem:s3+$0x19000];
	_ =	sdelay $0x4  }
0x98: {  	v3 =	vadd.f32 v4, v3;
	_ =	sdelay $0x1  }
0x99: {  	s3 =	sadd.s32 $0x19000, s3;
	[tilespmem:s1+$0x1000] =	vst v3;
	v3 =	vld [tilespmem:s1+$0x1010]  }
0x9a: {  	v4 =	vld [tilespmem:s3+$0x10];
	_ =	sdelay $0x4  }
0x9b: {  	v3 =	vadd.f32 v4, v3;
	_ =	sdelay $0x1  }
0x9c: {  	[tilespmem:s1+$0x1010] =	vst v3;
	v3 =	vld [tilespmem:s1+$0x1020]  }
0x9d: {  	v4 =	vld [tilespmem:s3+$0x20];
	_ =	sdelay $0x4  }
0x9e: {  	v3 =	vadd.f32 v4, v3;
	_ =	sdelay $0x1  }
0x9f: {  	[tilespmem:s1+$0x1020] =	vst v3;
	v3 =	vld [tilespmem:s1+$0x1030]  }
0xa0: {  	v4 =	vld [tilespmem:s3+$0x30];
	_ =	sdelay $0x4  }
0xa1: {  	v3 =	vadd.f32 v4, v3;
	_ =	sdelay $0x1  }
0xa2: {  	[tilespmem:s1+$0x1030] =	vst v3;
	v3 =	vld [tilespmem:s1+$0x1040]  }
0xa3: {  	v4 =	vld [tilespmem:s3+$0x40];
	_ =	sdelay $0x4  }
0xa4: {  	v3 =	vadd.f32 v4, v3;
	_ =	sdelay $0x1  }
0xa5: {  	[tilespmem:s1+$0x1040] =	vst v3;
	v3 =	vld [tilespmem:s1+$0x1050]  }
0xa6: {  	v4 =	vld [tilespmem:s3+$0x50];
	_ =	sdelay $0x4  }
0xa7: {  	v3 =	vadd.f32 v4, v3;
	_ =	sdelay $0x1  }
0xa8: {  	[tilespmem:s1+$0x1050] =	vst v3;
	v3 =	vld [tilespmem:s1+$0x1060]  }
0xa9: {  	v4 =	vld [tilespmem:s3+$0x60];
	_ =	sdelay $0x4  }
0xaa: {  	v3 =	vadd.f32 v4, v3;
	_ =	sdelay $0x1  }
0xab: {  	[tilespmem:s1+$0x1060] =	vst v3;
	v3 =	vld [tilespmem:s1+$0x1070]  }
0xac: {  	v4 =	vld [tilespmem:s3+$0x70];
	_ =	sdelay $0x4  }
0xad: {  	v3 =	vadd.f32 v4, v3;
	_ =	sdelay $0x1  }
0xae: {  	[tilespmem:s1+$0x1070] =	vst v3;
	v3 =	vld [tilespmem:s1+$0x1400]  }
0xaf: {  	v4 =	vld [tilespmem:s3+$0x400];
	_ =	sdelay $0x4  }
0xb0: {  	v3 =	vadd.f32 v4, v3;
	_ =	sdelay $0x1  }
0xb1: {  	[tilespmem:s1+$0x1400] =	vst v3;
	v3 =	vld [tilespmem:s1+$0x1410]  }
0xb2: {  	v4 =	vld [tilespmem:s3+$0x410];
	_ =	sdelay $0x4  }
0xb3: {  	v3 =	vadd.f32 v4, v3;
	_ =	sdelay $0x1  }
0xb4: {  	[tilespmem:s1+$0x1410] =	vst v3;
	v3 =	vld [tilespmem:s1+$0x1420]  }
0xb5: {  	v4 =	vld [tilespmem:s3+$0x420];
	_ =	sdelay $0x4  }
0xb6: {  	v3 =	vadd.f32 v4, v3;
	_ =	sdelay $0x1  }
0xb7: {  	[tilespmem:s1+$0x1420] =	vst v3;
	v3 =	vld [tilespmem:s1+$0x1430]  }
0xb8: {  	v4 =	vld [tilespmem:s3+$0x430];
	_ =	sdelay $0x4  }
0xb9: {  	v3 =	vadd.f32 v4, v3;
	_ =	sdelay $0x1  }
0xba: {  	[tilespmem:s1+$0x1430] =	vst v3;
	v3 =	vld [tilespmem:s1+$0x1440]  }
0xbb: {  	v4 =	vld [tilespmem:s3+$0x440];
	_ =	sdelay $0x4  }
0xbc: {  	v3 =	vadd.f32 v4, v3;
	_ =	sdelay $0x1  }
0xbd: {  	[tilespmem:s1+$0x1440] =	vst v3;
	v3 =	vld [tilespmem:s1+$0x1450]  }
0xbe: {  	v4 =	vld [tilespmem:s3+$0x450];
	_ =	sdelay $0x4  }
0xbf: {  	v3 =	vadd.f32 v4, v3;
	_ =	sdelay $0x1  }
0xc0: {  	[tilespmem:s1+$0x1450] =	vst v3;
	v3 =	vld [tilespmem:s1+$0x1460]  }
0xc1: {  	v4 =	vld [tilespmem:s3+$0x460];
	_ =	sdelay $0x4  }
0xc2: {  	v3 =	vadd.f32 v4, v3;
	_ =	sdelay $0x1  }
0xc3: {  	[tilespmem:s1+$0x1460] =	vst v3;
	v3 =	vld [tilespmem:s1+$0x1470]  }
0xc4: {  	v4 =	vld [tilespmem:s3+$0x470];
	_ =	sdelay $0x4  }
0xc5: {  	v3 =	vadd.f32 v4, v3;
	_ =	sdelay $0x1  }
0xc6: {  	[tilespmem:s1+$0x1470] =	vst v3;
	v3 =	vld [tilespmem:s1+$0x1800]  }
0xc7: {  	v4 =	vld [tilespmem:s3+$0x800];
	_ =	sdelay $0x4  }
0xc8: {  	v3 =	vadd.f32 v4, v3;
	_ =	sdelay $0x1  }
0xc9: {  	[tilespmem:s1+$0x1800] =	vst v3;
	v3 =	vld [tilespmem:s1+$0x1810]  }
0xca: {  	v4 =	vld [tilespmem:s3+$0x810];
	_ =	sdelay $0x4  }
0xcb: {  	v3 =	vadd.f32 v4, v3;
	_ =	sdelay $0x1  }
0xcc: {  	[tilespmem:s1+$0x1810] =	vst v3;
	v3 =	vld [tilespmem:s1+$0x1820]  }
0xcd: {  	v4 =	vld [tilespmem:s3+$0x820];
	_ =	sdelay $0x4  }
0xce: {  	v3 =	vadd.f32 v4, v3;
	_ =	sdelay $0x1  }
0xcf: {  	[tilespmem:s1+$0x1820] =	vst v3;
	v3 =	vld [tilespmem:s1+$0x1830]  }
0xd0: {  	v4 =	vld [tilespmem:s3+$0x830];
	_ =	sdelay $0x4  }
0xd1: {  	v3 =	vadd.f32 v4, v3;
	_ =	sdelay $0x1  }
0xd2: {  	[tilespmem:s1+$0x1830] =	vst v3;
	v3 =	vld [tilespmem:s1+$0x1840]  }
0xd3: {  	v4 =	vld [tilespmem:s3+$0x840];
	_ =	sdelay $0x4  }
0xd4: {  	v3 =	vadd.f32 v4, v3;
	_ =	sdelay $0x1  }
0xd5: {  	[tilespmem:s1+$0x1840] =	vst v3;
	v3 =	vld [tilespmem:s1+$0x1850]  }
0xd6: {  	v4 =	vld [tilespmem:s3+$0x850];
	_ =	sdelay $0x4  }
0xd7: {  	v3 =	vadd.f32 v4, v3;
	_ =	sdelay $0x1  }
0xd8: {  	[tilespmem:s1+$0x1850] =	vst v3;
	v3 =	vld [tilespmem:s1+$0x1860]  }
0xd9: {  	v4 =	vld [tilespmem:s3+$0x860];
	_ =	sdelay $0x4  }
0xda: {  	v3 =	vadd.f32 v4, v3;
	_ =	sdelay $0x1  }
0xdb: {  	[tilespmem:s1+$0x1860] =	vst v3;
	v3 =	vld [tilespmem:s1+$0x1870]  }
0xdc: {  	v4 =	vld [tilespmem:s3+$0x870];
	_ =	sdelay $0x4  }
0xdd: {  	v3 =	vadd.f32 v4, v3;
	_ =	sdelay $0x1  }
0xde: {  	[tilespmem:s1+$0x1870] =	vst v3;
	v3 =	vld [tilespmem:s1+$0x1C00]  }
0xdf: {  	v4 =	vld [tilespmem:s3+$0xC00];
	_ =	sdelay $0x4  }
0xe0: {  	v3 =	vadd.f32 v4, v3;
	_ =	sdelay $0x1  }
0xe1: {  	[tilespmem:s1+$0x1C00] =	vst v3;
	v3 =	vld [tilespmem:s1+$0x1C10]  }
0xe2: {  	v4 =	vld [tilespmem:s3+$0xC10];
	_ =	sdelay $0x4  }
0xe3: {  	v3 =	vadd.f32 v4, v3;
	_ =	sdelay $0x1  }
0xe4: {  	[tilespmem:s1+$0x1C10] =	vst v3;
	v3 =	vld [tilespmem:s1+$0x1C20]  }
0xe5: {  	v4 =	vld [tilespmem:s3+$0xC20];
	_ =	sdelay $0x4  }
0xe6: {  	v3 =	vadd.f32 v4, v3;
	_ =	sdelay $0x1  }
0xe7: {  	[tilespmem:s1+$0x1C20] =	vst v3;
	v3 =	vld [tilespmem:s1+$0x1C30]  }
0xe8: {  	v4 =	vld [tilespmem:s3+$0xC30];
	_ =	sdelay $0x4  }
0xe9: {  	v3 =	vadd.f32 v4, v3;
	_ =	sdelay $0x1  }
0xea: {  	[tilespmem:s1+$0x1C30] =	vst v3;
	v3 =	vld [tilespmem:s1+$0x1C40]  }
0xeb: {  	v4 =	vld [tilespmem:s3+$0xC40];
	_ =	sdelay $0x4  }
0xec: {  	v3 =	vadd.f32 v4, v3;
	_ =	sdelay $0x1  }
0xed: {  	[tilespmem:s1+$0x1C40] =	vst v3;
	v3 =	vld [tilespmem:s1+$0x1C50]  }
0xee: {  	v4 =	vld [tilespmem:s3+$0xC50];
	_ =	sdelay $0x4  }
0xef: {  	v3 =	vadd.f32 v4, v3;
	_ =	sdelay $0x1  }
0xf0: {  	[tilespmem:s1+$0x1C50] =	vst v3;
	v3 =	vld [tilespmem:s1+$0x1C60]  }
0xf1: {  	v4 =	vld [tilespmem:s3+$0xC60];
	_ =	sdelay $0x4  }
0xf2: {  	v3 =	vadd.f32 v4, v3;
	_ =	sdelay $0x1  }
0xf3: {  	[tilespmem:s1+$0x1C60] =	vst v3;
	v3 =	vld [tilespmem:s1+$0x1C70]  }
0xf4: {  	v4 =	vld [tilespmem:s3+$0xC70];
	_ =	sdelay $0x3  }
0xf5: {  	s22 =	simm.s32 $0x200;
	s3 =	simm.s32 $0x80  }
0xf6: {  	s11 =	sand.u32 $0x7000, s22;
	s12 =	sand.u32 $0x380, s3;
	v3 =	vadd.f32 v4, v3  }
0xf7: {  	s6 =	simm.s32 $0x400;
	s13 =	sand.u32 $0x1000, s22;
	s11 =	sor.u32 s12, s11  }
.LBB2_2:
0xf8: {  	p0 =	sne.s32 s6, $0x7E00;
	v4 =	vld [tilespmem:s11+$0x1000];
	s12 =	sor.u32 s12, s13;
	[tilespmem:s1+$0x1C70] =	vst v3;
	s1 =	smov.u32 s11  }
0xf9: {  	v3 =	vld [tilespmem:s12+$0x19000];
	_ =	sdelay $0x4  }
0xfa: {  	v3 =	vadd.f32 v3, v4;
	_ =	sdelay $0x1  }
0xfb: {  	s11 =	sadd.s32 $0x19000, s12;
	[tilespmem:s1+$0x1000] =	vst v3;
	v3 =	vld [tilespmem:s1+$0x1010]  }
0xfc: {  	v4 =	vld [tilespmem:s11+$0x10];
	_ =	sdelay $0x4  }
0xfd: {  	v3 =	vadd.f32 v4, v3;
	_ =	sdelay $0x1  }
0xfe: {  	[tilespmem:s1+$0x1010] =	vst v3;
	v3 =	vld [tilespmem:s1+$0x1020]  }
0xff: {  	v4 =	vld [tilespmem:s11+$0x20];
	_ =	sdelay $0x4  }
0x100: {  	v3 =	vadd.f32 v4, v3;
	_ =	sdelay $0x1  }
0x101: {  	[tilespmem:s1+$0x1020] =	vst v3;
	v3 =	vld [tilespmem:s1+$0x1030]  }
0x102: {  	v4 =	vld [tilespmem:s11+$0x30];
	_ =	sdelay $0x4  }
0x103: {  	v3 =	vadd.f32 v4, v3;
	_ =	sdelay $0x1  }
0x104: {  	[tilespmem:s1+$0x1030] =	vst v3;
	v3 =	vld [tilespmem:s1+$0x1040]  }
0x105: {  	v4 =	vld [tilespmem:s11+$0x40];
	_ =	sdelay $0x4  }
0x106: {  	v3 =	vadd.f32 v4, v3;
	_ =	sdelay $0x1  }
0x107: {  	[tilespmem:s1+$0x1040] =	vst v3;
	v3 =	vld [tilespmem:s1+$0x1050]  }
0x108: {  	v4 =	vld [tilespmem:s11+$0x50];
	_ =	sdelay $0x4  }
0x109: {  	v3 =	vadd.f32 v4, v3;
	_ =	sdelay $0x1  }
0x10a: {  	[tilespmem:s1+$0x1050] =	vst v3;
	v3 =	vld [tilespmem:s1+$0x1060]  }
0x10b: {  	v4 =	vld [tilespmem:s11+$0x60];
	_ =	sdelay $0x4  }
0x10c: {  	v3 =	vadd.f32 v4, v3;
	_ =	sdelay $0x1  }
0x10d: {  	[tilespmem:s1+$0x1060] =	vst v3;
	v3 =	vld [tilespmem:s1+$0x1070]  }
0x10e: {  	v4 =	vld [tilespmem:s11+$0x70];
	_ =	sdelay $0x4  }
0x10f: {  	v3 =	vadd.f32 v4, v3;
	_ =	sdelay $0x1  }
0x110: {  	[tilespmem:s1+$0x1070] =	vst v3;
	v3 =	vld [tilespmem:s1+$0x1400]  }
0x111: {  	v4 =	vld [tilespmem:s11+$0x400];
	_ =	sdelay $0x4  }
0x112: {  	v3 =	vadd.f32 v4, v3;
	_ =	sdelay $0x1  }
0x113: {  	[tilespmem:s1+$0x1400] =	vst v3;
	v3 =	vld [tilespmem:s1+$0x1410]  }
0x114: {  	v4 =	vld [tilespmem:s11+$0x410];
	_ =	sdelay $0x4  }
0x115: {  	v3 =	vadd.f32 v4, v3;
	_ =	sdelay $0x1  }
0x116: {  	[tilespmem:s1+$0x1410] =	vst v3;
	v3 =	vld [tilespmem:s1+$0x1420]  }
0x117: {  	v4 =	vld [tilespmem:s11+$0x420];
	_ =	sdelay $0x4  }
0x118: {  	v3 =	vadd.f32 v4, v3;
	_ =	sdelay $0x1  }
0x119: {  	[tilespmem:s1+$0x1420] =	vst v3;
	v3 =	vld [tilespmem:s1+$0x1430]  }
0x11a: {  	v4 =	vld [tilespmem:s11+$0x430];
	_ =	sdelay $0x4  }
0x11b: {  	v3 =	vadd.f32 v4, v3;
	_ =	sdelay $0x1  }
0x11c: {  	[tilespmem:s1+$0x1430] =	vst v3;
	v3 =	vld [tilespmem:s1+$0x1440]  }
0x11d: {  	v4 =	vld [tilespmem:s11+$0x440];
	_ =	sdelay $0x4  }
0x11e: {  	v3 =	vadd.f32 v4, v3;
	_ =	sdelay $0x1  }
0x11f: {  	[tilespmem:s1+$0x1440] =	vst v3;
	v3 =	vld [tilespmem:s1+$0x1450]  }
0x120: {  	v4 =	vld [tilespmem:s11+$0x450];
	_ =	sdelay $0x4  }
0x121: {  	v3 =	vadd.f32 v4, v3;
	_ =	sdelay $0x1  }
0x122: {  	[tilespmem:s1+$0x1450] =	vst v3;
	v3 =	vld [tilespmem:s1+$0x1460]  }
0x123: {  	v4 =	vld [tilespmem:s11+$0x460];
	_ =	sdelay $0x4  }
0x124: {  	v3 =	vadd.f32 v4, v3;
	_ =	sdelay $0x1  }
0x125: {  	[tilespmem:s1+$0x1460] =	vst v3;
	v3 =	vld [tilespmem:s1+$0x1470]  }
0x126: {  	v4 =	vld [tilespmem:s11+$0x470];
	_ =	sdelay $0x4  }
0x127: {  	v3 =	vadd.f32 v4, v3;
	_ =	sdelay $0x1  }
0x128: {  	[tilespmem:s1+$0x1470] =	vst v3;
	v3 =	vld [tilespmem:s1+$0x1800]  }
0x129: {  	v4 =	vld [tilespmem:s11+$0x800];
	_ =	sdelay $0x4  }
0x12a: {  	v3 =	vadd.f32 v4, v3;
	_ =	sdelay $0x1  }
0x12b: {  	[tilespmem:s1+$0x1800] =	vst v3;
	v3 =	vld [tilespmem:s1+$0x1810]  }
0x12c: {  	v4 =	vld [tilespmem:s11+$0x810];
	_ =	sdelay $0x4  }
0x12d: {  	v3 =	vadd.f32 v4, v3;
	_ =	sdelay $0x1  }
0x12e: {  	[tilespmem:s1+$0x1810] =	vst v3;
	v3 =	vld [tilespmem:s1+$0x1820]  }
0x12f: {  	v4 =	vld [tilespmem:s11+$0x820];
	_ =	sdelay $0x4  }
0x130: {  	v3 =	vadd.f32 v4, v3;
	_ =	sdelay $0x1  }
0x131: {  	[tilespmem:s1+$0x1820] =	vst v3;
	v3 =	vld [tilespmem:s1+$0x1830]  }
0x132: {  	v4 =	vld [tilespmem:s11+$0x830];
	_ =	sdelay $0x4  }
0x133: {  	v3 =	vadd.f32 v4, v3;
	_ =	sdelay $0x1  }
0x134: {  	[tilespmem:s1+$0x1830] =	vst v3;
	v3 =	vld [tilespmem:s1+$0x1840]  }
0x135: {  	v4 =	vld [tilespmem:s11+$0x840];
	_ =	sdelay $0x4  }
0x136: {  	v3 =	vadd.f32 v4, v3;
	_ =	sdelay $0x1  }
0x137: {  	[tilespmem:s1+$0x1840] =	vst v3;
	v3 =	vld [tilespmem:s1+$0x1850]  }
0x138: {  	v4 =	vld [tilespmem:s11+$0x850];
	_ =	sdelay $0x4  }
0x139: {  	v3 =	vadd.f32 v4, v3;
	_ =	sdelay $0x1  }
0x13a: {  	[tilespmem:s1+$0x1850] =	vst v3;
	v3 =	vld [tilespmem:s1+$0x1860]  }
0x13b: {  	v4 =	vld [tilespmem:s11+$0x860];
	_ =	sdelay $0x4  }
0x13c: {  	v3 =	vadd.f32 v4, v3;
	_ =	sdelay $0x1  }
0x13d: {  	[tilespmem:s1+$0x1860] =	vst v3;
	v3 =	vld [tilespmem:s1+$0x1870]  }
0x13e: {  	v4 =	vld [tilespmem:s11+$0x870];
	_ =	sdelay $0x4  }
0x13f: {  	v3 =	vadd.f32 v4, v3;
	_ =	sdelay $0x1  }
0x140: {  	[tilespmem:s1+$0x1870] =	vst v3;
	v3 =	vld [tilespmem:s1+$0x1C00]  }
0x141: {  	v4 =	vld [tilespmem:s11+$0xC00];
	_ =	sdelay $0x4  }
0x142: {  	v3 =	vadd.f32 v4, v3;
	_ =	sdelay $0x1  }
0x143: {  	[tilespmem:s1+$0x1C00] =	vst v3;
	v3 =	vld [tilespmem:s1+$0x1C10]  }
0x144: {  	v4 =	vld [tilespmem:s11+$0xC10];
	_ =	sdelay $0x4  }
0x145: {  	v3 =	vadd.f32 v4, v3;
	_ =	sdelay $0x1  }
0x146: {  	[tilespmem:s1+$0x1C10] =	vst v3;
	v3 =	vld [tilespmem:s1+$0x1C20]  }
0x147: {  	v4 =	vld [tilespmem:s11+$0xC20];
	_ =	sdelay $0x4  }
0x148: {  	v3 =	vadd.f32 v4, v3;
	_ =	sdelay $0x1  }
0x149: {  	[tilespmem:s1+$0x1C20] =	vst v3;
	v3 =	vld [tilespmem:s1+$0x1C30]  }
0x14a: {  	v4 =	vld [tilespmem:s11+$0xC30];
	_ =	sdelay $0x4  }
0x14b: {  	v3 =	vadd.f32 v4, v3;
	_ =	sdelay $0x1  }
0x14c: {  	[tilespmem:s1+$0x1C30] =	vst v3;
	v3 =	vld [tilespmem:s1+$0x1C40]  }
0x14d: {  	v4 =	vld [tilespmem:s11+$0xC40];
	_ =	sdelay $0x4  }
0x14e: {  	v3 =	vadd.f32 v4, v3;
	_ =	sdelay $0x1  }
0x14f: {  	[tilespmem:s1+$0x1C40] =	vst v3;
	v3 =	vld [tilespmem:s1+$0x1C50]  }
0x150: {  	v4 =	vld [tilespmem:s11+$0xC50];
	_ =	sdelay $0x4  }
0x151: {  	v3 =	vadd.f32 v4, v3;
	_ =	sdelay $0x1  }
0x152: {  	[tilespmem:s1+$0x1C50] =	vst v3;
	v3 =	vld [tilespmem:s1+$0x1C60]  }
0x153: {  	v4 =	vld [tilespmem:s11+$0xC60];
	_ =	sdelay $0x4  }
0x154: {  	v3 =	vadd.f32 v4, v3;
	_ =	sdelay $0x1  }
0x155: {  	[tilespmem:s1+$0x1C60] =	vst v3;
	v3 =	vld [tilespmem:s1+$0x1C70]  }
0x156: {  	v4 =	vld [tilespmem:s11+$0xC70];
	_ =	sdelay $0x1  }
.Ltmp0:
0x157: {  	(pc) =	sbr.rel @p0 .LBB2_2-.Ltmp0, $4  }
0x158: {  	_ = 	snop  }
0x159: {  	s3 =	sadd.s32 $0x80, s3  }
0x15a: {  	s12 =	sand.u32 $0x380, s3;
	s11 =	sand.u32 $0x7000, s6;
	v3 =	vadd.f32 v4, v3  }
0x15b: {  	s13 =	sand.u32 $0x1000, s6;
	s6 =	sadd.s32 $0x200, s6;
	s11 =	sor.u32 s12, s11  }
0x15c: {  	v4 =	vld [tilespmem:s11+$0x1000];
	s3 =	sor.u32 s12, s13;
	[tilespmem:s1+$0x1C70] =	vst v3  }
0x15d: {  	v3 =	vld [tilespmem:s3+$0x19000];
	_ =	sdelay $0x4  }
0x15e: {  	v3 =	vadd.f32 v3, v4;
	_ =	sdelay $0x1  }
0x15f: {  	s19 =	sadd.s32 $0x19000, s3;
	[tilespmem:s11+$0x1000] =	vst v3;
	v3 =	vld [tilespmem:s11+$0x1010]  }
0x160: {  	v29 =	vld [tilespmem:s19+$0x10];
	_ =	sdelay $0x4  }
0x161: {  	v3 =	vadd.f32 v29, v3;
	_ =	sdelay $0x1  }
0x162: {  	[tilespmem:s11+$0x1010] =	vst v3;
	v3 =	vld [tilespmem:s11+$0x1020]  }
0x163: {  	v30 =	vld [tilespmem:s19+$0x20];
	_ =	sdelay $0x4  }
0x164: {  	v3 =	vadd.f32 v30, v3;
	_ =	sdelay $0x1  }
0x165: {  	[tilespmem:s11+$0x1020] =	vst v3;
	v3 =	vld [tilespmem:s11+$0x1030]  }
0x166: {  	v31 =	vld [tilespmem:s19+$0x30];
	_ =	sdelay $0x4  }
0x167: {  	v3 =	vadd.f32 v31, v3;
	_ =	sdelay $0x1  }
0x168: {  	[tilespmem:s11+$0x1030] =	vst v3;
	v3 =	vld [tilespmem:s11+$0x1040]  }
0x169: {  	v32 =	vld [tilespmem:s19+$0x40];
	_ =	sdelay $0x4  }
0x16a: {  	v3 =	vadd.f32 v32, v3;
	_ =	sdelay $0x1  }
0x16b: {  	[tilespmem:s11+$0x1040] =	vst v3;
	v3 =	vld [tilespmem:s11+$0x1050]  }
0x16c: {  	v33 =	vld [tilespmem:s19+$0x50];
	_ =	sdelay $0x4  }
0x16d: {  	v3 =	vadd.f32 v33, v3;
	_ =	sdelay $0x1  }
0x16e: {  	[tilespmem:s11+$0x1050] =	vst v3;
	v3 =	vld [tilespmem:s11+$0x1060]  }
0x16f: {  	v34 =	vld [tilespmem:s19+$0x60];
	_ =	sdelay $0x4  }
0x170: {  	v3 =	vadd.f32 v34, v3;
	_ =	sdelay $0x1  }
0x171: {  	[tilespmem:s11+$0x1060] =	vst v3;
	v3 =	vld [tilespmem:s11+$0x1070]  }
0x172: {  	v35 =	vld [tilespmem:s19+$0x70];
	_ =	sdelay $0x4  }
0x173: {  	v3 =	vadd.f32 v35, v3;
	_ =	sdelay $0x1  }
0x174: {  	[tilespmem:s11+$0x1070] =	vst v3;
	v3 =	vld [tilespmem:s11+$0x1400]  }
0x175: {  	v36 =	vld [tilespmem:s19+$0x400];
	_ =	sdelay $0x4  }
0x176: {  	v3 =	vadd.f32 v36, v3;
	_ =	sdelay $0x1  }
0x177: {  	[tilespmem:s11+$0x1400] =	vst v3;
	v3 =	vld [tilespmem:s11+$0x1410]  }
0x178: {  	v37 =	vld [tilespmem:s19+$0x410];
	_ =	sdelay $0x4  }
0x179: {  	v3 =	vadd.f32 v37, v3;
	_ =	sdelay $0x1  }
0x17a: {  	[tilespmem:s11+$0x1410] =	vst v3;
	v3 =	vld [tilespmem:s11+$0x1420]  }
0x17b: {  	v38 =	vld [tilespmem:s19+$0x420];
	_ =	sdelay $0x4  }
0x17c: {  	v3 =	vadd.f32 v38, v3;
	_ =	sdelay $0x1  }
0x17d: {  	[tilespmem:s11+$0x1420] =	vst v3;
	v3 =	vld [tilespmem:s11+$0x1430]  }
0x17e: {  	v39 =	vld [tilespmem:s19+$0x430];
	_ =	sdelay $0x4  }
0x17f: {  	v3 =	vadd.f32 v39, v3;
	_ =	sdelay $0x1  }
0x180: {  	[tilespmem:s11+$0x1430] =	vst v3;
	v3 =	vld [tilespmem:s11+$0x1440]  }
0x181: {  	v40 =	vld [tilespmem:s19+$0x440];
	_ =	sdelay $0x4  }
0x182: {  	v3 =	vadd.f32 v40, v3;
	_ =	sdelay $0x1  }
0x183: {  	[tilespmem:s11+$0x1440] =	vst v3;
	v3 =	vld [tilespmem:s11+$0x1450]  }
0x184: {  	v41 =	vld [tilespmem:s19+$0x450];
	_ =	sdelay $0x4  }
0x185: {  	v3 =	vadd.f32 v41, v3;
	_ =	sdelay $0x1  }
0x186: {  	[tilespmem:s11+$0x1450] =	vst v3;
	v3 =	vld [tilespmem:s11+$0x1460]  }
0x187: {  	v42 =	vld [tilespmem:s19+$0x460];
	_ =	sdelay $0x4  }
0x188: {  	v3 =	vadd.f32 v42, v3;
	_ =	sdelay $0x1  }
0x189: {  	[tilespmem:s11+$0x1460] =	vst v3;
	v3 =	vld [tilespmem:s11+$0x1470]  }
0x18a: {  	v43 =	vld [tilespmem:s19+$0x470];
	_ =	sdelay $0x4  }
0x18b: {  	v3 =	vadd.f32 v43, v3;
	_ =	sdelay $0x1  }
0x18c: {  	[tilespmem:s11+$0x1470] =	vst v3;
	v3 =	vld [tilespmem:s11+$0x1800]  }
0x18d: {  	v44 =	vld [tilespmem:s19+$0x800];
	_ =	sdelay $0x4  }
0x18e: {  	v3 =	vadd.f32 v44, v3;
	_ =	sdelay $0x1  }
0x18f: {  	[tilespmem:s11+$0x1800] =	vst v3;
	v3 =	vld [tilespmem:s11+$0x1810]  }
0x190: {  	v45 =	vld [tilespmem:s19+$0x810];
	_ =	sdelay $0x4  }
0x191: {  	v3 =	vadd.f32 v45, v3;
	_ =	sdelay $0x1  }
0x192: {  	[tilespmem:s11+$0x1810] =	vst v3;
	v3 =	vld [tilespmem:s11+$0x1820]  }
0x193: {  	v46 =	vld [tilespmem:s19+$0x820];
	_ =	sdelay $0x4  }
0x194: {  	v3 =	vadd.f32 v46, v3;
	_ =	sdelay $0x1  }
0x195: {  	[tilespmem:s11+$0x1820] =	vst v3;
	v3 =	vld [tilespmem:s11+$0x1830]  }
0x196: {  	v47 =	vld [tilespmem:s19+$0x830];
	_ =	sdelay $0x4  }
0x197: {  	v3 =	vadd.f32 v47, v3;
	_ =	sdelay $0x1  }
0x198: {  	[tilespmem:s11+$0x1830] =	vst v3;
	v3 =	vld [tilespmem:s11+$0x1840]  }
0x199: {  	v48 =	vld [tilespmem:s19+$0x840];
	_ =	sdelay $0x4  }
0x19a: {  	v3 =	vadd.f32 v48, v3;
	_ =	sdelay $0x1  }
0x19b: {  	[tilespmem:s11+$0x1840] =	vst v3;
	v3 =	vld [tilespmem:s11+$0x1850]  }
0x19c: {  	v49 =	vld [tilespmem:s19+$0x850];
	_ =	sdelay $0x4  }
0x19d: {  	v3 =	vadd.f32 v49, v3;
	_ =	sdelay $0x1  }
0x19e: {  	[tilespmem:s11+$0x1850] =	vst v3;
	v3 =	vld [tilespmem:s11+$0x1860]  }
0x19f: {  	v50 =	vld [tilespmem:s19+$0x860];
	_ =	sdelay $0x4  }
0x1a0: {  	v3 =	vadd.f32 v50, v3;
	_ =	sdelay $0x1  }
0x1a1: {  	[tilespmem:s11+$0x1860] =	vst v3;
	v3 =	vld [tilespmem:s11+$0x1870]  }
0x1a2: {  	v51 =	vld [tilespmem:s19+$0x870];
	_ =	sdelay $0x4  }
0x1a3: {  	v3 =	vadd.f32 v51, v3;
	_ =	sdelay $0x1  }
0x1a4: {  	[tilespmem:s11+$0x1870] =	vst v3;
	v3 =	vld [tilespmem:s11+$0x1C00]  }
0x1a5: {  	v52 =	vld [tilespmem:s19+$0xC00];
	_ =	sdelay $0x4  }
0x1a6: {  	v3 =	vadd.f32 v52, v3;
	_ =	sdelay $0x1  }
0x1a7: {  	[tilespmem:s11+$0x1C00] =	vst v3;
	v3 =	vld [tilespmem:s11+$0x1C10]  }
0x1a8: {  	v53 =	vld [tilespmem:s19+$0xC10];
	_ =	sdelay $0x4  }
0x1a9: {  	v3 =	vadd.f32 v53, v3;
	_ =	sdelay $0x1  }
0x1aa: {  	[tilespmem:s11+$0x1C10] =	vst v3;
	v3 =	vld [tilespmem:s11+$0x1C20]  }
0x1ab: {  	v54 =	vld [tilespmem:s19+$0xC20];
	_ =	sdelay $0x4  }
0x1ac: {  	v3 =	vadd.f32 v54, v3;
	_ =	sdelay $0x1  }
0x1ad: {  	[tilespmem:s11+$0x1C20] =	vst v3;
	v3 =	vld [tilespmem:s11+$0x1C30]  }
0x1ae: {  	v55 =	vld [tilespmem:s19+$0xC30];
	_ =	sdelay $0x4  }
0x1af: {  	v3 =	vadd.f32 v55, v3;
	_ =	sdelay $0x1  }
0x1b0: {  	[tilespmem:s11+$0x1C30] =	vst v3;
	v3 =	vld [tilespmem:s11+$0x1C40]  }
0x1b1: {  	v56 =	vld [tilespmem:s19+$0xC40];
	_ =	sdelay $0x4  }
0x1b2: {  	v3 =	vadd.f32 v56, v3;
	_ =	sdelay $0x1  }
0x1b3: {  	[tilespmem:s11+$0x1C40] =	vst v3;
	v3 =	vld [tilespmem:s11+$0x1C50]  }
0x1b4: {  	v57 =	vld [tilespmem:s19+$0xC50];
	_ =	sdelay $0x4  }
0x1b5: {  	v3 =	vadd.f32 v57, v3;
	_ =	sdelay $0x1  }
0x1b6: {  	[tilespmem:s11+$0x1C50] =	vst v3;
	v3 =	vld [tilespmem:s11+$0x1C60]  }
0x1b7: {  	v58 =	vld [tilespmem:s19+$0xC60];
	_ =	sdelay $0x4  }
0x1b8: {  	v3 =	vadd.f32 v58, v3;
	_ =	sdelay $0x1  }
0x1b9: {  	[tilespmem:s11+$0x1C60] =	vst v3;
	v3 =	vld [tilespmem:s11+$0x1C70]  }
0x1ba: {  	v59 =	vld [tilespmem:s19+$0xC70];
	_ =	sdelay $0x4  }
0x1bb: {  	v3 =	vadd.f32 v59, v3;
	_ =	sdelay $0x1  }
0x1bc: {  	s1 =	simm.s32 $0x0;
	[tilespmem:s11+$0x1C70] =	vst v3  }
0x1bd: {  	[hbm4b:s8+s1] =	stream.linear.scatter [tilespmem:s15], [sflag:$0x4], $0x8000, $0x38;
	[tilespmem:$0x1B000] =	vst v63  }
0x1be: {  	v3 =	vld [tilespmem:$0x100];
	_ =	sdelay $0x4  }
0x1bf: {  	v60 =	vshll.u32 v3, $0x2  }
0x1c0: {  	v3 =	vand.u32 $0x7, v3;
	v4 =	vand.u32 $0xFFFFFFE0, v60  }
0x1c1: {  	v3 =	vor.u32 v3, v4  }
0x1c2: {  	v4 =	vperm.xlane v3, v0;
	_ =	sdelay $0x1  }
0x1c3: {  	v4 =	vadd.s32 v1, v4;
	_ =	sdelay $0x1  }
0x1c4: {  	v3 =	vperm.xlane v3, v2;
	_ =	sdelay $0x1  }
0x1c5: {  	v3 =	vadd.s32 v1, v3  }
0x1c6: {  	[tilespmem:s25], [sflag:$0x3] =	stream.indirect_vreg.gather [hbm4b:s2+s1], $0x80, v4, vm0, $0xb8;
	[tilespmem:$0x1B000] =	vst v63  }
0x1c7: {  	s20 =	simm.s32 $0x11800  }
0x1c8: {  	[tilespmem:s20], [sflag:$0x3] =	stream.indirect_vreg.gather [hbm4b:s7+s1], $0x80, v4, vm0, $0xb8;
	[tilespmem:$0x1B000] =	vst v63  }
0x1c9: {  	s21 =	simm.s32 $0x12000  }
0x1ca: {  	[tilespmem:s21], [sflag:$0x3] =	stream.indirect_vreg.gather [hbm4b:s2+s1], $0x80, v3, vm0, $0xb8;
	[tilespmem:$0x1B000] =	vst v63  }
0x1cb: {  	s22 =	simm.s32 $0x12800  }
0x1cc: {  	[tilespmem:s22], [sflag:$0x3] =	stream.indirect_vreg.gather [hbm4b:s7+s1], $0x80, v3, vm0, $0xb8;
	[tilespmem:$0x1B000] =	vst v63  }
0x1cd: {  	v3 =	vld [tilespmem:$0x110];
	_ =	sdelay $0x4  }
0x1ce: {  	v61 =	vshll.u32 v3, $0x2  }
0x1cf: {  	v3 =	vand.u32 $0x7, v3;
	v4 =	vand.u32 $0xFFFFFFE0, v61  }
0x1d0: {  	v3 =	vor.u32 v3, v4  }
0x1d1: {  	v4 =	vperm.xlane v3, v0;
	_ =	sdelay $0x1  }
0x1d2: {  	v4 =	vadd.s32 v1, v4;
	_ =	sdelay $0x1  }
0x1d3: {  	v3 =	vperm.xlane v3, v2;
	_ =	sdelay $0x1  }
0x1d4: {  	s6 =	simm.s32 $0x13000;
	v3 =	vadd.s32 v1, v3  }
0x1d5: {  	[tilespmem:s6], [sflag:$0x3] =	stream.indirect_vreg.gather [hbm4b:s2+s1], $0x80, v4, vm0, $0xb8;
	[tilespmem:$0x1B000] =	vst v63  }
0x1d6: {  	s11 =	simm.s32 $0x13800  }
0x1d7: {  	[tilespmem:s11], [sflag:$0x3] =	stream.indirect_vreg.gather [hbm4b:s7+s1], $0x80, v4, vm0, $0xb8;
	[tilespmem:$0x1B000] =	vst v63  }
0x1d8: {  	s12 =	simm.s32 $0x14000  }
0x1d9: {  	[tilespmem:s12], [sflag:$0x3] =	stream.indirect_vreg.gather [hbm4b:s2+s1], $0x80, v3, vm0, $0xb8;
	[tilespmem:$0x1B000] =	vst v63  }
0x1da: {  	s13 =	simm.s32 $0x14800  }
0x1db: {  	[tilespmem:s13], [sflag:$0x3] =	stream.indirect_vreg.gather [hbm4b:s7+s1], $0x80, v3, vm0, $0xb8;
	[tilespmem:$0x1B000] =	vst v63  }
0x1dc: {  	v3 =	vld [tilespmem:$0x120];
	_ =	sdelay $0x4  }
0x1dd: {  	v62 =	vshll.u32 v3, $0x2  }
0x1de: {  	v3 =	vand.u32 $0x7, v3;
	v4 =	vand.u32 $0xFFFFFFE0, v62  }
0x1df: {  	v3 =	vor.u32 v3, v4  }
0x1e0: {  	v4 =	vperm.xlane v3, v0;
	_ =	sdelay $0x1  }
0x1e1: {  	v4 =	vadd.s32 v1, v4;
	_ =	sdelay $0x1  }
0x1e2: {  	v3 =	vperm.xlane v3, v2;
	_ =	sdelay $0x1  }
0x1e3: {  	s14 =	simm.s32 $0x15000;
	v3 =	vadd.s32 v1, v3  }
0x1e4: {  	[tilespmem:s14], [sflag:$0x3] =	stream.indirect_vreg.gather [hbm4b:s2+s1], $0x80, v4, vm0, $0xb8;
	[tilespmem:$0x1B000] =	vst v63  }
0x1e5: {  	s16 =	simm.s32 $0x15800  }
0x1e6: {  	[tilespmem:s16], [sflag:$0x3] =	stream.indirect_vreg.gather [hbm4b:s7+s1], $0x80, v4, vm0, $0xb8;
	[tilespmem:$0x1B000] =	vst v63  }
0x1e7: {  	s17 =	simm.s32 $0x16000  }
0x1e8: {  	[tilespmem:s17], [sflag:$0x3] =	stream.indirect_vreg.gather [hbm4b:s2+s1], $0x80, v3, vm0, $0xb8;
	[tilespmem:$0x1B000] =	vst v63  }
0x1e9: {  	s18 =	simm.s32 $0x16800  }
0x1ea: {  	[tilespmem:s18], [sflag:$0x3] =	stream.indirect_vreg.gather [hbm4b:s7+s1], $0x80, v3, vm0, $0xb8;
	[tilespmem:$0x1B000] =	vst v63  }
0x1eb: {  	v3 =	vld [tilespmem:$0x130];
	_ =	sdelay $0x4  }
0x1ec: {  	v63 =	vshll.u32 v3, $0x2  }
0x1ed: {  	v3 =	vand.u32 $0x7, v3;
	v4 =	vand.u32 $0xFFFFFFE0, v63  }
0x1ee: {  	v3 =	vor.u32 v3, v4  }
0x1ef: {  	v4 =	vperm.xlane v3, v0;
	_ =	sdelay $0x1  }
0x1f0: {  	v4 =	vadd.s32 v1, v4;
	_ =	sdelay $0x1  }
0x1f1: {  	v3 =	vperm.xlane v3, v2;
	_ =	sdelay $0x1  }
0x1f2: {  	s19 =	simm.s32 $0x17000;
	v3 =	vadd.s32 v1, v3  }
0x1f3: {  	[tilespmem:s19], [sflag:$0x3] =	stream.indirect_vreg.gather [hbm4b:s2+s1], $0x80, v4, vm0, $0xb8;
	[tilespmem:$0x1B000] =	vst v63  }
0x1f4: {  	s20 =	simm.s32 $0x17800  }
0x1f5: {  	[tilespmem:s20], [sflag:$0x3] =	stream.indirect_vreg.gather [hbm4b:s7+s1], $0x80, v4, vm0, $0xb8;
	[tilespmem:$0x1B000] =	vst v63  }
0x1f6: {  	s21 =	simm.s32 $0x18000  }
0x1f7: {  	[tilespmem:s21], [sflag:$0x3] =	stream.indirect_vreg.gather [hbm4b:s2+s1], $0x80, v3, vm0, $0xb8;
	[tilespmem:$0x1B000] =	vst v63  }
0x1f8: {  	s3 =	simm.s32 $0x0;
	s22 =	simm.s32 $0x18800  }
0x1f9: {  	[tilespmem:s22], [sflag:$0x3] =	stream.indirect_vreg.gather [hbm4b:s7+s1], $0x80, v3, vm0, $0xb8;
	[tilespmem:$0x1B000] =	vst v63  }
.LBB2_4:
0x1fa: {  	_ =	swait.ge [sflag:s26], $0x8000  }
0x1fb: {  	s6 =	sand.u32 $0x7000, s1;
	s11 =	sand.u32 $0x380, s1;
	[sflag:s26] =	ssyncset.done $0x0  }
0x1fc: {  	s12 =	sand.u32 $0x1000, s1;
	s6 =	sor.u32 s11, s6;
	[sflag:s26] =	ssyncadd.s32 $0xFFFF8000  }
0x1fd: {  	s11 =	sor.u32 s11, s12;
	v3 =	vld [tilespmem:s6+$0x9000]  }
0x1fe: {  	v4 =	vld [tilespmem:s11+$0x19000];
	_ =	sdelay $0x4  }
0x1ff: {  	v3 =	vadd.f32 v4, v3;
	_ =	sdelay $0x1  }
0x200: {  	s11 =	sadd.s32 $0x19000, s11;
	[tilespmem:s6+$0x9000] =	vst v3;
	v3 =	vld [tilespmem:s6+$0x9010]  }
0x201: {  	v4 =	vld [tilespmem:s11+$0x10];
	_ =	sdelay $0x4  }
0x202: {  	v3 =	vadd.f32 v4, v3;
	_ =	sdelay $0x1  }
0x203: {  	[tilespmem:s6+$0x9010] =	vst v3;
	v3 =	vld [tilespmem:s6+$0x9020]  }
0x204: {  	v4 =	vld [tilespmem:s11+$0x20];
	_ =	sdelay $0x4  }
0x205: {  	v3 =	vadd.f32 v4, v3;
	_ =	sdelay $0x1  }
0x206: {  	[tilespmem:s6+$0x9020] =	vst v3;
	v3 =	vld [tilespmem:s6+$0x9030]  }
0x207: {  	v4 =	vld [tilespmem:s11+$0x30];
	_ =	sdelay $0x4  }
0x208: {  	v3 =	vadd.f32 v4, v3;
	_ =	sdelay $0x1  }
0x209: {  	[tilespmem:s6+$0x9030] =	vst v3;
	v3 =	vld [tilespmem:s6+$0x9040]  }
0x20a: {  	v4 =	vld [tilespmem:s11+$0x40];
	_ =	sdelay $0x4  }
0x20b: {  	v3 =	vadd.f32 v4, v3;
	_ =	sdelay $0x1  }
0x20c: {  	[tilespmem:s6+$0x9040] =	vst v3;
	v3 =	vld [tilespmem:s6+$0x9050]  }
0x20d: {  	v4 =	vld [tilespmem:s11+$0x50];
	_ =	sdelay $0x4  }
0x20e: {  	v3 =	vadd.f32 v4, v3;
	_ =	sdelay $0x1  }
0x20f: {  	[tilespmem:s6+$0x9050] =	vst v3;
	v3 =	vld [tilespmem:s6+$0x9060]  }
0x210: {  	v4 =	vld [tilespmem:s11+$0x60];
	_ =	sdelay $0x4  }
0x211: {  	v3 =	vadd.f32 v4, v3;
	_ =	sdelay $0x1  }
0x212: {  	[tilespmem:s6+$0x9060] =	vst v3;
	v3 =	vld [tilespmem:s6+$0x9070]  }
0x213: {  	v4 =	vld [tilespmem:s11+$0x70];
	_ =	sdelay $0x4  }
0x214: {  	v3 =	vadd.f32 v4, v3;
	_ =	sdelay $0x1  }
0x215: {  	[tilespmem:s6+$0x9070] =	vst v3;
	v3 =	vld [tilespmem:s6+$0x9400]  }
0x216: {  	v4 =	vld [tilespmem:s11+$0x400];
	_ =	sdelay $0x4  }
0x217: {  	v3 =	vadd.f32 v4, v3;
	_ =	sdelay $0x1  }
0x218: {  	[tilespmem:s6+$0x9400] =	vst v3;
	v3 =	vld [tilespmem:s6+$0x9410]  }
0x219: {  	v4 =	vld [tilespmem:s11+$0x410];
	_ =	sdelay $0x4  }
0x21a: {  	v3 =	vadd.f32 v4, v3;
	_ =	sdelay $0x1  }
0x21b: {  	[tilespmem:s6+$0x9410] =	vst v3;
	v3 =	vld [tilespmem:s6+$0x9420]  }
0x21c: {  	v4 =	vld [tilespmem:s11+$0x420];
	_ =	sdelay $0x4  }
0x21d: {  	v3 =	vadd.f32 v4, v3;
	_ =	sdelay $0x1  }
0x21e: {  	[tilespmem:s6+$0x9420] =	vst v3;
	v3 =	vld [tilespmem:s6+$0x9430]  }
0x21f: {  	v4 =	vld [tilespmem:s11+$0x430];
	_ =	sdelay $0x4  }
0x220: {  	v3 =	vadd.f32 v4, v3;
	_ =	sdelay $0x1  }
0x221: {  	[tilespmem:s6+$0x9430] =	vst v3;
	v3 =	vld [tilespmem:s6+$0x9440]  }
0x222: {  	v4 =	vld [tilespmem:s11+$0x440];
	_ =	sdelay $0x4  }
0x223: {  	v3 =	vadd.f32 v4, v3;
	_ =	sdelay $0x1  }
0x224: {  	[tilespmem:s6+$0x9440] =	vst v3;
	v3 =	vld [tilespmem:s6+$0x9450]  }
0x225: {  	v4 =	vld [tilespmem:s11+$0x450];
	_ =	sdelay $0x4  }
0x226: {  	v3 =	vadd.f32 v4, v3;
	_ =	sdelay $0x1  }
0x227: {  	[tilespmem:s6+$0x9450] =	vst v3;
	v3 =	vld [tilespmem:s6+$0x9460]  }
0x228: {  	v4 =	vld [tilespmem:s11+$0x460];
	_ =	sdelay $0x4  }
0x229: {  	v3 =	vadd.f32 v4, v3;
	_ =	sdelay $0x1  }
0x22a: {  	[tilespmem:s6+$0x9460] =	vst v3;
	v3 =	vld [tilespmem:s6+$0x9470]  }
0x22b: {  	v4 =	vld [tilespmem:s11+$0x470];
	_ =	sdelay $0x4  }
0x22c: {  	v3 =	vadd.f32 v4, v3;
	_ =	sdelay $0x1  }
0x22d: {  	[tilespmem:s6+$0x9470] =	vst v3;
	v3 =	vld [tilespmem:s6+$0x9800]  }
0x22e: {  	v4 =	vld [tilespmem:s11+$0x800];
	_ =	sdelay $0x4  }
0x22f: {  	v3 =	vadd.f32 v4, v3;
	_ =	sdelay $0x1  }
0x230: {  	[tilespmem:s6+$0x9800] =	vst v3;
	v3 =	vld [tilespmem:s6+$0x9810]  }
0x231: {  	v4 =	vld [tilespmem:s11+$0x810];
	_ =	sdelay $0x4  }
0x232: {  	v3 =	vadd.f32 v4, v3;
	_ =	sdelay $0x1  }
0x233: {  	[tilespmem:s6+$0x9810] =	vst v3;
	v3 =	vld [tilespmem:s6+$0x9820]  }
0x234: {  	v4 =	vld [tilespmem:s11+$0x820];
	_ =	sdelay $0x4  }
0x235: {  	v3 =	vadd.f32 v4, v3;
	_ =	sdelay $0x1  }
0x236: {  	[tilespmem:s6+$0x9820] =	vst v3;
	v3 =	vld [tilespmem:s6+$0x9830]  }
0x237: {  	v4 =	vld [tilespmem:s11+$0x830];
	_ =	sdelay $0x4  }
0x238: {  	v3 =	vadd.f32 v4, v3;
	_ =	sdelay $0x1  }
0x239: {  	[tilespmem:s6+$0x9830] =	vst v3;
	v3 =	vld [tilespmem:s6+$0x9840]  }
0x23a: {  	v4 =	vld [tilespmem:s11+$0x840];
	_ =	sdelay $0x4  }
0x23b: {  	v3 =	vadd.f32 v4, v3;
	_ =	sdelay $0x1  }
0x23c: {  	[tilespmem:s6+$0x9840] =	vst v3;
	v3 =	vld [tilespmem:s6+$0x9850]  }
0x23d: {  	v4 =	vld [tilespmem:s11+$0x850];
	_ =	sdelay $0x4  }
0x23e: {  	v3 =	vadd.f32 v4, v3;
	_ =	sdelay $0x1  }
0x23f: {  	[tilespmem:s6+$0x9850] =	vst v3;
	v3 =	vld [tilespmem:s6+$0x9860]  }
0x240: {  	v4 =	vld [tilespmem:s11+$0x860];
	_ =	sdelay $0x4  }
0x241: {  	v3 =	vadd.f32 v4, v3;
	_ =	sdelay $0x1  }
0x242: {  	[tilespmem:s6+$0x9860] =	vst v3;
	v3 =	vld [tilespmem:s6+$0x9870]  }
0x243: {  	v4 =	vld [tilespmem:s11+$0x870];
	_ =	sdelay $0x4  }
0x244: {  	v3 =	vadd.f32 v4, v3;
	_ =	sdelay $0x1  }
0x245: {  	[tilespmem:s6+$0x9870] =	vst v3;
	v3 =	vld [tilespmem:s6+$0x9C00]  }
0x246: {  	v4 =	vld [tilespmem:s11+$0xC00];
	_ =	sdelay $0x4  }
0x247: {  	v3 =	vadd.f32 v4, v3;
	_ =	sdelay $0x1  }
0x248: {  	[tilespmem:s6+$0x9C00] =	vst v3;
	v3 =	vld [tilespmem:s6+$0x9C10]  }
0x249: {  	v4 =	vld [tilespmem:s11+$0xC10];
	_ =	sdelay $0x4  }
0x24a: {  	v3 =	vadd.f32 v4, v3;
	_ =	sdelay $0x1  }
0x24b: {  	[tilespmem:s6+$0x9C10] =	vst v3;
	v3 =	vld [tilespmem:s6+$0x9C20]  }
0x24c: {  	v4 =	vld [tilespmem:s11+$0xC20];
	_ =	sdelay $0x4  }
0x24d: {  	v3 =	vadd.f32 v4, v3;
	_ =	sdelay $0x1  }
0x24e: {  	[tilespmem:s6+$0x9C20] =	vst v3;
	v3 =	vld [tilespmem:s6+$0x9C30]  }
0x24f: {  	v4 =	vld [tilespmem:s11+$0xC30];
	_ =	sdelay $0x4  }
0x250: {  	v3 =	vadd.f32 v4, v3;
	_ =	sdelay $0x1  }
0x251: {  	[tilespmem:s6+$0x9C30] =	vst v3;
	v3 =	vld [tilespmem:s6+$0x9C40]  }
0x252: {  	v4 =	vld [tilespmem:s11+$0xC40];
	_ =	sdelay $0x4  }
0x253: {  	v3 =	vadd.f32 v4, v3;
	_ =	sdelay $0x1  }
0x254: {  	[tilespmem:s6+$0x9C40] =	vst v3;
	v3 =	vld [tilespmem:s6+$0x9C50]  }
0x255: {  	v4 =	vld [tilespmem:s11+$0xC50];
	_ =	sdelay $0x4  }
0x256: {  	v3 =	vadd.f32 v4, v3;
	_ =	sdelay $0x1  }
0x257: {  	[tilespmem:s6+$0x9C50] =	vst v3;
	v3 =	vld [tilespmem:s6+$0x9C60]  }
0x258: {  	v4 =	vld [tilespmem:s11+$0xC60];
	_ =	sdelay $0x4  }
0x259: {  	v3 =	vadd.f32 v4, v3;
	_ =	sdelay $0x1  }
0x25a: {  	[tilespmem:s6+$0x9C60] =	vst v3;
	v3 =	vld [tilespmem:s6+$0x9C70]  }
0x25b: {  	v4 =	vld [tilespmem:s11+$0xC70];
	_ =	sdelay $0x3  }
0x25c: {  	s22 =	simm.s32 $0x200;
	s11 =	simm.s32 $0x80  }
0x25d: {  	s13 =	sand.u32 $0x7000, s22;
	s14 =	sand.u32 $0x380, s11;
	v3 =	vadd.f32 v4, v3  }
0x25e: {  	s16 =	sand.u32 $0x1000, s22;
	s12 =	simm.s32 $0x400;
	s13 =	sor.u32 s14, s13  }
.LBB2_5:
0x25f: {  	p0 =	sne.s32 s12, $0x7E00;
	v4 =	vld [tilespmem:s13+$0x9000];
	s14 =	sor.u32 s14, s16;
	[tilespmem:s6+$0x9C70] =	vst v3;
	s6 =	smov.u32 s13  }
0x260: {  	v3 =	vld [tilespmem:s14+$0x19000];
	_ =	sdelay $0x4  }
0x261: {  	v3 =	vadd.f32 v3, v4;
	_ =	sdelay $0x1  }
0x262: {  	s13 =	sadd.s32 $0x19000, s14;
	[tilespmem:s6+$0x9000] =	vst v3;
	v3 =	vld [tilespmem:s6+$0x9010]  }
0x263: {  	v4 =	vld [tilespmem:s13+$0x10];
	_ =	sdelay $0x4  }
0x264: {  	v3 =	vadd.f32 v4, v3;
	_ =	sdelay $0x1  }
0x265: {  	[tilespmem:s6+$0x9010] =	vst v3;
	v3 =	vld [tilespmem:s6+$0x9020]  }
0x266: {  	v4 =	vld [tilespmem:s13+$0x20];
	_ =	sdelay $0x4  }
0x267: {  	v3 =	vadd.f32 v4, v3;
	_ =	sdelay $0x1  }
0x268: {  	[tilespmem:s6+$0x9020] =	vst v3;
	v3 =	vld [tilespmem:s6+$0x9030]  }
0x269: {  	v4 =	vld [tilespmem:s13+$0x30];
	_ =	sdelay $0x4  }
0x26a: {  	v3 =	vadd.f32 v4, v3;
	_ =	sdelay $0x1  }
0x26b: {  	[tilespmem:s6+$0x9030] =	vst v3;
	v3 =	vld [tilespmem:s6+$0x9040]  }
0x26c: {  	v4 =	vld [tilespmem:s13+$0x40];
	_ =	sdelay $0x4  }
0x26d: {  	v3 =	vadd.f32 v4, v3;
	_ =	sdelay $0x1  }
0x26e: {  	[tilespmem:s6+$0x9040] =	vst v3;
	v3 =	vld [tilespmem:s6+$0x9050]  }
0x26f: {  	v4 =	vld [tilespmem:s13+$0x50];
	_ =	sdelay $0x4  }
0x270: {  	v3 =	vadd.f32 v4, v3;
	_ =	sdelay $0x1  }
0x271: {  	[tilespmem:s6+$0x9050] =	vst v3;
	v3 =	vld [tilespmem:s6+$0x9060]  }
0x272: {  	v4 =	vld [tilespmem:s13+$0x60];
	_ =	sdelay $0x4  }
0x273: {  	v3 =	vadd.f32 v4, v3;
	_ =	sdelay $0x1  }
0x274: {  	[tilespmem:s6+$0x9060] =	vst v3;
	v3 =	vld [tilespmem:s6+$0x9070]  }
0x275: {  	v4 =	vld [tilespmem:s13+$0x70];
	_ =	sdelay $0x4  }
0x276: {  	v3 =	vadd.f32 v4, v3;
	_ =	sdelay $0x1  }
0x277: {  	[tilespmem:s6+$0x9070] =	vst v3;
	v3 =	vld [tilespmem:s6+$0x9400]  }
0x278: {  	v4 =	vld [tilespmem:s13+$0x400];
	_ =	sdelay $0x4  }
0x279: {  	v3 =	vadd.f32 v4, v3;
	_ =	sdelay $0x1  }
0x27a: {  	[tilespmem:s6+$0x9400] =	vst v3;
	v3 =	vld [tilespmem:s6+$0x9410]  }
0x27b: {  	v4 =	vld [tilespmem:s13+$0x410];
	_ =	sdelay $0x4  }
0x27c: {  	v3 =	vadd.f32 v4, v3;
	_ =	sdelay $0x1  }
0x27d: {  	[tilespmem:s6+$0x9410] =	vst v3;
	v3 =	vld [tilespmem:s6+$0x9420]  }
0x27e: {  	v4 =	vld [tilespmem:s13+$0x420];
	_ =	sdelay $0x4  }
0x27f: {  	v3 =	vadd.f32 v4, v3;
	_ =	sdelay $0x1  }
0x280: {  	[tilespmem:s6+$0x9420] =	vst v3;
	v3 =	vld [tilespmem:s6+$0x9430]  }
0x281: {  	v4 =	vld [tilespmem:s13+$0x430];
	_ =	sdelay $0x4  }
0x282: {  	v3 =	vadd.f32 v4, v3;
	_ =	sdelay $0x1  }
0x283: {  	[tilespmem:s6+$0x9430] =	vst v3;
	v3 =	vld [tilespmem:s6+$0x9440]  }
0x284: {  	v4 =	vld [tilespmem:s13+$0x440];
	_ =	sdelay $0x4  }
0x285: {  	v3 =	vadd.f32 v4, v3;
	_ =	sdelay $0x1  }
0x286: {  	[tilespmem:s6+$0x9440] =	vst v3;
	v3 =	vld [tilespmem:s6+$0x9450]  }
0x287: {  	v4 =	vld [tilespmem:s13+$0x450];
	_ =	sdelay $0x4  }
0x288: {  	v3 =	vadd.f32 v4, v3;
	_ =	sdelay $0x1  }
0x289: {  	[tilespmem:s6+$0x9450] =	vst v3;
	v3 =	vld [tilespmem:s6+$0x9460]  }
0x28a: {  	v4 =	vld [tilespmem:s13+$0x460];
	_ =	sdelay $0x4  }
0x28b: {  	v3 =	vadd.f32 v4, v3;
	_ =	sdelay $0x1  }
0x28c: {  	[tilespmem:s6+$0x9460] =	vst v3;
	v3 =	vld [tilespmem:s6+$0x9470]  }
0x28d: {  	v4 =	vld [tilespmem:s13+$0x470];
	_ =	sdelay $0x4  }
0x28e: {  	v3 =	vadd.f32 v4, v3;
	_ =	sdelay $0x1  }
0x28f: {  	[tilespmem:s6+$0x9470] =	vst v3;
	v3 =	vld [tilespmem:s6+$0x9800]  }
0x290: {  	v4 =	vld [tilespmem:s13+$0x800];
	_ =	sdelay $0x4  }
0x291: {  	v3 =	vadd.f32 v4, v3;
	_ =	sdelay $0x1  }
0x292: {  	[tilespmem:s6+$0x9800] =	vst v3;
	v3 =	vld [tilespmem:s6+$0x9810]  }
0x293: {  	v4 =	vld [tilespmem:s13+$0x810];
	_ =	sdelay $0x4  }
0x294: {  	v3 =	vadd.f32 v4, v3;
	_ =	sdelay $0x1  }
0x295: {  	[tilespmem:s6+$0x9810] =	vst v3;
	v3 =	vld [tilespmem:s6+$0x9820]  }
0x296: {  	v4 =	vld [tilespmem:s13+$0x820];
	_ =	sdelay $0x4  }
0x297: {  	v3 =	vadd.f32 v4, v3;
	_ =	sdelay $0x1  }
0x298: {  	[tilespmem:s6+$0x9820] =	vst v3;
	v3 =	vld [tilespmem:s6+$0x9830]  }
0x299: {  	v4 =	vld [tilespmem:s13+$0x830];
	_ =	sdelay $0x4  }
0x29a: {  	v3 =	vadd.f32 v4, v3;
	_ =	sdelay $0x1  }
0x29b: {  	[tilespmem:s6+$0x9830] =	vst v3;
	v3 =	vld [tilespmem:s6+$0x9840]  }
0x29c: {  	v4 =	vld [tilespmem:s13+$0x840];
	_ =	sdelay $0x4  }
0x29d: {  	v3 =	vadd.f32 v4, v3;
	_ =	sdelay $0x1  }
0x29e: {  	[tilespmem:s6+$0x9840] =	vst v3;
	v3 =	vld [tilespmem:s6+$0x9850]  }
0x29f: {  	v4 =	vld [tilespmem:s13+$0x850];
	_ =	sdelay $0x4  }
0x2a0: {  	v3 =	vadd.f32 v4, v3;
	_ =	sdelay $0x1  }
0x2a1: {  	[tilespmem:s6+$0x9850] =	vst v3;
	v3 =	vld [tilespmem:s6+$0x9860]  }
0x2a2: {  	v4 =	vld [tilespmem:s13+$0x860];
	_ =	sdelay $0x4  }
0x2a3: {  	v3 =	vadd.f32 v4, v3;
	_ =	sdelay $0x1  }
0x2a4: {  	[tilespmem:s6+$0x9860] =	vst v3;
	v3 =	vld [tilespmem:s6+$0x9870]  }
0x2a5: {  	v4 =	vld [tilespmem:s13+$0x870];
	_ =	sdelay $0x4  }
0x2a6: {  	v3 =	vadd.f32 v4, v3;
	_ =	sdelay $0x1  }
0x2a7: {  	[tilespmem:s6+$0x9870] =	vst v3;
	v3 =	vld [tilespmem:s6+$0x9C00]  }
0x2a8: {  	v4 =	vld [tilespmem:s13+$0xC00];
	_ =	sdelay $0x4  }
0x2a9: {  	v3 =	vadd.f32 v4, v3;
	_ =	sdelay $0x1  }
0x2aa: {  	[tilespmem:s6+$0x9C00] =	vst v3;
	v3 =	vld [tilespmem:s6+$0x9C10]  }
0x2ab: {  	v4 =	vld [tilespmem:s13+$0xC10];
	_ =	sdelay $0x4  }
0x2ac: {  	v3 =	vadd.f32 v4, v3;
	_ =	sdelay $0x1  }
0x2ad: {  	[tilespmem:s6+$0x9C10] =	vst v3;
	v3 =	vld [tilespmem:s6+$0x9C20]  }
0x2ae: {  	v4 =	vld [tilespmem:s13+$0xC20];
	_ =	sdelay $0x4  }
0x2af: {  	v3 =	vadd.f32 v4, v3;
	_ =	sdelay $0x1  }
0x2b0: {  	[tilespmem:s6+$0x9C20] =	vst v3;
	v3 =	vld [tilespmem:s6+$0x9C30]  }
0x2b1: {  	v4 =	vld [tilespmem:s13+$0xC30];
	_ =	sdelay $0x4  }
0x2b2: {  	v3 =	vadd.f32 v4, v3;
	_ =	sdelay $0x1  }
0x2b3: {  	[tilespmem:s6+$0x9C30] =	vst v3;
	v3 =	vld [tilespmem:s6+$0x9C40]  }
0x2b4: {  	v4 =	vld [tilespmem:s13+$0xC40];
	_ =	sdelay $0x4  }
0x2b5: {  	v3 =	vadd.f32 v4, v3;
	_ =	sdelay $0x1  }
0x2b6: {  	[tilespmem:s6+$0x9C40] =	vst v3;
	v3 =	vld [tilespmem:s6+$0x9C50]  }
0x2b7: {  	v4 =	vld [tilespmem:s13+$0xC50];
	_ =	sdelay $0x4  }
0x2b8: {  	v3 =	vadd.f32 v4, v3;
	_ =	sdelay $0x1  }
0x2b9: {  	[tilespmem:s6+$0x9C50] =	vst v3;
	v3 =	vld [tilespmem:s6+$0x9C60]  }
0x2ba: {  	v4 =	vld [tilespmem:s13+$0xC60];
	_ =	sdelay $0x4  }
0x2bb: {  	v3 =	vadd.f32 v4, v3;
	_ =	sdelay $0x1  }
0x2bc: {  	[tilespmem:s6+$0x9C60] =	vst v3;
	v3 =	vld [tilespmem:s6+$0x9C70]  }
0x2bd: {  	v4 =	vld [tilespmem:s13+$0xC70];
	_ =	sdelay $0x1  }
.Ltmp1:
0x2be: {  	(pc) =	sbr.rel @p0 .LBB2_5-.Ltmp1, $4  }
0x2bf: {  	_ = 	snop  }
0x2c0: {  	s11 =	sadd.s32 $0x80, s11  }
0x2c1: {  	s14 =	sand.u32 $0x380, s11;
	s13 =	sand.u32 $0x7000, s12;
	v3 =	vadd.f32 v4, v3  }
0x2c2: {  	s16 =	sand.u32 $0x1000, s12;
	s12 =	sadd.s32 $0x200, s12;
	s13 =	sor.u32 s14, s13  }
0x2c3: {  	v4 =	vld [tilespmem:s13+$0x9000];
	s11 =	sor.u32 s14, s16;
	[tilespmem:s6+$0x9C70] =	vst v3  }
0x2c4: {  	v3 =	vld [tilespmem:s11+$0x19000];
	_ =	sdelay $0x4  }
0x2c5: {  	v3 =	vadd.f32 v3, v4;
	_ =	sdelay $0x1  }
0x2c6: {  	s16 =	sadd.s32 $0x19000, s11;
	[tilespmem:s13+$0x9000] =	vst v3;
	v3 =	vld [tilespmem:s13+$0x9010]  }
0x2c7: {  	v4 =	vld [tilespmem:s16+$0x10];
	_ =	sdelay $0x4  }
0x2c8: {  	v3 =	vadd.f32 v4, v3;
	_ =	sdelay $0x1  }
0x2c9: {  	[tilespmem:s13+$0x9010] =	vst v3;
	v3 =	vld [tilespmem:s13+$0x9020]  }
0x2ca: {  	v4 =	vld [tilespmem:s16+$0x20];
	_ =	sdelay $0x4  }
0x2cb: {  	v3 =	vadd.f32 v4, v3;
	_ =	sdelay $0x1  }
0x2cc: {  	[tilespmem:s13+$0x9020] =	vst v3;
	v3 =	vld [tilespmem:s13+$0x9030]  }
0x2cd: {  	v4 =	vld [tilespmem:s16+$0x30];
	_ =	sdelay $0x4  }
0x2ce: {  	v3 =	vadd.f32 v4, v3;
	_ =	sdelay $0x1  }
0x2cf: {  	[tilespmem:s13+$0x9030] =	vst v3;
	v3 =	vld [tilespmem:s13+$0x9040]  }
0x2d0: {  	v4 =	vld [tilespmem:s16+$0x40];
	_ =	sdelay $0x4  }
0x2d1: {  	v3 =	vadd.f32 v4, v3;
	_ =	sdelay $0x1  }
0x2d2: {  	[tilespmem:s13+$0x9040] =	vst v3;
	v3 =	vld [tilespmem:s13+$0x9050]  }
0x2d3: {  	v4 =	vld [tilespmem:s16+$0x50];
	_ =	sdelay $0x4  }
0x2d4: {  	v3 =	vadd.f32 v4, v3;
	_ =	sdelay $0x1  }
0x2d5: {  	[tilespmem:s13+$0x9050] =	vst v3;
	v3 =	vld [tilespmem:s13+$0x9060]  }
0x2d6: {  	v4 =	vld [tilespmem:s16+$0x60];
	_ =	sdelay $0x4  }
0x2d7: {  	v3 =	vadd.f32 v4, v3;
	_ =	sdelay $0x1  }
0x2d8: {  	[tilespmem:s13+$0x9060] =	vst v3;
	v3 =	vld [tilespmem:s13+$0x9070]  }
0x2d9: {  	v4 =	vld [tilespmem:s16+$0x70];
	_ =	sdelay $0x4  }
0x2da: {  	v3 =	vadd.f32 v4, v3;
	_ =	sdelay $0x1  }
0x2db: {  	[tilespmem:s13+$0x9070] =	vst v3;
	v3 =	vld [tilespmem:s13+$0x9400]  }
0x2dc: {  	v4 =	vld [tilespmem:s16+$0x400];
	_ =	sdelay $0x4  }
0x2dd: {  	v3 =	vadd.f32 v4, v3;
	_ =	sdelay $0x1  }
0x2de: {  	[tilespmem:s13+$0x9400] =	vst v3;
	v3 =	vld [tilespmem:s13+$0x9410]  }
0x2df: {  	v4 =	vld [tilespmem:s16+$0x410];
	_ =	sdelay $0x4  }
0x2e0: {  	v3 =	vadd.f32 v4, v3;
	_ =	sdelay $0x1  }
0x2e1: {  	[tilespmem:s13+$0x9410] =	vst v3;
	v3 =	vld [tilespmem:s13+$0x9420]  }
0x2e2: {  	v4 =	vld [tilespmem:s16+$0x420];
	_ =	sdelay $0x4  }
0x2e3: {  	v3 =	vadd.f32 v4, v3;
	_ =	sdelay $0x1  }
0x2e4: {  	[tilespmem:s13+$0x9420] =	vst v3;
	v3 =	vld [tilespmem:s13+$0x9430]  }
0x2e5: {  	v4 =	vld [tilespmem:s16+$0x430];
	_ =	sdelay $0x4  }
0x2e6: {  	v3 =	vadd.f32 v4, v3;
	_ =	sdelay $0x1  }
0x2e7: {  	[tilespmem:s13+$0x9430] =	vst v3;
	v3 =	vld [tilespmem:s13+$0x9440]  }
0x2e8: {  	v4 =	vld [tilespmem:s16+$0x440];
	_ =	sdelay $0x4  }
0x2e9: {  	v3 =	vadd.f32 v4, v3;
	_ =	sdelay $0x1  }
0x2ea: {  	[tilespmem:s13+$0x9440] =	vst v3;
	v3 =	vld [tilespmem:s13+$0x9450]  }
0x2eb: {  	v4 =	vld [tilespmem:s16+$0x450];
	_ =	sdelay $0x4  }
0x2ec: {  	v3 =	vadd.f32 v4, v3;
	_ =	sdelay $0x1  }
0x2ed: {  	[tilespmem:s13+$0x9450] =	vst v3;
	v3 =	vld [tilespmem:s13+$0x9460]  }
0x2ee: {  	v4 =	vld [tilespmem:s16+$0x460];
	_ =	sdelay $0x4  }
0x2ef: {  	v3 =	vadd.f32 v4, v3;
	_ =	sdelay $0x1  }
0x2f0: {  	[tilespmem:s13+$0x9460] =	vst v3;
	v3 =	vld [tilespmem:s13+$0x9470]  }
0x2f1: {  	v4 =	vld [tilespmem:s16+$0x470];
	_ =	sdelay $0x4  }
0x2f2: {  	v3 =	vadd.f32 v4, v3;
	_ =	sdelay $0x1  }
0x2f3: {  	[tilespmem:s13+$0x9470] =	vst v3;
	v3 =	vld [tilespmem:s13+$0x9800]  }
0x2f4: {  	v4 =	vld [tilespmem:s16+$0x800];
	_ =	sdelay $0x4  }
0x2f5: {  	v3 =	vadd.f32 v4, v3;
	_ =	sdelay $0x1  }
0x2f6: {  	[tilespmem:s13+$0x9800] =	vst v3;
	v3 =	vld [tilespmem:s13+$0x9810]  }
0x2f7: {  	v4 =	vld [tilespmem:s16+$0x810];
	_ =	sdelay $0x4  }
0x2f8: {  	v3 =	vadd.f32 v4, v3;
	_ =	sdelay $0x1  }
0x2f9: {  	[tilespmem:s13+$0x9810] =	vst v3;
	v3 =	vld [tilespmem:s13+$0x9820]  }
0x2fa: {  	v4 =	vld [tilespmem:s16+$0x820];
	_ =	sdelay $0x4  }
0x2fb: {  	v3 =	vadd.f32 v4, v3;
	_ =	sdelay $0x1  }
0x2fc: {  	[tilespmem:s13+$0x9820] =	vst v3;
	v3 =	vld [tilespmem:s13+$0x9830]  }
0x2fd: {  	v4 =	vld [tilespmem:s16+$0x830];
	_ =	sdelay $0x4  }
0x2fe: {  	v3 =	vadd.f32 v4, v3;
	_ =	sdelay $0x1  }
0x2ff: {  	[tilespmem:s13+$0x9830] =	vst v3;
	v3 =	vld [tilespmem:s13+$0x9840]  }
0x300: {  	v4 =	vld [tilespmem:s16+$0x840];
	_ =	sdelay $0x4  }
0x301: {  	v3 =	vadd.f32 v4, v3;
	_ =	sdelay $0x1  }
0x302: {  	[tilespmem:s13+$0x9840] =	vst v3;
	v3 =	vld [tilespmem:s13+$0x9850]  }
0x303: {  	v4 =	vld [tilespmem:s16+$0x850];
	_ =	sdelay $0x4  }
0x304: {  	v3 =	vadd.f32 v4, v3;
	_ =	sdelay $0x1  }
0x305: {  	[tilespmem:s13+$0x9850] =	vst v3;
	v3 =	vld [tilespmem:s13+$0x9860]  }
0x306: {  	v4 =	vld [tilespmem:s16+$0x860];
	_ =	sdelay $0x4  }
0x307: {  	v3 =	vadd.f32 v4, v3;
	_ =	sdelay $0x1  }
0x308: {  	[tilespmem:s13+$0x9860] =	vst v3;
	v3 =	vld [tilespmem:s13+$0x9870]  }
0x309: {  	v4 =	vld [tilespmem:s16+$0x870];
	_ =	sdelay $0x4  }
0x30a: {  	v3 =	vadd.f32 v4, v3;
	_ =	sdelay $0x1  }
0x30b: {  	[tilespmem:s13+$0x9870] =	vst v3;
	v3 =	vld [tilespmem:s13+$0x9C00]  }
0x30c: {  	v4 =	vld [tilespmem:s16+$0xC00];
	_ =	sdelay $0x4  }
0x30d: {  	v3 =	vadd.f32 v4, v3;
	_ =	sdelay $0x1  }
0x30e: {  	[tilespmem:s13+$0x9C00] =	vst v3;
	v3 =	vld [tilespmem:s13+$0x9C10]  }
0x30f: {  	v4 =	vld [tilespmem:s16+$0xC10];
	_ =	sdelay $0x4  }
0x310: {  	v3 =	vadd.f32 v4, v3;
	_ =	sdelay $0x1  }
0x311: {  	[tilespmem:s13+$0x9C10] =	vst v3;
	v3 =	vld [tilespmem:s13+$0x9C20]  }
0x312: {  	v4 =	vld [tilespmem:s16+$0xC20];
	_ =	sdelay $0x4  }
0x313: {  	v3 =	vadd.f32 v4, v3;
	_ =	sdelay $0x1  }
0x314: {  	[tilespmem:s13+$0x9C20] =	vst v3;
	v3 =	vld [tilespmem:s13+$0x9C30]  }
0x315: {  	v4 =	vld [tilespmem:s16+$0xC30];
	_ =	sdelay $0x4  }
0x316: {  	v3 =	vadd.f32 v4, v3;
	_ =	sdelay $0x1  }
0x317: {  	[tilespmem:s13+$0x9C30] =	vst v3;
	v3 =	vld [tilespmem:s13+$0x9C40]  }
0x318: {  	v4 =	vld [tilespmem:s16+$0xC40];
	_ =	sdelay $0x4  }
0x319: {  	v3 =	vadd.f32 v4, v3;
	_ =	sdelay $0x1  }
0x31a: {  	[tilespmem:s13+$0x9C40] =	vst v3;
	v3 =	vld [tilespmem:s13+$0x9C50]  }
0x31b: {  	v4 =	vld [tilespmem:s16+$0xC50];
	_ =	sdelay $0x4  }
0x31c: {  	v3 =	vadd.f32 v4, v3;
	_ =	sdelay $0x1  }
0x31d: {  	[tilespmem:s13+$0x9C50] =	vst v3;
	v3 =	vld [tilespmem:s13+$0x9C60]  }
0x31e: {  	v4 =	vld [tilespmem:s16+$0xC60];
	_ =	sdelay $0x4  }
0x31f: {  	v3 =	vadd.f32 v4, v3;
	_ =	sdelay $0x1  }
0x320: {  	[tilespmem:s13+$0x9C60] =	vst v3;
	v3 =	vld [tilespmem:s13+$0x9C70]  }
0x321: {  	v4 =	vld [tilespmem:s16+$0xC70];
	_ =	sdelay $0x2  }
0x322: {  	s6 =	smul.u32 $0xC0, s3;
	_ =	sdelay $0x1  }
0x323: {  	s17 =	sadd.s32 s6, s9;
	v3 =	vadd.f32 v4, v3  }
0x324: {  	s11 =	sshll.u32 s17, $0x6  }
0x325: {  	s12 =	smul.u32 $0x3, s3;
	s18 =	sadd.s32 s4, s11;
	s11 =	simm.s32 $0x0;
	[tilespmem:s13+$0x9C70] =	vst v3  }
0x326: {  	[hbm4b:s18+s11] =	stream.linear.scatter [tilespmem:s0], [sflag:$0x5], $0x8000, $0x38;
	[tilespmem:$0x1B000] =	vst v63  }
0x327: {  	s14 =	sadd.s32 $0x3, s12;
	_ =	swait.ge [sflag:s28], $0x8000  }
0x328: {  	s12 =	sshll.u32 s14, $0x7;
	[sflag:s28] =	ssyncset.done $0x0  }
0x329: {  	s12 =	sand.u32 $0x3FFFFF80, s12;
	[sflag:s28] =	ssyncadd.s32 $0xFFFF8000  }
0x32a: {  	v3 =	vld [tilespmem:s12+$0x0];
	_ =	sdelay $0x4  }
0x32b: {  	v4 =	vshll.u32 v3, $0x2  }
0x32c: {  	v3 =	vand.u32 $0x7, v3;
	v4 =	vand.u32 $0xFFFFFFE0, v4  }
0x32d: {  	v3 =	vor.u32 v3, v4  }
0x32e: {  	v4 =	vperm.xlane v3, v0;
	_ =	sdelay $0x1  }
0x32f: {  	v4 =	vadd.s32 v1, v4;
	_ =	sdelay $0x1  }
0x330: {  	v3 =	vperm.xlane v3, v2;
	_ =	sdelay $0x1  }
0x331: {  	v3 =	vadd.s32 v1, v3  }
0x332: {  	[tilespmem:s15], [sflag:$0x1] =	stream.indirect_vreg.gather [hbm4b:s2+s11], $0x80, v4, vm0, $0xb8;
	[tilespmem:$0x1B000] =	vst v63  }
0x333: {  	s19 =	simm.s32 $0x1800  }
0x334: {  	[tilespmem:s19], [sflag:$0x1] =	stream.indirect_vreg.gather [hbm4b:s7+s11], $0x80, v4, vm0, $0xb8;
	[tilespmem:$0x1B000] =	vst v63  }
0x335: {  	s20 =	simm.s32 $0x2000  }
0x336: {  	[tilespmem:s20], [sflag:$0x1] =	stream.indirect_vreg.gather [hbm4b:s2+s11], $0x80, v3, vm0, $0xb8;
	[tilespmem:$0x1B000] =	vst v63  }
0x337: {  	s21 =	simm.s32 $0x2800  }
0x338: {  	[tilespmem:s21], [sflag:$0x1] =	stream.indirect_vreg.gather [hbm4b:s7+s11], $0x80, v3, vm0, $0xb8;
	[tilespmem:$0x1B000] =	vst v63  }
0x339: {  	v3 =	vld [tilespmem:s12+$0x10];
	_ =	sdelay $0x4  }
0x33a: {  	v4 =	vshll.u32 v3, $0x2  }
0x33b: {  	v3 =	vand.u32 $0x7, v3;
	v4 =	vand.u32 $0xFFFFFFE0, v4  }
0x33c: {  	v3 =	vor.u32 v3, v4  }
0x33d: {  	v4 =	vperm.xlane v3, v0;
	_ =	sdelay $0x1  }
0x33e: {  	v4 =	vadd.s32 v1, v4;
	_ =	sdelay $0x1  }
0x33f: {  	v3 =	vperm.xlane v3, v2;
	_ =	sdelay $0x1  }
0x340: {  	s22 =	simm.s32 $0x3000;
	v3 =	vadd.s32 v1, v3  }
0x341: {  	[tilespmem:s22], [sflag:$0x1] =	stream.indirect_vreg.gather [hbm4b:s2+s11], $0x80, v4, vm0, $0xb8;
	[tilespmem:$0x1B000] =	vst v63  }
0x342: {  	s16 =	simm.s32 $0x3800  }
0x343: {  	[tilespmem:s16], [sflag:$0x1] =	stream.indirect_vreg.gather [hbm4b:s7+s11], $0x80, v4, vm0, $0xb8;
	[tilespmem:$0x1B000] =	vst v63  }
0x344: {  	s17 =	simm.s32 $0x4000  }
0x345: {  	[tilespmem:s17], [sflag:$0x1] =	stream.indirect_vreg.gather [hbm4b:s2+s11], $0x80, v3, vm0, $0xb8;
	[tilespmem:$0x1B000] =	vst v63  }
0x346: {  	s18 =	simm.s32 $0x4800  }
0x347: {  	[tilespmem:s18], [sflag:$0x1] =	stream.indirect_vreg.gather [hbm4b:s7+s11], $0x80, v3, vm0, $0xb8;
	[tilespmem:$0x1B000] =	vst v63  }
0x348: {  	v3 =	vld [tilespmem:s12+$0x20];
	_ =	sdelay $0x4  }
0x349: {  	v4 =	vshll.u32 v3, $0x2  }
0x34a: {  	v3 =	vand.u32 $0x7, v3;
	v4 =	vand.u32 $0xFFFFFFE0, v4  }
0x34b: {  	v3 =	vor.u32 v3, v4  }
0x34c: {  	v4 =	vperm.xlane v3, v0;
	_ =	sdelay $0x1  }
0x34d: {  	v4 =	vadd.s32 v1, v4;
	_ =	sdelay $0x1  }
0x34e: {  	v3 =	vperm.xlane v3, v2;
	_ =	sdelay $0x1  }
0x34f: {  	s19 =	simm.s32 $0x5000;
	v3 =	vadd.s32 v1, v3  }
0x350: {  	[tilespmem:s19], [sflag:$0x1] =	stream.indirect_vreg.gather [hbm4b:s2+s11], $0x80, v4, vm0, $0xb8;
	[tilespmem:$0x1B000] =	vst v63  }
0x351: {  	s20 =	simm.s32 $0x5800  }
0x352: {  	[tilespmem:s20], [sflag:$0x1] =	stream.indirect_vreg.gather [hbm4b:s7+s11], $0x80, v4, vm0, $0xb8;
	[tilespmem:$0x1B000] =	vst v63  }
0x353: {  	s21 =	simm.s32 $0x6000  }
0x354: {  	[tilespmem:s21], [sflag:$0x1] =	stream.indirect_vreg.gather [hbm4b:s2+s11], $0x80, v3, vm0, $0xb8;
	[tilespmem:$0x1B000] =	vst v63  }
0x355: {  	s22 =	simm.s32 $0x6800  }
0x356: {  	[tilespmem:s22], [sflag:$0x1] =	stream.indirect_vreg.gather [hbm4b:s7+s11], $0x80, v3, vm0, $0xb8;
	[tilespmem:$0x1B000] =	vst v63  }
0x357: {  	v3 =	vld [tilespmem:s12+$0x30];
	_ =	sdelay $0x4  }
0x358: {  	v4 =	vshll.u32 v3, $0x2  }
0x359: {  	v3 =	vand.u32 $0x7, v3;
	v4 =	vand.u32 $0xFFFFFFE0, v4  }
0x35a: {  	v3 =	vor.u32 v3, v4  }
0x35b: {  	v4 =	vperm.xlane v3, v0;
	_ =	sdelay $0x1  }
0x35c: {  	v4 =	vadd.s32 v1, v4;
	_ =	sdelay $0x1  }
0x35d: {  	v3 =	vperm.xlane v3, v2;
	_ =	sdelay $0x1  }
0x35e: {  	s16 =	simm.s32 $0x7000;
	v3 =	vadd.s32 v1, v3  }
0x35f: {  	[tilespmem:s16], [sflag:$0x1] =	stream.indirect_vreg.gather [hbm4b:s2+s11], $0x80, v4, vm0, $0xb8;
	[tilespmem:$0x1B000] =	vst v63  }
0x360: {  	s17 =	simm.s32 $0x7800  }
0x361: {  	[tilespmem:s17], [sflag:$0x1] =	stream.indirect_vreg.gather [hbm4b:s7+s11], $0x80, v4, vm0, $0xb8;
	[tilespmem:$0x1B000] =	vst v63  }
0x362: {  	s18 =	simm.s32 $0x8000  }
0x363: {  	[tilespmem:s18], [sflag:$0x1] =	stream.indirect_vreg.gather [hbm4b:s2+s11], $0x80, v3, vm0, $0xb8;
	[tilespmem:$0x1B000] =	vst v63  }
0x364: {  	s19 =	simm.s32 $0x8800  }
0x365: {  	[tilespmem:s19], [sflag:$0x1] =	stream.indirect_vreg.gather [hbm4b:s7+s11], $0x80, v3, vm0, $0xb8;
	[tilespmem:$0x1B000] =	vst v63  }
0x366: {  	_ =	swait.ge [sflag:s29], $0x8000  }
0x367: {  	s20 =	sand.u32 $0x7000, s11;
	s21 =	sand.u32 $0x380, s11;
	[sflag:s29] =	ssyncset.done $0x0  }
0x368: {  	s12 =	sor.u32 s21, s20;
	s11 =	sand.u32 $0x1000, s11;
	[sflag:s29] =	ssyncadd.s32 $0xFFFF8000  }
0x369: {  	s13 =	sor.u32 s21, s11;
	v3 =	vld [tilespmem:s12+$0x11000]  }
0x36a: {  	v4 =	vld [tilespmem:s13+$0x19000];
	_ =	sdelay $0x4  }
0x36b: {  	v3 =	vadd.f32 v4, v3;
	_ =	sdelay $0x1  }
0x36c: {  	s11 =	sadd.s32 $0x11000, s12;
	[tilespmem:s12+$0x11000] =	vst v3  }
0x36d: {  	s22 =	sadd.s32 $0x19000, s13;
	v3 =	vld [tilespmem:s11+$0x10]  }
0x36e: {  	v4 =	vld [tilespmem:s22+$0x10];
	_ =	sdelay $0x4  }
0x36f: {  	v3 =	vadd.f32 v4, v3;
	_ =	sdelay $0x1  }
0x370: {  	v4 =	vld [tilespmem:s11+$0x20];
	[tilespmem:s11+$0x10] =	vst v3  }
0x371: {  	v3 =	vld [tilespmem:s22+$0x20];
	_ =	sdelay $0x4  }
0x372: {  	v3 =	vadd.f32 v3, v4;
	_ =	sdelay $0x1  }
0x373: {  	v4 =	vld [tilespmem:s11+$0x30];
	[tilespmem:s11+$0x20] =	vst v3  }
0x374: {  	v3 =	vld [tilespmem:s22+$0x30];
	_ =	sdelay $0x4  }
0x375: {  	v3 =	vadd.f32 v3, v4;
	_ =	sdelay $0x1  }
0x376: {  	v4 =	vld [tilespmem:s11+$0x40];
	[tilespmem:s11+$0x30] =	vst v3  }
0x377: {  	v3 =	vld [tilespmem:s22+$0x40];
	_ =	sdelay $0x4  }
0x378: {  	v3 =	vadd.f32 v3, v4;
	_ =	sdelay $0x1  }
0x379: {  	v4 =	vld [tilespmem:s11+$0x50];
	[tilespmem:s11+$0x40] =	vst v3  }
0x37a: {  	v3 =	vld [tilespmem:s22+$0x50];
	_ =	sdelay $0x4  }
0x37b: {  	v3 =	vadd.f32 v3, v4;
	_ =	sdelay $0x1  }
0x37c: {  	v4 =	vld [tilespmem:s11+$0x60];
	[tilespmem:s11+$0x50] =	vst v3  }
0x37d: {  	v3 =	vld [tilespmem:s22+$0x60];
	_ =	sdelay $0x4  }
0x37e: {  	v3 =	vadd.f32 v3, v4;
	_ =	sdelay $0x1  }
0x37f: {  	v4 =	vld [tilespmem:s11+$0x70];
	[tilespmem:s11+$0x60] =	vst v3  }
0x380: {  	v3 =	vld [tilespmem:s22+$0x70];
	_ =	sdelay $0x4  }
0x381: {  	v3 =	vadd.f32 v3, v4;
	_ =	sdelay $0x1  }
0x382: {  	v4 =	vld [tilespmem:s11+$0x400];
	[tilespmem:s11+$0x70] =	vst v3  }
0x383: {  	v3 =	vld [tilespmem:s22+$0x400];
	_ =	sdelay $0x4  }
0x384: {  	v3 =	vadd.f32 v3, v4;
	_ =	sdelay $0x1  }
0x385: {  	v4 =	vld [tilespmem:s11+$0x410];
	[tilespmem:s11+$0x400] =	vst v3  }
0x386: {  	v3 =	vld [tilespmem:s22+$0x410];
	_ =	sdelay $0x4  }
0x387: {  	v3 =	vadd.f32 v3, v4;
	_ =	sdelay $0x1  }
0x388: {  	v4 =	vld [tilespmem:s11+$0x420];
	[tilespmem:s11+$0x410] =	vst v3  }
0x389: {  	v3 =	vld [tilespmem:s22+$0x420];
	_ =	sdelay $0x4  }
0x38a: {  	v3 =	vadd.f32 v3, v4;
	_ =	sdelay $0x1  }
0x38b: {  	v4 =	vld [tilespmem:s11+$0x430];
	[tilespmem:s11+$0x420] =	vst v3  }
0x38c: {  	v3 =	vld [tilespmem:s22+$0x430];
	_ =	sdelay $0x4  }
0x38d: {  	v3 =	vadd.f32 v3, v4;
	_ =	sdelay $0x1  }
0x38e: {  	v4 =	vld [tilespmem:s11+$0x440];
	[tilespmem:s11+$0x430] =	vst v3  }
0x38f: {  	v3 =	vld [tilespmem:s22+$0x440];
	_ =	sdelay $0x4  }
0x390: {  	v3 =	vadd.f32 v3, v4;
	_ =	sdelay $0x1  }
0x391: {  	v4 =	vld [tilespmem:s11+$0x450];
	[tilespmem:s11+$0x440] =	vst v3  }
0x392: {  	v3 =	vld [tilespmem:s22+$0x450];
	_ =	sdelay $0x4  }
0x393: {  	v3 =	vadd.f32 v3, v4;
	_ =	sdelay $0x1  }
0x394: {  	v4 =	vld [tilespmem:s11+$0x460];
	[tilespmem:s11+$0x450] =	vst v3  }
0x395: {  	v3 =	vld [tilespmem:s22+$0x460];
	_ =	sdelay $0x4  }
0x396: {  	v3 =	vadd.f32 v3, v4;
	_ =	sdelay $0x1  }
0x397: {  	v4 =	vld [tilespmem:s11+$0x470];
	[tilespmem:s11+$0x460] =	vst v3  }
0x398: {  	v3 =	vld [tilespmem:s22+$0x470];
	_ =	sdelay $0x4  }
0x399: {  	v3 =	vadd.f32 v3, v4;
	_ =	sdelay $0x1  }
0x39a: {  	v4 =	vld [tilespmem:s11+$0x800];
	[tilespmem:s11+$0x470] =	vst v3  }
0x39b: {  	v3 =	vld [tilespmem:s22+$0x800];
	_ =	sdelay $0x4  }
0x39c: {  	v3 =	vadd.f32 v3, v4;
	_ =	sdelay $0x1  }
0x39d: {  	v4 =	vld [tilespmem:s11+$0x810];
	[tilespmem:s11+$0x800] =	vst v3  }
0x39e: {  	v3 =	vld [tilespmem:s22+$0x810];
	_ =	sdelay $0x4  }
0x39f: {  	v3 =	vadd.f32 v3, v4;
	_ =	sdelay $0x1  }
0x3a0: {  	v4 =	vld [tilespmem:s11+$0x820];
	[tilespmem:s11+$0x810] =	vst v3  }
0x3a1: {  	v3 =	vld [tilespmem:s22+$0x820];
	_ =	sdelay $0x4  }
0x3a2: {  	v3 =	vadd.f32 v3, v4;
	_ =	sdelay $0x1  }
0x3a3: {  	v4 =	vld [tilespmem:s11+$0x830];
	[tilespmem:s11+$0x820] =	vst v3  }
0x3a4: {  	v3 =	vld [tilespmem:s22+$0x830];
	_ =	sdelay $0x4  }
0x3a5: {  	v3 =	vadd.f32 v3, v4;
	_ =	sdelay $0x1  }
0x3a6: {  	v4 =	vld [tilespmem:s11+$0x840];
	[tilespmem:s11+$0x830] =	vst v3  }
0x3a7: {  	v3 =	vld [tilespmem:s22+$0x840];
	_ =	sdelay $0x4  }
0x3a8: {  	v3 =	vadd.f32 v3, v4;
	_ =	sdelay $0x1  }
0x3a9: {  	v4 =	vld [tilespmem:s11+$0x850];
	[tilespmem:s11+$0x840] =	vst v3  }
0x3aa: {  	v3 =	vld [tilespmem:s22+$0x850];
	_ =	sdelay $0x4  }
0x3ab: {  	v3 =	vadd.f32 v3, v4;
	_ =	sdelay $0x1  }
0x3ac: {  	v4 =	vld [tilespmem:s11+$0x860];
	[tilespmem:s11+$0x850] =	vst v3  }
0x3ad: {  	v3 =	vld [tilespmem:s22+$0x860];
	_ =	sdelay $0x4  }
0x3ae: {  	v3 =	vadd.f32 v3, v4;
	_ =	sdelay $0x1  }
0x3af: {  	v4 =	vld [tilespmem:s11+$0x870];
	[tilespmem:s11+$0x860] =	vst v3  }
0x3b0: {  	v3 =	vld [tilespmem:s22+$0x870];
	_ =	sdelay $0x4  }
0x3b1: {  	v3 =	vadd.f32 v3, v4;
	_ =	sdelay $0x1  }
0x3b2: {  	v4 =	vld [tilespmem:s11+$0xC00];
	[tilespmem:s11+$0x870] =	vst v3  }
0x3b3: {  	v3 =	vld [tilespmem:s22+$0xC00];
	_ =	sdelay $0x4  }
0x3b4: {  	v3 =	vadd.f32 v3, v4;
	_ =	sdelay $0x1  }
0x3b5: {  	v4 =	vld [tilespmem:s11+$0xC10];
	[tilespmem:s11+$0xC00] =	vst v3  }
0x3b6: {  	v3 =	vld [tilespmem:s22+$0xC10];
	_ =	sdelay $0x4  }
0x3b7: {  	v3 =	vadd.f32 v3, v4;
	_ =	sdelay $0x1  }
0x3b8: {  	v4 =	vld [tilespmem:s11+$0xC20];
	[tilespmem:s11+$0xC10] =	vst v3  }
0x3b9: {  	v3 =	vld [tilespmem:s22+$0xC20];
	_ =	sdelay $0x4  }
0x3ba: {  	v3 =	vadd.f32 v3, v4;
	_ =	sdelay $0x1  }
0x3bb: {  	v4 =	vld [tilespmem:s11+$0xC30];
	[tilespmem:s11+$0xC20] =	vst v3  }
0x3bc: {  	v3 =	vld [tilespmem:s22+$0xC30];
	_ =	sdelay $0x4  }
0x3bd: {  	v3 =	vadd.f32 v3, v4;
	_ =	sdelay $0x1  }
0x3be: {  	v4 =	vld [tilespmem:s11+$0xC40];
	[tilespmem:s11+$0xC30] =	vst v3  }
0x3bf: {  	v3 =	vld [tilespmem:s22+$0xC40];
	_ =	sdelay $0x4  }
0x3c0: {  	v3 =	vadd.f32 v3, v4;
	_ =	sdelay $0x1  }
0x3c1: {  	v4 =	vld [tilespmem:s11+$0xC50];
	[tilespmem:s11+$0xC40] =	vst v3  }
0x3c2: {  	v3 =	vld [tilespmem:s22+$0xC50];
	_ =	sdelay $0x4  }
0x3c3: {  	v3 =	vadd.f32 v3, v4;
	_ =	sdelay $0x1  }
0x3c4: {  	v4 =	vld [tilespmem:s11+$0xC60];
	[tilespmem:s11+$0xC50] =	vst v3  }
0x3c5: {  	v3 =	vld [tilespmem:s22+$0xC60];
	_ =	sdelay $0x4  }
0x3c6: {  	v4 =	vadd.f32 v3, v4;
	_ =	sdelay $0x1  }
0x3c7: {  	v3 =	vld [tilespmem:s11+$0xC70];
	[tilespmem:s11+$0xC60] =	vst v4  }
0x3c8: {  	v4 =	vld [tilespmem:s22+$0xC70];
	_ =	sdelay $0x1  }
0x3c9: {  	s12 =	simm.s32 $0x200  }
0x3ca: {  	s16 =	simm.s32 $0x80;
	s18 =	simm.s32 $0x400;
	s13 =	sand.u32 $0x7000, s12  }
.LBB2_7:
0x3cb: {  	s19 =	sand.u32 $0x7000, s18  }
0x3cc: {  	s20 =	sand.u32 $0x380, s16;
	s21 =	sand.u32 $0x1000, s12;
	v3 =	vadd.f32 v4, v3;
	s12 =	smov.u32 s18  }
0x3cd: {  	s17 =	sadd.s32 $0x200, s18;
	s22 =	sor.u32 s20, s13;
	s20 =	sor.u32 s20, s21  }
0x3ce: {  	p0 =	sne.s32 s18, $0x7E00;
	s13 =	smov.u32 s19;
	v4 =	vld [tilespmem:s22+$0x11000];
	[tilespmem:s11+$0xC70] =	vst v3  }
0x3cf: {  	v3 =	vld [tilespmem:s20+$0x19000];
	_ =	sdelay $0x4  }
0x3d0: {  	v3 =	vadd.f32 v3, v4;
	_ =	sdelay $0x1  }
0x3d1: {  	s11 =	sadd.s32 $0x11000, s22;
	s18 =	sadd.s32 $0x19000, s20;
	[tilespmem:s22+$0x11000] =	vst v3  }
0x3d2: {  	v3 =	vld [tilespmem:s11+$0x10]  }
0x3d3: {  	v4 =	vld [tilespmem:s18+$0x10];
	_ =	sdelay $0x4  }
0x3d4: {  	v3 =	vadd.f32 v4, v3  }
0x3d5: {  	v4 =	vld [tilespmem:s11+$0x20]  }
0x3d6: {  	[tilespmem:s11+$0x10] =	vst v3  }
0x3d7: {  	v3 =	vld [tilespmem:s18+$0x20];
	_ =	sdelay $0x4  }
0x3d8: {  	v3 =	vadd.f32 v3, v4  }
0x3d9: {  	v4 =	vld [tilespmem:s11+$0x30]  }
0x3da: {  	[tilespmem:s11+$0x20] =	vst v3  }
0x3db: {  	v3 =	vld [tilespmem:s18+$0x30];
	_ =	sdelay $0x4  }
0x3dc: {  	v3 =	vadd.f32 v3, v4  }
0x3dd: {  	v4 =	vld [tilespmem:s11+$0x40]  }
0x3de: {  	[tilespmem:s11+$0x30] =	vst v3  }
0x3df: {  	v3 =	vld [tilespmem:s18+$0x40];
	_ =	sdelay $0x4  }
0x3e0: {  	v3 =	vadd.f32 v3, v4  }
0x3e1: {  	v4 =	vld [tilespmem:s11+$0x50]  }
0x3e2: {  	[tilespmem:s11+$0x40] =	vst v3  }
0x3e3: {  	v3 =	vld [tilespmem:s18+$0x50];
	_ =	sdelay $0x4  }
0x3e4: {  	v3 =	vadd.f32 v3, v4  }
0x3e5: {  	v4 =	vld [tilespmem:s11+$0x60]  }
0x3e6: {  	[tilespmem:s11+$0x50] =	vst v3  }
0x3e7: {  	v3 =	vld [tilespmem:s18+$0x60];
	_ =	sdelay $0x4  }
0x3e8: {  	v3 =	vadd.f32 v3, v4  }
0x3e9: {  	v4 =	vld [tilespmem:s11+$0x70]  }
0x3ea: {  	[tilespmem:s11+$0x60] =	vst v3  }
0x3eb: {  	v3 =	vld [tilespmem:s18+$0x70];
	_ =	sdelay $0x4  }
0x3ec: {  	v3 =	vadd.f32 v3, v4  }
0x3ed: {  	v4 =	vld [tilespmem:s11+$0x400]  }
0x3ee: {  	[tilespmem:s11+$0x70] =	vst v3  }
0x3ef: {  	v3 =	vld [tilespmem:s18+$0x400];
	_ =	sdelay $0x4  }
0x3f0: {  	v3 =	vadd.f32 v3, v4  }
0x3f1: {  	v4 =	vld [tilespmem:s11+$0x410]  }
0x3f2: {  	[tilespmem:s11+$0x400] =	vst v3  }
0x3f3: {  	v3 =	vld [tilespmem:s18+$0x410];
	_ =	sdelay $0x4  }
0x3f4: {  	v3 =	vadd.f32 v3, v4  }
0x3f5: {  	v4 =	vld [tilespmem:s11+$0x420]  }
0x3f6: {  	[tilespmem:s11+$0x410] =	vst v3  }
0x3f7: {  	v3 =	vld [tilespmem:s18+$0x420];
	_ =	sdelay $0x4  }
0x3f8: {  	v3 =	vadd.f32 v3, v4  }
0x3f9: {  	v4 =	vld [tilespmem:s11+$0x430]  }
0x3fa: {  	[tilespmem:s11+$0x420] =	vst v3  }
0x3fb: {  	v3 =	vld [tilespmem:s18+$0x430];
	_ =	sdelay $0x4  }
0x3fc: {  	v3 =	vadd.f32 v3, v4  }
0x3fd: {  	v4 =	vld [tilespmem:s11+$0x440]  }
0x3fe: {  	[tilespmem:s11+$0x430] =	vst v3  }
0x3ff: {  	v3 =	vld [tilespmem:s18+$0x440];
	_ =	sdelay $0x4  }
0x400: {  	v3 =	vadd.f32 v3, v4  }
0x401: {  	v4 =	vld [tilespmem:s11+$0x450]  }
0x402: {  	[tilespmem:s11+$0x440] =	vst v3  }
0x403: {  	v3 =	vld [tilespmem:s18+$0x450];
	_ =	sdelay $0x4  }
0x404: {  	v3 =	vadd.f32 v3, v4  }
0x405: {  	v4 =	vld [tilespmem:s11+$0x460]  }
0x406: {  	[tilespmem:s11+$0x450] =	vst v3  }
0x407: {  	v3 =	vld [tilespmem:s18+$0x460];
	_ =	sdelay $0x4  }
0x408: {  	v3 =	vadd.f32 v3, v4  }
0x409: {  	v4 =	vld [tilespmem:s11+$0x470]  }
0x40a: {  	[tilespmem:s11+$0x460] =	vst v3  }
0x40b: {  	v3 =	vld [tilespmem:s18+$0x470];
	_ =	sdelay $0x4  }
0x40c: {  	v3 =	vadd.f32 v3, v4  }
0x40d: {  	v4 =	vld [tilespmem:s11+$0x800]  }
0x40e: {  	[tilespmem:s11+$0x470] =	vst v3  }
0x40f: {  	v3 =	vld [tilespmem:s18+$0x800];
	_ =	sdelay $0x4  }
0x410: {  	v3 =	vadd.f32 v3, v4  }
0x411: {  	v4 =	vld [tilespmem:s11+$0x810]  }
0x412: {  	[tilespmem:s11+$0x800] =	vst v3  }
0x413: {  	v3 =	vld [tilespmem:s18+$0x810];
	_ =	sdelay $0x4  }
0x414: {  	v3 =	vadd.f32 v3, v4  }
0x415: {  	v4 =	vld [tilespmem:s11+$0x820]  }
0x416: {  	[tilespmem:s11+$0x810] =	vst v3  }
0x417: {  	v3 =	vld [tilespmem:s18+$0x820];
	_ =	sdelay $0x4  }
0x418: {  	v3 =	vadd.f32 v3, v4  }
0x419: {  	v4 =	vld [tilespmem:s11+$0x830]  }
0x41a: {  	[tilespmem:s11+$0x820] =	vst v3  }
0x41b: {  	v3 =	vld [tilespmem:s18+$0x830];
	_ =	sdelay $0x4  }
0x41c: {  	v3 =	vadd.f32 v3, v4  }
0x41d: {  	v4 =	vld [tilespmem:s11+$0x840]  }
0x41e: {  	[tilespmem:s11+$0x830] =	vst v3  }
0x41f: {  	v3 =	vld [tilespmem:s18+$0x840];
	_ =	sdelay $0x4  }
0x420: {  	v3 =	vadd.f32 v3, v4  }
0x421: {  	v4 =	vld [tilespmem:s11+$0x850]  }
0x422: {  	[tilespmem:s11+$0x840] =	vst v3  }
0x423: {  	v3 =	vld [tilespmem:s18+$0x850];
	_ =	sdelay $0x4  }
0x424: {  	v3 =	vadd.f32 v3, v4  }
0x425: {  	v4 =	vld [tilespmem:s11+$0x860]  }
0x426: {  	[tilespmem:s11+$0x850] =	vst v3  }
0x427: {  	v3 =	vld [tilespmem:s18+$0x860];
	_ =	sdelay $0x4  }
0x428: {  	v3 =	vadd.f32 v3, v4  }
0x429: {  	v4 =	vld [tilespmem:s11+$0x870]  }
0x42a: {  	[tilespmem:s11+$0x860] =	vst v3  }
0x42b: {  	v3 =	vld [tilespmem:s18+$0x870];
	_ =	sdelay $0x4  }
0x42c: {  	v3 =	vadd.f32 v3, v4  }
0x42d: {  	v4 =	vld [tilespmem:s11+$0xC00]  }
0x42e: {  	[tilespmem:s11+$0x870] =	vst v3  }
0x42f: {  	v3 =	vld [tilespmem:s18+$0xC00];
	_ =	sdelay $0x4  }
0x430: {  	v3 =	vadd.f32 v3, v4  }
0x431: {  	v4 =	vld [tilespmem:s11+$0xC10]  }
0x432: {  	[tilespmem:s11+$0xC00] =	vst v3  }
0x433: {  	v3 =	vld [tilespmem:s18+$0xC10];
	_ =	sdelay $0x4  }
0x434: {  	v3 =	vadd.f32 v3, v4  }
0x435: {  	v4 =	vld [tilespmem:s11+$0xC20]  }
0x436: {  	[tilespmem:s11+$0xC10] =	vst v3  }
0x437: {  	v3 =	vld [tilespmem:s18+$0xC20];
	_ =	sdelay $0x4  }
0x438: {  	v3 =	vadd.f32 v3, v4  }
0x439: {  	v4 =	vld [tilespmem:s11+$0xC30]  }
0x43a: {  	[tilespmem:s11+$0xC20] =	vst v3  }
0x43b: {  	v3 =	vld [tilespmem:s18+$0xC30];
	_ =	sdelay $0x4  }
0x43c: {  	v3 =	vadd.f32 v3, v4  }
0x43d: {  	v4 =	vld [tilespmem:s11+$0xC40]  }
0x43e: {  	[tilespmem:s11+$0xC30] =	vst v3  }
0x43f: {  	v3 =	vld [tilespmem:s18+$0xC40];
	_ =	sdelay $0x4  }
0x440: {  	v3 =	vadd.f32 v3, v4  }
0x441: {  	v4 =	vld [tilespmem:s11+$0xC50]  }
0x442: {  	[tilespmem:s11+$0xC40] =	vst v3  }
0x443: {  	v3 =	vld [tilespmem:s18+$0xC50];
	_ =	sdelay $0x4  }
0x444: {  	v3 =	vadd.f32 v3, v4  }
0x445: {  	v4 =	vld [tilespmem:s11+$0xC60]  }
0x446: {  	[tilespmem:s11+$0xC50] =	vst v3  }
0x447: {  	v3 =	vld [tilespmem:s18+$0xC60];
	_ =	sdelay $0x4  }
0x448: {  	v4 =	vadd.f32 v3, v4  }
0x449: {  	v3 =	vld [tilespmem:s11+$0xC70]  }
0x44a: {  	[tilespmem:s11+$0xC60] =	vst v4  }
.Ltmp2:
0x44b: {  	v4 =	vld [tilespmem:s18+$0xC70];
	(pc) =	sbr.rel @p0 .LBB2_7-.Ltmp2, $2  }
0x44c: {  	_ =	sdelay $0x2  }
0x44d: {  	s16 =	sadd.s32 $0x80, s16;
	s18 =	smov.u32 s17  }
0x44e: {  	s16 =	sand.u32 $0x380, s16;
	v3 =	vadd.f32 v4, v3  }
0x44f: {  	s12 =	sand.u32 $0x1000, s12;
	s13 =	sor.u32 s16, s13  }
0x450: {  	s12 =	sor.u32 s16, s12;
	v4 =	vld [tilespmem:s13+$0x11000];
	[tilespmem:s11+$0xC70] =	vst v3  }
0x451: {  	v3 =	vld [tilespmem:s12+$0x19000];
	_ =	sdelay $0x4  }
0x452: {  	v3 =	vadd.f32 v3, v4;
	_ =	sdelay $0x1  }
0x453: {  	s19 =	sadd.s32 $0x11000, s13;
	[tilespmem:s13+$0x11000] =	vst v3  }
0x454: {  	s12 =	sadd.s32 $0x19000, s12;
	v3 =	vld [tilespmem:s19+$0x10]  }
0x455: {  	v4 =	vld [tilespmem:s12+$0x10];
	_ =	sdelay $0x4  }
0x456: {  	v3 =	vadd.f32 v4, v3;
	_ =	sdelay $0x1  }
0x457: {  	v4 =	vld [tilespmem:s19+$0x20];
	[tilespmem:s19+$0x10] =	vst v3  }
0x458: {  	v3 =	vld [tilespmem:s12+$0x20];
	_ =	sdelay $0x4  }
0x459: {  	v3 =	vadd.f32 v3, v4;
	_ =	sdelay $0x1  }
0x45a: {  	v4 =	vld [tilespmem:s19+$0x30];
	[tilespmem:s19+$0x20] =	vst v3  }
0x45b: {  	v3 =	vld [tilespmem:s12+$0x30];
	_ =	sdelay $0x4  }
0x45c: {  	v3 =	vadd.f32 v3, v4;
	_ =	sdelay $0x1  }
0x45d: {  	v4 =	vld [tilespmem:s19+$0x40];
	[tilespmem:s19+$0x30] =	vst v3  }
0x45e: {  	v3 =	vld [tilespmem:s12+$0x40];
	_ =	sdelay $0x4  }
0x45f: {  	v3 =	vadd.f32 v3, v4;
	_ =	sdelay $0x1  }
0x460: {  	v4 =	vld [tilespmem:s19+$0x50];
	[tilespmem:s19+$0x40] =	vst v3  }
0x461: {  	v3 =	vld [tilespmem:s12+$0x50];
	_ =	sdelay $0x4  }
0x462: {  	v3 =	vadd.f32 v3, v4;
	_ =	sdelay $0x1  }
0x463: {  	v4 =	vld [tilespmem:s19+$0x60];
	[tilespmem:s19+$0x50] =	vst v3  }
0x464: {  	v3 =	vld [tilespmem:s12+$0x60];
	_ =	sdelay $0x4  }
0x465: {  	v3 =	vadd.f32 v3, v4;
	_ =	sdelay $0x1  }
0x466: {  	v4 =	vld [tilespmem:s19+$0x70];
	[tilespmem:s19+$0x60] =	vst v3  }
0x467: {  	v3 =	vld [tilespmem:s12+$0x70];
	_ =	sdelay $0x4  }
0x468: {  	v3 =	vadd.f32 v3, v4;
	_ =	sdelay $0x1  }
0x469: {  	v4 =	vld [tilespmem:s19+$0x400];
	[tilespmem:s19+$0x70] =	vst v3  }
0x46a: {  	v3 =	vld [tilespmem:s12+$0x400];
	_ =	sdelay $0x4  }
0x46b: {  	v3 =	vadd.f32 v3, v4;
	_ =	sdelay $0x1  }
0x46c: {  	v4 =	vld [tilespmem:s19+$0x410];
	[tilespmem:s19+$0x400] =	vst v3  }
0x46d: {  	v3 =	vld [tilespmem:s12+$0x410];
	_ =	sdelay $0x4  }
0x46e: {  	v3 =	vadd.f32 v3, v4;
	_ =	sdelay $0x1  }
0x46f: {  	v4 =	vld [tilespmem:s19+$0x420];
	[tilespmem:s19+$0x410] =	vst v3  }
0x470: {  	v3 =	vld [tilespmem:s12+$0x420];
	_ =	sdelay $0x4  }
0x471: {  	v3 =	vadd.f32 v3, v4;
	_ =	sdelay $0x1  }
0x472: {  	v4 =	vld [tilespmem:s19+$0x430];
	[tilespmem:s19+$0x420] =	vst v3  }
0x473: {  	v3 =	vld [tilespmem:s12+$0x430];
	_ =	sdelay $0x4  }
0x474: {  	v3 =	vadd.f32 v3, v4;
	_ =	sdelay $0x1  }
0x475: {  	v4 =	vld [tilespmem:s19+$0x440];
	[tilespmem:s19+$0x430] =	vst v3  }
0x476: {  	v3 =	vld [tilespmem:s12+$0x440];
	_ =	sdelay $0x4  }
0x477: {  	v3 =	vadd.f32 v3, v4;
	_ =	sdelay $0x1  }
0x478: {  	v4 =	vld [tilespmem:s19+$0x450];
	[tilespmem:s19+$0x440] =	vst v3  }
0x479: {  	v3 =	vld [tilespmem:s12+$0x450];
	_ =	sdelay $0x4  }
0x47a: {  	v3 =	vadd.f32 v3, v4;
	_ =	sdelay $0x1  }
0x47b: {  	v4 =	vld [tilespmem:s19+$0x460];
	[tilespmem:s19+$0x450] =	vst v3  }
0x47c: {  	v3 =	vld [tilespmem:s12+$0x460];
	_ =	sdelay $0x4  }
0x47d: {  	v3 =	vadd.f32 v3, v4;
	_ =	sdelay $0x1  }
0x47e: {  	v4 =	vld [tilespmem:s19+$0x470];
	[tilespmem:s19+$0x460] =	vst v3  }
0x47f: {  	v3 =	vld [tilespmem:s12+$0x470];
	_ =	sdelay $0x4  }
0x480: {  	v3 =	vadd.f32 v3, v4;
	_ =	sdelay $0x1  }
0x481: {  	v4 =	vld [tilespmem:s19+$0x800];
	[tilespmem:s19+$0x470] =	vst v3  }
0x482: {  	v3 =	vld [tilespmem:s12+$0x800];
	_ =	sdelay $0x4  }
0x483: {  	v3 =	vadd.f32 v3, v4;
	_ =	sdelay $0x1  }
0x484: {  	v4 =	vld [tilespmem:s19+$0x810];
	[tilespmem:s19+$0x800] =	vst v3  }
0x485: {  	v3 =	vld [tilespmem:s12+$0x810];
	_ =	sdelay $0x4  }
0x486: {  	v3 =	vadd.f32 v3, v4;
	_ =	sdelay $0x1  }
0x487: {  	v4 =	vld [tilespmem:s19+$0x820];
	[tilespmem:s19+$0x810] =	vst v3  }
0x488: {  	v3 =	vld [tilespmem:s12+$0x820];
	_ =	sdelay $0x4  }
0x489: {  	v3 =	vadd.f32 v3, v4;
	_ =	sdelay $0x1  }
0x48a: {  	v4 =	vld [tilespmem:s19+$0x830];
	[tilespmem:s19+$0x820] =	vst v3  }
0x48b: {  	v3 =	vld [tilespmem:s12+$0x830];
	_ =	sdelay $0x4  }
0x48c: {  	v3 =	vadd.f32 v3, v4;
	_ =	sdelay $0x1  }
0x48d: {  	v4 =	vld [tilespmem:s19+$0x840];
	[tilespmem:s19+$0x830] =	vst v3  }
0x48e: {  	v3 =	vld [tilespmem:s12+$0x840];
	_ =	sdelay $0x4  }
0x48f: {  	v3 =	vadd.f32 v3, v4;
	_ =	sdelay $0x1  }
0x490: {  	v4 =	vld [tilespmem:s19+$0x850];
	[tilespmem:s19+$0x840] =	vst v3  }
0x491: {  	v3 =	vld [tilespmem:s12+$0x850];
	_ =	sdelay $0x4  }
0x492: {  	v3 =	vadd.f32 v3, v4;
	_ =	sdelay $0x1  }
0x493: {  	v4 =	vld [tilespmem:s19+$0x860];
	[tilespmem:s19+$0x850] =	vst v3  }
0x494: {  	v3 =	vld [tilespmem:s12+$0x860];
	_ =	sdelay $0x4  }
0x495: {  	v3 =	vadd.f32 v3, v4;
	_ =	sdelay $0x1  }
0x496: {  	v4 =	vld [tilespmem:s19+$0x870];
	[tilespmem:s19+$0x860] =	vst v3  }
0x497: {  	v3 =	vld [tilespmem:s12+$0x870];
	_ =	sdelay $0x4  }
0x498: {  	v3 =	vadd.f32 v3, v4;
	_ =	sdelay $0x1  }
0x499: {  	v4 =	vld [tilespmem:s19+$0xC00];
	[tilespmem:s19+$0x870] =	vst v3  }
0x49a: {  	v3 =	vld [tilespmem:s12+$0xC00];
	_ =	sdelay $0x4  }
0x49b: {  	v3 =	vadd.f32 v3, v4;
	_ =	sdelay $0x1  }
0x49c: {  	v4 =	vld [tilespmem:s19+$0xC10];
	[tilespmem:s19+$0xC00] =	vst v3  }
0x49d: {  	v3 =	vld [tilespmem:s12+$0xC10];
	_ =	sdelay $0x4  }
0x49e: {  	v3 =	vadd.f32 v3, v4;
	_ =	sdelay $0x1  }
0x49f: {  	v4 =	vld [tilespmem:s19+$0xC20];
	[tilespmem:s19+$0xC10] =	vst v3  }
0x4a0: {  	v3 =	vld [tilespmem:s12+$0xC20];
	_ =	sdelay $0x4  }
0x4a1: {  	v3 =	vadd.f32 v3, v4;
	_ =	sdelay $0x1  }
0x4a2: {  	v4 =	vld [tilespmem:s19+$0xC30];
	[tilespmem:s19+$0xC20] =	vst v3  }
0x4a3: {  	v3 =	vld [tilespmem:s12+$0xC30];
	_ =	sdelay $0x4  }
0x4a4: {  	v3 =	vadd.f32 v3, v4;
	_ =	sdelay $0x1  }
0x4a5: {  	v4 =	vld [tilespmem:s19+$0xC40];
	[tilespmem:s19+$0xC30] =	vst v3  }
0x4a6: {  	v3 =	vld [tilespmem:s12+$0xC40];
	_ =	sdelay $0x4  }
0x4a7: {  	v3 =	vadd.f32 v3, v4;
	_ =	sdelay $0x1  }
0x4a8: {  	v4 =	vld [tilespmem:s19+$0xC50];
	[tilespmem:s19+$0xC40] =	vst v3  }
0x4a9: {  	v3 =	vld [tilespmem:s12+$0xC50];
	_ =	sdelay $0x4  }
0x4aa: {  	v3 =	vadd.f32 v3, v4;
	_ =	sdelay $0x1  }
0x4ab: {  	v4 =	vld [tilespmem:s19+$0xC60];
	[tilespmem:s19+$0xC50] =	vst v3  }
0x4ac: {  	v3 =	vld [tilespmem:s12+$0xC60];
	_ =	sdelay $0x4  }
0x4ad: {  	v3 =	vadd.f32 v3, v4;
	_ =	sdelay $0x1  }
0x4ae: {  	v4 =	vld [tilespmem:s19+$0xC70];
	[tilespmem:s19+$0xC60] =	vst v3  }
0x4af: {  	v3 =	vld [tilespmem:s12+$0xC70];
	_ =	sdelay $0x4  }
0x4b0: {  	s6 =	sadd.s32 s6, s10;
	v3 =	vadd.f32 v3, v4  }
0x4b1: {  	s6 =	sshll.u32 s6, $0x6  }
0x4b2: {  	s6 =	sadd.s32 s4, s6;
	s12 =	simm.s32 $0x0;
	[tilespmem:s19+$0xC70] =	vst v3  }
0x4b3: {  	[hbm4b:s6+s12] =	stream.linear.scatter [tilespmem:s25], [sflag:$0x6], $0x8000, $0x38;
	[tilespmem:$0x1B000] =	vst v63  }
0x4b4: {  	s20 =	smul.u32 $0x600, s3;
	_ =	swait.ge [sflag:s30], $0x8000  }
0x4b5: {  	[sflag:s30] =	ssyncset.done $0x0  }
0x4b6: {  	s6 =	sshra.s32 s20, $0x2;
	[sflag:s30] =	ssyncadd.s32 $0xFFFF8000  }
0x4b7: {  	v3 =	vld [tilespmem:s6+$0x200];
	_ =	sdelay $0x4  }
0x4b8: {  	v4 =	vshll.u32 v3, $0x2  }
0x4b9: {  	v3 =	vand.u32 $0x7, v3;
	v4 =	vand.u32 $0xFFFFFFE0, v4  }
0x4ba: {  	v3 =	vor.u32 v3, v4  }
0x4bb: {  	v4 =	vperm.xlane v3, v0;
	_ =	sdelay $0x1  }
0x4bc: {  	v4 =	vadd.s32 v1, v4;
	_ =	sdelay $0x1  }
0x4bd: {  	v3 =	vperm.xlane v3, v2;
	_ =	sdelay $0x1  }
0x4be: {  	v3 =	vadd.s32 v1, v3  }
0x4bf: {  	[tilespmem:s0], [sflag:$0x2] =	stream.indirect_vreg.gather [hbm4b:s2+s12], $0x80, v4, vm0, $0xb8;
	[tilespmem:$0x1B000] =	vst v63  }
0x4c0: {  	s21 =	simm.s32 $0x9800  }
0x4c1: {  	[tilespmem:s21], [sflag:$0x2] =	stream.indirect_vreg.gather [hbm4b:s7+s12], $0x80, v4, vm0, $0xb8;
	[tilespmem:$0x1B000] =	vst v63  }
0x4c2: {  	s22 =	simm.s32 $0xA000  }
0x4c3: {  	[tilespmem:s22], [sflag:$0x2] =	stream.indirect_vreg.gather [hbm4b:s2+s12], $0x80, v3, vm0, $0xb8;
	[tilespmem:$0x1B000] =	vst v63  }
0x4c4: {  	s13 =	simm.s32 $0xA800  }
0x4c5: {  	[tilespmem:s13], [sflag:$0x2] =	stream.indirect_vreg.gather [hbm4b:s7+s12], $0x80, v3, vm0, $0xb8;
	[tilespmem:$0x1B000] =	vst v63  }
0x4c6: {  	v3 =	vld [tilespmem:s6+$0x210];
	_ =	sdelay $0x4  }
0x4c7: {  	v4 =	vshll.u32 v3, $0x2  }
0x4c8: {  	v3 =	vand.u32 $0x7, v3;
	v4 =	vand.u32 $0xFFFFFFE0, v4  }
0x4c9: {  	v3 =	vor.u32 v3, v4  }
0x4ca: {  	v4 =	vperm.xlane v3, v0;
	_ =	sdelay $0x1  }
0x4cb: {  	v4 =	vadd.s32 v1, v4;
	_ =	sdelay $0x1  }
0x4cc: {  	v3 =	vperm.xlane v3, v2;
	_ =	sdelay $0x1  }
0x4cd: {  	s16 =	simm.s32 $0xB000;
	v3 =	vadd.s32 v1, v3  }
0x4ce: {  	[tilespmem:s16], [sflag:$0x2] =	stream.indirect_vreg.gather [hbm4b:s2+s12], $0x80, v4, vm0, $0xb8;
	[tilespmem:$0x1B000] =	vst v63  }
0x4cf: {  	s17 =	simm.s32 $0xB800  }
0x4d0: {  	[tilespmem:s17], [sflag:$0x2] =	stream.indirect_vreg.gather [hbm4b:s7+s12], $0x80, v4, vm0, $0xb8;
	[tilespmem:$0x1B000] =	vst v63  }
0x4d1: {  	s18 =	simm.s32 $0xC000  }
0x4d2: {  	[tilespmem:s18], [sflag:$0x2] =	stream.indirect_vreg.gather [hbm4b:s2+s12], $0x80, v3, vm0, $0xb8;
	[tilespmem:$0x1B000] =	vst v63  }
0x4d3: {  	s19 =	simm.s32 $0xC800  }
0x4d4: {  	[tilespmem:s19], [sflag:$0x2] =	stream.indirect_vreg.gather [hbm4b:s7+s12], $0x80, v3, vm0, $0xb8;
	[tilespmem:$0x1B000] =	vst v63  }
0x4d5: {  	v3 =	vld [tilespmem:s6+$0x220];
	_ =	sdelay $0x4  }
0x4d6: {  	v4 =	vshll.u32 v3, $0x2  }
0x4d7: {  	v3 =	vand.u32 $0x7, v3;
	v4 =	vand.u32 $0xFFFFFFE0, v4  }
0x4d8: {  	v3 =	vor.u32 v3, v4  }
0x4d9: {  	v4 =	vperm.xlane v3, v0;
	_ =	sdelay $0x1  }
0x4da: {  	v4 =	vadd.s32 v1, v4;
	_ =	sdelay $0x1  }
0x4db: {  	v3 =	vperm.xlane v3, v2;
	_ =	sdelay $0x1  }
0x4dc: {  	s20 =	simm.s32 $0xD000;
	v3 =	vadd.s32 v1, v3  }
0x4dd: {  	[tilespmem:s20], [sflag:$0x2] =	stream.indirect_vreg.gather [hbm4b:s2+s12], $0x80, v4, vm0, $0xb8;
	[tilespmem:$0x1B000] =	vst v63  }
0x4de: {  	s21 =	simm.s32 $0xD800  }
0x4df: {  	[tilespmem:s21], [sflag:$0x2] =	stream.indirect_vreg.gather [hbm4b:s7+s12], $0x80, v4, vm0, $0xb8;
	[tilespmem:$0x1B000] =	vst v63  }
0x4e0: {  	s22 =	simm.s32 $0xE000  }
0x4e1: {  	[tilespmem:s22], [sflag:$0x2] =	stream.indirect_vreg.gather [hbm4b:s2+s12], $0x80, v3, vm0, $0xb8;
	[tilespmem:$0x1B000] =	vst v63  }
0x4e2: {  	s13 =	simm.s32 $0xE800  }
0x4e3: {  	[tilespmem:s13], [sflag:$0x2] =	stream.indirect_vreg.gather [hbm4b:s7+s12], $0x80, v3, vm0, $0xb8;
	[tilespmem:$0x1B000] =	vst v63  }
0x4e4: {  	v3 =	vld [tilespmem:s6+$0x230];
	_ =	sdelay $0x4  }
0x4e5: {  	v4 =	vshll.u32 v3, $0x2  }
0x4e6: {  	v3 =	vand.u32 $0x7, v3;
	v4 =	vand.u32 $0xFFFFFFE0, v4  }
0x4e7: {  	v3 =	vor.u32 v3, v4  }
0x4e8: {  	v4 =	vperm.xlane v3, v0;
	_ =	sdelay $0x1  }
0x4e9: {  	v4 =	vadd.s32 v1, v4;
	_ =	sdelay $0x1  }
0x4ea: {  	v3 =	vperm.xlane v3, v2;
	_ =	sdelay $0x1  }
0x4eb: {  	s16 =	simm.s32 $0xF000;
	v3 =	vadd.s32 v1, v3  }
0x4ec: {  	[tilespmem:s16], [sflag:$0x2] =	stream.indirect_vreg.gather [hbm4b:s2+s12], $0x80, v4, vm0, $0xb8;
	[tilespmem:$0x1B000] =	vst v63  }
0x4ed: {  	s17 =	simm.s32 $0xF800  }
0x4ee: {  	[tilespmem:s17], [sflag:$0x2] =	stream.indirect_vreg.gather [hbm4b:s7+s12], $0x80, v4, vm0, $0xb8;
	[tilespmem:$0x1B000] =	vst v63  }
0x4ef: {  	s18 =	simm.s32 $0x10000  }
0x4f0: {  	[tilespmem:s18], [sflag:$0x2] =	stream.indirect_vreg.gather [hbm4b:s2+s12], $0x80, v3, vm0, $0xb8;
	[tilespmem:$0x1B000] =	vst v63  }
0x4f1: {  	_ = 	snop  }
0x4f2: {  	[tilespmem:s23], [sflag:$0x2] =	stream.indirect_vreg.gather [hbm4b:s7+s12], $0x80, v3, vm0, $0xb8;
	[tilespmem:$0x1B000] =	vst v63  }
0x4f3: {  	_ =	swait.ge [sflag:s24], $0x8000  }
0x4f4: {  	s19 =	sand.u32 $0x7000, s12;
	s20 =	sand.u32 $0x380, s12;
	[sflag:s24] =	ssyncset.done $0x0  }
0x4f5: {  	s11 =	sor.u32 s20, s19;
	s12 =	sand.u32 $0x1000, s12;
	[sflag:s24] =	ssyncadd.s32 $0xFFFF8000  }
0x4f6: {  	s12 =	sor.u32 s20, s12;
	v3 =	vld [tilespmem:s11+$0x1000]  }
0x4f7: {  	v4 =	vld [tilespmem:s12+$0x19000];
	_ =	sdelay $0x4  }
0x4f8: {  	v3 =	vadd.f32 v4, v3;
	_ =	sdelay $0x1  }
0x4f9: {  	s12 =	sadd.s32 $0x19000, s12;
	[tilespmem:s11+$0x1000] =	vst v3;
	v3 =	vld [tilespmem:s11+$0x1010]  }
0x4fa: {  	v4 =	vld [tilespmem:s12+$0x10];
	_ =	sdelay $0x4  }
0x4fb: {  	v3 =	vadd.f32 v4, v3;
	_ =	sdelay $0x1  }
0x4fc: {  	[tilespmem:s11+$0x1010] =	vst v3;
	v3 =	vld [tilespmem:s11+$0x1020]  }
0x4fd: {  	v4 =	vld [tilespmem:s12+$0x20];
	_ =	sdelay $0x4  }
0x4fe: {  	v3 =	vadd.f32 v4, v3;
	_ =	sdelay $0x1  }
0x4ff: {  	[tilespmem:s11+$0x1020] =	vst v3;
	v3 =	vld [tilespmem:s11+$0x1030]  }
0x500: {  	v4 =	vld [tilespmem:s12+$0x30];
	_ =	sdelay $0x4  }
0x501: {  	v3 =	vadd.f32 v4, v3;
	_ =	sdelay $0x1  }
0x502: {  	[tilespmem:s11+$0x1030] =	vst v3;
	v3 =	vld [tilespmem:s11+$0x1040]  }
0x503: {  	v4 =	vld [tilespmem:s12+$0x40];
	_ =	sdelay $0x4  }
0x504: {  	v3 =	vadd.f32 v4, v3;
	_ =	sdelay $0x1  }
0x505: {  	[tilespmem:s11+$0x1040] =	vst v3;
	v3 =	vld [tilespmem:s11+$0x1050]  }
0x506: {  	v4 =	vld [tilespmem:s12+$0x50];
	_ =	sdelay $0x4  }
0x507: {  	v3 =	vadd.f32 v4, v3;
	_ =	sdelay $0x1  }
0x508: {  	[tilespmem:s11+$0x1050] =	vst v3;
	v3 =	vld [tilespmem:s11+$0x1060]  }
0x509: {  	v4 =	vld [tilespmem:s12+$0x60];
	_ =	sdelay $0x4  }
0x50a: {  	v3 =	vadd.f32 v4, v3;
	_ =	sdelay $0x1  }
0x50b: {  	[tilespmem:s11+$0x1060] =	vst v3;
	v3 =	vld [tilespmem:s11+$0x1070]  }
0x50c: {  	v4 =	vld [tilespmem:s12+$0x70];
	_ =	sdelay $0x4  }
0x50d: {  	v3 =	vadd.f32 v4, v3;
	_ =	sdelay $0x1  }
0x50e: {  	[tilespmem:s11+$0x1070] =	vst v3;
	v3 =	vld [tilespmem:s11+$0x1400]  }
0x50f: {  	v4 =	vld [tilespmem:s12+$0x400];
	_ =	sdelay $0x4  }
0x510: {  	v3 =	vadd.f32 v4, v3;
	_ =	sdelay $0x1  }
0x511: {  	[tilespmem:s11+$0x1400] =	vst v3;
	v3 =	vld [tilespmem:s11+$0x1410]  }
0x512: {  	v4 =	vld [tilespmem:s12+$0x410];
	_ =	sdelay $0x4  }
0x513: {  	v3 =	vadd.f32 v4, v3;
	_ =	sdelay $0x1  }
0x514: {  	[tilespmem:s11+$0x1410] =	vst v3;
	v3 =	vld [tilespmem:s11+$0x1420]  }
0x515: {  	v4 =	vld [tilespmem:s12+$0x420];
	_ =	sdelay $0x4  }
0x516: {  	v3 =	vadd.f32 v4, v3;
	_ =	sdelay $0x1  }
0x517: {  	[tilespmem:s11+$0x1420] =	vst v3;
	v3 =	vld [tilespmem:s11+$0x1430]  }
0x518: {  	v4 =	vld [tilespmem:s12+$0x430];
	_ =	sdelay $0x4  }
0x519: {  	v3 =	vadd.f32 v4, v3;
	_ =	sdelay $0x1  }
0x51a: {  	[tilespmem:s11+$0x1430] =	vst v3;
	v3 =	vld [tilespmem:s11+$0x1440]  }
0x51b: {  	v4 =	vld [tilespmem:s12+$0x440];
	_ =	sdelay $0x4  }
0x51c: {  	v3 =	vadd.f32 v4, v3;
	_ =	sdelay $0x1  }
0x51d: {  	[tilespmem:s11+$0x1440] =	vst v3;
	v3 =	vld [tilespmem:s11+$0x1450]  }
0x51e: {  	v4 =	vld [tilespmem:s12+$0x450];
	_ =	sdelay $0x4  }
0x51f: {  	v3 =	vadd.f32 v4, v3;
	_ =	sdelay $0x1  }
0x520: {  	[tilespmem:s11+$0x1450] =	vst v3;
	v3 =	vld [tilespmem:s11+$0x1460]  }
0x521: {  	v4 =	vld [tilespmem:s12+$0x460];
	_ =	sdelay $0x4  }
0x522: {  	v3 =	vadd.f32 v4, v3;
	_ =	sdelay $0x1  }
0x523: {  	[tilespmem:s11+$0x1460] =	vst v3;
	v3 =	vld [tilespmem:s11+$0x1470]  }
0x524: {  	v4 =	vld [tilespmem:s12+$0x470];
	_ =	sdelay $0x4  }
0x525: {  	v3 =	vadd.f32 v4, v3;
	_ =	sdelay $0x1  }
0x526: {  	[tilespmem:s11+$0x1470] =	vst v3;
	v3 =	vld [tilespmem:s11+$0x1800]  }
0x527: {  	v4 =	vld [tilespmem:s12+$0x800];
	_ =	sdelay $0x4  }
0x528: {  	v3 =	vadd.f32 v4, v3;
	_ =	sdelay $0x1  }
0x529: {  	[tilespmem:s11+$0x1800] =	vst v3;
	v3 =	vld [tilespmem:s11+$0x1810]  }
0x52a: {  	v4 =	vld [tilespmem:s12+$0x810];
	_ =	sdelay $0x4  }
0x52b: {  	v3 =	vadd.f32 v4, v3;
	_ =	sdelay $0x1  }
0x52c: {  	[tilespmem:s11+$0x1810] =	vst v3;
	v3 =	vld [tilespmem:s11+$0x1820]  }
0x52d: {  	v4 =	vld [tilespmem:s12+$0x820];
	_ =	sdelay $0x4  }
0x52e: {  	v3 =	vadd.f32 v4, v3;
	_ =	sdelay $0x1  }
0x52f: {  	[tilespmem:s11+$0x1820] =	vst v3;
	v3 =	vld [tilespmem:s11+$0x1830]  }
0x530: {  	v4 =	vld [tilespmem:s12+$0x830];
	_ =	sdelay $0x4  }
0x531: {  	v3 =	vadd.f32 v4, v3;
	_ =	sdelay $0x1  }
0x532: {  	[tilespmem:s11+$0x1830] =	vst v3;
	v3 =	vld [tilespmem:s11+$0x1840]  }
0x533: {  	v4 =	vld [tilespmem:s12+$0x840];
	_ =	sdelay $0x4  }
0x534: {  	v3 =	vadd.f32 v4, v3;
	_ =	sdelay $0x1  }
0x535: {  	[tilespmem:s11+$0x1840] =	vst v3;
	v3 =	vld [tilespmem:s11+$0x1850]  }
0x536: {  	v4 =	vld [tilespmem:s12+$0x850];
	_ =	sdelay $0x4  }
0x537: {  	v3 =	vadd.f32 v4, v3;
	_ =	sdelay $0x1  }
0x538: {  	[tilespmem:s11+$0x1850] =	vst v3;
	v3 =	vld [tilespmem:s11+$0x1860]  }
0x539: {  	v4 =	vld [tilespmem:s12+$0x860];
	_ =	sdelay $0x4  }
0x53a: {  	v3 =	vadd.f32 v4, v3;
	_ =	sdelay $0x1  }
0x53b: {  	[tilespmem:s11+$0x1860] =	vst v3;
	v3 =	vld [tilespmem:s11+$0x1870]  }
0x53c: {  	v4 =	vld [tilespmem:s12+$0x870];
	_ =	sdelay $0x4  }
0x53d: {  	v3 =	vadd.f32 v4, v3;
	_ =	sdelay $0x1  }
0x53e: {  	[tilespmem:s11+$0x1870] =	vst v3;
	v3 =	vld [tilespmem:s11+$0x1C00]  }
0x53f: {  	v4 =	vld [tilespmem:s12+$0xC00];
	_ =	sdelay $0x4  }
0x540: {  	v3 =	vadd.f32 v4, v3;
	_ =	sdelay $0x1  }
0x541: {  	[tilespmem:s11+$0x1C00] =	vst v3;
	v3 =	vld [tilespmem:s11+$0x1C10]  }
0x542: {  	v4 =	vld [tilespmem:s12+$0xC10];
	_ =	sdelay $0x4  }
0x543: {  	v3 =	vadd.f32 v4, v3;
	_ =	sdelay $0x1  }
0x544: {  	[tilespmem:s11+$0x1C10] =	vst v3;
	v3 =	vld [tilespmem:s11+$0x1C20]  }
0x545: {  	v4 =	vld [tilespmem:s12+$0xC20];
	_ =	sdelay $0x4  }
0x546: {  	v3 =	vadd.f32 v4, v3;
	_ =	sdelay $0x1  }
0x547: {  	[tilespmem:s11+$0x1C20] =	vst v3;
	v3 =	vld [tilespmem:s11+$0x1C30]  }
0x548: {  	v4 =	vld [tilespmem:s12+$0xC30];
	_ =	sdelay $0x4  }
0x549: {  	v3 =	vadd.f32 v4, v3;
	_ =	sdelay $0x1  }
0x54a: {  	[tilespmem:s11+$0x1C30] =	vst v3;
	v3 =	vld [tilespmem:s11+$0x1C40]  }
0x54b: {  	v4 =	vld [tilespmem:s12+$0xC40];
	_ =	sdelay $0x4  }
0x54c: {  	v3 =	vadd.f32 v4, v3;
	_ =	sdelay $0x1  }
0x54d: {  	[tilespmem:s11+$0x1C40] =	vst v3;
	v3 =	vld [tilespmem:s11+$0x1C50]  }
0x54e: {  	v4 =	vld [tilespmem:s12+$0xC50];
	_ =	sdelay $0x4  }
0x54f: {  	v3 =	vadd.f32 v4, v3;
	_ =	sdelay $0x1  }
0x550: {  	[tilespmem:s11+$0x1C50] =	vst v3;
	v3 =	vld [tilespmem:s11+$0x1C60]  }
0x551: {  	v4 =	vld [tilespmem:s12+$0xC60];
	_ =	sdelay $0x4  }
0x552: {  	v3 =	vadd.f32 v4, v3;
	_ =	sdelay $0x1  }
0x553: {  	[tilespmem:s11+$0x1C60] =	vst v3;
	v3 =	vld [tilespmem:s11+$0x1C70]  }
0x554: {  	v4 =	vld [tilespmem:s12+$0xC70];
	_ =	sdelay $0x3  }
0x555: {  	s21 =	simm.s32 $0x200;
	s12 =	simm.s32 $0x80  }
0x556: {  	s22 =	sand.u32 $0x7000, s21;
	s17 =	sand.u32 $0x380, s12;
	v3 =	vadd.f32 v4, v3  }
0x557: {  	s13 =	simm.s32 $0x400;
	s18 =	sand.u32 $0x1000, s21;
	s16 =	sor.u32 s17, s22  }
.LBB2_9:
0x558: {  	p0 =	sne.s32 s13, $0x7E00;
	v4 =	vld [tilespmem:s16+$0x1000];
	s17 =	sor.u32 s17, s18;
	[tilespmem:s11+$0x1C70] =	vst v3;
	s11 =	smov.u32 s16  }
0x559: {  	v3 =	vld [tilespmem:s17+$0x19000];
	_ =	sdelay $0x4  }
0x55a: {  	v3 =	vadd.f32 v3, v4;
	_ =	sdelay $0x1  }
0x55b: {  	s16 =	sadd.s32 $0x19000, s17;
	[tilespmem:s11+$0x1000] =	vst v3;
	v3 =	vld [tilespmem:s11+$0x1010]  }
0x55c: {  	v4 =	vld [tilespmem:s16+$0x10];
	_ =	sdelay $0x4  }
0x55d: {  	v3 =	vadd.f32 v4, v3;
	_ =	sdelay $0x1  }
0x55e: {  	[tilespmem:s11+$0x1010] =	vst v3;
	v3 =	vld [tilespmem:s11+$0x1020]  }
0x55f: {  	v4 =	vld [tilespmem:s16+$0x20];
	_ =	sdelay $0x4  }
0x560: {  	v3 =	vadd.f32 v4, v3;
	_ =	sdelay $0x1  }
0x561: {  	[tilespmem:s11+$0x1020] =	vst v3;
	v3 =	vld [tilespmem:s11+$0x1030]  }
0x562: {  	v4 =	vld [tilespmem:s16+$0x30];
	_ =	sdelay $0x4  }
0x563: {  	v3 =	vadd.f32 v4, v3;
	_ =	sdelay $0x1  }
0x564: {  	[tilespmem:s11+$0x1030] =	vst v3;
	v3 =	vld [tilespmem:s11+$0x1040]  }
0x565: {  	v4 =	vld [tilespmem:s16+$0x40];
	_ =	sdelay $0x4  }
0x566: {  	v3 =	vadd.f32 v4, v3;
	_ =	sdelay $0x1  }
0x567: {  	[tilespmem:s11+$0x1040] =	vst v3;
	v3 =	vld [tilespmem:s11+$0x1050]  }
0x568: {  	v4 =	vld [tilespmem:s16+$0x50];
	_ =	sdelay $0x4  }
0x569: {  	v3 =	vadd.f32 v4, v3;
	_ =	sdelay $0x1  }
0x56a: {  	[tilespmem:s11+$0x1050] =	vst v3;
	v3 =	vld [tilespmem:s11+$0x1060]  }
0x56b: {  	v4 =	vld [tilespmem:s16+$0x60];
	_ =	sdelay $0x4  }
0x56c: {  	v3 =	vadd.f32 v4, v3;
	_ =	sdelay $0x1  }
0x56d: {  	[tilespmem:s11+$0x1060] =	vst v3;
	v3 =	vld [tilespmem:s11+$0x1070]  }
0x56e: {  	v4 =	vld [tilespmem:s16+$0x70];
	_ =	sdelay $0x4  }
0x56f: {  	v3 =	vadd.f32 v4, v3;
	_ =	sdelay $0x1  }
0x570: {  	[tilespmem:s11+$0x1070] =	vst v3;
	v3 =	vld [tilespmem:s11+$0x1400]  }
0x571: {  	v4 =	vld [tilespmem:s16+$0x400];
	_ =	sdelay $0x4  }
0x572: {  	v3 =	vadd.f32 v4, v3;
	_ =	sdelay $0x1  }
0x573: {  	[tilespmem:s11+$0x1400] =	vst v3;
	v3 =	vld [tilespmem:s11+$0x1410]  }
0x574: {  	v4 =	vld [tilespmem:s16+$0x410];
	_ =	sdelay $0x4  }
0x575: {  	v3 =	vadd.f32 v4, v3;
	_ =	sdelay $0x1  }
0x576: {  	[tilespmem:s11+$0x1410] =	vst v3;
	v3 =	vld [tilespmem:s11+$0x1420]  }
0x577: {  	v4 =	vld [tilespmem:s16+$0x420];
	_ =	sdelay $0x4  }
0x578: {  	v3 =	vadd.f32 v4, v3;
	_ =	sdelay $0x1  }
0x579: {  	[tilespmem:s11+$0x1420] =	vst v3;
	v3 =	vld [tilespmem:s11+$0x1430]  }
0x57a: {  	v4 =	vld [tilespmem:s16+$0x430];
	_ =	sdelay $0x4  }
0x57b: {  	v3 =	vadd.f32 v4, v3;
	_ =	sdelay $0x1  }
0x57c: {  	[tilespmem:s11+$0x1430] =	vst v3;
	v3 =	vld [tilespmem:s11+$0x1440]  }
0x57d: {  	v4 =	vld [tilespmem:s16+$0x440];
	_ =	sdelay $0x4  }
0x57e: {  	v3 =	vadd.f32 v4, v3;
	_ =	sdelay $0x1  }
0x57f: {  	[tilespmem:s11+$0x1440] =	vst v3;
	v3 =	vld [tilespmem:s11+$0x1450]  }
0x580: {  	v4 =	vld [tilespmem:s16+$0x450];
	_ =	sdelay $0x4  }
0x581: {  	v3 =	vadd.f32 v4, v3;
	_ =	sdelay $0x1  }
0x582: {  	[tilespmem:s11+$0x1450] =	vst v3;
	v3 =	vld [tilespmem:s11+$0x1460]  }
0x583: {  	v4 =	vld [tilespmem:s16+$0x460];
	_ =	sdelay $0x4  }
0x584: {  	v3 =	vadd.f32 v4, v3;
	_ =	sdelay $0x1  }
0x585: {  	[tilespmem:s11+$0x1460] =	vst v3;
	v3 =	vld [tilespmem:s11+$0x1470]  }
0x586: {  	v4 =	vld [tilespmem:s16+$0x470];
	_ =	sdelay $0x4  }
0x587: {  	v3 =	vadd.f32 v4, v3;
	_ =	sdelay $0x1  }
0x588: {  	[tilespmem:s11+$0x1470] =	vst v3;
	v3 =	vld [tilespmem:s11+$0x1800]  }
0x589: {  	v4 =	vld [tilespmem:s16+$0x800];
	_ =	sdelay $0x4  }
0x58a: {  	v3 =	vadd.f32 v4, v3;
	_ =	sdelay $0x1  }
0x58b: {  	[tilespmem:s11+$0x1800] =	vst v3;
	v3 =	vld [tilespmem:s11+$0x1810]  }
0x58c: {  	v4 =	vld [tilespmem:s16+$0x810];
	_ =	sdelay $0x4  }
0x58d: {  	v3 =	vadd.f32 v4, v3;
	_ =	sdelay $0x1  }
0x58e: {  	[tilespmem:s11+$0x1810] =	vst v3;
	v3 =	vld [tilespmem:s11+$0x1820]  }
0x58f: {  	v4 =	vld [tilespmem:s16+$0x820];
	_ =	sdelay $0x4  }
0x590: {  	v3 =	vadd.f32 v4, v3;
	_ =	sdelay $0x1  }
0x591: {  	[tilespmem:s11+$0x1820] =	vst v3;
	v3 =	vld [tilespmem:s11+$0x1830]  }
0x592: {  	v4 =	vld [tilespmem:s16+$0x830];
	_ =	sdelay $0x4  }
0x593: {  	v3 =	vadd.f32 v4, v3;
	_ =	sdelay $0x1  }
0x594: {  	[tilespmem:s11+$0x1830] =	vst v3;
	v3 =	vld [tilespmem:s11+$0x1840]  }
0x595: {  	v4 =	vld [tilespmem:s16+$0x840];
	_ =	sdelay $0x4  }
0x596: {  	v3 =	vadd.f32 v4, v3;
	_ =	sdelay $0x1  }
0x597: {  	[tilespmem:s11+$0x1840] =	vst v3;
	v3 =	vld [tilespmem:s11+$0x1850]  }
0x598: {  	v4 =	vld [tilespmem:s16+$0x850];
	_ =	sdelay $0x4  }
0x599: {  	v3 =	vadd.f32 v4, v3;
	_ =	sdelay $0x1  }
0x59a: {  	[tilespmem:s11+$0x1850] =	vst v3;
	v3 =	vld [tilespmem:s11+$0x1860]  }
0x59b: {  	v4 =	vld [tilespmem:s16+$0x860];
	_ =	sdelay $0x4  }
0x59c: {  	v3 =	vadd.f32 v4, v3;
	_ =	sdelay $0x1  }
0x59d: {  	[tilespmem:s11+$0x1860] =	vst v3;
	v3 =	vld [tilespmem:s11+$0x1870]  }
0x59e: {  	v4 =	vld [tilespmem:s16+$0x870];
	_ =	sdelay $0x4  }
0x59f: {  	v3 =	vadd.f32 v4, v3;
	_ =	sdelay $0x1  }
0x5a0: {  	[tilespmem:s11+$0x1870] =	vst v3;
	v3 =	vld [tilespmem:s11+$0x1C00]  }
0x5a1: {  	v4 =	vld [tilespmem:s16+$0xC00];
	_ =	sdelay $0x4  }
0x5a2: {  	v3 =	vadd.f32 v4, v3;
	_ =	sdelay $0x1  }
0x5a3: {  	[tilespmem:s11+$0x1C00] =	vst v3;
	v3 =	vld [tilespmem:s11+$0x1C10]  }
0x5a4: {  	v4 =	vld [tilespmem:s16+$0xC10];
	_ =	sdelay $0x4  }
0x5a5: {  	v3 =	vadd.f32 v4, v3;
	_ =	sdelay $0x1  }
0x5a6: {  	[tilespmem:s11+$0x1C10] =	vst v3;
	v3 =	vld [tilespmem:s11+$0x1C20]  }
0x5a7: {  	v4 =	vld [tilespmem:s16+$0xC20];
	_ =	sdelay $0x4  }
0x5a8: {  	v3 =	vadd.f32 v4, v3;
	_ =	sdelay $0x1  }
0x5a9: {  	[tilespmem:s11+$0x1C20] =	vst v3;
	v3 =	vld [tilespmem:s11+$0x1C30]  }
0x5aa: {  	v4 =	vld [tilespmem:s16+$0xC30];
	_ =	sdelay $0x4  }
0x5ab: {  	v3 =	vadd.f32 v4, v3;
	_ =	sdelay $0x1  }
0x5ac: {  	[tilespmem:s11+$0x1C30] =	vst v3;
	v3 =	vld [tilespmem:s11+$0x1C40]  }
0x5ad: {  	v4 =	vld [tilespmem:s16+$0xC40];
	_ =	sdelay $0x4  }
0x5ae: {  	v3 =	vadd.f32 v4, v3;
	_ =	sdelay $0x1  }
0x5af: {  	[tilespmem:s11+$0x1C40] =	vst v3;
	v3 =	vld [tilespmem:s11+$0x1C50]  }
0x5b0: {  	v4 =	vld [tilespmem:s16+$0xC50];
	_ =	sdelay $0x4  }
0x5b1: {  	v3 =	vadd.f32 v4, v3;
	_ =	sdelay $0x1  }
0x5b2: {  	[tilespmem:s11+$0x1C50] =	vst v3;
	v3 =	vld [tilespmem:s11+$0x1C60]  }
0x5b3: {  	v4 =	vld [tilespmem:s16+$0xC60];
	_ =	sdelay $0x4  }
0x5b4: {  	v3 =	vadd.f32 v4, v3;
	_ =	sdelay $0x1  }
0x5b5: {  	[tilespmem:s11+$0x1C60] =	vst v3;
	v3 =	vld [tilespmem:s11+$0x1C70]  }
0x5b6: {  	v4 =	vld [tilespmem:s16+$0xC70];
	_ =	sdelay $0x1  }
.Ltmp3:
0x5b7: {  	(pc) =	sbr.rel @p0 .LBB2_9-.Ltmp3, $4  }
0x5b8: {  	_ = 	snop  }
0x5b9: {  	s12 =	sadd.s32 $0x80, s12  }
0x5ba: {  	s17 =	sand.u32 $0x380, s12;
	s16 =	sand.u32 $0x7000, s13;
	v3 =	vadd.f32 v4, v3  }
0x5bb: {  	s18 =	sand.u32 $0x1000, s13;
	s13 =	sadd.s32 $0x200, s13;
	s16 =	sor.u32 s17, s16  }
0x5bc: {  	v4 =	vld [tilespmem:s16+$0x1000];
	s12 =	sor.u32 s17, s18;
	[tilespmem:s11+$0x1C70] =	vst v3  }
0x5bd: {  	v3 =	vld [tilespmem:s12+$0x19000];
	_ =	sdelay $0x4  }
0x5be: {  	v3 =	vadd.f32 v3, v4;
	_ =	sdelay $0x1  }
0x5bf: {  	s21 =	sadd.s32 $0x19000, s12;
	[tilespmem:s16+$0x1000] =	vst v3;
	v3 =	vld [tilespmem:s16+$0x1010]  }
0x5c0: {  	v33 =	vld [tilespmem:s21+$0x10];
	_ =	sdelay $0x4  }
0x5c1: {  	v3 =	vadd.f32 v33, v3;
	_ =	sdelay $0x1  }
0x5c2: {  	[tilespmem:s16+$0x1010] =	vst v3;
	v3 =	vld [tilespmem:s16+$0x1020]  }
0x5c3: {  	v34 =	vld [tilespmem:s21+$0x20];
	_ =	sdelay $0x4  }
0x5c4: {  	v3 =	vadd.f32 v34, v3;
	_ =	sdelay $0x1  }
0x5c5: {  	[tilespmem:s16+$0x1020] =	vst v3;
	v3 =	vld [tilespmem:s16+$0x1030]  }
0x5c6: {  	v35 =	vld [tilespmem:s21+$0x30];
	_ =	sdelay $0x4  }
0x5c7: {  	v3 =	vadd.f32 v35, v3;
	_ =	sdelay $0x1  }
0x5c8: {  	[tilespmem:s16+$0x1030] =	vst v3;
	v3 =	vld [tilespmem:s16+$0x1040]  }
0x5c9: {  	v36 =	vld [tilespmem:s21+$0x40];
	_ =	sdelay $0x4  }
0x5ca: {  	v3 =	vadd.f32 v36, v3;
	_ =	sdelay $0x1  }
0x5cb: {  	[tilespmem:s16+$0x1040] =	vst v3;
	v3 =	vld [tilespmem:s16+$0x1050]  }
0x5cc: {  	v37 =	vld [tilespmem:s21+$0x50];
	_ =	sdelay $0x4  }
0x5cd: {  	v3 =	vadd.f32 v37, v3;
	_ =	sdelay $0x1  }
0x5ce: {  	[tilespmem:s16+$0x1050] =	vst v3;
	v3 =	vld [tilespmem:s16+$0x1060]  }
0x5cf: {  	v38 =	vld [tilespmem:s21+$0x60];
	_ =	sdelay $0x4  }
0x5d0: {  	v3 =	vadd.f32 v38, v3;
	_ =	sdelay $0x1  }
0x5d1: {  	[tilespmem:s16+$0x1060] =	vst v3;
	v3 =	vld [tilespmem:s16+$0x1070]  }
0x5d2: {  	v39 =	vld [tilespmem:s21+$0x70];
	_ =	sdelay $0x4  }
0x5d3: {  	v3 =	vadd.f32 v39, v3;
	_ =	sdelay $0x1  }
0x5d4: {  	[tilespmem:s16+$0x1070] =	vst v3;
	v3 =	vld [tilespmem:s16+$0x1400]  }
0x5d5: {  	v40 =	vld [tilespmem:s21+$0x400];
	_ =	sdelay $0x4  }
0x5d6: {  	v3 =	vadd.f32 v40, v3;
	_ =	sdelay $0x1  }
0x5d7: {  	[tilespmem:s16+$0x1400] =	vst v3;
	v3 =	vld [tilespmem:s16+$0x1410]  }
0x5d8: {  	v41 =	vld [tilespmem:s21+$0x410];
	_ =	sdelay $0x4  }
0x5d9: {  	v3 =	vadd.f32 v41, v3;
	_ =	sdelay $0x1  }
0x5da: {  	[tilespmem:s16+$0x1410] =	vst v3;
	v3 =	vld [tilespmem:s16+$0x1420]  }
0x5db: {  	v42 =	vld [tilespmem:s21+$0x420];
	_ =	sdelay $0x4  }
0x5dc: {  	v3 =	vadd.f32 v42, v3;
	_ =	sdelay $0x1  }
0x5dd: {  	[tilespmem:s16+$0x1420] =	vst v3;
	v3 =	vld [tilespmem:s16+$0x1430]  }
0x5de: {  	v43 =	vld [tilespmem:s21+$0x430];
	_ =	sdelay $0x4  }
0x5df: {  	v3 =	vadd.f32 v43, v3;
	_ =	sdelay $0x1  }
0x5e0: {  	[tilespmem:s16+$0x1430] =	vst v3;
	v3 =	vld [tilespmem:s16+$0x1440]  }
0x5e1: {  	v44 =	vld [tilespmem:s21+$0x440];
	_ =	sdelay $0x4  }
0x5e2: {  	v3 =	vadd.f32 v44, v3;
	_ =	sdelay $0x1  }
0x5e3: {  	[tilespmem:s16+$0x1440] =	vst v3;
	v3 =	vld [tilespmem:s16+$0x1450]  }
0x5e4: {  	v45 =	vld [tilespmem:s21+$0x450];
	_ =	sdelay $0x4  }
0x5e5: {  	v3 =	vadd.f32 v45, v3;
	_ =	sdelay $0x1  }
0x5e6: {  	[tilespmem:s16+$0x1450] =	vst v3;
	v3 =	vld [tilespmem:s16+$0x1460]  }
0x5e7: {  	v46 =	vld [tilespmem:s21+$0x460];
	_ =	sdelay $0x4  }
0x5e8: {  	v3 =	vadd.f32 v46, v3;
	_ =	sdelay $0x1  }
0x5e9: {  	[tilespmem:s16+$0x1460] =	vst v3;
	v3 =	vld [tilespmem:s16+$0x1470]  }
0x5ea: {  	v47 =	vld [tilespmem:s21+$0x470];
	_ =	sdelay $0x4  }
0x5eb: {  	v3 =	vadd.f32 v47, v3;
	_ =	sdelay $0x1  }
0x5ec: {  	[tilespmem:s16+$0x1470] =	vst v3;
	v3 =	vld [tilespmem:s16+$0x1800]  }
0x5ed: {  	v48 =	vld [tilespmem:s21+$0x800];
	_ =	sdelay $0x4  }
0x5ee: {  	v3 =	vadd.f32 v48, v3;
	_ =	sdelay $0x1  }
0x5ef: {  	[tilespmem:s16+$0x1800] =	vst v3;
	v3 =	vld [tilespmem:s16+$0x1810]  }
0x5f0: {  	v49 =	vld [tilespmem:s21+$0x810];
	_ =	sdelay $0x4  }
0x5f1: {  	v3 =	vadd.f32 v49, v3;
	_ =	sdelay $0x1  }
0x5f2: {  	[tilespmem:s16+$0x1810] =	vst v3;
	v3 =	vld [tilespmem:s16+$0x1820]  }
0x5f3: {  	v50 =	vld [tilespmem:s21+$0x820];
	_ =	sdelay $0x4  }
0x5f4: {  	v3 =	vadd.f32 v50, v3;
	_ =	sdelay $0x1  }
0x5f5: {  	[tilespmem:s16+$0x1820] =	vst v3;
	v3 =	vld [tilespmem:s16+$0x1830]  }
0x5f6: {  	v51 =	vld [tilespmem:s21+$0x830];
	_ =	sdelay $0x4  }
0x5f7: {  	v3 =	vadd.f32 v51, v3;
	_ =	sdelay $0x1  }
0x5f8: {  	[tilespmem:s16+$0x1830] =	vst v3;
	v3 =	vld [tilespmem:s16+$0x1840]  }
0x5f9: {  	v52 =	vld [tilespmem:s21+$0x840];
	_ =	sdelay $0x4  }
0x5fa: {  	v3 =	vadd.f32 v52, v3;
	_ =	sdelay $0x1  }
0x5fb: {  	[tilespmem:s16+$0x1840] =	vst v3;
	v3 =	vld [tilespmem:s16+$0x1850]  }
0x5fc: {  	v53 =	vld [tilespmem:s21+$0x850];
	_ =	sdelay $0x4  }
0x5fd: {  	v3 =	vadd.f32 v53, v3;
	_ =	sdelay $0x1  }
0x5fe: {  	[tilespmem:s16+$0x1850] =	vst v3;
	v3 =	vld [tilespmem:s16+$0x1860]  }
0x5ff: {  	v54 =	vld [tilespmem:s21+$0x860];
	_ =	sdelay $0x4  }
0x600: {  	v3 =	vadd.f32 v54, v3;
	_ =	sdelay $0x1  }
0x601: {  	[tilespmem:s16+$0x1860] =	vst v3;
	v3 =	vld [tilespmem:s16+$0x1870]  }
0x602: {  	v55 =	vld [tilespmem:s21+$0x870];
	_ =	sdelay $0x4  }
0x603: {  	v3 =	vadd.f32 v55, v3;
	_ =	sdelay $0x1  }
0x604: {  	[tilespmem:s16+$0x1870] =	vst v3;
	v3 =	vld [tilespmem:s16+$0x1C00]  }
0x605: {  	v56 =	vld [tilespmem:s21+$0xC00];
	_ =	sdelay $0x4  }
0x606: {  	v3 =	vadd.f32 v56, v3;
	_ =	sdelay $0x1  }
0x607: {  	[tilespmem:s16+$0x1C00] =	vst v3;
	v3 =	vld [tilespmem:s16+$0x1C10]  }
0x608: {  	v57 =	vld [tilespmem:s21+$0xC10];
	_ =	sdelay $0x4  }
0x609: {  	v3 =	vadd.f32 v57, v3;
	_ =	sdelay $0x1  }
0x60a: {  	[tilespmem:s16+$0x1C10] =	vst v3;
	v3 =	vld [tilespmem:s16+$0x1C20]  }
0x60b: {  	v58 =	vld [tilespmem:s21+$0xC20];
	_ =	sdelay $0x4  }
0x60c: {  	v3 =	vadd.f32 v58, v3;
	_ =	sdelay $0x1  }
0x60d: {  	[tilespmem:s16+$0x1C20] =	vst v3;
	v3 =	vld [tilespmem:s16+$0x1C30]  }
0x60e: {  	v59 =	vld [tilespmem:s21+$0xC30];
	_ =	sdelay $0x4  }
0x60f: {  	v3 =	vadd.f32 v59, v3;
	_ =	sdelay $0x1  }
0x610: {  	[tilespmem:s16+$0x1C30] =	vst v3;
	v3 =	vld [tilespmem:s16+$0x1C40]  }
0x611: {  	v60 =	vld [tilespmem:s21+$0xC40];
	_ =	sdelay $0x4  }
0x612: {  	v3 =	vadd.f32 v60, v3;
	_ =	sdelay $0x1  }
0x613: {  	[tilespmem:s16+$0x1C40] =	vst v3;
	v3 =	vld [tilespmem:s16+$0x1C50]  }
0x614: {  	v61 =	vld [tilespmem:s21+$0xC50];
	_ =	sdelay $0x4  }
0x615: {  	v3 =	vadd.f32 v61, v3;
	_ =	sdelay $0x1  }
0x616: {  	[tilespmem:s16+$0x1C50] =	vst v3;
	v3 =	vld [tilespmem:s16+$0x1C60]  }
0x617: {  	v62 =	vld [tilespmem:s21+$0xC60];
	_ =	sdelay $0x4  }
0x618: {  	v3 =	vadd.f32 v62, v3;
	_ =	sdelay $0x1  }
0x619: {  	[tilespmem:s16+$0x1C60] =	vst v3;
	v3 =	vld [tilespmem:s16+$0x1C70]  }
0x61a: {  	v63 =	vld [tilespmem:s21+$0xC70];
	_ =	sdelay $0x2  }
0x61b: {  	p0 =	seq.s32 s3, $0x9  }
.Ltmp4:
0x61c: {  	_ = 	snop;
	(pc) =	sbr.rel @p0 .LBB2_12-.Ltmp4, $4  }
0x61d: {  	v3 =	vadd.f32 v63, v3  }
0x61e: {  	s22 =	sshll.u32 s14, $0xC  }
0x61f: {  	s11 =	sadd.s32 s22, s8;
	[tilespmem:s16+$0x1C70] =	vst v3  }
0x620: {  	[hbm4b:s11+s5] =	stream.linear.scatter [tilespmem:s15], [sflag:$0x4], $0x8000, $0x38;
	[tilespmem:$0x1B000] =	vst v63  }
0x621: {  	_ =	swait.ge [sflag:s31], $0x8000  }
0x622: {  	[sflag:s31] =	ssyncset.done $0x0  }
0x623: {  	[sflag:s31] =	ssyncadd.s32 $0xFFFF8000  }
0x624: {  	v3 =	vld [tilespmem:s6+$0x280];
	_ =	sdelay $0x4  }
0x625: {  	v4 =	vshll.u32 v3, $0x2  }
0x626: {  	v3 =	vand.u32 $0x7, v3;
	v4 =	vand.u32 $0xFFFFFFE0, v4  }
0x627: {  	v3 =	vor.u32 v3, v4  }
0x628: {  	v4 =	vperm.xlane v3, v0;
	_ =	sdelay $0x1  }
0x629: {  	v4 =	vadd.s32 v1, v4;
	_ =	sdelay $0x1  }
0x62a: {  	v3 =	vperm.xlane v3, v2;
	_ =	sdelay $0x1  }
0x62b: {  	v3 =	vadd.s32 v1, v3  }
0x62c: {  	[tilespmem:s25], [sflag:$0x3] =	stream.indirect_vreg.gather [hbm4b:s2+s5], $0x80, v4, vm0, $0xb8;
	[tilespmem:$0x1B000] =	vst v63  }
0x62d: {  	s11 =	simm.s32 $0x11800  }
0x62e: {  	[tilespmem:s11], [sflag:$0x3] =	stream.indirect_vreg.gather [hbm4b:s7+s5], $0x80, v4, vm0, $0xb8;
	[tilespmem:$0x1B000] =	vst v63  }
0x62f: {  	s19 =	simm.s32 $0x12000  }
0x630: {  	[tilespmem:s19], [sflag:$0x3] =	stream.indirect_vreg.gather [hbm4b:s2+s5], $0x80, v3, vm0, $0xb8;
	[tilespmem:$0x1B000] =	vst v63  }
0x631: {  	s20 =	simm.s32 $0x12800  }
0x632: {  	[tilespmem:s20], [sflag:$0x3] =	stream.indirect_vreg.gather [hbm4b:s7+s5], $0x80, v3, vm0, $0xb8;
	[tilespmem:$0x1B000] =	vst v63  }
0x633: {  	v3 =	vld [tilespmem:s6+$0x290];
	_ =	sdelay $0x4  }
0x634: {  	v61 =	vshll.u32 v3, $0x2  }
0x635: {  	v3 =	vand.u32 $0x7, v3;
	v4 =	vand.u32 $0xFFFFFFE0, v61  }
0x636: {  	v3 =	vor.u32 v3, v4  }
0x637: {  	v4 =	vperm.xlane v3, v0;
	_ =	sdelay $0x1  }
0x638: {  	v4 =	vadd.s32 v1, v4;
	_ =	sdelay $0x1  }
0x639: {  	v3 =	vperm.xlane v3, v2;
	_ =	sdelay $0x1  }
0x63a: {  	s21 =	simm.s32 $0x13000;
	v3 =	vadd.s32 v1, v3  }
0x63b: {  	[tilespmem:s21], [sflag:$0x3] =	stream.indirect_vreg.gather [hbm4b:s2+s5], $0x80, v4, vm0, $0xb8;
	[tilespmem:$0x1B000] =	vst v63  }
0x63c: {  	s22 =	simm.s32 $0x13800  }
0x63d: {  	[tilespmem:s22], [sflag:$0x3] =	stream.indirect_vreg.gather [hbm4b:s7+s5], $0x80, v4, vm0, $0xb8;
	[tilespmem:$0x1B000] =	vst v63  }
0x63e: {  	s12 =	simm.s32 $0x14000  }
0x63f: {  	[tilespmem:s12], [sflag:$0x3] =	stream.indirect_vreg.gather [hbm4b:s2+s5], $0x80, v3, vm0, $0xb8;
	[tilespmem:$0x1B000] =	vst v63  }
0x640: {  	s13 =	simm.s32 $0x14800  }
0x641: {  	[tilespmem:s13], [sflag:$0x3] =	stream.indirect_vreg.gather [hbm4b:s7+s5], $0x80, v3, vm0, $0xb8;
	[tilespmem:$0x1B000] =	vst v63  }
0x642: {  	v3 =	vld [tilespmem:s6+$0x2A0];
	_ =	sdelay $0x4  }
0x643: {  	v62 =	vshll.u32 v3, $0x2  }
0x644: {  	v3 =	vand.u32 $0x7, v3;
	v4 =	vand.u32 $0xFFFFFFE0, v62  }
0x645: {  	v3 =	vor.u32 v3, v4  }
0x646: {  	v4 =	vperm.xlane v3, v0;
	_ =	sdelay $0x1  }
0x647: {  	v4 =	vadd.s32 v1, v4;
	_ =	sdelay $0x1  }
0x648: {  	v3 =	vperm.xlane v3, v2;
	_ =	sdelay $0x1  }
0x649: {  	s14 =	simm.s32 $0x15000;
	v3 =	vadd.s32 v1, v3  }
0x64a: {  	[tilespmem:s14], [sflag:$0x3] =	stream.indirect_vreg.gather [hbm4b:s2+s5], $0x80, v4, vm0, $0xb8;
	[tilespmem:$0x1B000] =	vst v63  }
0x64b: {  	s16 =	simm.s32 $0x15800  }
0x64c: {  	[tilespmem:s16], [sflag:$0x3] =	stream.indirect_vreg.gather [hbm4b:s7+s5], $0x80, v4, vm0, $0xb8;
	[tilespmem:$0x1B000] =	vst v63  }
0x64d: {  	s17 =	simm.s32 $0x16000  }
0x64e: {  	[tilespmem:s17], [sflag:$0x3] =	stream.indirect_vreg.gather [hbm4b:s2+s5], $0x80, v3, vm0, $0xb8;
	[tilespmem:$0x1B000] =	vst v63  }
0x64f: {  	s18 =	simm.s32 $0x16800  }
0x650: {  	[tilespmem:s18], [sflag:$0x3] =	stream.indirect_vreg.gather [hbm4b:s7+s5], $0x80, v3, vm0, $0xb8;
	[tilespmem:$0x1B000] =	vst v63  }
0x651: {  	v3 =	vld [tilespmem:s6+$0x2B0];
	_ =	sdelay $0x4  }
0x652: {  	v63 =	vshll.u32 v3, $0x2  }
0x653: {  	v3 =	vand.u32 $0x7, v3;
	v4 =	vand.u32 $0xFFFFFFE0, v63  }
0x654: {  	v3 =	vor.u32 v3, v4  }
0x655: {  	v4 =	vperm.xlane v3, v0;
	_ =	sdelay $0x1  }
0x656: {  	v4 =	vadd.s32 v1, v4;
	_ =	sdelay $0x2  }
0x657: {  	v3 =	vperm.xlane v3, v2  }
0x658: {  	s19 =	simm.s32 $0x17000  }
0x659: {  	v3 =	vadd.s32 v1, v3;
	[tilespmem:s19], [sflag:$0x3] =	stream.indirect_vreg.gather [hbm4b:s2+s5], $0x80, v4, vm0, $0xb8;
	[tilespmem:$0x1B000] =	vst v63  }
0x65a: {  	s20 =	simm.s32 $0x17800  }
0x65b: {  	[tilespmem:s20], [sflag:$0x3] =	stream.indirect_vreg.gather [hbm4b:s7+s5], $0x80, v4, vm0, $0xb8;
	[tilespmem:$0x1B000] =	vst v63  }
.Ltmp5:
0x65c: {  	_ = 	snop;
	(pc) =	sbr.rel .LBB2_4-.Ltmp5, $4  }
0x65d: {  	s21 =	simm.s32 $0x18000  }
0x65e: {  	[tilespmem:s21], [sflag:$0x3] =	stream.indirect_vreg.gather [hbm4b:s2+s5], $0x80, v3, vm0, $0xb8;
	[tilespmem:$0x1B000] =	vst v63  }
0x65f: {  	s3 =	sadd.s32 $0x1, s3;
	s22 =	simm.s32 $0x18800  }
0x660: {  	[tilespmem:s22], [sflag:$0x3] =	stream.indirect_vreg.gather [hbm4b:s7+s5], $0x80, v3, vm0, $0xb8;
	[tilespmem:$0x1B000] =	vst v63  }
.LBB2_12:
0x661: {  	_ =	swait.ge [sflag:s26], $0x8000;
	s3 =	simm.s32 $0x0  }
0x662: {  	[sflag:s26] =	ssyncset.done $0x0;
	s1 =	sand.u32 $0x7000, s3;
	s6 =	sand.u32 $0x380, s3  }
0x663: {  	s3 =	sand.u32 $0x1000, s3;
	[sflag:s26] =	ssyncadd.s32 $0xFFFF8000;
	s1 =	sor.u32 s6, s1  }
0x664: {  	s3 =	sor.u32 s6, s3;
	v3 =	vld [tilespmem:s1+$0x9000]  }
0x665: {  	v4 =	vld [tilespmem:s3+$0x19000];
	_ =	sdelay $0x4  }
0x666: {  	v3 =	vadd.f32 v4, v3;
	_ =	sdelay $0x1  }
0x667: {  	s3 =	sadd.s32 $0x19000, s3;
	[tilespmem:s1+$0x9000] =	vst v3;
	v3 =	vld [tilespmem:s1+$0x9010]  }
0x668: {  	v4 =	vld [tilespmem:s3+$0x10];
	_ =	sdelay $0x4  }
0x669: {  	v3 =	vadd.f32 v4, v3;
	_ =	sdelay $0x1  }
0x66a: {  	[tilespmem:s1+$0x9010] =	vst v3;
	v3 =	vld [tilespmem:s1+$0x9020]  }
0x66b: {  	v4 =	vld [tilespmem:s3+$0x20];
	_ =	sdelay $0x4  }
0x66c: {  	v3 =	vadd.f32 v4, v3;
	_ =	sdelay $0x1  }
0x66d: {  	[tilespmem:s1+$0x9020] =	vst v3;
	v3 =	vld [tilespmem:s1+$0x9030]  }
0x66e: {  	v4 =	vld [tilespmem:s3+$0x30];
	_ =	sdelay $0x4  }
0x66f: {  	v3 =	vadd.f32 v4, v3;
	_ =	sdelay $0x1  }
0x670: {  	[tilespmem:s1+$0x9030] =	vst v3;
	v3 =	vld [tilespmem:s1+$0x9040]  }
0x671: {  	v4 =	vld [tilespmem:s3+$0x40];
	_ =	sdelay $0x4  }
0x672: {  	v3 =	vadd.f32 v4, v3;
	_ =	sdelay $0x1  }
0x673: {  	[tilespmem:s1+$0x9040] =	vst v3;
	v3 =	vld [tilespmem:s1+$0x9050]  }
0x674: {  	v4 =	vld [tilespmem:s3+$0x50];
	_ =	sdelay $0x4  }
0x675: {  	v3 =	vadd.f32 v4, v3;
	_ =	sdelay $0x1  }
0x676: {  	[tilespmem:s1+$0x9050] =	vst v3;
	v3 =	vld [tilespmem:s1+$0x9060]  }
0x677: {  	v4 =	vld [tilespmem:s3+$0x60];
	_ =	sdelay $0x4  }
0x678: {  	v3 =	vadd.f32 v4, v3;
	_ =	sdelay $0x1  }
0x679: {  	[tilespmem:s1+$0x9060] =	vst v3;
	v3 =	vld [tilespmem:s1+$0x9070]  }
0x67a: {  	v4 =	vld [tilespmem:s3+$0x70];
	_ =	sdelay $0x4  }
0x67b: {  	v3 =	vadd.f32 v4, v3;
	_ =	sdelay $0x1  }
0x67c: {  	[tilespmem:s1+$0x9070] =	vst v3;
	v3 =	vld [tilespmem:s1+$0x9400]  }
0x67d: {  	v4 =	vld [tilespmem:s3+$0x400];
	_ =	sdelay $0x4  }
0x67e: {  	v3 =	vadd.f32 v4, v3;
	_ =	sdelay $0x1  }
0x67f: {  	[tilespmem:s1+$0x9400] =	vst v3;
	v3 =	vld [tilespmem:s1+$0x9410]  }
0x680: {  	v4 =	vld [tilespmem:s3+$0x410];
	_ =	sdelay $0x4  }
0x681: {  	v3 =	vadd.f32 v4, v3;
	_ =	sdelay $0x1  }
0x682: {  	[tilespmem:s1+$0x9410] =	vst v3;
	v3 =	vld [tilespmem:s1+$0x9420]  }
0x683: {  	v4 =	vld [tilespmem:s3+$0x420];
	_ =	sdelay $0x4  }
0x684: {  	v3 =	vadd.f32 v4, v3;
	_ =	sdelay $0x1  }
0x685: {  	[tilespmem:s1+$0x9420] =	vst v3;
	v3 =	vld [tilespmem:s1+$0x9430]  }
0x686: {  	v4 =	vld [tilespmem:s3+$0x430];
	_ =	sdelay $0x4  }
0x687: {  	v3 =	vadd.f32 v4, v3;
	_ =	sdelay $0x1  }
0x688: {  	[tilespmem:s1+$0x9430] =	vst v3;
	v3 =	vld [tilespmem:s1+$0x9440]  }
0x689: {  	v4 =	vld [tilespmem:s3+$0x440];
	_ =	sdelay $0x4  }
0x68a: {  	v3 =	vadd.f32 v4, v3;
	_ =	sdelay $0x1  }
0x68b: {  	[tilespmem:s1+$0x9440] =	vst v3;
	v3 =	vld [tilespmem:s1+$0x9450]  }
0x68c: {  	v4 =	vld [tilespmem:s3+$0x450];
	_ =	sdelay $0x4  }
0x68d: {  	v3 =	vadd.f32 v4, v3;
	_ =	sdelay $0x1  }
0x68e: {  	[tilespmem:s1+$0x9450] =	vst v3;
	v3 =	vld [tilespmem:s1+$0x9460]  }
0x68f: {  	v4 =	vld [tilespmem:s3+$0x460];
	_ =	sdelay $0x4  }
0x690: {  	v3 =	vadd.f32 v4, v3;
	_ =	sdelay $0x1  }
0x691: {  	[tilespmem:s1+$0x9460] =	vst v3;
	v3 =	vld [tilespmem:s1+$0x9470]  }
0x692: {  	v4 =	vld [tilespmem:s3+$0x470];
	_ =	sdelay $0x4  }
0x693: {  	v3 =	vadd.f32 v4, v3;
	_ =	sdelay $0x1  }
0x694: {  	[tilespmem:s1+$0x9470] =	vst v3;
	v3 =	vld [tilespmem:s1+$0x9800]  }
0x695: {  	v4 =	vld [tilespmem:s3+$0x800];
	_ =	sdelay $0x4  }
0x696: {  	v3 =	vadd.f32 v4, v3;
	_ =	sdelay $0x1  }
0x697: {  	[tilespmem:s1+$0x9800] =	vst v3;
	v3 =	vld [tilespmem:s1+$0x9810]  }
0x698: {  	v4 =	vld [tilespmem:s3+$0x810];
	_ =	sdelay $0x4  }
0x699: {  	v3 =	vadd.f32 v4, v3;
	_ =	sdelay $0x1  }
0x69a: {  	[tilespmem:s1+$0x9810] =	vst v3;
	v3 =	vld [tilespmem:s1+$0x9820]  }
0x69b: {  	v4 =	vld [tilespmem:s3+$0x820];
	_ =	sdelay $0x4  }
0x69c: {  	v3 =	vadd.f32 v4, v3;
	_ =	sdelay $0x1  }
0x69d: {  	[tilespmem:s1+$0x9820] =	vst v3;
	v3 =	vld [tilespmem:s1+$0x9830]  }
0x69e: {  	v4 =	vld [tilespmem:s3+$0x830];
	_ =	sdelay $0x4  }
0x69f: {  	v3 =	vadd.f32 v4, v3;
	_ =	sdelay $0x1  }
0x6a0: {  	[tilespmem:s1+$0x9830] =	vst v3;
	v3 =	vld [tilespmem:s1+$0x9840]  }
0x6a1: {  	v4 =	vld [tilespmem:s3+$0x840];
	_ =	sdelay $0x4  }
0x6a2: {  	v3 =	vadd.f32 v4, v3;
	_ =	sdelay $0x1  }
0x6a3: {  	[tilespmem:s1+$0x9840] =	vst v3;
	v3 =	vld [tilespmem:s1+$0x9850]  }
0x6a4: {  	v4 =	vld [tilespmem:s3+$0x850];
	_ =	sdelay $0x4  }
0x6a5: {  	v3 =	vadd.f32 v4, v3;
	_ =	sdelay $0x1  }
0x6a6: {  	[tilespmem:s1+$0x9850] =	vst v3;
	v3 =	vld [tilespmem:s1+$0x9860]  }
0x6a7: {  	v4 =	vld [tilespmem:s3+$0x860];
	_ =	sdelay $0x4  }
0x6a8: {  	v3 =	vadd.f32 v4, v3;
	_ =	sdelay $0x1  }
0x6a9: {  	[tilespmem:s1+$0x9860] =	vst v3;
	v3 =	vld [tilespmem:s1+$0x9870]  }
0x6aa: {  	v4 =	vld [tilespmem:s3+$0x870];
	_ =	sdelay $0x4  }
0x6ab: {  	v3 =	vadd.f32 v4, v3;
	_ =	sdelay $0x1  }
0x6ac: {  	[tilespmem:s1+$0x9870] =	vst v3;
	v3 =	vld [tilespmem:s1+$0x9C00]  }
0x6ad: {  	v4 =	vld [tilespmem:s3+$0xC00];
	_ =	sdelay $0x4  }
0x6ae: {  	v3 =	vadd.f32 v4, v3;
	_ =	sdelay $0x1  }
0x6af: {  	[tilespmem:s1+$0x9C00] =	vst v3;
	v3 =	vld [tilespmem:s1+$0x9C10]  }
0x6b0: {  	v4 =	vld [tilespmem:s3+$0xC10];
	_ =	sdelay $0x4  }
0x6b1: {  	v3 =	vadd.f32 v4, v3;
	_ =	sdelay $0x1  }
0x6b2: {  	[tilespmem:s1+$0x9C10] =	vst v3;
	v3 =	vld [tilespmem:s1+$0x9C20]  }
0x6b3: {  	v4 =	vld [tilespmem:s3+$0xC20];
	_ =	sdelay $0x4  }
0x6b4: {  	v3 =	vadd.f32 v4, v3;
	_ =	sdelay $0x1  }
0x6b5: {  	[tilespmem:s1+$0x9C20] =	vst v3;
	v3 =	vld [tilespmem:s1+$0x9C30]  }
0x6b6: {  	v4 =	vld [tilespmem:s3+$0xC30];
	_ =	sdelay $0x4  }
0x6b7: {  	v3 =	vadd.f32 v4, v3;
	_ =	sdelay $0x1  }
0x6b8: {  	[tilespmem:s1+$0x9C30] =	vst v3;
	v3 =	vld [tilespmem:s1+$0x9C40]  }
0x6b9: {  	v4 =	vld [tilespmem:s3+$0xC40];
	_ =	sdelay $0x4  }
0x6ba: {  	v3 =	vadd.f32 v4, v3;
	_ =	sdelay $0x1  }
0x6bb: {  	[tilespmem:s1+$0x9C40] =	vst v3;
	v3 =	vld [tilespmem:s1+$0x9C50]  }
0x6bc: {  	v4 =	vld [tilespmem:s3+$0xC50];
	_ =	sdelay $0x4  }
0x6bd: {  	v3 =	vadd.f32 v4, v3;
	_ =	sdelay $0x1  }
0x6be: {  	[tilespmem:s1+$0x9C50] =	vst v3;
	v3 =	vld [tilespmem:s1+$0x9C60]  }
0x6bf: {  	v4 =	vld [tilespmem:s3+$0xC60];
	_ =	sdelay $0x4  }
0x6c0: {  	v3 =	vadd.f32 v4, v3;
	_ =	sdelay $0x1  }
0x6c1: {  	[tilespmem:s1+$0x9C60] =	vst v3;
	v3 =	vld [tilespmem:s1+$0x9C70]  }
0x6c2: {  	v4 =	vld [tilespmem:s3+$0xC70];
	_ =	sdelay $0x3  }
0x6c3: {  	s22 =	simm.s32 $0x200;
	s3 =	simm.s32 $0x80  }
0x6c4: {  	s11 =	sand.u32 $0x7000, s22;
	s12 =	sand.u32 $0x380, s3;
	v3 =	vadd.f32 v4, v3  }
0x6c5: {  	s13 =	sand.u32 $0x1000, s22;
	s6 =	simm.s32 $0x400;
	s11 =	sor.u32 s12, s11  }
.LBB2_13:
0x6c6: {  	p0 =	sne.s32 s6, $0x7E00;
	v4 =	vld [tilespmem:s11+$0x9000];
	s12 =	sor.u32 s12, s13;
	[tilespmem:s1+$0x9C70] =	vst v3;
	s1 =	smov.u32 s11  }
0x6c7: {  	v3 =	vld [tilespmem:s12+$0x19000];
	_ =	sdelay $0x4  }
0x6c8: {  	v3 =	vadd.f32 v3, v4;
	_ =	sdelay $0x1  }
0x6c9: {  	s11 =	sadd.s32 $0x19000, s12;
	[tilespmem:s1+$0x9000] =	vst v3;
	v3 =	vld [tilespmem:s1+$0x9010]  }
0x6ca: {  	v4 =	vld [tilespmem:s11+$0x10];
	_ =	sdelay $0x4  }
0x6cb: {  	v3 =	vadd.f32 v4, v3;
	_ =	sdelay $0x1  }
0x6cc: {  	[tilespmem:s1+$0x9010] =	vst v3;
	v3 =	vld [tilespmem:s1+$0x9020]  }
0x6cd: {  	v4 =	vld [tilespmem:s11+$0x20];
	_ =	sdelay $0x4  }
0x6ce: {  	v3 =	vadd.f32 v4, v3;
	_ =	sdelay $0x1  }
0x6cf: {  	[tilespmem:s1+$0x9020] =	vst v3;
	v3 =	vld [tilespmem:s1+$0x9030]  }
0x6d0: {  	v4 =	vld [tilespmem:s11+$0x30];
	_ =	sdelay $0x4  }
0x6d1: {  	v3 =	vadd.f32 v4, v3;
	_ =	sdelay $0x1  }
0x6d2: {  	[tilespmem:s1+$0x9030] =	vst v3;
	v3 =	vld [tilespmem:s1+$0x9040]  }
0x6d3: {  	v4 =	vld [tilespmem:s11+$0x40];
	_ =	sdelay $0x4  }
0x6d4: {  	v3 =	vadd.f32 v4, v3;
	_ =	sdelay $0x1  }
0x6d5: {  	[tilespmem:s1+$0x9040] =	vst v3;
	v3 =	vld [tilespmem:s1+$0x9050]  }
0x6d6: {  	v4 =	vld [tilespmem:s11+$0x50];
	_ =	sdelay $0x4  }
0x6d7: {  	v3 =	vadd.f32 v4, v3;
	_ =	sdelay $0x1  }
0x6d8: {  	[tilespmem:s1+$0x9050] =	vst v3;
	v3 =	vld [tilespmem:s1+$0x9060]  }
0x6d9: {  	v4 =	vld [tilespmem:s11+$0x60];
	_ =	sdelay $0x4  }
0x6da: {  	v3 =	vadd.f32 v4, v3;
	_ =	sdelay $0x1  }
0x6db: {  	[tilespmem:s1+$0x9060] =	vst v3;
	v3 =	vld [tilespmem:s1+$0x9070]  }
0x6dc: {  	v4 =	vld [tilespmem:s11+$0x70];
	_ =	sdelay $0x4  }
0x6dd: {  	v3 =	vadd.f32 v4, v3;
	_ =	sdelay $0x1  }
0x6de: {  	[tilespmem:s1+$0x9070] =	vst v3;
	v3 =	vld [tilespmem:s1+$0x9400]  }
0x6df: {  	v4 =	vld [tilespmem:s11+$0x400];
	_ =	sdelay $0x4  }
0x6e0: {  	v3 =	vadd.f32 v4, v3;
	_ =	sdelay $0x1  }
0x6e1: {  	[tilespmem:s1+$0x9400] =	vst v3;
	v3 =	vld [tilespmem:s1+$0x9410]  }
0x6e2: {  	v4 =	vld [tilespmem:s11+$0x410];
	_ =	sdelay $0x4  }
0x6e3: {  	v3 =	vadd.f32 v4, v3;
	_ =	sdelay $0x1  }
0x6e4: {  	[tilespmem:s1+$0x9410] =	vst v3;
	v3 =	vld [tilespmem:s1+$0x9420]  }
0x6e5: {  	v4 =	vld [tilespmem:s11+$0x420];
	_ =	sdelay $0x4  }
0x6e6: {  	v3 =	vadd.f32 v4, v3;
	_ =	sdelay $0x1  }
0x6e7: {  	[tilespmem:s1+$0x9420] =	vst v3;
	v3 =	vld [tilespmem:s1+$0x9430]  }
0x6e8: {  	v4 =	vld [tilespmem:s11+$0x430];
	_ =	sdelay $0x4  }
0x6e9: {  	v3 =	vadd.f32 v4, v3;
	_ =	sdelay $0x1  }
0x6ea: {  	[tilespmem:s1+$0x9430] =	vst v3;
	v3 =	vld [tilespmem:s1+$0x9440]  }
0x6eb: {  	v4 =	vld [tilespmem:s11+$0x440];
	_ =	sdelay $0x4  }
0x6ec: {  	v3 =	vadd.f32 v4, v3;
	_ =	sdelay $0x1  }
0x6ed: {  	[tilespmem:s1+$0x9440] =	vst v3;
	v3 =	vld [tilespmem:s1+$0x9450]  }
0x6ee: {  	v4 =	vld [tilespmem:s11+$0x450];
	_ =	sdelay $0x4  }
0x6ef: {  	v3 =	vadd.f32 v4, v3;
	_ =	sdelay $0x1  }
0x6f0: {  	[tilespmem:s1+$0x9450] =	vst v3;
	v3 =	vld [tilespmem:s1+$0x9460]  }
0x6f1: {  	v4 =	vld [tilespmem:s11+$0x460];
	_ =	sdelay $0x4  }
0x6f2: {  	v3 =	vadd.f32 v4, v3;
	_ =	sdelay $0x1  }
0x6f3: {  	[tilespmem:s1+$0x9460] =	vst v3;
	v3 =	vld [tilespmem:s1+$0x9470]  }
0x6f4: {  	v4 =	vld [tilespmem:s11+$0x470];
	_ =	sdelay $0x4  }
0x6f5: {  	v3 =	vadd.f32 v4, v3;
	_ =	sdelay $0x1  }
0x6f6: {  	[tilespmem:s1+$0x9470] =	vst v3;
	v3 =	vld [tilespmem:s1+$0x9800]  }
0x6f7: {  	v4 =	vld [tilespmem:s11+$0x800];
	_ =	sdelay $0x4  }
0x6f8: {  	v3 =	vadd.f32 v4, v3;
	_ =	sdelay $0x1  }
0x6f9: {  	[tilespmem:s1+$0x9800] =	vst v3;
	v3 =	vld [tilespmem:s1+$0x9810]  }
0x6fa: {  	v4 =	vld [tilespmem:s11+$0x810];
	_ =	sdelay $0x4  }
0x6fb: {  	v3 =	vadd.f32 v4, v3;
	_ =	sdelay $0x1  }
0x6fc: {  	[tilespmem:s1+$0x9810] =	vst v3;
	v3 =	vld [tilespmem:s1+$0x9820]  }
0x6fd: {  	v4 =	vld [tilespmem:s11+$0x820];
	_ =	sdelay $0x4  }
0x6fe: {  	v3 =	vadd.f32 v4, v3;
	_ =	sdelay $0x1  }
0x6ff: {  	[tilespmem:s1+$0x9820] =	vst v3;
	v3 =	vld [tilespmem:s1+$0x9830]  }
0x700: {  	v4 =	vld [tilespmem:s11+$0x830];
	_ =	sdelay $0x4  }
0x701: {  	v3 =	vadd.f32 v4, v3;
	_ =	sdelay $0x1  }
0x702: {  	[tilespmem:s1+$0x9830] =	vst v3;
	v3 =	vld [tilespmem:s1+$0x9840]  }
0x703: {  	v4 =	vld [tilespmem:s11+$0x840];
	_ =	sdelay $0x4  }
0x704: {  	v3 =	vadd.f32 v4, v3;
	_ =	sdelay $0x1  }
0x705: {  	[tilespmem:s1+$0x9840] =	vst v3;
	v3 =	vld [tilespmem:s1+$0x9850]  }
0x706: {  	v4 =	vld [tilespmem:s11+$0x850];
	_ =	sdelay $0x4  }
0x707: {  	v3 =	vadd.f32 v4, v3;
	_ =	sdelay $0x1  }
0x708: {  	[tilespmem:s1+$0x9850] =	vst v3;
	v3 =	vld [tilespmem:s1+$0x9860]  }
0x709: {  	v4 =	vld [tilespmem:s11+$0x860];
	_ =	sdelay $0x4  }
0x70a: {  	v3 =	vadd.f32 v4, v3;
	_ =	sdelay $0x1  }
0x70b: {  	[tilespmem:s1+$0x9860] =	vst v3;
	v3 =	vld [tilespmem:s1+$0x9870]  }
0x70c: {  	v4 =	vld [tilespmem:s11+$0x870];
	_ =	sdelay $0x4  }
0x70d: {  	v3 =	vadd.f32 v4, v3;
	_ =	sdelay $0x1  }
0x70e: {  	[tilespmem:s1+$0x9870] =	vst v3;
	v3 =	vld [tilespmem:s1+$0x9C00]  }
0x70f: {  	v4 =	vld [tilespmem:s11+$0xC00];
	_ =	sdelay $0x4  }
0x710: {  	v3 =	vadd.f32 v4, v3;
	_ =	sdelay $0x1  }
0x711: {  	[tilespmem:s1+$0x9C00] =	vst v3;
	v3 =	vld [tilespmem:s1+$0x9C10]  }
0x712: {  	v4 =	vld [tilespmem:s11+$0xC10];
	_ =	sdelay $0x4  }
0x713: {  	v3 =	vadd.f32 v4, v3;
	_ =	sdelay $0x1  }
0x714: {  	[tilespmem:s1+$0x9C10] =	vst v3;
	v3 =	vld [tilespmem:s1+$0x9C20]  }
0x715: {  	v4 =	vld [tilespmem:s11+$0xC20];
	_ =	sdelay $0x4  }
0x716: {  	v3 =	vadd.f32 v4, v3;
	_ =	sdelay $0x1  }
0x717: {  	[tilespmem:s1+$0x9C20] =	vst v3;
	v3 =	vld [tilespmem:s1+$0x9C30]  }
0x718: {  	v4 =	vld [tilespmem:s11+$0xC30];
	_ =	sdelay $0x4  }
0x719: {  	v3 =	vadd.f32 v4, v3;
	_ =	sdelay $0x1  }
0x71a: {  	[tilespmem:s1+$0x9C30] =	vst v3;
	v3 =	vld [tilespmem:s1+$0x9C40]  }
0x71b: {  	v4 =	vld [tilespmem:s11+$0xC40];
	_ =	sdelay $0x4  }
0x71c: {  	v3 =	vadd.f32 v4, v3;
	_ =	sdelay $0x1  }
0x71d: {  	[tilespmem:s1+$0x9C40] =	vst v3;
	v3 =	vld [tilespmem:s1+$0x9C50]  }
0x71e: {  	v4 =	vld [tilespmem:s11+$0xC50];
	_ =	sdelay $0x4  }
0x71f: {  	v3 =	vadd.f32 v4, v3;
	_ =	sdelay $0x1  }
0x720: {  	[tilespmem:s1+$0x9C50] =	vst v3;
	v3 =	vld [tilespmem:s1+$0x9C60]  }
0x721: {  	v4 =	vld [tilespmem:s11+$0xC60];
	_ =	sdelay $0x4  }
0x722: {  	v3 =	vadd.f32 v4, v3;
	_ =	sdelay $0x1  }
0x723: {  	[tilespmem:s1+$0x9C60] =	vst v3;
	v3 =	vld [tilespmem:s1+$0x9C70]  }
0x724: {  	v4 =	vld [tilespmem:s11+$0xC70];
	_ =	sdelay $0x1  }
.Ltmp6:
0x725: {  	(pc) =	sbr.rel @p0 .LBB2_13-.Ltmp6, $4  }
0x726: {  	_ = 	snop  }
0x727: {  	s3 =	sadd.s32 $0x80, s3  }
0x728: {  	s12 =	sand.u32 $0x380, s3;
	s11 =	sand.u32 $0x7000, s6;
	v3 =	vadd.f32 v4, v3  }
0x729: {  	s13 =	sand.u32 $0x1000, s6;
	s6 =	sadd.s32 $0x200, s6;
	s11 =	sor.u32 s12, s11  }
0x72a: {  	v4 =	vld [tilespmem:s11+$0x9000];
	s3 =	sor.u32 s12, s13;
	[tilespmem:s1+$0x9C70] =	vst v3  }
0x72b: {  	v3 =	vld [tilespmem:s3+$0x19000];
	_ =	sdelay $0x4  }
0x72c: {  	v3 =	vadd.f32 v3, v4;
	_ =	sdelay $0x1  }
0x72d: {  	s19 =	sadd.s32 $0x19000, s3;
	[tilespmem:s11+$0x9000] =	vst v3;
	v3 =	vld [tilespmem:s11+$0x9010]  }
0x72e: {  	v33 =	vld [tilespmem:s19+$0x10];
	_ =	sdelay $0x4  }
0x72f: {  	v3 =	vadd.f32 v33, v3;
	_ =	sdelay $0x1  }
0x730: {  	[tilespmem:s11+$0x9010] =	vst v3;
	v3 =	vld [tilespmem:s11+$0x9020]  }
0x731: {  	v34 =	vld [tilespmem:s19+$0x20];
	_ =	sdelay $0x4  }
0x732: {  	v3 =	vadd.f32 v34, v3;
	_ =	sdelay $0x1  }
0x733: {  	[tilespmem:s11+$0x9020] =	vst v3;
	v3 =	vld [tilespmem:s11+$0x9030]  }
0x734: {  	v35 =	vld [tilespmem:s19+$0x30];
	_ =	sdelay $0x4  }
0x735: {  	v3 =	vadd.f32 v35, v3;
	_ =	sdelay $0x1  }
0x736: {  	[tilespmem:s11+$0x9030] =	vst v3;
	v3 =	vld [tilespmem:s11+$0x9040]  }
0x737: {  	v36 =	vld [tilespmem:s19+$0x40];
	_ =	sdelay $0x4  }
0x738: {  	v3 =	vadd.f32 v36, v3;
	_ =	sdelay $0x1  }
0x739: {  	[tilespmem:s11+$0x9040] =	vst v3;
	v3 =	vld [tilespmem:s11+$0x9050]  }
0x73a: {  	v37 =	vld [tilespmem:s19+$0x50];
	_ =	sdelay $0x4  }
0x73b: {  	v3 =	vadd.f32 v37, v3;
	_ =	sdelay $0x1  }
0x73c: {  	[tilespmem:s11+$0x9050] =	vst v3;
	v3 =	vld [tilespmem:s11+$0x9060]  }
0x73d: {  	v38 =	vld [tilespmem:s19+$0x60];
	_ =	sdelay $0x4  }
0x73e: {  	v3 =	vadd.f32 v38, v3;
	_ =	sdelay $0x1  }
0x73f: {  	[tilespmem:s11+$0x9060] =	vst v3;
	v3 =	vld [tilespmem:s11+$0x9070]  }
0x740: {  	v39 =	vld [tilespmem:s19+$0x70];
	_ =	sdelay $0x4  }
0x741: {  	v3 =	vadd.f32 v39, v3;
	_ =	sdelay $0x1  }
0x742: {  	[tilespmem:s11+$0x9070] =	vst v3;
	v3 =	vld [tilespmem:s11+$0x9400]  }
0x743: {  	v40 =	vld [tilespmem:s19+$0x400];
	_ =	sdelay $0x4  }
0x744: {  	v3 =	vadd.f32 v40, v3;
	_ =	sdelay $0x1  }
0x745: {  	[tilespmem:s11+$0x9400] =	vst v3;
	v3 =	vld [tilespmem:s11+$0x9410]  }
0x746: {  	v41 =	vld [tilespmem:s19+$0x410];
	_ =	sdelay $0x4  }
0x747: {  	v3 =	vadd.f32 v41, v3;
	_ =	sdelay $0x1  }
0x748: {  	[tilespmem:s11+$0x9410] =	vst v3;
	v3 =	vld [tilespmem:s11+$0x9420]  }
0x749: {  	v42 =	vld [tilespmem:s19+$0x420];
	_ =	sdelay $0x4  }
0x74a: {  	v3 =	vadd.f32 v42, v3;
	_ =	sdelay $0x1  }
0x74b: {  	[tilespmem:s11+$0x9420] =	vst v3;
	v3 =	vld [tilespmem:s11+$0x9430]  }
0x74c: {  	v43 =	vld [tilespmem:s19+$0x430];
	_ =	sdelay $0x4  }
0x74d: {  	v3 =	vadd.f32 v43, v3;
	_ =	sdelay $0x1  }
0x74e: {  	[tilespmem:s11+$0x9430] =	vst v3;
	v3 =	vld [tilespmem:s11+$0x9440]  }
0x74f: {  	v44 =	vld [tilespmem:s19+$0x440];
	_ =	sdelay $0x4  }
0x750: {  	v3 =	vadd.f32 v44, v3;
	_ =	sdelay $0x1  }
0x751: {  	[tilespmem:s11+$0x9440] =	vst v3;
	v3 =	vld [tilespmem:s11+$0x9450]  }
0x752: {  	v45 =	vld [tilespmem:s19+$0x450];
	_ =	sdelay $0x4  }
0x753: {  	v3 =	vadd.f32 v45, v3;
	_ =	sdelay $0x1  }
0x754: {  	[tilespmem:s11+$0x9450] =	vst v3;
	v3 =	vld [tilespmem:s11+$0x9460]  }
0x755: {  	v46 =	vld [tilespmem:s19+$0x460];
	_ =	sdelay $0x4  }
0x756: {  	v3 =	vadd.f32 v46, v3;
	_ =	sdelay $0x1  }
0x757: {  	[tilespmem:s11+$0x9460] =	vst v3;
	v3 =	vld [tilespmem:s11+$0x9470]  }
0x758: {  	v47 =	vld [tilespmem:s19+$0x470];
	_ =	sdelay $0x4  }
0x759: {  	v3 =	vadd.f32 v47, v3;
	_ =	sdelay $0x1  }
0x75a: {  	[tilespmem:s11+$0x9470] =	vst v3;
	v3 =	vld [tilespmem:s11+$0x9800]  }
0x75b: {  	v48 =	vld [tilespmem:s19+$0x800];
	_ =	sdelay $0x4  }
0x75c: {  	v3 =	vadd.f32 v48, v3;
	_ =	sdelay $0x1  }
0x75d: {  	[tilespmem:s11+$0x9800] =	vst v3;
	v3 =	vld [tilespmem:s11+$0x9810]  }
0x75e: {  	v49 =	vld [tilespmem:s19+$0x810];
	_ =	sdelay $0x4  }
0x75f: {  	v3 =	vadd.f32 v49, v3;
	_ =	sdelay $0x1  }
0x760: {  	[tilespmem:s11+$0x9810] =	vst v3;
	v3 =	vld [tilespmem:s11+$0x9820]  }
0x761: {  	v50 =	vld [tilespmem:s19+$0x820];
	_ =	sdelay $0x4  }
0x762: {  	v3 =	vadd.f32 v50, v3;
	_ =	sdelay $0x1  }
0x763: {  	[tilespmem:s11+$0x9820] =	vst v3;
	v3 =	vld [tilespmem:s11+$0x9830]  }
0x764: {  	v51 =	vld [tilespmem:s19+$0x830];
	_ =	sdelay $0x4  }
0x765: {  	v3 =	vadd.f32 v51, v3;
	_ =	sdelay $0x1  }
0x766: {  	[tilespmem:s11+$0x9830] =	vst v3;
	v3 =	vld [tilespmem:s11+$0x9840]  }
0x767: {  	v52 =	vld [tilespmem:s19+$0x840];
	_ =	sdelay $0x4  }
0x768: {  	v3 =	vadd.f32 v52, v3;
	_ =	sdelay $0x1  }
0x769: {  	[tilespmem:s11+$0x9840] =	vst v3;
	v3 =	vld [tilespmem:s11+$0x9850]  }
0x76a: {  	v53 =	vld [tilespmem:s19+$0x850];
	_ =	sdelay $0x4  }
0x76b: {  	v3 =	vadd.f32 v53, v3;
	_ =	sdelay $0x1  }
0x76c: {  	[tilespmem:s11+$0x9850] =	vst v3;
	v3 =	vld [tilespmem:s11+$0x9860]  }
0x76d: {  	v54 =	vld [tilespmem:s19+$0x860];
	_ =	sdelay $0x4  }
0x76e: {  	v3 =	vadd.f32 v54, v3;
	_ =	sdelay $0x1  }
0x76f: {  	[tilespmem:s11+$0x9860] =	vst v3;
	v3 =	vld [tilespmem:s11+$0x9870]  }
0x770: {  	v55 =	vld [tilespmem:s19+$0x870];
	_ =	sdelay $0x4  }
0x771: {  	v3 =	vadd.f32 v55, v3;
	_ =	sdelay $0x1  }
0x772: {  	[tilespmem:s11+$0x9870] =	vst v3;
	v3 =	vld [tilespmem:s11+$0x9C00]  }
0x773: {  	v56 =	vld [tilespmem:s19+$0xC00];
	_ =	sdelay $0x4  }
0x774: {  	v3 =	vadd.f32 v56, v3;
	_ =	sdelay $0x1  }
0x775: {  	[tilespmem:s11+$0x9C00] =	vst v3;
	v3 =	vld [tilespmem:s11+$0x9C10]  }
0x776: {  	v57 =	vld [tilespmem:s19+$0xC10];
	_ =	sdelay $0x4  }
0x777: {  	v3 =	vadd.f32 v57, v3;
	_ =	sdelay $0x1  }
0x778: {  	[tilespmem:s11+$0x9C10] =	vst v3;
	v3 =	vld [tilespmem:s11+$0x9C20]  }
0x779: {  	v58 =	vld [tilespmem:s19+$0xC20];
	_ =	sdelay $0x4  }
0x77a: {  	v3 =	vadd.f32 v58, v3;
	_ =	sdelay $0x1  }
0x77b: {  	[tilespmem:s11+$0x9C20] =	vst v3;
	v3 =	vld [tilespmem:s11+$0x9C30]  }
0x77c: {  	v59 =	vld [tilespmem:s19+$0xC30];
	_ =	sdelay $0x4  }
0x77d: {  	v3 =	vadd.f32 v59, v3;
	_ =	sdelay $0x1  }
0x77e: {  	[tilespmem:s11+$0x9C30] =	vst v3;
	v3 =	vld [tilespmem:s11+$0x9C40]  }
0x77f: {  	v60 =	vld [tilespmem:s19+$0xC40];
	_ =	sdelay $0x4  }
0x780: {  	v3 =	vadd.f32 v60, v3;
	_ =	sdelay $0x1  }
0x781: {  	[tilespmem:s11+$0x9C40] =	vst v3;
	v3 =	vld [tilespmem:s11+$0x9C50]  }
0x782: {  	v61 =	vld [tilespmem:s19+$0xC50];
	_ =	sdelay $0x4  }
0x783: {  	v3 =	vadd.f32 v61, v3;
	_ =	sdelay $0x1  }
0x784: {  	[tilespmem:s11+$0x9C50] =	vst v3;
	v3 =	vld [tilespmem:s11+$0x9C60]  }
0x785: {  	v62 =	vld [tilespmem:s19+$0xC60];
	_ =	sdelay $0x4  }
0x786: {  	v3 =	vadd.f32 v62, v3;
	_ =	sdelay $0x1  }
0x787: {  	[tilespmem:s11+$0x9C60] =	vst v3;
	v3 =	vld [tilespmem:s11+$0x9C70]  }
0x788: {  	v63 =	vld [tilespmem:s19+$0xC70];
	_ =	sdelay $0x4  }
0x789: {  	v3 =	vadd.f32 v63, v3;
	_ =	sdelay $0x1  }
0x78a: {  	s20 =	rddreg [dreg:$0x6];
	[tilespmem:s11+$0x9C70] =	vst v3  }
0x78b: {  	[hbm4b:s20+s5] =	stream.linear.scatter [tilespmem:s0], [sflag:$0x5], $0x8000, $0x38;
	[tilespmem:$0x1B000] =	vst v63  }
0x78c: {  	_ =	swait.ge [sflag:s31], $0x8000  }
0x78d: {  	[sflag:s31] =	ssyncset.done $0x0  }
0x78e: {  	[sflag:s31] =	ssyncadd.s32 $0xFFFF8000  }
0x78f: {  	_ =	swait.ge [sflag:s28], $0x8000  }
0x790: {  	[sflag:s28] =	ssyncset.done $0x0  }
0x791: {  	[sflag:s28] =	ssyncadd.s32 $0xFFFF8000  }
0x792: {  	_ =	swait.ge [sflag:s30], $0x8000  }
0x793: {  	s21 =	rddreg [dreg:$0x8]  }
0x794: {  	s22 =	rddreg [dreg:$0x7];
	s3 =	sadd.s32 $0x1, s21  }
0x795: {  	p0 =	sne.s32 s3, s22  }
.Ltmp7:
0x796: {  	_ = 	snop;
	(pc) =	sbr.rel @p0 .LBB2_1-.Ltmp7, $3  }
0x797: {  	_ =	sdelay $0x1  }
0x798: {  	[sflag:s30] =	ssyncset.done $0x0  }
0x799: {  	[sflag:s30] =	ssyncadd.s32 $0xFFFF8000  }
0x79a: {  	_ =	sfence.sel $0x180000  }
0x79b: {  	[bflag:$0x0] =	sbarrier.arrive $0xFFFF  }
0x79c: {  	_ =	strace $0x90000047  }
0x79d: {  	s0 =	stileid.u32;
	[bflag:$0x2] =	sbarrier.arrive $0xFFFF  }
0x79e: {  	p0 =	sne.s32 s0, $0x0;
	s0 =	rddreg [dreg:$0x4]  }
0x79f: {  	s0 =	sadd.s32 @!p0 $0x100000, s0  }
0x7a0: {  	[sflag:s0] =	ssyncadd.tile.s32 @!p0 $0x1;
	_ =	shalt  }
.Lfunc_end2:
_tile_overlayer_lowered:
.L_overlay_start_2:
0x7a1: {  	(tag) =	ssettag $0x2  }
0x7a2: {  	s0 =	rddreg [dreg:$0x0];
	s2 =	stileid.u32  }
0x7a3: {  	s1 =	rddreg [dreg:$0x1];
	p0 =	sne.s32 s2, $0x0  }
0x7a4: {  	s3 =	rddreg [dreg:$0x2];
	[bflag:$0x3] =	sbarrier.arrive $0xFFFF;
	s2 =	simm.s32 @!p0 $0x1C07  }
0x7a5: {  	[timem:s3], [sflag:s2] =	dma.local @!p0 [hbm:s0], s1  }
0x7a6: {  	s0 =	simm.s32 @!p0 $0x7  }
0x7a7: {  	_ =	swait.ge @!p0 [sflag:s0], s1  }
0x7a8: {  	s1 =	ssub.s32 @!p0 $0x0, s1;
	[sflag:s0] =	ssyncset.done @!p0 $0x0  }
0x7a9: {  	[sflag:s0] =	ssyncadd.s32 @!p0 s1  }
0x7aa: {  	[bflag:$0x3] =	sbarrier.arrive $0xFFFF  }
0x7ab: {  	_ =	shalt  }

</sc_bundles>
